<compile_context>
chip_gen: v7x
topology: tpu7x:2x2x1
jax: 0.10.2.dev20260603
libtpu: 0.0.44.dev20260713+nightly
codegen_flags: <defaults>
</compile_context>

<pallas_src>
import functools

import jax
import jax.numpy as jnp
from jax import lax
from jax.experimental import pallas as pl
from jax.experimental.pallas import tpu as pltpu
from jax.experimental.pallas import tpu_sc as plsc

N = 10000
E = 320000
G = 16
RATIO = 0.8
NEG = -jnp.inf

_EC = 800
_NCHUNK = E // _EC
_NW = 32
_CHUNK_ITERS = (_NCHUNK + _NW - 1) // _NW
_EU = 8
_XPC = 200
_NXP = N // _XPC


def _make_edge_agg(D):
    nv = D // 16
    mesh = plsc.VectorSubcoreMesh(core_axis_name="c", subcore_axis_name="s")

    @functools.partial(
        pl.kernel,
        mesh=mesh,
        out_type=jax.ShapeDtypeStruct((2, N, D), jnp.float32),
        compiler_params=pltpu.CompilerParams(use_tc_tiling_on_sc=False),
        scratch_types=[
            pltpu.VMEM((_EC,), jnp.int32),
            pltpu.VMEM((_EC,), jnp.int32),
            pltpu.VMEM((_EC, 16), jnp.float32),
            pltpu.VMEM((_EC, D), jnp.float32),
            pltpu.VMEM_SHARED((N, D), jnp.float32),
            pltpu.SemaphoreType.DMA,
        ],
    )
    def agg(vals, srci, dsti, eww, out, src_v, dst_v, ew_v, rows_v, acc, sem):
        cid = lax.axis_index("c")
        sid = lax.axis_index("s")
        wid = sid * 2 + cid

        def zrow(r, carry):
            for v in range(nv):
                rows_v[r, pl.ds(v * 16, 16)] = jnp.zeros((16,), jnp.float32)
            return carry
        lax.fori_loop(0, _XPC, zrow, 0)
        for qq in range((_NXP + 15) // 16):
            q = qq * 16 + sid

            @pl.when(q < _NXP)
            def _():
                r0 = pl.multiple_of(q * _XPC, _XPC)
                pltpu.sync_copy(rows_v.at[pl.ds(0, _XPC)], acc.at[pl.ds(r0, _XPC)])
        plsc.subcore_barrier()

        def ebody(eu, carry):
            for u in range(_EU):
                e = eu * _EU + u
                w = ew_v[e, :]
                for v in range(nv):
                    sl = pl.ds(v * 16, 16)
                    rows_v[e, sl] = rows_v[e, sl] * w
            return carry

        def cbody(i, carry):
            j = wid + i * _NW

            @pl.when(j < _NCHUNK)
            def _():
                base = pl.multiple_of(j * _EC, _EC)
                pltpu.sync_copy(srci.at[pl.ds(base, _EC)], src_v)
                pltpu.sync_copy(dsti.at[pl.ds(base, _EC)], dst_v)
                pltpu.sync_copy(eww.at[pl.ds(base, _EC)], ew_v)
                pltpu.async_copy(vals.at[src_v], rows_v, sem).wait()
                lax.fori_loop(0, _EC // _EU, ebody, 0)
                pltpu.sync_copy(rows_v, acc.at[dst_v], add=True)
            return carry

        lax.fori_loop(0, _CHUNK_ITERS, cbody, 0)
        plsc.subcore_barrier()

        for qq in range((_NXP + 15) // 16):
            q = qq * 16 + sid

            @pl.when(q < _NXP)
            def _():
                r0 = pl.multiple_of(q * _XPC, _XPC)
                pltpu.sync_copy(acc.at[pl.ds(r0, _XPC)], out.at[cid, pl.ds(r0, _XPC)])

    return agg


_agg64 = _make_edge_agg(64)
_agg32 = _make_edge_agg(32)


_NP = 10240
_RB = 512
_CB = 2048


def _rank_body(sc_ref, bc_ref, sr_ref, br_ref, rank_ref, cnt_ref):
    i = pl.program_id(0)
    jc = pl.program_id(1)

    @pl.when(jc == 0)
    def _():
        rank_ref[...] = jnp.zeros_like(rank_ref)
        cnt_ref[...] = jnp.zeros_like(cnt_ref)

    rb = bc_ref[...]
    cb = br_ref[...]
    overlap = (jnp.min(rb) <= jnp.max(cb)) & (jnp.max(rb) >= jnp.min(cb))

    @pl.when(overlap)
    def _():
        rs = sc_ref[...]
        cs = sr_ref[...]
        ri = i * _RB + jax.lax.broadcasted_iota(jnp.int32, (_RB, 1), 0)
        ci = jc * _CB + jax.lax.broadcasted_iota(jnp.int32, (1, _CB), 1)
        meq = (rb == cb)
        mgt = meq & ((cs > rs) | ((cs == rs) & (ci < ri)))
        rank_ref[...] += jnp.sum(mgt.astype(jnp.int32), axis=1, keepdims=True)
        cnt_ref[...] += jnp.sum(meq.astype(jnp.int32), axis=1, keepdims=True)


def _rank_in_graph(score, batch):
    pad = _NP - score.shape[0]
    sp = jnp.concatenate([score, jnp.zeros((pad,), score.dtype)])
    bp = jnp.concatenate([batch, jnp.full((pad,), 0x3FFFFFFF, jnp.int32)])
    grid = (_NP // _RB, _NP // _CB)
    rank, cnt = pl.pallas_call(
        _rank_body,
        grid=grid,
        in_specs=[
            pl.BlockSpec((_RB, 1), lambda i, jc: (i, 0)),
            pl.BlockSpec((_RB, 1), lambda i, jc: (i, 0)),
            pl.BlockSpec((1, _CB), lambda i, jc: (0, jc)),
            pl.BlockSpec((1, _CB), lambda i, jc: (0, jc)),
        ],
        out_specs=[
            pl.BlockSpec((_RB, 1), lambda i, jc: (i, 0)),
            pl.BlockSpec((_RB, 1), lambda i, jc: (i, 0)),
        ],
        out_shape=[
            jax.ShapeDtypeStruct((_NP, 1), jnp.int32),
            jax.ShapeDtypeStruct((_NP, 1), jnp.int32),
        ],
    )(sp.reshape(_NP, 1), bp.reshape(_NP, 1), sp.reshape(1, _NP), bp.reshape(1, _NP))
    n = score.shape[0]
    return rank[:n, 0], cnt[:n, 0]


def _pool_body(hg_ref, b_ref, k_ref, mx_ref, sm_ref, kc_ref):
    i = pl.program_id(0)

    @pl.when(i == 0)
    def _():
        mx_ref[...] = jnp.full_like(mx_ref, NEG)
        sm_ref[...] = jnp.zeros_like(sm_ref)
        kc_ref[...] = jnp.zeros_like(kc_ref)

    hg = hg_ref[...]
    b = b_ref[...]
    kept = k_ref[...] != 0
    for g in range(G):
        mg = (b == g) & kept
        mx_ref[g:g + 1, :] = jnp.maximum(
            mx_ref[g:g + 1, :],
            jnp.max(jnp.where(mg, hg, NEG), axis=0, keepdims=True))
        sm_ref[g:g + 1, :] += jnp.sum(jnp.where(mg, hg, 0.0), axis=0, keepdims=True)
        kc_ref[g:g + 1, :] += jnp.sum(mg.astype(jnp.float32), axis=0, keepdims=True)


def _pool(hg, batch, keep):
    pad = _NP - hg.shape[0]
    hgp = jnp.concatenate([hg, jnp.zeros((pad, hg.shape[1]), hg.dtype)])
    bp = jnp.concatenate([batch, jnp.full((pad,), 0x3FFFFFFF, jnp.int32)])
    kp = jnp.concatenate([keep.astype(jnp.int32), jnp.zeros((pad,), jnp.int32)])
    mx, sm, kc = pl.pallas_call(
        _pool_body,
        grid=(_NP // _RB,),
        in_specs=[
            pl.BlockSpec((_RB, 32), lambda i: (i, 0)),
            pl.BlockSpec((_RB, 1), lambda i: (i, 0)),
            pl.BlockSpec((_RB, 1), lambda i: (i, 0)),
        ],
        out_specs=[
            pl.BlockSpec((G, 32), lambda i: (0, 0)),
            pl.BlockSpec((G, 32), lambda i: (0, 0)),
            pl.BlockSpec((G, 1), lambda i: (0, 0)),
        ],
        out_shape=[
            jax.ShapeDtypeStruct((G, 32), jnp.float32),
            jax.ShapeDtypeStruct((G, 32), jnp.float32),
            jax.ShapeDtypeStruct((G, 1), jnp.float32),
        ],
    )(hgp, bp.reshape(_NP, 1), kp.reshape(_NP, 1))
    return mx, sm, kc


def kernel(x, edge_index, edge_attr, batch, W_rel1, b_rel1, W_root1, p1,
           W_rel2, b_rel2, W_root2, p2, W_l1, b_l1, W_l2, b_l2, W_l3, b_l3):
    src, dst = edge_index[0], edge_index[1]
    ew = edge_attr

    ewx = jnp.broadcast_to(ew[:, None], (E, 16))
    Pa = _agg64(x[:, :64], src, dst, ewx)
    Pb = _agg64(x[:, 64:], src, dst, ewx)
    agg1 = jnp.concatenate([Pa[0] + Pa[1], Pb[0] + Pb[1]], axis=1)
    h = jax.nn.relu(agg1 @ W_rel1 + b_rel1 + x @ W_root1)
    s1 = (h @ p1) / jnp.linalg.norm(p1)

    rank1, cntn = _rank_in_graph(s1, batch)
    k1n = jnp.ceil(RATIO * cntn.astype(jnp.float32)).astype(jnp.int32)
    k2n = jnp.ceil(RATIO * k1n.astype(jnp.float32)).astype(jnp.int32)
    keep1 = rank1 < k1n
    g1 = jnp.tanh(s1)
    hg1 = h * g1[:, None]
    h1 = jnp.where(keep1[:, None], hg1, 0.0)
    x1max, x1sum, kc1 = _pool(hg1, batch, keep1)
    x1mean = x1sum / jnp.clip(kc1, 1.0)
    x1 = jnp.concatenate([x1max, x1mean], axis=1)

    Q = _agg32(h1, src, dst, ewx)
    agg2 = Q[0] + Q[1]
    h2 = jax.nn.relu(agg2 @ W_rel2 + b_rel2 + h1 @ W_root2)
    s2 = (h2 @ p2) / jnp.linalg.norm(p2)

    s2m = jnp.where(keep1, s2, NEG)
    rank2, _ = _rank_in_graph(s2m, batch)
    keep2 = keep1 & (rank2 < k2n)
    g2 = jnp.tanh(s2)
    hg2 = h2 * g2[:, None]
    x2max, x2sum, kc2 = _pool(hg2, batch, keep2)
    x2mean = x2sum / jnp.clip(kc2, 1.0)
    x2 = jnp.concatenate([x2max, x2mean], axis=1)

    z = x1 + x2
    z = jax.nn.relu(z @ W_l1 + b_l1)
    z = jax.nn.relu(z @ W_l2 + b_l2)
    z = jax.nn.log_softmax(z @ W_l3 + b_l3, axis=-1)
    return z

# --- scband reference (transcript-rebuilt; emitter-appended) ---
"""Pipeline reference for scband-net2-25348896981188 (READ-ONLY COPY).

The authoritative reference and input builder live on the scoring server;
editing this copy changes nothing except your own understanding.
"""

import jax, jax.numpy as jnp
import numpy as np

N = 10000
E = 320000
D = 128
H = 32
G = 16
RATIO = 0.8


def _topk_perm(score, batch_ids, num_groups, ratio):
    n = score.shape[0]
    pos = jnp.arange(n, dtype=jnp.int32)
    valid = batch_ids < num_groups
    counts = jax.ops.segment_sum(jnp.ones((n,), jnp.int32), batch_ids, num_segments=num_groups)
    k = jnp.ceil(ratio * counts.astype(jnp.float32)).astype(jnp.int32)
    start = jnp.concatenate([jnp.zeros((1,), jnp.int32), jnp.cumsum(counts)])
    order = jnp.lexsort((-score, batch_ids)).astype(jnp.int32)
    bclip = jnp.minimum(batch_ids, num_groups - 1)
    rank = pos - start[bclip]
    keep = valid & (rank < k[bclip])
    dest = jnp.where(keep, jnp.cumsum(keep.astype(jnp.int32)) - 1, n)
    perm = jnp.zeros((n,), jnp.int32).at[dest].set(order, mode='drop')
    kcount = jnp.sum(keep.astype(jnp.int32))
    return perm, pos < kcount


def _filter_edges(ei, perm, perm_valid, num_nodes):
    new_id = jnp.full((num_nodes,), -1, jnp.int32).at[
        jnp.where(perm_valid, perm, num_nodes)].set(
        jnp.arange(num_nodes, dtype=jnp.int32), mode='drop')
    src, dst = ei[0], ei[1]
    ns, nd = new_id[src], new_id[dst]
    emask = (ns >= 0) & (nd >= 0)
    new_ei = jnp.stack([jnp.where(emask, ns, 0), jnp.where(emask, nd, num_nodes)]).astype(jnp.int32)
    return new_ei


def _graph_conv(x, ei, ew, W_rel, b_rel, W_root):
    src, dst = ei[0], ei[1]
    msg = x[src] * ew[:, None]
    agg = jax.ops.segment_sum(msg, dst, num_segments=x.shape[0])
    return agg @ W_rel + b_rel + x @ W_root


def _gmp(x, batch, num_segments):
    return jax.ops.segment_max(x, batch, num_segments=num_segments)


def _gap(x, batch, num_segments):
    s = jax.ops.segment_sum(x, batch, num_segments=num_segments)
    cnt = jax.ops.segment_sum(jnp.ones((x.shape[0],), x.dtype), batch, num_segments=num_segments)
    return s / jnp.clip(cnt, 1.0)[:, None]


def setup_inputs(seed: int = 0):
    key = jax.random.key(seed)
    ks = jax.random.split(key, 20)
    inp = {}
    inp['x'] = jax.random.normal(ks[0], (N, D), dtype=jnp.float32)
    inp['edge_index'] = jax.random.randint(ks[1], (2, E), 0, N, dtype=jnp.int32)
    inp['edge_attr'] = jax.random.uniform(ks[2], (E,), dtype=jnp.float32)
    inp['batch'] = jnp.sort(jax.random.randint(ks[3], (N,), 0, G, dtype=jnp.int32))

    def lin(k, fi, fo):
        return (jax.random.normal(k, (fi, fo), dtype=jnp.float32) / np.sqrt(fi)).astype(jnp.float32)
    inp['W_rel1'] = lin(ks[4], D, H)
    inp['b_rel1'] = jnp.zeros((H,), jnp.float32)
    inp['W_root1'] = lin(ks[5], D, H)
    inp['p1'] = jax.random.normal(ks[6], (H,), dtype=jnp.float32)
    inp['W_rel2'] = lin(ks[7], H, H)
    inp['b_rel2'] = jnp.zeros((H,), jnp.float32)
    inp['W_root2'] = lin(ks[8], H, H)
    inp['p2'] = jax.random.normal(ks[9], (H,), dtype=jnp.float32)
    inp['W_l1'] = lin(ks[10], 2 * H, 32)
    inp['b_l1'] = jnp.zeros((32,), jnp.float32)
    inp['W_l2'] = lin(ks[11], 32, 16)
    inp['b_l2'] = jnp.zeros((16,), jnp.float32)
    inp['W_l3'] = lin(ks[12], 16, 2)
    inp['b_l3'] = jnp.zeros((2,), jnp.float32)
    return inp


def reference(x, edge_index, edge_attr, batch, W_rel1, b_rel1, W_root1, p1, W_rel2, b_rel2, W_root2, p2, W_l1, b_l1, W_l2, b_l2, W_l3, b_l3):
    num_graphs = G
    # conv1 + pool1 (GraphConv aggr='add' with edge_weight; TopKPooling tanh gating)
    h = jax.nn.relu(_graph_conv(x, edge_index, edge_attr, W_rel1, b_rel1, W_root1))
    score1 = (h @ p1) / jnp.linalg.norm(p1)
    perm1, valid1 = _topk_perm(score1, batch, num_graphs, RATIO)
    ei1 = _filter_edges(edge_index, perm1, valid1, h.shape[0])
    h = h[perm1] * jnp.tanh(score1[perm1])[:, None]
    ew1 = edge_attr
    batch1 = jnp.where(valid1, batch[perm1], num_graphs).astype(jnp.int32)
    x1 = jnp.concatenate([_gmp(h, batch1, num_graphs), _gap(h, batch1, num_graphs)], axis=1)
    # conv2 + pool2
    h2 = jax.nn.relu(_graph_conv(h, ei1, ew1, W_rel2, b_rel2, W_root2))
    score2 = (h2 @ p2) / jnp.linalg.norm(p2)
    perm2, valid2 = _topk_perm(score2, batch1, num_graphs, RATIO)
    h2 = h2[perm2] * jnp.tanh(score2[perm2])[:, None]
    batch2 = jnp.where(valid2, batch1[perm2], num_graphs).astype(jnp.int32)
    x2 = jnp.concatenate([_gmp(h2, batch2, num_graphs), _gap(h2, batch2, num_graphs)], axis=1)
    z = x1 + x2
    z = jax.nn.relu(z @ W_l1 + b_l1)
    # dropout skipped (eval mode)
    z = jax.nn.relu(z @ W_l2 + b_l2)
    z = jax.nn.log_softmax(z @ W_l3 + b_l3, axis=-1)
    return z

if __name__ == "__main__":
    import jax
    _d = setup_inputs()
    print(jax.jit(kernel)(*tuple(_d.values())))

</pallas_src>

<mosaic_0001>
#map = affine_map<(d0, d1) -> (0, 0)>
#map1 = affine_map<(d0, d1) -> (0)>
#map2 = affine_map<(d0, d1) -> (0, 0, 0)>
module attributes {stable_mosaic.version = 14 : i64} {
  func.func @agg(%arg0: i32, %arg1: i32, %arg2: memref<10000x64xf32, #tpu.memory_space<hbm>>, %arg3: memref<320000xi32, #tpu.memory_space<hbm>>, %arg4: memref<320000xi32, #tpu.memory_space<hbm>>, %arg5: memref<320000x16xf32, #tpu.memory_space<hbm>>, %arg6: memref<2x10000x64xf32, #tpu.memory_space<hbm>>, %arg7: memref<800xi32, #tpu.memory_space<vmem>>, %arg8: memref<800xi32, #tpu.memory_space<vmem>>, %arg9: memref<800x16xf32, #tpu.memory_space<vmem>>, %arg10: memref<800x64xf32, #tpu.memory_space<vmem>>, %arg11: memref<10000x64xf32, #tpu.memory_space<vmem_shared>>, %arg12: memref<!tpu.dma_semaphore, #tpu.memory_space<semaphore_mem>>) attributes {dimension_semantics = [#tpu.dimension_semantics<core_parallel>, #tpu.dimension_semantics<subcore_parallel>], iteration_bounds = array<i64: 2, 16>, scalar_prefetch = 0 : i64, scratch_operands = 6 : i64, tpu.core_type = #tpu.core_type<sc_vector_subcore>, window_params = [{transform_indices = #map}, {transform_indices = #map1}, {transform_indices = #map1}, {transform_indices = #map}, {transform_indices = #map2}]} {
    %mul3A = arith.constant 2 : i32
    %mul3A_0 = arith.muli %arg1, %mul3A : i32
    %add3A = arith.addi %mul3A_0, %arg0 : i32
    %scan3A = arith.constant 0 : i32
    %scan3A_1 = arith.constant 0 : i32
    %scan3A_2 = arith.constant 200 : i32
    %scan3A_3 = arith.addi %scan3A_1, %scan3A_2 : i32
    %scan3A_4 = arith.constant 1 : i32
    scf.for %scan3A_66 = %scan3A_1 to %scan3A_3 step %scan3A_4  : i32 {
      %broadcast_in_dim3A = arith.constant 0.000000e+00 : f32
      %broadcast_in_dim3A_67 = vector.broadcast %broadcast_in_dim3A : f32 to vector<16xf32>
      %swap3A = arith.index_cast %scan3A_66 : i32 to index
      %swap3A_68 = arith.constant 0 : index
      %swap3A_69 = tpu.vector_load %arg10[%swap3A, %swap3A_68] {strides = array<i32>} : memref<800x64xf32, #tpu.memory_space<vmem>>, vector<1x16xf32>,
      %swap3A_70 = vector.shape_cast %swap3A_69 : vector<1x16xf32> to vector<16xf32>
      %swap3A_71 = vector.shape_cast %broadcast_in_dim3A_67 : vector<16xf32> to vector<1x16xf32>
      tpu.vector_store %arg10[%swap3A, %swap3A_68], %swap3A_71 {strides = array<i32>} : memref<800x64xf32, #tpu.memory_space<vmem>>, vector<1x16xf32>,
      %broadcast_in_dim3A_72 = arith.constant 0.000000e+00 : f32
      %broadcast_in_dim3A_73 = vector.broadcast %broadcast_in_dim3A_72 : f32 to vector<16xf32>
      %swap3A_74 = arith.index_cast %scan3A_66 : i32 to index
      %swap3A_75 = arith.constant 16 : index
      %swap3A_76 = tpu.vector_load %arg10[%swap3A_74, %swap3A_75] {strides = array<i32>} : memref<800x64xf32, #tpu.memory_space<vmem>>, vector<1x16xf32>,
      %swap3A_77 = vector.shape_cast %swap3A_76 : vector<1x16xf32> to vector<16xf32>
      %swap3A_78 = vector.shape_cast %broadcast_in_dim3A_73 : vector<16xf32> to vector<1x16xf32>
      tpu.vector_store %arg10[%swap3A_74, %swap3A_75], %swap3A_78 {strides = array<i32>} : memref<800x64xf32, #tpu.memory_space<vmem>>, vector<1x16xf32>,
      %broadcast_in_dim3A_79 = arith.constant 0.000000e+00 : f32
      %broadcast_in_dim3A_80 = vector.broadcast %broadcast_in_dim3A_79 : f32 to vector<16xf32>
      %swap3A_81 = arith.index_cast %scan3A_66 : i32 to index
      %swap3A_82 = arith.constant 32 : index
      %swap3A_83 = tpu.vector_load %arg10[%swap3A_81, %swap3A_82] {strides = array<i32>} : memref<800x64xf32, #tpu.memory_space<vmem>>, vector<1x16xf32>,
      %swap3A_84 = vector.shape_cast %swap3A_83 : vector<1x16xf32> to vector<16xf32>
      %swap3A_85 = vector.shape_cast %broadcast_in_dim3A_80 : vector<16xf32> to vector<1x16xf32>
      tpu.vector_store %arg10[%swap3A_81, %swap3A_82], %swap3A_85 {strides = array<i32>} : memref<800x64xf32, #tpu.memory_space<vmem>>, vector<1x16xf32>,
      %broadcast_in_dim3A_86 = arith.constant 0.000000e+00 : f32
      %broadcast_in_dim3A_87 = vector.broadcast %broadcast_in_dim3A_86 : f32 to vector<16xf32>
      %swap3A_88 = arith.index_cast %scan3A_66 : i32 to index
      %swap3A_89 = arith.constant 48 : index
      %swap3A_90 = tpu.vector_load %arg10[%swap3A_88, %swap3A_89] {strides = array<i32>} : memref<800x64xf32, #tpu.memory_space<vmem>>, vector<1x16xf32>,
      %swap3A_91 = vector.shape_cast %swap3A_90 : vector<1x16xf32> to vector<16xf32>
      %swap3A_92 = vector.shape_cast %broadcast_in_dim3A_87 : vector<16xf32> to vector<1x16xf32>
      tpu.vector_store %arg10[%swap3A_88, %swap3A_89], %swap3A_92 {strides = array<i32>} : memref<800x64xf32, #tpu.memory_space<vmem>>, vector<1x16xf32>,
    }
    %scan3A_5 = arith.constant 200 : i32
    %add3A_6 = arith.constant 0 : i32
    %add3A_7 = arith.addi %add3A_6, %arg1 : i32
    %lt3A = arith.constant 50 : i32
    %lt3A_8 = arith.cmpi slt, %add3A_7, %lt3A : i32
    %convert_element_type3A = arith.extui %lt3A_8 : i1 to i32
    %cond3A = arith.constant 0 : i32
    %cond3A_9 = arith.cmpi ne, %convert_element_type3A, %cond3A : i32
    scf.if %cond3A_9 {
      %mul3A_66 = arith.constant 200 : i32
      %mul3A_67 = arith.muli %add3A_7, %mul3A_66 : i32
      %multiple_of3A = tpu.assume_multiple %mul3A_67, 200 : i32
      "tpu.region"() ({
        %run_scoped3A = tpu.sem_alloc : memref<!tpu.dma_semaphore, #tpu.memory_space<semaphore_mem>>
        %dma_start3A = arith.constant 0 : i32
        %dma_start3A_68 = arith.constant 0 : i32
        %dma_start3A_69 = tpu.memref_slice %arg10[%dma_start3A, %dma_start3A_68] : memref<800x64xf32, #tpu.memory_space<vmem>> -> memref<200x64xf32, #tpu.memory_space<vmem>>
        %dma_start3A_70 = arith.constant 0 : i32
        %dma_start3A_71 = tpu.memref_slice %arg11[%multiple_of3A, %dma_start3A_70] : memref<10000x64xf32, #tpu.memory_space<vmem_shared>> -> memref<200x64xf32, #tpu.memory_space<vmem_shared>>
        %dma_start3A_72 = arith.constant 0 : i32
        %dma_start3A_73 = tpu.memref_slice %arg11[%multiple_of3A, %dma_start3A_72] : memref<10000x64xf32, #tpu.memory_space<vmem_shared>> -> memref<200x64xf32, #tpu.memory_space<vmem_shared>>
        %dma_start3A_74 = arith.constant 0 : i32
        %dma_start3A_75 = arith.constant 0 : i32
        %dma_start3A_76 = tpu.memref_slice %arg10[%dma_start3A_74, %dma_start3A_75] : memref<800x64xf32, #tpu.memory_space<vmem>> -> memref<200x64xf32, #tpu.memory_space<vmem>>
        tpu.enqueue_dma source(%dma_start3A_76 : memref<200x64xf32, #tpu.memory_space<vmem>>) target(%dma_start3A_73 : memref<200x64xf32, #tpu.memory_space<vmem_shared>>) target_semaphore(%run_scoped3A : memref<!tpu.dma_semaphore, #tpu.memory_space<semaphore_mem>>)
        %dma_wait3A = arith.constant 0 : i32
        %dma_wait3A_77 = arith.constant 0 : i32
        %dma_wait3A_78 = tpu.memref_slice %arg10[%dma_wait3A, %dma_wait3A_77] : memref<800x64xf32, #tpu.memory_space<vmem>> -> memref<200x64xf32, #tpu.memory_space<vmem>>
        %dma_wait3A_79 = arith.constant 0 : i32
        %dma_wait3A_80 = tpu.memref_slice %arg11[%multiple_of3A, %dma_wait3A_79] : memref<10000x64xf32, #tpu.memory_space<vmem_shared>> -> memref<200x64xf32, #tpu.memory_space<vmem_shared>>
        %dma_wait3A_81 = arith.constant 0 : i32
        %dma_wait3A_82 = tpu.memref_slice %arg11[%multiple_of3A, %dma_wait3A_81] : memref<10000x64xf32, #tpu.memory_space<vmem_shared>> -> memref<200x64xf32, #tpu.memory_space<vmem_shared>>
        %dma_wait3A_83 = arith.constant 0 : i32
        %dma_wait3A_84 = arith.constant 0 : i32
        %dma_wait3A_85 = tpu.memref_slice %arg10[%dma_wait3A_83, %dma_wait3A_84] : memref<800x64xf32, #tpu.memory_space<vmem>> -> memref<200x64xf32, #tpu.memory_space<vmem>>
        tpu.wait_dma2 semaphore(%run_scoped3A : memref<!tpu.dma_semaphore, #tpu.memory_space<semaphore_mem>>) src(%dma_wait3A_85 : memref<200x64xf32, #tpu.memory_space<vmem>>) dst(%dma_wait3A_82 : memref<200x64xf32, #tpu.memory_space<vmem_shared>>)
        tpu.yield
      }) : () -> ()
    } else {
    }
    %add3A_10 = arith.constant 16 : i32
    %add3A_11 = arith.addi %add3A_10, %arg1 : i32
    %lt3A_12 = arith.constant 50 : i32
    %lt3A_13 = arith.cmpi slt, %add3A_11, %lt3A_12 : i32
    %convert_element_type3A_14 = arith.extui %lt3A_13 : i1 to i32
    %cond3A_15 = arith.constant 0 : i32
    %cond3A_16 = arith.cmpi ne, %convert_element_type3A_14, %cond3A_15 : i32
    scf.if %cond3A_16 {
      %mul3A_66 = arith.constant 200 : i32
      %mul3A_67 = arith.muli %add3A_11, %mul3A_66 : i32
      %multiple_of3A = tpu.assume_multiple %mul3A_67, 200 : i32
      "tpu.region"() ({
        %run_scoped3A = tpu.sem_alloc : memref<!tpu.dma_semaphore, #tpu.memory_space<semaphore_mem>>
        %dma_start3A = arith.constant 0 : i32
        %dma_start3A_68 = arith.constant 0 : i32
        %dma_start3A_69 = tpu.memref_slice %arg10[%dma_start3A, %dma_start3A_68] : memref<800x64xf32, #tpu.memory_space<vmem>> -> memref<200x64xf32, #tpu.memory_space<vmem>>
        %dma_start3A_70 = arith.constant 0 : i32
        %dma_start3A_71 = tpu.memref_slice %arg11[%multiple_of3A, %dma_start3A_70] : memref<10000x64xf32, #tpu.memory_space<vmem_shared>> -> memref<200x64xf32, #tpu.memory_space<vmem_shared>>
        %dma_start3A_72 = arith.constant 0 : i32
        %dma_start3A_73 = tpu.memref_slice %arg11[%multiple_of3A, %dma_start3A_72] : memref<10000x64xf32, #tpu.memory_space<vmem_shared>> -> memref<200x64xf32, #tpu.memory_space<vmem_shared>>
        %dma_start3A_74 = arith.constant 0 : i32
        %dma_start3A_75 = arith.constant 0 : i32
        %dma_start3A_76 = tpu.memref_slice %arg10[%dma_start3A_74, %dma_start3A_75] : memref<800x64xf32, #tpu.memory_space<vmem>> -> memref<200x64xf32, #tpu.memory_space<vmem>>
        tpu.enqueue_dma source(%dma_start3A_76 : memref<200x64xf32, #tpu.memory_space<vmem>>) target(%dma_start3A_73 : memref<200x64xf32, #tpu.memory_space<vmem_shared>>) target_semaphore(%run_scoped3A : memref<!tpu.dma_semaphore, #tpu.memory_space<semaphore_mem>>)
        %dma_wait3A = arith.constant 0 : i32
        %dma_wait3A_77 = arith.constant 0 : i32
        %dma_wait3A_78 = tpu.memref_slice %arg10[%dma_wait3A, %dma_wait3A_77] : memref<800x64xf32, #tpu.memory_space<vmem>> -> memref<200x64xf32, #tpu.memory_space<vmem>>
        %dma_wait3A_79 = arith.constant 0 : i32
        %dma_wait3A_80 = tpu.memref_slice %arg11[%multiple_of3A, %dma_wait3A_79] : memref<10000x64xf32, #tpu.memory_space<vmem_shared>> -> memref<200x64xf32, #tpu.memory_space<vmem_shared>>
        %dma_wait3A_81 = arith.constant 0 : i32
        %dma_wait3A_82 = tpu.memref_slice %arg11[%multiple_of3A, %dma_wait3A_81] : memref<10000x64xf32, #tpu.memory_space<vmem_shared>> -> memref<200x64xf32, #tpu.memory_space<vmem_shared>>
        %dma_wait3A_83 = arith.constant 0 : i32
        %dma_wait3A_84 = arith.constant 0 : i32
        %dma_wait3A_85 = tpu.memref_slice %arg10[%dma_wait3A_83, %dma_wait3A_84] : memref<800x64xf32, #tpu.memory_space<vmem>> -> memref<200x64xf32, #tpu.memory_space<vmem>>
        tpu.wait_dma2 semaphore(%run_scoped3A : memref<!tpu.dma_semaphore, #tpu.memory_space<semaphore_mem>>) src(%dma_wait3A_85 : memref<200x64xf32, #tpu.memory_space<vmem>>) dst(%dma_wait3A_82 : memref<200x64xf32, #tpu.memory_space<vmem_shared>>)
        tpu.yield
      }) : () -> ()
    } else {
    }
    %add3A_17 = arith.constant 32 : i32
    %add3A_18 = arith.addi %add3A_17, %arg1 : i32
    %lt3A_19 = arith.constant 50 : i32
    %lt3A_20 = arith.cmpi slt, %add3A_18, %lt3A_19 : i32
    %convert_element_type3A_21 = arith.extui %lt3A_20 : i1 to i32
    %cond3A_22 = arith.constant 0 : i32
    %cond3A_23 = arith.cmpi ne, %convert_element_type3A_21, %cond3A_22 : i32
    scf.if %cond3A_23 {
      %mul3A_66 = arith.constant 200 : i32
      %mul3A_67 = arith.muli %add3A_18, %mul3A_66 : i32
      %multiple_of3A = tpu.assume_multiple %mul3A_67, 200 : i32
      "tpu.region"() ({
        %run_scoped3A = tpu.sem_alloc : memref<!tpu.dma_semaphore, #tpu.memory_space<semaphore_mem>>
        %dma_start3A = arith.constant 0 : i32
        %dma_start3A_68 = arith.constant 0 : i32
        %dma_start3A_69 = tpu.memref_slice %arg10[%dma_start3A, %dma_start3A_68] : memref<800x64xf32, #tpu.memory_space<vmem>> -> memref<200x64xf32, #tpu.memory_space<vmem>>
        %dma_start3A_70 = arith.constant 0 : i32
        %dma_start3A_71 = tpu.memref_slice %arg11[%multiple_of3A, %dma_start3A_70] : memref<10000x64xf32, #tpu.memory_space<vmem_shared>> -> memref<200x64xf32, #tpu.memory_space<vmem_shared>>
        %dma_start3A_72 = arith.constant 0 : i32
        %dma_start3A_73 = tpu.memref_slice %arg11[%multiple_of3A, %dma_start3A_72] : memref<10000x64xf32, #tpu.memory_space<vmem_shared>> -> memref<200x64xf32, #tpu.memory_space<vmem_shared>>
        %dma_start3A_74 = arith.constant 0 : i32
        %dma_start3A_75 = arith.constant 0 : i32
        %dma_start3A_76 = tpu.memref_slice %arg10[%dma_start3A_74, %dma_start3A_75] : memref<800x64xf32, #tpu.memory_space<vmem>> -> memref<200x64xf32, #tpu.memory_space<vmem>>
        tpu.enqueue_dma source(%dma_start3A_76 : memref<200x64xf32, #tpu.memory_space<vmem>>) target(%dma_start3A_73 : memref<200x64xf32, #tpu.memory_space<vmem_shared>>) target_semaphore(%run_scoped3A : memref<!tpu.dma_semaphore, #tpu.memory_space<semaphore_mem>>)
        %dma_wait3A = arith.constant 0 : i32
        %dma_wait3A_77 = arith.constant 0 : i32
        %dma_wait3A_78 = tpu.memref_slice %arg10[%dma_wait3A, %dma_wait3A_77] : memref<800x64xf32, #tpu.memory_space<vmem>> -> memref<200x64xf32, #tpu.memory_space<vmem>>
        %dma_wait3A_79 = arith.constant 0 : i32
        %dma_wait3A_80 = tpu.memref_slice %arg11[%multiple_of3A, %dma_wait3A_79] : memref<10000x64xf32, #tpu.memory_space<vmem_shared>> -> memref<200x64xf32, #tpu.memory_space<vmem_shared>>
        %dma_wait3A_81 = arith.constant 0 : i32
        %dma_wait3A_82 = tpu.memref_slice %arg11[%multiple_of3A, %dma_wait3A_81] : memref<10000x64xf32, #tpu.memory_space<vmem_shared>> -> memref<200x64xf32, #tpu.memory_space<vmem_shared>>
        %dma_wait3A_83 = arith.constant 0 : i32
        %dma_wait3A_84 = arith.constant 0 : i32
        %dma_wait3A_85 = tpu.memref_slice %arg10[%dma_wait3A_83, %dma_wait3A_84] : memref<800x64xf32, #tpu.memory_space<vmem>> -> memref<200x64xf32, #tpu.memory_space<vmem>>
        tpu.wait_dma2 semaphore(%run_scoped3A : memref<!tpu.dma_semaphore, #tpu.memory_space<semaphore_mem>>) src(%dma_wait3A_85 : memref<200x64xf32, #tpu.memory_space<vmem>>) dst(%dma_wait3A_82 : memref<200x64xf32, #tpu.memory_space<vmem_shared>>)
        tpu.yield
      }) : () -> ()
    } else {
    }
    %add3A_24 = arith.constant 48 : i32
    %add3A_25 = arith.addi %add3A_24, %arg1 : i32
    %lt3A_26 = arith.constant 50 : i32
    %lt3A_27 = arith.cmpi slt, %add3A_25, %lt3A_26 : i32
    %convert_element_type3A_28 = arith.extui %lt3A_27 : i1 to i32
    %cond3A_29 = arith.constant 0 : i32
    %cond3A_30 = arith.cmpi ne, %convert_element_type3A_28, %cond3A_29 : i32
    scf.if %cond3A_30 {
      %mul3A_66 = arith.constant 200 : i32
      %mul3A_67 = arith.muli %add3A_25, %mul3A_66 : i32
      %multiple_of3A = tpu.assume_multiple %mul3A_67, 200 : i32
      "tpu.region"() ({
        %run_scoped3A = tpu.sem_alloc : memref<!tpu.dma_semaphore, #tpu.memory_space<semaphore_mem>>
        %dma_start3A = arith.constant 0 : i32
        %dma_start3A_68 = arith.constant 0 : i32
        %dma_start3A_69 = tpu.memref_slice %arg10[%dma_start3A, %dma_start3A_68] : memref<800x64xf32, #tpu.memory_space<vmem>> -> memref<200x64xf32, #tpu.memory_space<vmem>>
        %dma_start3A_70 = arith.constant 0 : i32
        %dma_start3A_71 = tpu.memref_slice %arg11[%multiple_of3A, %dma_start3A_70] : memref<10000x64xf32, #tpu.memory_space<vmem_shared>> -> memref<200x64xf32, #tpu.memory_space<vmem_shared>>
        %dma_start3A_72 = arith.constant 0 : i32
        %dma_start3A_73 = tpu.memref_slice %arg11[%multiple_of3A, %dma_start3A_72] : memref<10000x64xf32, #tpu.memory_space<vmem_shared>> -> memref<200x64xf32, #tpu.memory_space<vmem_shared>>
        %dma_start3A_74 = arith.constant 0 : i32
        %dma_start3A_75 = arith.constant 0 : i32
        %dma_start3A_76 = tpu.memref_slice %arg10[%dma_start3A_74, %dma_start3A_75] : memref<800x64xf32, #tpu.memory_space<vmem>> -> memref<200x64xf32, #tpu.memory_space<vmem>>
        tpu.enqueue_dma source(%dma_start3A_76 : memref<200x64xf32, #tpu.memory_space<vmem>>) target(%dma_start3A_73 : memref<200x64xf32, #tpu.memory_space<vmem_shared>>) target_semaphore(%run_scoped3A : memref<!tpu.dma_semaphore, #tpu.memory_space<semaphore_mem>>)
        %dma_wait3A = arith.constant 0 : i32
        %dma_wait3A_77 = arith.constant 0 : i32
        %dma_wait3A_78 = tpu.memref_slice %arg10[%dma_wait3A, %dma_wait3A_77] : memref<800x64xf32, #tpu.memory_space<vmem>> -> memref<200x64xf32, #tpu.memory_space<vmem>>
        %dma_wait3A_79 = arith.constant 0 : i32
        %dma_wait3A_80 = tpu.memref_slice %arg11[%multiple_of3A, %dma_wait3A_79] : memref<10000x64xf32, #tpu.memory_space<vmem_shared>> -> memref<200x64xf32, #tpu.memory_space<vmem_shared>>
        %dma_wait3A_81 = arith.constant 0 : i32
        %dma_wait3A_82 = tpu.memref_slice %arg11[%multiple_of3A, %dma_wait3A_81] : memref<10000x64xf32, #tpu.memory_space<vmem_shared>> -> memref<200x64xf32, #tpu.memory_space<vmem_shared>>
        %dma_wait3A_83 = arith.constant 0 : i32
        %dma_wait3A_84 = arith.constant 0 : i32
        %dma_wait3A_85 = tpu.memref_slice %arg10[%dma_wait3A_83, %dma_wait3A_84] : memref<800x64xf32, #tpu.memory_space<vmem>> -> memref<200x64xf32, #tpu.memory_space<vmem>>
        tpu.wait_dma2 semaphore(%run_scoped3A : memref<!tpu.dma_semaphore, #tpu.memory_space<semaphore_mem>>) src(%dma_wait3A_85 : memref<200x64xf32, #tpu.memory_space<vmem>>) dst(%dma_wait3A_82 : memref<200x64xf32, #tpu.memory_space<vmem_shared>>)
        tpu.yield
      }) : () -> ()
    } else {
    }
    %barrier3A = arith.constant 0 : index
    tpu.barrier barrier_id(%barrier3A)
    %scan3A_31 = arith.constant 0 : i32
    %scan3A_32 = arith.constant 0 : i32
    %scan3A_33 = arith.constant 13 : i32
    %scan3A_34 = arith.addi %scan3A_32, %scan3A_33 : i32
    %scan3A_35 = arith.constant 1 : i32
    scf.for %scan3A_66 = %scan3A_32 to %scan3A_34 step %scan3A_35  : i32 {
      %mul3A_67 = arith.constant 32 : i32
      %mul3A_68 = arith.muli %scan3A_66, %mul3A_67 : i32
      %add3A_69 = arith.addi %add3A, %mul3A_68 : i32
      %lt3A_70 = arith.constant 400 : i32
      %lt3A_71 = arith.cmpi slt, %add3A_69, %lt3A_70 : i32
      %convert_element_type3A_72 = arith.extui %lt3A_71 : i1 to i32
      %cond3A_73 = arith.constant 0 : i32
      %cond3A_74 = arith.cmpi ne, %convert_element_type3A_72, %cond3A_73 : i32
      scf.if %cond3A_74 {
        %mul3A_75 = arith.constant 800 : i32
        %mul3A_76 = arith.muli %add3A_69, %mul3A_75 : i32
        %multiple_of3A = tpu.assume_multiple %mul3A_76, 800 : i32
        "tpu.region"() ({
          %run_scoped3A = tpu.sem_alloc : memref<!tpu.dma_semaphore, #tpu.memory_space<semaphore_mem>>
          %dma_start3A_87 = tpu.memref_slice %arg3[%multiple_of3A] : memref<320000xi32, #tpu.memory_space<hbm>> -> memref<800xi32, #tpu.memory_space<hbm>>
          %dma_start3A_88 = tpu.memref_slice %arg3[%multiple_of3A] : memref<320000xi32, #tpu.memory_space<hbm>> -> memref<800xi32, #tpu.memory_space<hbm>>
          tpu.enqueue_dma source(%dma_start3A_88 : memref<800xi32, #tpu.memory_space<hbm>>) target(%arg7 : memref<800xi32, #tpu.memory_space<vmem>>) target_semaphore(%run_scoped3A : memref<!tpu.dma_semaphore, #tpu.memory_space<semaphore_mem>>)
          %dma_wait3A_89 = tpu.memref_slice %arg3[%multiple_of3A] : memref<320000xi32, #tpu.memory_space<hbm>> -> memref<800xi32, #tpu.memory_space<hbm>>
          %dma_wait3A_90 = tpu.memref_slice %arg3[%multiple_of3A] : memref<320000xi32, #tpu.memory_space<hbm>> -> memref<800xi32, #tpu.memory_space<hbm>>
          tpu.wait_dma2 semaphore(%run_scoped3A : memref<!tpu.dma_semaphore, #tpu.memory_space<semaphore_mem>>) src(%dma_wait3A_90 : memref<800xi32, #tpu.memory_space<hbm>>) dst(%arg7 : memref<800xi32, #tpu.memory_space<vmem>>)
          tpu.yield
        }) : () -> ()
        "tpu.region"() ({
          %run_scoped3A = tpu.sem_alloc : memref<!tpu.dma_semaphore, #tpu.memory_space<semaphore_mem>>
          %dma_start3A_87 = tpu.memref_slice %arg4[%multiple_of3A] : memref<320000xi32, #tpu.memory_space<hbm>> -> memref<800xi32, #tpu.memory_space<hbm>>
          %dma_start3A_88 = tpu.memref_slice %arg4[%multiple_of3A] : memref<320000xi32, #tpu.memory_space<hbm>> -> memref<800xi32, #tpu.memory_space<hbm>>
          tpu.enqueue_dma source(%dma_start3A_88 : memref<800xi32, #tpu.memory_space<hbm>>) target(%arg8 : memref<800xi32, #tpu.memory_space<vmem>>) target_semaphore(%run_scoped3A : memref<!tpu.dma_semaphore, #tpu.memory_space<semaphore_mem>>)
          %dma_wait3A_89 = tpu.memref_slice %arg4[%multiple_of3A] : memref<320000xi32, #tpu.memory_space<hbm>> -> memref<800xi32, #tpu.memory_space<hbm>>
          %dma_wait3A_90 = tpu.memref_slice %arg4[%multiple_of3A] : memref<320000xi32, #tpu.memory_space<hbm>> -> memref<800xi32, #tpu.memory_space<hbm>>
          tpu.wait_dma2 semaphore(%run_scoped3A : memref<!tpu.dma_semaphore, #tpu.memory_space<semaphore_mem>>) src(%dma_wait3A_90 : memref<800xi32, #tpu.memory_space<hbm>>) dst(%arg8 : memref<800xi32, #tpu.memory_space<vmem>>)
          tpu.yield
        }) : () -> ()
        "tpu.region"() ({
          %run_scoped3A = tpu.sem_alloc : memref<!tpu.dma_semaphore, #tpu.memory_space<semaphore_mem>>
          %dma_start3A_87 = arith.constant 0 : i32
          %dma_start3A_88 = tpu.memref_slice %arg5[%multiple_of3A, %dma_start3A_87] : memref<320000x16xf32, #tpu.memory_space<hbm>> -> memref<800x16xf32, #tpu.memory_space<hbm>>
          %dma_start3A_89 = arith.constant 0 : i32
          %dma_start3A_90 = tpu.memref_slice %arg5[%multiple_of3A, %dma_start3A_89] : memref<320000x16xf32, #tpu.memory_space<hbm>> -> memref<800x16xf32, #tpu.memory_space<hbm>>
          tpu.enqueue_dma source(%dma_start3A_90 : memref<800x16xf32, #tpu.memory_space<hbm>>) target(%arg9 : memref<800x16xf32, #tpu.memory_space<vmem>>) target_semaphore(%run_scoped3A : memref<!tpu.dma_semaphore, #tpu.memory_space<semaphore_mem>>)
          %dma_wait3A_91 = arith.constant 0 : i32
          %dma_wait3A_92 = tpu.memref_slice %arg5[%multiple_of3A, %dma_wait3A_91] : memref<320000x16xf32, #tpu.memory_space<hbm>> -> memref<800x16xf32, #tpu.memory_space<hbm>>
          %dma_wait3A_93 = arith.constant 0 : i32
          %dma_wait3A_94 = tpu.memref_slice %arg5[%multiple_of3A, %dma_wait3A_93] : memref<320000x16xf32, #tpu.memory_space<hbm>> -> memref<800x16xf32, #tpu.memory_space<hbm>>
          tpu.wait_dma2 semaphore(%run_scoped3A : memref<!tpu.dma_semaphore, #tpu.memory_space<semaphore_mem>>) src(%dma_wait3A_94 : memref<800x16xf32, #tpu.memory_space<hbm>>) dst(%arg9 : memref<800x16xf32, #tpu.memory_space<vmem>>)
          tpu.yield
        }) : () -> ()
        %dma_start3A = arith.constant 0 : i32
        %dma_start3A_77 = arith.constant 0 : i32
        %dma_start3A_78 = tpu.memref_slice %arg2[%dma_start3A, %dma_start3A_77] : memref<10000x64xf32, #tpu.memory_space<hbm>> -> memref<10000x64xf32, #tpu.memory_space<hbm>>
        tpu.enqueue_indirect_dma source(%dma_start3A_78 : memref<10000x64xf32, #tpu.memory_space<hbm>>) target(%arg10 : memref<800x64xf32, #tpu.memory_space<vmem>>) offsets(%arg7 : memref<800xi32, #tpu.memory_space<vmem>>) semaphore(%arg12 : memref<!tpu.dma_semaphore, #tpu.memory_space<semaphore_mem>>)
        %dma_wait3A = arith.constant 0 : i32
        %dma_wait3A_79 = arith.constant 0 : i32
        %dma_wait3A_80 = tpu.memref_slice %arg2[%dma_wait3A, %dma_wait3A_79] : memref<10000x64xf32, #tpu.memory_space<hbm>> -> memref<10000x64xf32, #tpu.memory_space<hbm>>
        tpu.wait_indirect_dma semaphore(%arg12 : memref<!tpu.dma_semaphore, #tpu.memory_space<semaphore_mem>>) src(%dma_wait3A_80 : memref<10000x64xf32, #tpu.memory_space<hbm>>) dst(%arg10 : memref<800x64xf32, #tpu.memory_space<vmem>>)
        %scan3A_81 = arith.constant 0 : i32
        %scan3A_82 = arith.constant 0 : i32
        %scan3A_83 = arith.constant 100 : i32
        %scan3A_84 = arith.addi %scan3A_82, %scan3A_83 : i32
        %scan3A_85 = arith.constant 1 : i32
        scf.for %scan3A_87 = %scan3A_82 to %scan3A_84 step %scan3A_85  : i32 {
          %mul3A_88 = arith.constant 8 : i32
          %mul3A_89 = arith.muli %scan3A_87, %mul3A_88 : i32
          %add3A_90 = arith.constant 0 : i32
          %add3A_91 = arith.addi %mul3A_89, %add3A_90 : i32
          %get3A = arith.index_cast %add3A_91 : i32 to index
          %get3A_92 = arith.constant 0 : index
          %get3A_93 = tpu.vector_load %arg9[%get3A, %get3A_92] {strides = array<i32>} : memref<800x16xf32, #tpu.memory_space<vmem>>, vector<1x16xf32>,
          %get3A_94 = vector.shape_cast %get3A_93 : vector<1x16xf32> to vector<16xf32>
          %get3A_95 = arith.index_cast %add3A_91 : i32 to index
          %get3A_96 = arith.constant 0 : index
          %get3A_97 = tpu.vector_load %arg10[%get3A_95, %get3A_96] {strides = array<i32>} : memref<800x64xf32, #tpu.memory_space<vmem>>, vector<1x16xf32>,
          %get3A_98 = vector.shape_cast %get3A_97 : vector<1x16xf32> to vector<16xf32>
          %mul3A_99 = arith.mulf %get3A_98, %get3A_94 : vector<16xf32>
          %swap3A = arith.index_cast %add3A_91 : i32 to index
          %swap3A_100 = arith.constant 0 : index
          %swap3A_101 = tpu.vector_load %arg10[%swap3A, %swap3A_100] {strides = array<i32>} : memref<800x64xf32, #tpu.memory_space<vmem>>, vector<1x16xf32>,
          %swap3A_102 = vector.shape_cast %swap3A_101 : vector<1x16xf32> to vector<16xf32>
          %swap3A_103 = vector.shape_cast %mul3A_99 : vector<16xf32> to vector<1x16xf32>
          tpu.vector_store %arg10[%swap3A, %swap3A_100], %swap3A_103 {strides = array<i32>} : memref<800x64xf32, #tpu.memory_space<vmem>>, vector<1x16xf32>,
          %get3A_104 = arith.index_cast %add3A_91 : i32 to index
          %get3A_105 = arith.constant 16 : index
          %get3A_106 = tpu.vector_load %arg10[%get3A_104, %get3A_105] {strides = array<i32>} : memref<800x64xf32, #tpu.memory_space<vmem>>, vector<1x16xf32>,
          %get3A_107 = vector.shape_cast %get3A_106 : vector<1x16xf32> to vector<16xf32>
          %mul3A_108 = arith.mulf %get3A_107, %get3A_94 : vector<16xf32>
          %swap3A_109 = arith.index_cast %add3A_91 : i32 to index
          %swap3A_110 = arith.constant 16 : index
          %swap3A_111 = tpu.vector_load %arg10[%swap3A_109, %swap3A_110] {strides = array<i32>} : memref<800x64xf32, #tpu.memory_space<vmem>>, vector<1x16xf32>,
          %swap3A_112 = vector.shape_cast %swap3A_111 : vector<1x16xf32> to vector<16xf32>
          %swap3A_113 = vector.shape_cast %mul3A_108 : vector<16xf32> to vector<1x16xf32>
          tpu.vector_store %arg10[%swap3A_109, %swap3A_110], %swap3A_113 {strides = array<i32>} : memref<800x64xf32, #tpu.memory_space<vmem>>, vector<1x16xf32>,
          %get3A_114 = arith.index_cast %add3A_91 : i32 to index
          %get3A_115 = arith.constant 32 : index
          %get3A_116 = tpu.vector_load %arg10[%get3A_114, %get3A_115] {strides = array<i32>} : memref<800x64xf32, #tpu.memory_space<vmem>>, vector<1x16xf32>,
          %get3A_117 = vector.shape_cast %get3A_116 : vector<1x16xf32> to vector<16xf32>
          %mul3A_118 = arith.mulf %get3A_117, %get3A_94 : vector<16xf32>
          %swap3A_119 = arith.index_cast %add3A_91 : i32 to index
          %swap3A_120 = arith.constant 32 : index
          %swap3A_121 = tpu.vector_load %arg10[%swap3A_119, %swap3A_120] {strides = array<i32>} : memref<800x64xf32, #tpu.memory_space<vmem>>, vector<1x16xf32>,
          %swap3A_122 = vector.shape_cast %swap3A_121 : vector<1x16xf32> to vector<16xf32>
          %swap3A_123 = vector.shape_cast %mul3A_118 : vector<16xf32> to vector<1x16xf32>
          tpu.vector_store %arg10[%swap3A_119, %swap3A_120], %swap3A_123 {strides = array<i32>} : memref<800x64xf32, #tpu.memory_space<vmem>>, vector<1x16xf32>,
          %get3A_124 = arith.index_cast %add3A_91 : i32 to index
          %get3A_125 = arith.constant 48 : index
          %get3A_126 = tpu.vector_load %arg10[%get3A_124, %get3A_125] {strides = array<i32>} : memref<800x64xf32, #tpu.memory_space<vmem>>, vector<1x16xf32>,
          %get3A_127 = vector.shape_cast %get3A_126 : vector<1x16xf32> to vector<16xf32>
          %mul3A_128 = arith.mulf %get3A_127, %get3A_94 : vector<16xf32>
          %swap3A_129 = arith.index_cast %add3A_91 : i32 to index
          %swap3A_130 = arith.constant 48 : index
          %swap3A_131 = tpu.vector_load %arg10[%swap3A_129, %swap3A_130] {strides = array<i32>} : memref<800x64xf32, #tpu.memory_space<vmem>>, vector<1x16xf32>,
          %swap3A_132 = vector.shape_cast %swap3A_131 : vector<1x16xf32> to vector<16xf32>
          %swap3A_133 = vector.shape_cast %mul3A_128 : vector<16xf32> to vector<1x16xf32>
          tpu.vector_store %arg10[%swap3A_129, %swap3A_130], %swap3A_133 {strides = array<i32>} : memref<800x64xf32, #tpu.memory_space<vmem>>, vector<1x16xf32>,
          %mul3A_134 = arith.constant 8 : i32
          %mul3A_135 = arith.muli %scan3A_87, %mul3A_134 : i32
          %add3A_136 = arith.constant 1 : i32
          %add3A_137 = arith.addi %mul3A_135, %add3A_136 : i32
          %get3A_138 = arith.index_cast %add3A_137 : i32 to index
          %get3A_139 = arith.constant 0 : index
          %get3A_140 = tpu.vector_load %arg9[%get3A_138, %get3A_139] {strides = array<i32>} : memref<800x16xf32, #tpu.memory_space<vmem>>, vector<1x16xf32>,
          %get3A_141 = vector.shape_cast %get3A_140 : vector<1x16xf32> to vector<16xf32>
          %get3A_142 = arith.index_cast %add3A_137 : i32 to index
          %get3A_143 = arith.constant 0 : index
          %get3A_144 = tpu.vector_load %arg10[%get3A_142, %get3A_143] {strides = array<i32>} : memref<800x64xf32, #tpu.memory_space<vmem>>, vector<1x16xf32>,
          %get3A_145 = vector.shape_cast %get3A_144 : vector<1x16xf32> to vector<16xf32>
          %mul3A_146 = arith.mulf %get3A_145, %get3A_141 : vector<16xf32>
          %swap3A_147 = arith.index_cast %add3A_137 : i32 to index
          %swap3A_148 = arith.constant 0 : index
          %swap3A_149 = tpu.vector_load %arg10[%swap3A_147, %swap3A_148] {strides = array<i32>} : memref<800x64xf32, #tpu.memory_space<vmem>>, vector<1x16xf32>,
          %swap3A_150 = vector.shape_cast %swap3A_149 : vector<1x16xf32> to vector<16xf32>
          %swap3A_151 = vector.shape_cast %mul3A_146 : vector<16xf32> to vector<1x16xf32>
          tpu.vector_store %arg10[%swap3A_147, %swap3A_148], %swap3A_151 {strides = array<i32>} : memref<800x64xf32, #tpu.memory_space<vmem>>, vector<1x16xf32>,
          %get3A_152 = arith.index_cast %add3A_137 : i32 to index
          %get3A_153 = arith.constant 16 : index
          %get3A_154 = tpu.vector_load %arg10[%get3A_152, %get3A_153] {strides = array<i32>} : memref<800x64xf32, #tpu.memory_space<vmem>>, vector<1x16xf32>,
          %get3A_155 = vector.shape_cast %get3A_154 : vector<1x16xf32> to vector<16xf32>
          %mul3A_156 = arith.mulf %get3A_155, %get3A_141 : vector<16xf32>
          %swap3A_157 = arith.index_cast %add3A_137 : i32 to index
          %swap3A_158 = arith.constant 16 : index
          %swap3A_159 = tpu.vector_load %arg10[%swap3A_157, %swap3A_158] {strides = array<i32>} : memref<800x64xf32, #tpu.memory_space<vmem>>, vector<1x16xf32>,
          %swap3A_160 = vector.shape_cast %swap3A_159 : vector<1x16xf32> to vector<16xf32>
          %swap3A_161 = vector.shape_cast %mul3A_156 : vector<16xf32> to vector<1x16xf32>
          tpu.vector_store %arg10[%swap3A_157, %swap3A_158], %swap3A_161 {strides = array<i32>} : memref<800x64xf32, #tpu.memory_space<vmem>>, vector<1x16xf32>,
          %get3A_162 = arith.index_cast %add3A_137 : i32 to index
          %get3A_163 = arith.constant 32 : index
          %get3A_164 = tpu.vector_load %arg10[%get3A_162, %get3A_163] {strides = array<i32>} : memref<800x64xf32, #tpu.memory_space<vmem>>, vector<1x16xf32>,
          %get3A_165 = vector.shape_cast %get3A_164 : vector<1x16xf32> to vector<16xf32>
          %mul3A_166 = arith.mulf %get3A_165, %get3A_141 : vector<16xf32>
          %swap3A_167 = arith.index_cast %add3A_137 : i32 to index
          %swap3A_168 = arith.constant 32 : index
          %swap3A_169 = tpu.vector_load %arg10[%swap3A_167, %swap3A_168] {strides = array<i32>} : memref<800x64xf32, #tpu.memory_space<vmem>>, vector<1x16xf32>,
          %swap3A_170 = vector.shape_cast %swap3A_169 : vector<1x16xf32> to vector<16xf32>
          %swap3A_171 = vector.shape_cast %mul3A_166 : vector<16xf32> to vector<1x16xf32>
          tpu.vector_store %arg10[%swap3A_167, %swap3A_168], %swap3A_171 {strides = array<i32>} : memref<800x64xf32, #tpu.memory_space<vmem>>, vector<1x16xf32>,
          %get3A_172 = arith.index_cast %add3A_137 : i32 to index
          %get3A_173 = arith.constant 48 : index
          %get3A_174 = tpu.vector_load %arg10[%get3A_172, %get3A_173] {strides = array<i32>} : memref<800x64xf32, #tpu.memory_space<vmem>>, vector<1x16xf32>,
          %get3A_175 = vector.shape_cast %get3A_174 : vector<1x16xf32> to vector<16xf32>
          %mul3A_176 = arith.mulf %get3A_175, %get3A_141 : vector<16xf32>
          %swap3A_177 = arith.index_cast %add3A_137 : i32 to index
          %swap3A_178 = arith.constant 48 : index
          %swap3A_179 = tpu.vector_load %arg10[%swap3A_177, %swap3A_178] {strides = array<i32>} : memref<800x64xf32, #tpu.memory_space<vmem>>, vector<1x16xf32>,
          %swap3A_180 = vector.shape_cast %swap3A_179 : vector<1x16xf32> to vector<16xf32>
          %swap3A_181 = vector.shape_cast %mul3A_176 : vector<16xf32> to vector<1x16xf32>
          tpu.vector_store %arg10[%swap3A_177, %swap3A_178], %swap3A_181 {strides = array<i32>} : memref<800x64xf32, #tpu.memory_space<vmem>>, vector<1x16xf32>,
          %mul3A_182 = arith.constant 8 : i32
          %mul3A_183 = arith.muli %scan3A_87, %mul3A_182 : i32
          %add3A_184 = arith.constant 2 : i32
          %add3A_185 = arith.addi %mul3A_183, %add3A_184 : i32
          %get3A_186 = arith.index_cast %add3A_185 : i32 to index
          %get3A_187 = arith.constant 0 : index
          %get3A_188 = tpu.vector_load %arg9[%get3A_186, %get3A_187] {strides = array<i32>} : memref<800x16xf32, #tpu.memory_space<vmem>>, vector<1x16xf32>,
          %get3A_189 = vector.shape_cast %get3A_188 : vector<1x16xf32> to vector<16xf32>
          %get3A_190 = arith.index_cast %add3A_185 : i32 to index
          %get3A_191 = arith.constant 0 : index
          %get3A_192 = tpu.vector_load %arg10[%get3A_190, %get3A_191] {strides = array<i32>} : memref<800x64xf32, #tpu.memory_space<vmem>>, vector<1x16xf32>,
          %get3A_193 = vector.shape_cast %get3A_192 : vector<1x16xf32> to vector<16xf32>
          %mul3A_194 = arith.mulf %get3A_193, %get3A_189 : vector<16xf32>
          %swap3A_195 = arith.index_cast %add3A_185 : i32 to index
          %swap3A_196 = arith.constant 0 : index
          %swap3A_197 = tpu.vector_load %arg10[%swap3A_195, %swap3A_196] {strides = array<i32>} : memref<800x64xf32, #tpu.memory_space<vmem>>, vector<1x16xf32>,
          %swap3A_198 = vector.shape_cast %swap3A_197 : vector<1x16xf32> to vector<16xf32>
          %swap3A_199 = vector.shape_cast %mul3A_194 : vector<16xf32> to vector<1x16xf32>
          tpu.vector_store %arg10[%swap3A_195, %swap3A_196], %swap3A_199 {strides = array<i32>} : memref<800x64xf32, #tpu.memory_space<vmem>>, vector<1x16xf32>,
          %get3A_200 = arith.index_cast %add3A_185 : i32 to index
          %get3A_201 = arith.constant 16 : index
          %get3A_202 = tpu.vector_load %arg10[%get3A_200, %get3A_201] {strides = array<i32>} : memref<800x64xf32, #tpu.memory_space<vmem>>, vector<1x16xf32>,
          %get3A_203 = vector.shape_cast %get3A_202 : vector<1x16xf32> to vector<16xf32>
          %mul3A_204 = arith.mulf %get3A_203, %get3A_189 : vector<16xf32>
          %swap3A_205 = arith.index_cast %add3A_185 : i32 to index
          %swap3A_206 = arith.constant 16 : index
          %swap3A_207 = tpu.vector_load %arg10[%swap3A_205, %swap3A_206] {strides = array<i32>} : memref<800x64xf32, #tpu.memory_space<vmem>>, vector<1x16xf32>,
          %swap3A_208 = vector.shape_cast %swap3A_207 : vector<1x16xf32> to vector<16xf32>
          %swap3A_209 = vector.shape_cast %mul3A_204 : vector<16xf32> to vector<1x16xf32>
          tpu.vector_store %arg10[%swap3A_205, %swap3A_206], %swap3A_209 {strides = array<i32>} : memref<800x64xf32, #tpu.memory_space<vmem>>, vector<1x16xf32>,
          %get3A_210 = arith.index_cast %add3A_185 : i32 to index
          %get3A_211 = arith.constant 32 : index
          %get3A_212 = tpu.vector_load %arg10[%get3A_210, %get3A_211] {strides = array<i32>} : memref<800x64xf32, #tpu.memory_space<vmem>>, vector<1x16xf32>,
          %get3A_213 = vector.shape_cast %get3A_212 : vector<1x16xf32> to vector<16xf32>
          %mul3A_214 = arith.mulf %get3A_213, %get3A_189 : vector<16xf32>
          %swap3A_215 = arith.index_cast %add3A_185 : i32 to index
          %swap3A_216 = arith.constant 32 : index
          %swap3A_217 = tpu.vector_load %arg10[%swap3A_215, %swap3A_216] {strides = array<i32>} : memref<800x64xf32, #tpu.memory_space<vmem>>, vector<1x16xf32>,
          %swap3A_218 = vector.shape_cast %swap3A_217 : vector<1x16xf32> to vector<16xf32>
          %swap3A_219 = vector.shape_cast %mul3A_214 : vector<16xf32> to vector<1x16xf32>
          tpu.vector_store %arg10[%swap3A_215, %swap3A_216], %swap3A_219 {strides = array<i32>} : memref<800x64xf32, #tpu.memory_space<vmem>>, vector<1x16xf32>,
          %get3A_220 = arith.index_cast %add3A_185 : i32 to index
          %get3A_221 = arith.constant 48 : index
          %get3A_222 = tpu.vector_load %arg10[%get3A_220, %get3A_221] {strides = array<i32>} : memref<800x64xf32, #tpu.memory_space<vmem>>, vector<1x16xf32>,
          %get3A_223 = vector.shape_cast %get3A_222 : vector<1x16xf32> to vector<16xf32>
          %mul3A_224 = arith.mulf %get3A_223, %get3A_189 : vector<16xf32>
          %swap3A_225 = arith.index_cast %add3A_185 : i32 to index
          %swap3A_226 = arith.constant 48 : index
          %swap3A_227 = tpu.vector_load %arg10[%swap3A_225, %swap3A_226] {strides = array<i32>} : memref<800x64xf32, #tpu.memory_space<vmem>>, vector<1x16xf32>,
          %swap3A_228 = vector.shape_cast %swap3A_227 : vector<1x16xf32> to vector<16xf32>
          %swap3A_229 = vector.shape_cast %mul3A_224 : vector<16xf32> to vector<1x16xf32>
          tpu.vector_store %arg10[%swap3A_225, %swap3A_226], %swap3A_229 {strides = array<i32>} : memref<800x64xf32, #tpu.memory_space<vmem>>, vector<1x16xf32>,
          %mul3A_230 = arith.constant 8 : i32
          %mul3A_231 = arith.muli %scan3A_87, %mul3A_230 : i32
          %add3A_232 = arith.constant 3 : i32
          %add3A_233 = arith.addi %mul3A_231, %add3A_232 : i32
          %get3A_234 = arith.index_cast %add3A_233 : i32 to index
          %get3A_235 = arith.constant 0 : index
          %get3A_236 = tpu.vector_load %arg9[%get3A_234, %get3A_235] {strides = array<i32>} : memref<800x16xf32, #tpu.memory_space<vmem>>, vector<1x16xf32>,
          %get3A_237 = vector.shape_cast %get3A_236 : vector<1x16xf32> to vector<16xf32>
          %get3A_238 = arith.index_cast %add3A_233 : i32 to index
          %get3A_239 = arith.constant 0 : index
          %get3A_240 = tpu.vector_load %arg10[%get3A_238, %get3A_239] {strides = array<i32>} : memref<800x64xf32, #tpu.memory_space<vmem>>, vector<1x16xf32>,
          %get3A_241 = vector.shape_cast %get3A_240 : vector<1x16xf32> to vector<16xf32>
          %mul3A_242 = arith.mulf %get3A_241, %get3A_237 : vector<16xf32>
          %swap3A_243 = arith.index_cast %add3A_233 : i32 to index
          %swap3A_244 = arith.constant 0 : index
          %swap3A_245 = tpu.vector_load %arg10[%swap3A_243, %swap3A_244] {strides = array<i32>} : memref<800x64xf32, #tpu.memory_space<vmem>>, vector<1x16xf32>,
          %swap3A_246 = vector.shape_cast %swap3A_245 : vector<1x16xf32> to vector<16xf32>
          %swap3A_247 = vector.shape_cast %mul3A_242 : vector<16xf32> to vector<1x16xf32>
          tpu.vector_store %arg10[%swap3A_243, %swap3A_244], %swap3A_247 {strides = array<i32>} : memref<800x64xf32, #tpu.memory_space<vmem>>, vector<1x16xf32>,
          %get3A_248 = arith.index_cast %add3A_233 : i32 to index
          %get3A_249 = arith.constant 16 : index
          %get3A_250 = tpu.vector_load %arg10[%get3A_248, %get3A_249] {strides = array<i32>} : memref<800x64xf32, #tpu.memory_space<vmem>>, vector<1x16xf32>,
          %get3A_251 = vector.shape_cast %get3A_250 : vector<1x16xf32> to vector<16xf32>
          %mul3A_252 = arith.mulf %get3A_251, %get3A_237 : vector<16xf32>
          %swap3A_253 = arith.index_cast %add3A_233 : i32 to index
          %swap3A_254 = arith.constant 16 : index
          %swap3A_255 = tpu.vector_load %arg10[%swap3A_253, %swap3A_254] {strides = array<i32>} : memref<800x64xf32, #tpu.memory_space<vmem>>, vector<1x16xf32>,
          %swap3A_256 = vector.shape_cast %swap3A_255 : vector<1x16xf32> to vector<16xf32>
          %swap3A_257 = vector.shape_cast %mul3A_252 : vector<16xf32> to vector<1x16xf32>
          tpu.vector_store %arg10[%swap3A_253, %swap3A_254], %swap3A_257 {strides = array<i32>} : memref<800x64xf32, #tpu.memory_space<vmem>>, vector<1x16xf32>,
          %get3A_258 = arith.index_cast %add3A_233 : i32 to index
          %get3A_259 = arith.constant 32 : index
          %get3A_260 = tpu.vector_load %arg10[%get3A_258, %get3A_259] {strides = array<i32>} : memref<800x64xf32, #tpu.memory_space<vmem>>, vector<1x16xf32>,
          %get3A_261 = vector.shape_cast %get3A_260 : vector<1x16xf32> to vector<16xf32>
          %mul3A_262 = arith.mulf %get3A_261, %get3A_237 : vector<16xf32>
          %swap3A_263 = arith.index_cast %add3A_233 : i32 to index
          %swap3A_264 = arith.constant 32 : index
          %swap3A_265 = tpu.vector_load %arg10[%swap3A_263, %swap3A_264] {strides = array<i32>} : memref<800x64xf32, #tpu.memory_space<vmem>>, vector<1x16xf32>,
          %swap3A_266 = vector.shape_cast %swap3A_265 : vector<1x16xf32> to vector<16xf32>
          %swap3A_267 = vector.shape_cast %mul3A_262 : vector<16xf32> to vector<1x16xf32>
          tpu.vector_store %arg10[%swap3A_263, %swap3A_264], %swap3A_267 {strides = array<i32>} : memref<800x64xf32, #tpu.memory_space<vmem>>, vector<1x16xf32>,
          %get3A_268 = arith.index_cast %add3A_233 : i32 to index
          %get3A_269 = arith.constant 48 : index
          %get3A_270 = tpu.vector_load %arg10[%get3A_268, %get3A_269] {strides = array<i32>} : memref<800x64xf32, #tpu.memory_space<vmem>>, vector<1x16xf32>,
          %get3A_271 = vector.shape_cast %get3A_270 : vector<1x16xf32> to vector<16xf32>
          %mul3A_272 = arith.mulf %get3A_271, %get3A_237 : vector<16xf32>
          %swap3A_273 = arith.index_cast %add3A_233 : i32 to index
          %swap3A_274 = arith.constant 48 : index
          %swap3A_275 = tpu.vector_load %arg10[%swap3A_273, %swap3A_274] {strides = array<i32>} : memref<800x64xf32, #tpu.memory_space<vmem>>, vector<1x16xf32>,
          %swap3A_276 = vector.shape_cast %swap3A_275 : vector<1x16xf32> to vector<16xf32>
          %swap3A_277 = vector.shape_cast %mul3A_272 : vector<16xf32> to vector<1x16xf32>
          tpu.vector_store %arg10[%swap3A_273, %swap3A_274], %swap3A_277 {strides = array<i32>} : memref<800x64xf32, #tpu.memory_space<vmem>>, vector<1x16xf32>,
          %mul3A_278 = arith.constant 8 : i32
          %mul3A_279 = arith.muli %scan3A_87, %mul3A_278 : i32
          %add3A_280 = arith.constant 4 : i32
          %add3A_281 = arith.addi %mul3A_279, %add3A_280 : i32
          %get3A_282 = arith.index_cast %add3A_281 : i32 to index
          %get3A_283 = arith.constant 0 : index
          %get3A_284 = tpu.vector_load %arg9[%get3A_282, %get3A_283] {strides = array<i32>} : memref<800x16xf32, #tpu.memory_space<vmem>>, vector<1x16xf32>,
          %get3A_285 = vector.shape_cast %get3A_284 : vector<1x16xf32> to vector<16xf32>
          %get3A_286 = arith.index_cast %add3A_281 : i32 to index
          %get3A_287 = arith.constant 0 : index
          %get3A_288 = tpu.vector_load %arg10[%get3A_286, %get3A_287] {strides = array<i32>} : memref<800x64xf32, #tpu.memory_space<vmem>>, vector<1x16xf32>,
          %get3A_289 = vector.shape_cast %get3A_288 : vector<1x16xf32> to vector<16xf32>
          %mul3A_290 = arith.mulf %get3A_289, %get3A_285 : vector<16xf32>
          %swap3A_291 = arith.index_cast %add3A_281 : i32 to index
          %swap3A_292 = arith.constant 0 : index
          %swap3A_293 = tpu.vector_load %arg10[%swap3A_291, %swap3A_292] {strides = array<i32>} : memref<800x64xf32, #tpu.memory_space<vmem>>, vector<1x16xf32>,
          %swap3A_294 = vector.shape_cast %swap3A_293 : vector<1x16xf32> to vector<16xf32>
          %swap3A_295 = vector.shape_cast %mul3A_290 : vector<16xf32> to vector<1x16xf32>
          tpu.vector_store %arg10[%swap3A_291, %swap3A_292], %swap3A_295 {strides = array<i32>} : memref<800x64xf32, #tpu.memory_space<vmem>>, vector<1x16xf32>,
          %get3A_296 = arith.index_cast %add3A_281 : i32 to index
          %get3A_297 = arith.constant 16 : index
          %get3A_298 = tpu.vector_load %arg10[%get3A_296, %get3A_297] {strides = array<i32>} : memref<800x64xf32, #tpu.memory_space<vmem>>, vector<1x16xf32>,
          %get3A_299 = vector.shape_cast %get3A_298 : vector<1x16xf32> to vector<16xf32>
          %mul3A_300 = arith.mulf %get3A_299, %get3A_285 : vector<16xf32>
          %swap3A_301 = arith.index_cast %add3A_281 : i32 to index
          %swap3A_302 = arith.constant 16 : index
          %swap3A_303 = tpu.vector_load %arg10[%swap3A_301, %swap3A_302] {strides = array<i32>} : memref<800x64xf32, #tpu.memory_space<vmem>>, vector<1x16xf32>,
          %swap3A_304 = vector.shape_cast %swap3A_303 : vector<1x16xf32> to vector<16xf32>
          %swap3A_305 = vector.shape_cast %mul3A_300 : vector<16xf32> to vector<1x16xf32>
          tpu.vector_store %arg10[%swap3A_301, %swap3A_302], %swap3A_305 {strides = array<i32>} : memref<800x64xf32, #tpu.memory_space<vmem>>, vector<1x16xf32>,
          %get3A_306 = arith.index_cast %add3A_281 : i32 to index
          %get3A_307 = arith.constant 32 : index
          %get3A_308 = tpu.vector_load %arg10[%get3A_306, %get3A_307] {strides = array<i32>} : memref<800x64xf32, #tpu.memory_space<vmem>>, vector<1x16xf32>,
          %get3A_309 = vector.shape_cast %get3A_308 : vector<1x16xf32> to vector<16xf32>
          %mul3A_310 = arith.mulf %get3A_309, %get3A_285 : vector<16xf32>
          %swap3A_311 = arith.index_cast %add3A_281 : i32 to index
          %swap3A_312 = arith.constant 32 : index
          %swap3A_313 = tpu.vector_load %arg10[%swap3A_311, %swap3A_312] {strides = array<i32>} : memref<800x64xf32, #tpu.memory_space<vmem>>, vector<1x16xf32>,
          %swap3A_314 = vector.shape_cast %swap3A_313 : vector<1x16xf32> to vector<16xf32>
          %swap3A_315 = vector.shape_cast %mul3A_310 : vector<16xf32> to vector<1x16xf32>
          tpu.vector_store %arg10[%swap3A_311, %swap3A_312], %swap3A_315 {strides = array<i32>} : memref<800x64xf32, #tpu.memory_space<vmem>>, vector<1x16xf32>,
          %get3A_316 = arith.index_cast %add3A_281 : i32 to index
          %get3A_317 = arith.constant 48 : index
          %get3A_318 = tpu.vector_load %arg10[%get3A_316, %get3A_317] {strides = array<i32>} : memref<800x64xf32, #tpu.memory_space<vmem>>, vector<1x16xf32>,
          %get3A_319 = vector.shape_cast %get3A_318 : vector<1x16xf32> to vector<16xf32>
          %mul3A_320 = arith.mulf %get3A_319, %get3A_285 : vector<16xf32>
          %swap3A_321 = arith.index_cast %add3A_281 : i32 to index
          %swap3A_322 = arith.constant 48 : index
          %swap3A_323 = tpu.vector_load %arg10[%swap3A_321, %swap3A_322] {strides = array<i32>} : memref<800x64xf32, #tpu.memory_space<vmem>>, vector<1x16xf32>,
          %swap3A_324 = vector.shape_cast %swap3A_323 : vector<1x16xf32> to vector<16xf32>
          %swap3A_325 = vector.shape_cast %mul3A_320 : vector<16xf32> to vector<1x16xf32>
          tpu.vector_store %arg10[%swap3A_321, %swap3A_322], %swap3A_325 {strides = array<i32>} : memref<800x64xf32, #tpu.memory_space<vmem>>, vector<1x16xf32>,
          %mul3A_326 = arith.constant 8 : i32
          %mul3A_327 = arith.muli %scan3A_87, %mul3A_326 : i32
          %add3A_328 = arith.constant 5 : i32
          %add3A_329 = arith.addi %mul3A_327, %add3A_328 : i32
          %get3A_330 = arith.index_cast %add3A_329 : i32 to index
          %get3A_331 = arith.constant 0 : index
          %get3A_332 = tpu.vector_load %arg9[%get3A_330, %get3A_331] {strides = array<i32>} : memref<800x16xf32, #tpu.memory_space<vmem>>, vector<1x16xf32>,
          %get3A_333 = vector.shape_cast %get3A_332 : vector<1x16xf32> to vector<16xf32>
          %get3A_334 = arith.index_cast %add3A_329 : i32 to index
          %get3A_335 = arith.constant 0 : index
          %get3A_336 = tpu.vector_load %arg10[%get3A_334, %get3A_335] {strides = array<i32>} : memref<800x64xf32, #tpu.memory_space<vmem>>, vector<1x16xf32>,
          %get3A_337 = vector.shape_cast %get3A_336 : vector<1x16xf32> to vector<16xf32>
          %mul3A_338 = arith.mulf %get3A_337, %get3A_333 : vector<16xf32>
          %swap3A_339 = arith.index_cast %add3A_329 : i32 to index
          %swap3A_340 = arith.constant 0 : index
          %swap3A_341 = tpu.vector_load %arg10[%swap3A_339, %swap3A_340] {strides = array<i32>} : memref<800x64xf32, #tpu.memory_space<vmem>>, vector<1x16xf32>,
          %swap3A_342 = vector.shape_cast %swap3A_341 : vector<1x16xf32> to vector<16xf32>
          %swap3A_343 = vector.shape_cast %mul3A_338 : vector<16xf32> to vector<1x16xf32>
          tpu.vector_store %arg10[%swap3A_339, %swap3A_340], %swap3A_343 {strides = array<i32>} : memref<800x64xf32, #tpu.memory_space<vmem>>, vector<1x16xf32>,
          %get3A_344 = arith.index_cast %add3A_329 : i32 to index
          %get3A_345 = arith.constant 16 : index
          %get3A_346 = tpu.vector_load %arg10[%get3A_344, %get3A_345] {strides = array<i32>} : memref<800x64xf32, #tpu.memory_space<vmem>>, vector<1x16xf32>,
          %get3A_347 = vector.shape_cast %get3A_346 : vector<1x16xf32> to vector<16xf32>
          %mul3A_348 = arith.mulf %get3A_347, %get3A_333 : vector<16xf32>
          %swap3A_349 = arith.index_cast %add3A_329 : i32 to index
          %swap3A_350 = arith.constant 16 : index
          %swap3A_351 = tpu.vector_load %arg10[%swap3A_349, %swap3A_350] {strides = array<i32>} : memref<800x64xf32, #tpu.memory_space<vmem>>, vector<1x16xf32>,
          %swap3A_352 = vector.shape_cast %swap3A_351 : vector<1x16xf32> to vector<16xf32>
          %swap3A_353 = vector.shape_cast %mul3A_348 : vector<16xf32> to vector<1x16xf32>
          tpu.vector_store %arg10[%swap3A_349, %swap3A_350], %swap3A_353 {strides = array<i32>} : memref<800x64xf32, #tpu.memory_space<vmem>>, vector<1x16xf32>,
          %get3A_354 = arith.index_cast %add3A_329 : i32 to index
          %get3A_355 = arith.constant 32 : index
          %get3A_356 = tpu.vector_load %arg10[%get3A_354, %get3A_355] {strides = array<i32>} : memref<800x64xf32, #tpu.memory_space<vmem>>, vector<1x16xf32>,
          %get3A_357 = vector.shape_cast %get3A_356 : vector<1x16xf32> to vector<16xf32>
          %mul3A_358 = arith.mulf %get3A_357, %get3A_333 : vector<16xf32>
          %swap3A_359 = arith.index_cast %add3A_329 : i32 to index
          %swap3A_360 = arith.constant 32 : index
          %swap3A_361 = tpu.vector_load %arg10[%swap3A_359, %swap3A_360] {strides = array<i32>} : memref<800x64xf32, #tpu.memory_space<vmem>>, vector<1x16xf32>,
          %swap3A_362 = vector.shape_cast %swap3A_361 : vector<1x16xf32> to vector<16xf32>
          %swap3A_363 = vector.shape_cast %mul3A_358 : vector<16xf32> to vector<1x16xf32>
          tpu.vector_store %arg10[%swap3A_359, %swap3A_360], %swap3A_363 {strides = array<i32>} : memref<800x64xf32, #tpu.memory_space<vmem>>, vector<1x16xf32>,
          %get3A_364 = arith.index_cast %add3A_329 : i32 to index
          %get3A_365 = arith.constant 48 : index
          %get3A_366 = tpu.vector_load %arg10[%get3A_364, %get3A_365] {strides = array<i32>} : memref<800x64xf32, #tpu.memory_space<vmem>>, vector<1x16xf32>,
          %get3A_367 = vector.shape_cast %get3A_366 : vector<1x16xf32> to vector<16xf32>
          %mul3A_368 = arith.mulf %get3A_367, %get3A_333 : vector<16xf32>
          %swap3A_369 = arith.index_cast %add3A_329 : i32 to index
          %swap3A_370 = arith.constant 48 : index
          %swap3A_371 = tpu.vector_load %arg10[%swap3A_369, %swap3A_370] {strides = array<i32>} : memref<800x64xf32, #tpu.memory_space<vmem>>, vector<1x16xf32>,
          %swap3A_372 = vector.shape_cast %swap3A_371 : vector<1x16xf32> to vector<16xf32>
          %swap3A_373 = vector.shape_cast %mul3A_368 : vector<16xf32> to vector<1x16xf32>
          tpu.vector_store %arg10[%swap3A_369, %swap3A_370], %swap3A_373 {strides = array<i32>} : memref<800x64xf32, #tpu.memory_space<vmem>>, vector<1x16xf32>,
          %mul3A_374 = arith.constant 8 : i32
          %mul3A_375 = arith.muli %scan3A_87, %mul3A_374 : i32
          %add3A_376 = arith.constant 6 : i32
          %add3A_377 = arith.addi %mul3A_375, %add3A_376 : i32
          %get3A_378 = arith.index_cast %add3A_377 : i32 to index
          %get3A_379 = arith.constant 0 : index
          %get3A_380 = tpu.vector_load %arg9[%get3A_378, %get3A_379] {strides = array<i32>} : memref<800x16xf32, #tpu.memory_space<vmem>>, vector<1x16xf32>,
          %get3A_381 = vector.shape_cast %get3A_380 : vector<1x16xf32> to vector<16xf32>
          %get3A_382 = arith.index_cast %add3A_377 : i32 to index
          %get3A_383 = arith.constant 0 : index
          %get3A_384 = tpu.vector_load %arg10[%get3A_382, %get3A_383] {strides = array<i32>} : memref<800x64xf32, #tpu.memory_space<vmem>>, vector<1x16xf32>,
          %get3A_385 = vector.shape_cast %get3A_384 : vector<1x16xf32> to vector<16xf32>
          %mul3A_386 = arith.mulf %get3A_385, %get3A_381 : vector<16xf32>
          %swap3A_387 = arith.index_cast %add3A_377 : i32 to index
          %swap3A_388 = arith.constant 0 : index
          %swap3A_389 = tpu.vector_load %arg10[%swap3A_387, %swap3A_388] {strides = array<i32>} : memref<800x64xf32, #tpu.memory_space<vmem>>, vector<1x16xf32>,
          %swap3A_390 = vector.shape_cast %swap3A_389 : vector<1x16xf32> to vector<16xf32>
          %swap3A_391 = vector.shape_cast %mul3A_386 : vector<16xf32> to vector<1x16xf32>
          tpu.vector_store %arg10[%swap3A_387, %swap3A_388], %swap3A_391 {strides = array<i32>} : memref<800x64xf32, #tpu.memory_space<vmem>>, vector<1x16xf32>,
          %get3A_392 = arith.index_cast %add3A_377 : i32 to index
          %get3A_393 = arith.constant 16 : index
          %get3A_394 = tpu.vector_load %arg10[%get3A_392, %get3A_393] {strides = array<i32>} : memref<800x64xf32, #tpu.memory_space<vmem>>, vector<1x16xf32>,
          %get3A_395 = vector.shape_cast %get3A_394 : vector<1x16xf32> to vector<16xf32>
          %mul3A_396 = arith.mulf %get3A_395, %get3A_381 : vector<16xf32>
          %swap3A_397 = arith.index_cast %add3A_377 : i32 to index
          %swap3A_398 = arith.constant 16 : index
          %swap3A_399 = tpu.vector_load %arg10[%swap3A_397, %swap3A_398] {strides = array<i32>} : memref<800x64xf32, #tpu.memory_space<vmem>>, vector<1x16xf32>,
          %swap3A_400 = vector.shape_cast %swap3A_399 : vector<1x16xf32> to vector<16xf32>
          %swap3A_401 = vector.shape_cast %mul3A_396 : vector<16xf32> to vector<1x16xf32>
          tpu.vector_store %arg10[%swap3A_397, %swap3A_398], %swap3A_401 {strides = array<i32>} : memref<800x64xf32, #tpu.memory_space<vmem>>, vector<1x16xf32>,
          %get3A_402 = arith.index_cast %add3A_377 : i32 to index
          %get3A_403 = arith.constant 32 : index
          %get3A_404 = tpu.vector_load %arg10[%get3A_402, %get3A_403] {strides = array<i32>} : memref<800x64xf32, #tpu.memory_space<vmem>>, vector<1x16xf32>,
          %get3A_405 = vector.shape_cast %get3A_404 : vector<1x16xf32> to vector<16xf32>
          %mul3A_406 = arith.mulf %get3A_405, %get3A_381 : vector<16xf32>
          %swap3A_407 = arith.index_cast %add3A_377 : i32 to index
          %swap3A_408 = arith.constant 32 : index
          %swap3A_409 = tpu.vector_load %arg10[%swap3A_407, %swap3A_408] {strides = array<i32>} : memref<800x64xf32, #tpu.memory_space<vmem>>, vector<1x16xf32>,
          %swap3A_410 = vector.shape_cast %swap3A_409 : vector<1x16xf32> to vector<16xf32>
          %swap3A_411 = vector.shape_cast %mul3A_406 : vector<16xf32> to vector<1x16xf32>
          tpu.vector_store %arg10[%swap3A_407, %swap3A_408], %swap3A_411 {strides = array<i32>} : memref<800x64xf32, #tpu.memory_space<vmem>>, vector<1x16xf32>,
          %get3A_412 = arith.index_cast %add3A_377 : i32 to index
          %get3A_413 = arith.constant 48 : index
          %get3A_414 = tpu.vector_load %arg10[%get3A_412, %get3A_413] {strides = array<i32>} : memref<800x64xf32, #tpu.memory_space<vmem>>, vector<1x16xf32>,
          %get3A_415 = vector.shape_cast %get3A_414 : vector<1x16xf32> to vector<16xf32>
          %mul3A_416 = arith.mulf %get3A_415, %get3A_381 : vector<16xf32>
          %swap3A_417 = arith.index_cast %add3A_377 : i32 to index
          %swap3A_418 = arith.constant 48 : index
          %swap3A_419 = tpu.vector_load %arg10[%swap3A_417, %swap3A_418] {strides = array<i32>} : memref<800x64xf32, #tpu.memory_space<vmem>>, vector<1x16xf32>,
          %swap3A_420 = vector.shape_cast %swap3A_419 : vector<1x16xf32> to vector<16xf32>
          %swap3A_421 = vector.shape_cast %mul3A_416 : vector<16xf32> to vector<1x16xf32>
          tpu.vector_store %arg10[%swap3A_417, %swap3A_418], %swap3A_421 {strides = array<i32>} : memref<800x64xf32, #tpu.memory_space<vmem>>, vector<1x16xf32>,
          %mul3A_422 = arith.constant 8 : i32
          %mul3A_423 = arith.muli %scan3A_87, %mul3A_422 : i32
          %add3A_424 = arith.constant 7 : i32
          %add3A_425 = arith.addi %mul3A_423, %add3A_424 : i32
          %get3A_426 = arith.index_cast %add3A_425 : i32 to index
          %get3A_427 = arith.constant 0 : index
          %get3A_428 = tpu.vector_load %arg9[%get3A_426, %get3A_427] {strides = array<i32>} : memref<800x16xf32, #tpu.memory_space<vmem>>, vector<1x16xf32>,
          %get3A_429 = vector.shape_cast %get3A_428 : vector<1x16xf32> to vector<16xf32>
          %get3A_430 = arith.index_cast %add3A_425 : i32 to index
          %get3A_431 = arith.constant 0 : index
          %get3A_432 = tpu.vector_load %arg10[%get3A_430, %get3A_431] {strides = array<i32>} : memref<800x64xf32, #tpu.memory_space<vmem>>, vector<1x16xf32>,
          %get3A_433 = vector.shape_cast %get3A_432 : vector<1x16xf32> to vector<16xf32>
          %mul3A_434 = arith.mulf %get3A_433, %get3A_429 : vector<16xf32>
          %swap3A_435 = arith.index_cast %add3A_425 : i32 to index
          %swap3A_436 = arith.constant 0 : index
          %swap3A_437 = tpu.vector_load %arg10[%swap3A_435, %swap3A_436] {strides = array<i32>} : memref<800x64xf32, #tpu.memory_space<vmem>>, vector<1x16xf32>,
          %swap3A_438 = vector.shape_cast %swap3A_437 : vector<1x16xf32> to vector<16xf32>
          %swap3A_439 = vector.shape_cast %mul3A_434 : vector<16xf32> to vector<1x16xf32>
          tpu.vector_store %arg10[%swap3A_435, %swap3A_436], %swap3A_439 {strides = array<i32>} : memref<800x64xf32, #tpu.memory_space<vmem>>, vector<1x16xf32>,
          %get3A_440 = arith.index_cast %add3A_425 : i32 to index
          %get3A_441 = arith.constant 16 : index
          %get3A_442 = tpu.vector_load %arg10[%get3A_440, %get3A_441] {strides = array<i32>} : memref<800x64xf32, #tpu.memory_space<vmem>>, vector<1x16xf32>,
          %get3A_443 = vector.shape_cast %get3A_442 : vector<1x16xf32> to vector<16xf32>
          %mul3A_444 = arith.mulf %get3A_443, %get3A_429 : vector<16xf32>
          %swap3A_445 = arith.index_cast %add3A_425 : i32 to index
          %swap3A_446 = arith.constant 16 : index
          %swap3A_447 = tpu.vector_load %arg10[%swap3A_445, %swap3A_446] {strides = array<i32>} : memref<800x64xf32, #tpu.memory_space<vmem>>, vector<1x16xf32>,
          %swap3A_448 = vector.shape_cast %swap3A_447 : vector<1x16xf32> to vector<16xf32>
          %swap3A_449 = vector.shape_cast %mul3A_444 : vector<16xf32> to vector<1x16xf32>
          tpu.vector_store %arg10[%swap3A_445, %swap3A_446], %swap3A_449 {strides = array<i32>} : memref<800x64xf32, #tpu.memory_space<vmem>>, vector<1x16xf32>,
          %get3A_450 = arith.index_cast %add3A_425 : i32 to index
          %get3A_451 = arith.constant 32 : index
          %get3A_452 = tpu.vector_load %arg10[%get3A_450, %get3A_451] {strides = array<i32>} : memref<800x64xf32, #tpu.memory_space<vmem>>, vector<1x16xf32>,
          %get3A_453 = vector.shape_cast %get3A_452 : vector<1x16xf32> to vector<16xf32>
          %mul3A_454 = arith.mulf %get3A_453, %get3A_429 : vector<16xf32>
          %swap3A_455 = arith.index_cast %add3A_425 : i32 to index
          %swap3A_456 = arith.constant 32 : index
          %swap3A_457 = tpu.vector_load %arg10[%swap3A_455, %swap3A_456] {strides = array<i32>} : memref<800x64xf32, #tpu.memory_space<vmem>>, vector<1x16xf32>,
          %swap3A_458 = vector.shape_cast %swap3A_457 : vector<1x16xf32> to vector<16xf32>
          %swap3A_459 = vector.shape_cast %mul3A_454 : vector<16xf32> to vector<1x16xf32>
          tpu.vector_store %arg10[%swap3A_455, %swap3A_456], %swap3A_459 {strides = array<i32>} : memref<800x64xf32, #tpu.memory_space<vmem>>, vector<1x16xf32>,
          %get3A_460 = arith.index_cast %add3A_425 : i32 to index
          %get3A_461 = arith.constant 48 : index
          %get3A_462 = tpu.vector_load %arg10[%get3A_460, %get3A_461] {strides = array<i32>} : memref<800x64xf32, #tpu.memory_space<vmem>>, vector<1x16xf32>,
          %get3A_463 = vector.shape_cast %get3A_462 : vector<1x16xf32> to vector<16xf32>
          %mul3A_464 = arith.mulf %get3A_463, %get3A_429 : vector<16xf32>
          %swap3A_465 = arith.index_cast %add3A_425 : i32 to index
          %swap3A_466 = arith.constant 48 : index
          %swap3A_467 = tpu.vector_load %arg10[%swap3A_465, %swap3A_466] {strides = array<i32>} : memref<800x64xf32, #tpu.memory_space<vmem>>, vector<1x16xf32>,
          %swap3A_468 = vector.shape_cast %swap3A_467 : vector<1x16xf32> to vector<16xf32>
          %swap3A_469 = vector.shape_cast %mul3A_464 : vector<16xf32> to vector<1x16xf32>
          tpu.vector_store %arg10[%swap3A_465, %swap3A_466], %swap3A_469 {strides = array<i32>} : memref<800x64xf32, #tpu.memory_space<vmem>>, vector<1x16xf32>,
        }
        %scan3A_86 = arith.constant 100 : i32
        "tpu.region"() ({
          %run_scoped3A = tpu.sem_alloc : memref<!tpu.dma_semaphore, #tpu.memory_space<semaphore_mem>>
          %dma_start3A_87 = arith.constant 0 : i32
          %dma_start3A_88 = arith.constant 0 : i32
          %dma_start3A_89 = tpu.memref_slice %arg11[%dma_start3A_87, %dma_start3A_88] : memref<10000x64xf32, #tpu.memory_space<vmem_shared>> -> memref<10000x64xf32, #tpu.memory_space<vmem_shared>>
          tpu.enqueue_indirect_dma source(%arg10 : memref<800x64xf32, #tpu.memory_space<vmem>>) target(%dma_start3A_89 : memref<10000x64xf32, #tpu.memory_space<vmem_shared>>) offsets(%arg8 : memref<800xi32, #tpu.memory_space<vmem>>) semaphore(%run_scoped3A : memref<!tpu.dma_semaphore, #tpu.memory_space<semaphore_mem>>) {add = true}
          %dma_wait3A_90 = arith.constant 0 : i32
          %dma_wait3A_91 = arith.constant 0 : i32
          %dma_wait3A_92 = tpu.memref_slice %arg11[%dma_wait3A_90, %dma_wait3A_91] : memref<10000x64xf32, #tpu.memory_space<vmem_shared>> -> memref<10000x64xf32, #tpu.memory_space<vmem_shared>>
          tpu.wait_indirect_dma semaphore(%run_scoped3A : memref<!tpu.dma_semaphore, #tpu.memory_space<semaphore_mem>>) src(%arg10 : memref<800x64xf32, #tpu.memory_space<vmem>>) dst(%dma_wait3A_92 : memref<10000x64xf32, #tpu.memory_space<vmem_shared>>)
          tpu.yield
        }) : () -> ()
      } else {
      }
    }
    %scan3A_36 = arith.constant 13 : i32
    %barrier3A_37 = arith.constant 0 : index
    tpu.barrier barrier_id(%barrier3A_37)
    %add3A_38 = arith.constant 0 : i32
    %add3A_39 = arith.addi %add3A_38, %arg1 : i32
    %lt3A_40 = arith.constant 50 : i32
    %lt3A_41 = arith.cmpi slt, %add3A_39, %lt3A_40 : i32
    %convert_element_type3A_42 = arith.extui %lt3A_41 : i1 to i32
    %cond3A_43 = arith.constant 0 : i32
    %cond3A_44 = arith.cmpi ne, %convert_element_type3A_42, %cond3A_43 : i32
    scf.if %cond3A_44 {
      %mul3A_66 = arith.constant 200 : i32
      %mul3A_67 = arith.muli %add3A_39, %mul3A_66 : i32
      %multiple_of3A = tpu.assume_multiple %mul3A_67, 200 : i32
      "tpu.region"() ({
        %run_scoped3A = tpu.sem_alloc : memref<!tpu.dma_semaphore, #tpu.memory_space<semaphore_mem>>
        %dma_start3A = arith.constant 0 : i32
        %dma_start3A_68 = tpu.memref_slice %arg6[%arg0, %multiple_of3A, %dma_start3A] : memref<2x10000x64xf32, #tpu.memory_space<hbm>> -> memref<1x200x64xf32, #tpu.memory_space<hbm>>
        %dma_start3A_69 = tpu.memref_squeeze %dma_start3A_68 : memref<1x200x64xf32, #tpu.memory_space<hbm>> -> memref<200x64xf32, #tpu.memory_space<hbm>>
        %dma_start3A_70 = arith.constant 0 : i32
        %dma_start3A_71 = tpu.memref_slice %arg11[%multiple_of3A, %dma_start3A_70] : memref<10000x64xf32, #tpu.memory_space<vmem_shared>> -> memref<200x64xf32, #tpu.memory_space<vmem_shared>>
        tpu.enqueue_dma source(%dma_start3A_71 : memref<200x64xf32, #tpu.memory_space<vmem_shared>>) target(%dma_start3A_69 : memref<200x64xf32, #tpu.memory_space<hbm>>) target_semaphore(%run_scoped3A : memref<!tpu.dma_semaphore, #tpu.memory_space<semaphore_mem>>)
        %dma_wait3A = arith.constant 0 : i32
        %dma_wait3A_72 = tpu.memref_slice %arg6[%arg0, %multiple_of3A, %dma_wait3A] : memref<2x10000x64xf32, #tpu.memory_space<hbm>> -> memref<1x200x64xf32, #tpu.memory_space<hbm>>
        %dma_wait3A_73 = tpu.memref_squeeze %dma_wait3A_72 : memref<1x200x64xf32, #tpu.memory_space<hbm>> -> memref<200x64xf32, #tpu.memory_space<hbm>>
        %dma_wait3A_74 = arith.constant 0 : i32
        %dma_wait3A_75 = tpu.memref_slice %arg11[%multiple_of3A, %dma_wait3A_74] : memref<10000x64xf32, #tpu.memory_space<vmem_shared>> -> memref<200x64xf32, #tpu.memory_space<vmem_shared>>
        tpu.wait_dma2 semaphore(%run_scoped3A : memref<!tpu.dma_semaphore, #tpu.memory_space<semaphore_mem>>) src(%dma_wait3A_75 : memref<200x64xf32, #tpu.memory_space<vmem_shared>>) dst(%dma_wait3A_73 : memref<200x64xf32, #tpu.memory_space<hbm>>)
        tpu.yield
      }) : () -> ()
    } else {
    }
    %add3A_45 = arith.constant 16 : i32
    %add3A_46 = arith.addi %add3A_45, %arg1 : i32
    %lt3A_47 = arith.constant 50 : i32
    %lt3A_48 = arith.cmpi slt, %add3A_46, %lt3A_47 : i32
    %convert_element_type3A_49 = arith.extui %lt3A_48 : i1 to i32
    %cond3A_50 = arith.constant 0 : i32
    %cond3A_51 = arith.cmpi ne, %convert_element_type3A_49, %cond3A_50 : i32
    scf.if %cond3A_51 {
      %mul3A_66 = arith.constant 200 : i32
      %mul3A_67 = arith.muli %add3A_46, %mul3A_66 : i32
      %multiple_of3A = tpu.assume_multiple %mul3A_67, 200 : i32
      "tpu.region"() ({
        %run_scoped3A = tpu.sem_alloc : memref<!tpu.dma_semaphore, #tpu.memory_space<semaphore_mem>>
        %dma_start3A = arith.constant 0 : i32
        %dma_start3A_68 = tpu.memref_slice %arg6[%arg0, %multiple_of3A, %dma_start3A] : memref<2x10000x64xf32, #tpu.memory_space<hbm>> -> memref<1x200x64xf32, #tpu.memory_space<hbm>>
        %dma_start3A_69 = tpu.memref_squeeze %dma_start3A_68 : memref<1x200x64xf32, #tpu.memory_space<hbm>> -> memref<200x64xf32, #tpu.memory_space<hbm>>
        %dma_start3A_70 = arith.constant 0 : i32
        %dma_start3A_71 = tpu.memref_slice %arg11[%multiple_of3A, %dma_start3A_70] : memref<10000x64xf32, #tpu.memory_space<vmem_shared>> -> memref<200x64xf32, #tpu.memory_space<vmem_shared>>
        tpu.enqueue_dma source(%dma_start3A_71 : memref<200x64xf32, #tpu.memory_space<vmem_shared>>) target(%dma_start3A_69 : memref<200x64xf32, #tpu.memory_space<hbm>>) target_semaphore(%run_scoped3A : memref<!tpu.dma_semaphore, #tpu.memory_space<semaphore_mem>>)
        %dma_wait3A = arith.constant 0 : i32
        %dma_wait3A_72 = tpu.memref_slice %arg6[%arg0, %multiple_of3A, %dma_wait3A] : memref<2x10000x64xf32, #tpu.memory_space<hbm>> -> memref<1x200x64xf32, #tpu.memory_space<hbm>>
        %dma_wait3A_73 = tpu.memref_squeeze %dma_wait3A_72 : memref<1x200x64xf32, #tpu.memory_space<hbm>> -> memref<200x64xf32, #tpu.memory_space<hbm>>
        %dma_wait3A_74 = arith.constant 0 : i32
        %dma_wait3A_75 = tpu.memref_slice %arg11[%multiple_of3A, %dma_wait3A_74] : memref<10000x64xf32, #tpu.memory_space<vmem_shared>> -> memref<200x64xf32, #tpu.memory_space<vmem_shared>>
        tpu.wait_dma2 semaphore(%run_scoped3A : memref<!tpu.dma_semaphore, #tpu.memory_space<semaphore_mem>>) src(%dma_wait3A_75 : memref<200x64xf32, #tpu.memory_space<vmem_shared>>) dst(%dma_wait3A_73 : memref<200x64xf32, #tpu.memory_space<hbm>>)
        tpu.yield
      }) : () -> ()
    } else {
    }
    %add3A_52 = arith.constant 32 : i32
    %add3A_53 = arith.addi %add3A_52, %arg1 : i32
    %lt3A_54 = arith.constant 50 : i32
    %lt3A_55 = arith.cmpi slt, %add3A_53, %lt3A_54 : i32
    %convert_element_type3A_56 = arith.extui %lt3A_55 : i1 to i32
    %cond3A_57 = arith.constant 0 : i32
    %cond3A_58 = arith.cmpi ne, %convert_element_type3A_56, %cond3A_57 : i32
    scf.if %cond3A_58 {
      %mul3A_66 = arith.constant 200 : i32
      %mul3A_67 = arith.muli %add3A_53, %mul3A_66 : i32
      %multiple_of3A = tpu.assume_multiple %mul3A_67, 200 : i32
      "tpu.region"() ({
        %run_scoped3A = tpu.sem_alloc : memref<!tpu.dma_semaphore, #tpu.memory_space<semaphore_mem>>
        %dma_start3A = arith.constant 0 : i32
        %dma_start3A_68 = tpu.memref_slice %arg6[%arg0, %multiple_of3A, %dma_start3A] : memref<2x10000x64xf32, #tpu.memory_space<hbm>> -> memref<1x200x64xf32, #tpu.memory_space<hbm>>
        %dma_start3A_69 = tpu.memref_squeeze %dma_start3A_68 : memref<1x200x64xf32, #tpu.memory_space<hbm>> -> memref<200x64xf32, #tpu.memory_space<hbm>>
        %dma_start3A_70 = arith.constant 0 : i32
        %dma_start3A_71 = tpu.memref_slice %arg11[%multiple_of3A, %dma_start3A_70] : memref<10000x64xf32, #tpu.memory_space<vmem_shared>> -> memref<200x64xf32, #tpu.memory_space<vmem_shared>>
        tpu.enqueue_dma source(%dma_start3A_71 : memref<200x64xf32, #tpu.memory_space<vmem_shared>>) target(%dma_start3A_69 : memref<200x64xf32, #tpu.memory_space<hbm>>) target_semaphore(%run_scoped3A : memref<!tpu.dma_semaphore, #tpu.memory_space<semaphore_mem>>)
        %dma_wait3A = arith.constant 0 : i32
        %dma_wait3A_72 = tpu.memref_slice %arg6[%arg0, %multiple_of3A, %dma_wait3A] : memref<2x10000x64xf32, #tpu.memory_space<hbm>> -> memref<1x200x64xf32, #tpu.memory_space<hbm>>
        %dma_wait3A_73 = tpu.memref_squeeze %dma_wait3A_72 : memref<1x200x64xf32, #tpu.memory_space<hbm>> -> memref<200x64xf32, #tpu.memory_space<hbm>>
        %dma_wait3A_74 = arith.constant 0 : i32
        %dma_wait3A_75 = tpu.memref_slice %arg11[%multiple_of3A, %dma_wait3A_74] : memref<10000x64xf32, #tpu.memory_space<vmem_shared>> -> memref<200x64xf32, #tpu.memory_space<vmem_shared>>
        tpu.wait_dma2 semaphore(%run_scoped3A : memref<!tpu.dma_semaphore, #tpu.memory_space<semaphore_mem>>) src(%dma_wait3A_75 : memref<200x64xf32, #tpu.memory_space<vmem_shared>>) dst(%dma_wait3A_73 : memref<200x64xf32, #tpu.memory_space<hbm>>)
        tpu.yield
      }) : () -> ()
    } else {
    }
    %add3A_59 = arith.constant 48 : i32
    %add3A_60 = arith.addi %add3A_59, %arg1 : i32
    %lt3A_61 = arith.constant 50 : i32
    %lt3A_62 = arith.cmpi slt, %add3A_60, %lt3A_61 : i32
    %convert_element_type3A_63 = arith.extui %lt3A_62 : i1 to i32
    %cond3A_64 = arith.constant 0 : i32
    %cond3A_65 = arith.cmpi ne, %convert_element_type3A_63, %cond3A_64 : i32
    scf.if %cond3A_65 {
      %mul3A_66 = arith.constant 200 : i32
      %mul3A_67 = arith.muli %add3A_60, %mul3A_66 : i32
      %multiple_of3A = tpu.assume_multiple %mul3A_67, 200 : i32
      "tpu.region"() ({
        %run_scoped3A = tpu.sem_alloc : memref<!tpu.dma_semaphore, #tpu.memory_space<semaphore_mem>>
        %dma_start3A = arith.constant 0 : i32
        %dma_start3A_68 = tpu.memref_slice %arg6[%arg0, %multiple_of3A, %dma_start3A] : memref<2x10000x64xf32, #tpu.memory_space<hbm>> -> memref<1x200x64xf32, #tpu.memory_space<hbm>>
        %dma_start3A_69 = tpu.memref_squeeze %dma_start3A_68 : memref<1x200x64xf32, #tpu.memory_space<hbm>> -> memref<200x64xf32, #tpu.memory_space<hbm>>
        %dma_start3A_70 = arith.constant 0 : i32
        %dma_start3A_71 = tpu.memref_slice %arg11[%multiple_of3A, %dma_start3A_70] : memref<10000x64xf32, #tpu.memory_space<vmem_shared>> -> memref<200x64xf32, #tpu.memory_space<vmem_shared>>
        tpu.enqueue_dma source(%dma_start3A_71 : memref<200x64xf32, #tpu.memory_space<vmem_shared>>) target(%dma_start3A_69 : memref<200x64xf32, #tpu.memory_space<hbm>>) target_semaphore(%run_scoped3A : memref<!tpu.dma_semaphore, #tpu.memory_space<semaphore_mem>>)
        %dma_wait3A = arith.constant 0 : i32
        %dma_wait3A_72 = tpu.memref_slice %arg6[%arg0, %multiple_of3A, %dma_wait3A] : memref<2x10000x64xf32, #tpu.memory_space<hbm>> -> memref<1x200x64xf32, #tpu.memory_space<hbm>>
        %dma_wait3A_73 = tpu.memref_squeeze %dma_wait3A_72 : memref<1x200x64xf32, #tpu.memory_space<hbm>> -> memref<200x64xf32, #tpu.memory_space<hbm>>
        %dma_wait3A_74 = arith.constant 0 : i32
        %dma_wait3A_75 = tpu.memref_slice %arg11[%multiple_of3A, %dma_wait3A_74] : memref<10000x64xf32, #tpu.memory_space<vmem_shared>> -> memref<200x64xf32, #tpu.memory_space<vmem_shared>>
        tpu.wait_dma2 semaphore(%run_scoped3A : memref<!tpu.dma_semaphore, #tpu.memory_space<semaphore_mem>>) src(%dma_wait3A_75 : memref<200x64xf32, #tpu.memory_space<vmem_shared>>) dst(%dma_wait3A_73 : memref<200x64xf32, #tpu.memory_space<hbm>>)
        tpu.yield
      }) : () -> ()
    } else {
    }
    return
  }
}

#map = affine_map<(d0, d1) -> (0, 0)>
#map1 = affine_map<(d0, d1) -> (0)>
#map2 = affine_map<(d0, d1) -> (0, 0, 0)>
module attributes {stable_mosaic.version = 14 : i64} {
  func.func @agg(%arg0: i32, %arg1: i32, %arg2: memref<10000x64xf32, #tpu.memory_space<hbm>>, %arg3: memref<320000xi32, #tpu.memory_space<hbm>>, %arg4: memref<320000xi32, #tpu.memory_space<hbm>>, %arg5: memref<320000x16xf32, #tpu.memory_space<hbm>>, %arg6: memref<2x10000x64xf32, #tpu.memory_space<hbm>>, %arg7: memref<800xi32, #tpu.memory_space<vmem>>, %arg8: memref<800xi32, #tpu.memory_space<vmem>>, %arg9: memref<800x16xf32, #tpu.memory_space<vmem>>, %arg10: memref<800x64xf32, #tpu.memory_space<vmem>>, %arg11: memref<10000x64xf32, #tpu.memory_space<vmem_shared>>, %arg12: memref<!tpu.dma_semaphore, #tpu.memory_space<semaphore_mem>>) attributes {dimension_semantics = [#tpu.dimension_semantics<core_parallel>, #tpu.dimension_semantics<subcore_parallel>], iteration_bounds = array<i64: 2, 16>, scalar_prefetch = 0 : i64, scratch_operands = 6 : i64, tpu.core_type = #tpu.core_type<sc_vector_subcore>, window_params = [{transform_indices = #map}, {transform_indices = #map1}, {transform_indices = #map1}, {transform_indices = #map}, {transform_indices = #map2}]} {
    %mul3A = arith.constant 2 : i32
    %mul3A_0 = arith.muli %arg1, %mul3A : i32
    %add3A = arith.addi %mul3A_0, %arg0 : i32
    %scan3A = arith.constant 0 : i32
    %scan3A_1 = arith.constant 0 : i32
    %scan3A_2 = arith.constant 200 : i32
    %scan3A_3 = arith.addi %scan3A_1, %scan3A_2 : i32
    %scan3A_4 = arith.constant 1 : i32
    scf.for %scan3A_66 = %scan3A_1 to %scan3A_3 step %scan3A_4  : i32 {
      %broadcast_in_dim3A = arith.constant 0.000000e+00 : f32
      %broadcast_in_dim3A_67 = vector.broadcast %broadcast_in_dim3A : f32 to vector<16xf32>
      %swap3A = arith.index_cast %scan3A_66 : i32 to index
      %swap3A_68 = arith.constant 0 : index
      %swap3A_69 = tpu.vector_load %arg10[%swap3A, %swap3A_68] {strides = array<i32>} : memref<800x64xf32, #tpu.memory_space<vmem>>, vector<1x16xf32>,
      %swap3A_70 = vector.shape_cast %swap3A_69 : vector<1x16xf32> to vector<16xf32>
      %swap3A_71 = vector.shape_cast %broadcast_in_dim3A_67 : vector<16xf32> to vector<1x16xf32>
      tpu.vector_store %arg10[%swap3A, %swap3A_68], %swap3A_71 {strides = array<i32>} : memref<800x64xf32, #tpu.memory_space<vmem>>, vector<1x16xf32>,
      %broadcast_in_dim3A_72 = arith.constant 0.000000e+00 : f32
      %broadcast_in_dim3A_73 = vector.broadcast %broadcast_in_dim3A_72 : f32 to vector<16xf32>
      %swap3A_74 = arith.index_cast %scan3A_66 : i32 to index
      %swap3A_75 = arith.constant 16 : index
      %swap3A_76 = tpu.vector_load %arg10[%swap3A_74, %swap3A_75] {strides = array<i32>} : memref<800x64xf32, #tpu.memory_space<vmem>>, vector<1x16xf32>,
      %swap3A_77 = vector.shape_cast %swap3A_76 : vector<1x16xf32> to vector<16xf32>
      %swap3A_78 = vector.shape_cast %broadcast_in_dim3A_73 : vector<16xf32> to vector<1x16xf32>
      tpu.vector_store %arg10[%swap3A_74, %swap3A_75], %swap3A_78 {strides = array<i32>} : memref<800x64xf32, #tpu.memory_space<vmem>>, vector<1x16xf32>,
      %broadcast_in_dim3A_79 = arith.constant 0.000000e+00 : f32
      %broadcast_in_dim3A_80 = vector.broadcast %broadcast_in_dim3A_79 : f32 to vector<16xf32>
      %swap3A_81 = arith.index_cast %scan3A_66 : i32 to index
      %swap3A_82 = arith.constant 32 : index
      %swap3A_83 = tpu.vector_load %arg10[%swap3A_81, %swap3A_82] {strides = array<i32>} : memref<800x64xf32, #tpu.memory_space<vmem>>, vector<1x16xf32>,
      %swap3A_84 = vector.shape_cast %swap3A_83 : vector<1x16xf32> to vector<16xf32>
      %swap3A_85 = vector.shape_cast %broadcast_in_dim3A_80 : vector<16xf32> to vector<1x16xf32>
      tpu.vector_store %arg10[%swap3A_81, %swap3A_82], %swap3A_85 {strides = array<i32>} : memref<800x64xf32, #tpu.memory_space<vmem>>, vector<1x16xf32>,
      %broadcast_in_dim3A_86 = arith.constant 0.000000e+00 : f32
      %broadcast_in_dim3A_87 = vector.broadcast %broadcast_in_dim3A_86 : f32 to vector<16xf32>
      %swap3A_88 = arith.index_cast %scan3A_66 : i32 to index
      %swap3A_89 = arith.constant 48 : index
      %swap3A_90 = tpu.vector_load %arg10[%swap3A_88, %swap3A_89] {strides = array<i32>} : memref<800x64xf32, #tpu.memory_space<vmem>>, vector<1x16xf32>,
      %swap3A_91 = vector.shape_cast %swap3A_90 : vector<1x16xf32> to vector<16xf32>
      %swap3A_92 = vector.shape_cast %broadcast_in_dim3A_87 : vector<16xf32> to vector<1x16xf32>
      tpu.vector_store %arg10[%swap3A_88, %swap3A_89], %swap3A_92 {strides = array<i32>} : memref<800x64xf32, #tpu.memory_space<vmem>>, vector<1x16xf32>,
    }
    %scan3A_5 = arith.constant 200 : i32
    %add3A_6 = arith.constant 0 : i32
    %add3A_7 = arith.addi %add3A_6, %arg1 : i32
    %lt3A = arith.constant 50 : i32
    %lt3A_8 = arith.cmpi slt, %add3A_7, %lt3A : i32
    %convert_element_type3A = arith.extui %lt3A_8 : i1 to i32
    %cond3A = arith.constant 0 : i32
    %cond3A_9 = arith.cmpi ne, %convert_element_type3A, %cond3A : i32
    scf.if %cond3A_9 {
      %mul3A_66 = arith.constant 200 : i32
      %mul3A_67 = arith.muli %add3A_7, %mul3A_66 : i32
      %multiple_of3A = tpu.assume_multiple %mul3A_67, 200 : i32
      "tpu.region"() ({
        %run_scoped3A = tpu.sem_alloc : memref<!tpu.dma_semaphore, #tpu.memory_space<semaphore_mem>>
        %dma_start3A = arith.constant 0 : i32
        %dma_start3A_68 = arith.constant 0 : i32
        %dma_start3A_69 = tpu.memref_slice %arg10[%dma_start3A, %dma_start3A_68] : memref<800x64xf32, #tpu.memory_space<vmem>> -> memref<200x64xf32, #tpu.memory_space<vmem>>
        %dma_start3A_70 = arith.constant 0 : i32
        %dma_start3A_71 = tpu.memref_slice %arg11[%multiple_of3A, %dma_start3A_70] : memref<10000x64xf32, #tpu.memory_space<vmem_shared>> -> memref<200x64xf32, #tpu.memory_space<vmem_shared>>
        %dma_start3A_72 = arith.constant 0 : i32
        %dma_start3A_73 = tpu.memref_slice %arg11[%multiple_of3A, %dma_start3A_72] : memref<10000x64xf32, #tpu.memory_space<vmem_shared>> -> memref<200x64xf32, #tpu.memory_space<vmem_shared>>
        %dma_start3A_74 = arith.constant 0 : i32
        %dma_start3A_75 = arith.constant 0 : i32
        %dma_start3A_76 = tpu.memref_slice %arg10[%dma_start3A_74, %dma_start3A_75] : memref<800x64xf32, #tpu.memory_space<vmem>> -> memref<200x64xf32, #tpu.memory_space<vmem>>
        tpu.enqueue_dma source(%dma_start3A_76 : memref<200x64xf32, #tpu.memory_space<vmem>>) target(%dma_start3A_73 : memref<200x64xf32, #tpu.memory_space<vmem_shared>>) target_semaphore(%run_scoped3A : memref<!tpu.dma_semaphore, #tpu.memory_space<semaphore_mem>>)
        %dma_wait3A = arith.constant 0 : i32
        %dma_wait3A_77 = arith.constant 0 : i32
        %dma_wait3A_78 = tpu.memref_slice %arg10[%dma_wait3A, %dma_wait3A_77] : memref<800x64xf32, #tpu.memory_space<vmem>> -> memref<200x64xf32, #tpu.memory_space<vmem>>
        %dma_wait3A_79 = arith.constant 0 : i32
        %dma_wait3A_80 = tpu.memref_slice %arg11[%multiple_of3A, %dma_wait3A_79] : memref<10000x64xf32, #tpu.memory_space<vmem_shared>> -> memref<200x64xf32, #tpu.memory_space<vmem_shared>>
        %dma_wait3A_81 = arith.constant 0 : i32
        %dma_wait3A_82 = tpu.memref_slice %arg11[%multiple_of3A, %dma_wait3A_81] : memref<10000x64xf32, #tpu.memory_space<vmem_shared>> -> memref<200x64xf32, #tpu.memory_space<vmem_shared>>
        %dma_wait3A_83 = arith.constant 0 : i32
        %dma_wait3A_84 = arith.constant 0 : i32
        %dma_wait3A_85 = tpu.memref_slice %arg10[%dma_wait3A_83, %dma_wait3A_84] : memref<800x64xf32, #tpu.memory_space<vmem>> -> memref<200x64xf32, #tpu.memory_space<vmem>>
        tpu.wait_dma2 semaphore(%run_scoped3A : memref<!tpu.dma_semaphore, #tpu.memory_space<semaphore_mem>>) src(%dma_wait3A_85 : memref<200x64xf32, #tpu.memory_space<vmem>>) dst(%dma_wait3A_82 : memref<200x64xf32, #tpu.memory_space<vmem_shared>>)
        tpu.yield
      }) : () -> ()
    } else {
    }
    %add3A_10 = arith.constant 16 : i32
    %add3A_11 = arith.addi %add3A_10, %arg1 : i32
    %lt3A_12 = arith.constant 50 : i32
    %lt3A_13 = arith.cmpi slt, %add3A_11, %lt3A_12 : i32
    %convert_element_type3A_14 = arith.extui %lt3A_13 : i1 to i32
    %cond3A_15 = arith.constant 0 : i32
    %cond3A_16 = arith.cmpi ne, %convert_element_type3A_14, %cond3A_15 : i32
    scf.if %cond3A_16 {
      %mul3A_66 = arith.constant 200 : i32
      %mul3A_67 = arith.muli %add3A_11, %mul3A_66 : i32
      %multiple_of3A = tpu.assume_multiple %mul3A_67, 200 : i32
      "tpu.region"() ({
        %run_scoped3A = tpu.sem_alloc : memref<!tpu.dma_semaphore, #tpu.memory_space<semaphore_mem>>
        %dma_start3A = arith.constant 0 : i32
        %dma_start3A_68 = arith.constant 0 : i32
        %dma_start3A_69 = tpu.memref_slice %arg10[%dma_start3A, %dma_start3A_68] : memref<800x64xf32, #tpu.memory_space<vmem>> -> memref<200x64xf32, #tpu.memory_space<vmem>>
        %dma_start3A_70 = arith.constant 0 : i32
        %dma_start3A_71 = tpu.memref_slice %arg11[%multiple_of3A, %dma_start3A_70] : memref<10000x64xf32, #tpu.memory_space<vmem_shared>> -> memref<200x64xf32, #tpu.memory_space<vmem_shared>>
        %dma_start3A_72 = arith.constant 0 : i32
        %dma_start3A_73 = tpu.memref_slice %arg11[%multiple_of3A, %dma_start3A_72] : memref<10000x64xf32, #tpu.memory_space<vmem_shared>> -> memref<200x64xf32, #tpu.memory_space<vmem_shared>>
        %dma_start3A_74 = arith.constant 0 : i32
        %dma_start3A_75 = arith.constant 0 : i32
        %dma_start3A_76 = tpu.memref_slice %arg10[%dma_start3A_74, %dma_start3A_75] : memref<800x64xf32, #tpu.memory_space<vmem>> -> memref<200x64xf32, #tpu.memory_space<vmem>>
        tpu.enqueue_dma source(%dma_start3A_76 : memref<200x64xf32, #tpu.memory_space<vmem>>) target(%dma_start3A_73 : memref<200x64xf32, #tpu.memory_space<vmem_shared>>) target_semaphore(%run_scoped3A : memref<!tpu.dma_semaphore, #tpu.memory_space<semaphore_mem>>)
        %dma_wait3A = arith.constant 0 : i32
        %dma_wait3A_77 = arith.constant 0 : i32
        %dma_wait3A_78 = tpu.memref_slice %arg10[%dma_wait3A, %dma_wait3A_77] : memref<800x64xf32, #tpu.memory_space<vmem>> -> memref<200x64xf32, #tpu.memory_space<vmem>>
        %dma_wait3A_79 = arith.constant 0 : i32
        %dma_wait3A_80 = tpu.memref_slice %arg11[%multiple_of3A, %dma_wait3A_79] : memref<10000x64xf32, #tpu.memory_space<vmem_shared>> -> memref<200x64xf32, #tpu.memory_space<vmem_shared>>
        %dma_wait3A_81 = arith.constant 0 : i32
        %dma_wait3A_82 = tpu.memref_slice %arg11[%multiple_of3A, %dma_wait3A_81] : memref<10000x64xf32, #tpu.memory_space<vmem_shared>> -> memref<200x64xf32, #tpu.memory_space<vmem_shared>>
        %dma_wait3A_83 = arith.constant 0 : i32
        %dma_wait3A_84 = arith.constant 0 : i32
        %dma_wait3A_85 = tpu.memref_slice %arg10[%dma_wait3A_83, %dma_wait3A_84] : memref<800x64xf32, #tpu.memory_space<vmem>> -> memref<200x64xf32, #tpu.memory_space<vmem>>
        tpu.wait_dma2 semaphore(%run_scoped3A : memref<!tpu.dma_semaphore, #tpu.memory_space<semaphore_mem>>) src(%dma_wait3A_85 : memref<200x64xf32, #tpu.memory_space<vmem>>) dst(%dma_wait3A_82 : memref<200x64xf32, #tpu.memory_space<vmem_shared>>)
        tpu.yield
      }) : () -> ()
    } else {
    }
    %add3A_17 = arith.constant 32 : i32
    %add3A_18 = arith.addi %add3A_17, %arg1 : i32
    %lt3A_19 = arith.constant 50 : i32
    %lt3A_20 = arith.cmpi slt, %add3A_18, %lt3A_19 : i32
    %convert_element_type3A_21 = arith.extui %lt3A_20 : i1 to i32
    %cond3A_22 = arith.constant 0 : i32
    %cond3A_23 = arith.cmpi ne, %convert_element_type3A_21, %cond3A_22 : i32
    scf.if %cond3A_23 {
      %mul3A_66 = arith.constant 200 : i32
      %mul3A_67 = arith.muli %add3A_18, %mul3A_66 : i32
      %multiple_of3A = tpu.assume_multiple %mul3A_67, 200 : i32
      "tpu.region"() ({
        %run_scoped3A = tpu.sem_alloc : memref<!tpu.dma_semaphore, #tpu.memory_space<semaphore_mem>>
        %dma_start3A = arith.constant 0 : i32
        %dma_start3A_68 = arith.constant 0 : i32
        %dma_start3A_69 = tpu.memref_slice %arg10[%dma_start3A, %dma_start3A_68] : memref<800x64xf32, #tpu.memory_space<vmem>> -> memref<200x64xf32, #tpu.memory_space<vmem>>
        %dma_start3A_70 = arith.constant 0 : i32
        %dma_start3A_71 = tpu.memref_slice %arg11[%multiple_of3A, %dma_start3A_70] : memref<10000x64xf32, #tpu.memory_space<vmem_shared>> -> memref<200x64xf32, #tpu.memory_space<vmem_shared>>
        %dma_start3A_72 = arith.constant 0 : i32
        %dma_start3A_73 = tpu.memref_slice %arg11[%multiple_of3A, %dma_start3A_72] : memref<10000x64xf32, #tpu.memory_space<vmem_shared>> -> memref<200x64xf32, #tpu.memory_space<vmem_shared>>
        %dma_start3A_74 = arith.constant 0 : i32
        %dma_start3A_75 = arith.constant 0 : i32
        %dma_start3A_76 = tpu.memref_slice %arg10[%dma_start3A_74, %dma_start3A_75] : memref<800x64xf32, #tpu.memory_space<vmem>> -> memref<200x64xf32, #tpu.memory_space<vmem>>
        tpu.enqueue_dma source(%dma_start3A_76 : memref<200x64xf32, #tpu.memory_space<vmem>>) target(%dma_start3A_73 : memref<200x64xf32, #tpu.memory_space<vmem_shared>>) target_semaphore(%run_scoped3A : memref<!tpu.dma_semaphore, #tpu.memory_space<semaphore_mem>>)
        %dma_wait3A = arith.constant 0 : i32
        %dma_wait3A_77 = arith.constant 0 : i32
        %dma_wait3A_78 = tpu.memref_slice %arg10[%dma_wait3A, %dma_wait3A_77] : memref<800x64xf32, #tpu.memory_space<vmem>> -> memref<200x64xf32, #tpu.memory_space<vmem>>
        %dma_wait3A_79 = arith.constant 0 : i32
        %dma_wait3A_80 = tpu.memref_slice %arg11[%multiple_of3A, %dma_wait3A_79] : memref<10000x64xf32, #tpu.memory_space<vmem_shared>> -> memref<200x64xf32, #tpu.memory_space<vmem_shared>>
        %dma_wait3A_81 = arith.constant 0 : i32
        %dma_wait3A_82 = tpu.memref_slice %arg11[%multiple_of3A, %dma_wait3A_81] : memref<10000x64xf32, #tpu.memory_space<vmem_shared>> -> memref<200x64xf32, #tpu.memory_space<vmem_shared>>
        %dma_wait3A_83 = arith.constant 0 : i32
        %dma_wait3A_84 = arith.constant 0 : i32
        %dma_wait3A_85 = tpu.memref_slice %arg10[%dma_wait3A_83, %dma_wait3A_84] : memref<800x64xf32, #tpu.memory_space<vmem>> -> memref<200x64xf32, #tpu.memory_space<vmem>>
        tpu.wait_dma2 semaphore(%run_scoped3A : memref<!tpu.dma_semaphore, #tpu.memory_space<semaphore_mem>>) src(%dma_wait3A_85 : memref<200x64xf32, #tpu.memory_space<vmem>>) dst(%dma_wait3A_82 : memref<200x64xf32, #tpu.memory_space<vmem_shared>>)
        tpu.yield
      }) : () -> ()
    } else {
    }
    %add3A_24 = arith.constant 48 : i32
    %add3A_25 = arith.addi %add3A_24, %arg1 : i32
    %lt3A_26 = arith.constant 50 : i32
    %lt3A_27 = arith.cmpi slt, %add3A_25, %lt3A_26 : i32
    %convert_element_type3A_28 = arith.extui %lt3A_27 : i1 to i32
    %cond3A_29 = arith.constant 0 : i32
    %cond3A_30 = arith.cmpi ne, %convert_element_type3A_28, %cond3A_29 : i32
    scf.if %cond3A_30 {
      %mul3A_66 = arith.constant 200 : i32
      %mul3A_67 = arith.muli %add3A_25, %mul3A_66 : i32
      %multiple_of3A = tpu.assume_multiple %mul3A_67, 200 : i32
      "tpu.region"() ({
        %run_scoped3A = tpu.sem_alloc : memref<!tpu.dma_semaphore, #tpu.memory_space<semaphore_mem>>
        %dma_start3A = arith.constant 0 : i32
        %dma_start3A_68 = arith.constant 0 : i32
        %dma_start3A_69 = tpu.memref_slice %arg10[%dma_start3A, %dma_start3A_68] : memref<800x64xf32, #tpu.memory_space<vmem>> -> memref<200x64xf32, #tpu.memory_space<vmem>>
        %dma_start3A_70 = arith.constant 0 : i32
        %dma_start3A_71 = tpu.memref_slice %arg11[%multiple_of3A, %dma_start3A_70] : memref<10000x64xf32, #tpu.memory_space<vmem_shared>> -> memref<200x64xf32, #tpu.memory_space<vmem_shared>>
        %dma_start3A_72 = arith.constant 0 : i32
        %dma_start3A_73 = tpu.memref_slice %arg11[%multiple_of3A, %dma_start3A_72] : memref<10000x64xf32, #tpu.memory_space<vmem_shared>> -> memref<200x64xf32, #tpu.memory_space<vmem_shared>>
        %dma_start3A_74 = arith.constant 0 : i32
        %dma_start3A_75 = arith.constant 0 : i32
        %dma_start3A_76 = tpu.memref_slice %arg10[%dma_start3A_74, %dma_start3A_75] : memref<800x64xf32, #tpu.memory_space<vmem>> -> memref<200x64xf32, #tpu.memory_space<vmem>>
        tpu.enqueue_dma source(%dma_start3A_76 : memref<200x64xf32, #tpu.memory_space<vmem>>) target(%dma_start3A_73 : memref<200x64xf32, #tpu.memory_space<vmem_shared>>) target_semaphore(%run_scoped3A : memref<!tpu.dma_semaphore, #tpu.memory_space<semaphore_mem>>)
        %dma_wait3A = arith.constant 0 : i32
        %dma_wait3A_77 = arith.constant 0 : i32
        %dma_wait3A_78 = tpu.memref_slice %arg10[%dma_wait3A, %dma_wait3A_77] : memref<800x64xf32, #tpu.memory_space<vmem>> -> memref<200x64xf32, #tpu.memory_space<vmem>>
        %dma_wait3A_79 = arith.constant 0 : i32
        %dma_wait3A_80 = tpu.memref_slice %arg11[%multiple_of3A, %dma_wait3A_79] : memref<10000x64xf32, #tpu.memory_space<vmem_shared>> -> memref<200x64xf32, #tpu.memory_space<vmem_shared>>
        %dma_wait3A_81 = arith.constant 0 : i32
        %dma_wait3A_82 = tpu.memref_slice %arg11[%multiple_of3A, %dma_wait3A_81] : memref<10000x64xf32, #tpu.memory_space<vmem_shared>> -> memref<200x64xf32, #tpu.memory_space<vmem_shared>>
        %dma_wait3A_83 = arith.constant 0 : i32
        %dma_wait3A_84 = arith.constant 0 : i32
        %dma_wait3A_85 = tpu.memref_slice %arg10[%dma_wait3A_83, %dma_wait3A_84] : memref<800x64xf32, #tpu.memory_space<vmem>> -> memref<200x64xf32, #tpu.memory_space<vmem>>
        tpu.wait_dma2 semaphore(%run_scoped3A : memref<!tpu.dma_semaphore, #tpu.memory_space<semaphore_mem>>) src(%dma_wait3A_85 : memref<200x64xf32, #tpu.memory_space<vmem>>) dst(%dma_wait3A_82 : memref<200x64xf32, #tpu.memory_space<vmem_shared>>)
        tpu.yield
      }) : () -> ()
    } else {
    }
    %barrier3A = arith.constant 0 : index
    tpu.barrier barrier_id(%barrier3A)
    %scan3A_31 = arith.constant 0 : i32
    %scan3A_32 = arith.constant 0 : i32
    %scan3A_33 = arith.constant 13 : i32
    %scan3A_34 = arith.addi %scan3A_32, %scan3A_33 : i32
    %scan3A_35 = arith.constant 1 : i32
    scf.for %scan3A_66 = %scan3A_32 to %scan3A_34 step %scan3A_35  : i32 {
      %mul3A_67 = arith.constant 32 : i32
      %mul3A_68 = arith.muli %scan3A_66, %mul3A_67 : i32
      %add3A_69 = arith.addi %add3A, %mul3A_68 : i32
      %lt3A_70 = arith.constant 400 : i32
      %lt3A_71 = arith.cmpi slt, %add3A_69, %lt3A_70 : i32
      %convert_element_type3A_72 = arith.extui %lt3A_71 : i1 to i32
      %cond3A_73 = arith.constant 0 : i32
      %cond3A_74 = arith.cmpi ne, %convert_element_type3A_72, %cond3A_73 : i32
      scf.if %cond3A_74 {
        %mul3A_75 = arith.constant 800 : i32
        %mul3A_76 = arith.muli %add3A_69, %mul3A_75 : i32
        %multiple_of3A = tpu.assume_multiple %mul3A_76, 800 : i32
        "tpu.region"() ({
          %run_scoped3A = tpu.sem_alloc : memref<!tpu.dma_semaphore, #tpu.memory_space<semaphore_mem>>
          %dma_start3A_87 = tpu.memref_slice %arg3[%multiple_of3A] : memref<320000xi32, #tpu.memory_space<hbm>> -> memref<800xi32, #tpu.memory_space<hbm>>
          %dma_start3A_88 = tpu.memref_slice %arg3[%multiple_of3A] : memref<320000xi32, #tpu.memory_space<hbm>> -> memref<800xi32, #tpu.memory_space<hbm>>
          tpu.enqueue_dma source(%dma_start3A_88 : memref<800xi32, #tpu.memory_space<hbm>>) target(%arg7 : memref<800xi32, #tpu.memory_space<vmem>>) target_semaphore(%run_scoped3A : memref<!tpu.dma_semaphore, #tpu.memory_space<semaphore_mem>>)
          %dma_wait3A_89 = tpu.memref_slice %arg3[%multiple_of3A] : memref<320000xi32, #tpu.memory_space<hbm>> -> memref<800xi32, #tpu.memory_space<hbm>>
          %dma_wait3A_90 = tpu.memref_slice %arg3[%multiple_of3A] : memref<320000xi32, #tpu.memory_space<hbm>> -> memref<800xi32, #tpu.memory_space<hbm>>
          tpu.wait_dma2 semaphore(%run_scoped3A : memref<!tpu.dma_semaphore, #tpu.memory_space<semaphore_mem>>) src(%dma_wait3A_90 : memref<800xi32, #tpu.memory_space<hbm>>) dst(%arg7 : memref<800xi32, #tpu.memory_space<vmem>>)
          tpu.yield
        }) : () -> ()
        "tpu.region"() ({
          %run_scoped3A = tpu.sem_alloc : memref<!tpu.dma_semaphore, #tpu.memory_space<semaphore_mem>>
          %dma_start3A_87 = tpu.memref_slice %arg4[%multiple_of3A] : memref<320000xi32, #tpu.memory_space<hbm>> -> memref<800xi32, #tpu.memory_space<hbm>>
          %dma_start3A_88 = tpu.memref_slice %arg4[%multiple_of3A] : memref<320000xi32, #tpu.memory_space<hbm>> -> memref<800xi32, #tpu.memory_space<hbm>>
          tpu.enqueue_dma source(%dma_start3A_88 : memref<800xi32, #tpu.memory_space<hbm>>) target(%arg8 : memref<800xi32, #tpu.memory_space<vmem>>) target_semaphore(%run_scoped3A : memref<!tpu.dma_semaphore, #tpu.memory_space<semaphore_mem>>)
          %dma_wait3A_89 = tpu.memref_slice %arg4[%multiple_of3A] : memref<320000xi32, #tpu.memory_space<hbm>> -> memref<800xi32, #tpu.memory_space<hbm>>
          %dma_wait3A_90 = tpu.memref_slice %arg4[%multiple_of3A] : memref<320000xi32, #tpu.memory_space<hbm>> -> memref<800xi32, #tpu.memory_space<hbm>>
          tpu.wait_dma2 semaphore(%run_scoped3A : memref<!tpu.dma_semaphore, #tpu.memory_space<semaphore_mem>>) src(%dma_wait3A_90 : memref<800xi32, #tpu.memory_space<hbm>>) dst(%arg8 : memref<800xi32, #tpu.memory_space<vmem>>)
          tpu.yield
        }) : () -> ()
        "tpu.region"() ({
          %run_scoped3A = tpu.sem_alloc : memref<!tpu.dma_semaphore, #tpu.memory_space<semaphore_mem>>
          %dma_start3A_87 = arith.constant 0 : i32
          %dma_start3A_88 = tpu.memref_slice %arg5[%multiple_of3A, %dma_start3A_87] : memref<320000x16xf32, #tpu.memory_space<hbm>> -> memref<800x16xf32, #tpu.memory_space<hbm>>
          %dma_start3A_89 = arith.constant 0 : i32
          %dma_start3A_90 = tpu.memref_slice %arg5[%multiple_of3A, %dma_start3A_89] : memref<320000x16xf32, #tpu.memory_space<hbm>> -> memref<800x16xf32, #tpu.memory_space<hbm>>
          tpu.enqueue_dma source(%dma_start3A_90 : memref<800x16xf32, #tpu.memory_space<hbm>>) target(%arg9 : memref<800x16xf32, #tpu.memory_space<vmem>>) target_semaphore(%run_scoped3A : memref<!tpu.dma_semaphore, #tpu.memory_space<semaphore_mem>>)
          %dma_wait3A_91 = arith.constant 0 : i32
          %dma_wait3A_92 = tpu.memref_slice %arg5[%multiple_of3A, %dma_wait3A_91] : memref<320000x16xf32, #tpu.memory_space<hbm>> -> memref<800x16xf32, #tpu.memory_space<hbm>>
          %dma_wait3A_93 = arith.constant 0 : i32
          %dma_wait3A_94 = tpu.memref_slice %arg5[%multiple_of3A, %dma_wait3A_93] : memref<320000x16xf32, #tpu.memory_space<hbm>> -> memref<800x16xf32, #tpu.memory_space<hbm>>
          tpu.wait_dma2 semaphore(%run_scoped3A : memref<!tpu.dma_semaphore, #tpu.memory_space<semaphore_mem>>) src(%dma_wait3A_94 : memref<800x16xf32, #tpu.memory_space<hbm>>) dst(%arg9 : memref<800x16xf32, #tpu.memory_space<vmem>>)
          tpu.yield
        }) : () -> ()
        %dma_start3A = arith.constant 0 : i32
        %dma_start3A_77 = arith.constant 0 : i32
        %dma_start3A_78 = tpu.memref_slice %arg2[%dma_start3A, %dma_start3A_77] : memref<10000x64xf32, #tpu.memory_space<hbm>> -> memref<10000x64xf32, #tpu.memory_space<hbm>>
        tpu.enqueue_indirect_dma source(%dma_start3A_78 : memref<10000x64xf32, #tpu.memory_space<hbm>>) target(%arg10 : memref<800x64xf32, #tpu.memory_space<vmem>>) offsets(%arg7 : memref<800xi32, #tpu.memory_space<vmem>>) semaphore(%arg12 : memref<!tpu.dma_semaphore, #tpu.memory_space<semaphore_mem>>)
        %dma_wait3A = arith.constant 0 : i32
        %dma_wait3A_79 = arith.constant 0 : i32
        %dma_wait3A_80 = tpu.memref_slice %arg2[%dma_wait3A, %dma_wait3A_79] : memref<10000x64xf32, #tpu.memory_space<hbm>> -> memref<10000x64xf32, #tpu.memory_space<hbm>>
        tpu.wait_indirect_dma semaphore(%arg12 : memref<!tpu.dma_semaphore, #tpu.memory_space<semaphore_mem>>) src(%dma_wait3A_80 : memref<10000x64xf32, #tpu.memory_space<hbm>>) dst(%arg10 : memref<800x64xf32, #tpu.memory_space<vmem>>)
        %scan3A_81 = arith.constant 0 : i32
        %scan3A_82 = arith.constant 0 : i32
        %scan3A_83 = arith.constant 100 : i32
        %scan3A_84 = arith.addi %scan3A_82, %scan3A_83 : i32
        %scan3A_85 = arith.constant 1 : i32
        scf.for %scan3A_87 = %scan3A_82 to %scan3A_84 step %scan3A_85  : i32 {
          %mul3A_88 = arith.constant 8 : i32
          %mul3A_89 = arith.muli %scan3A_87, %mul3A_88 : i32
          %add3A_90 = arith.constant 0 : i32
          %add3A_91 = arith.addi %mul3A_89, %add3A_90 : i32
          %get3A = arith.index_cast %add3A_91 : i32 to index
          %get3A_92 = arith.constant 0 : index
          %get3A_93 = tpu.vector_load %arg9[%get3A, %get3A_92] {strides = array<i32>} : memref<800x16xf32, #tpu.memory_space<vmem>>, vector<1x16xf32>,
          %get3A_94 = vector.shape_cast %get3A_93 : vector<1x16xf32> to vector<16xf32>
          %get3A_95 = arith.index_cast %add3A_91 : i32 to index
          %get3A_96 = arith.constant 0 : index
          %get3A_97 = tpu.vector_load %arg10[%get3A_95, %get3A_96] {strides = array<i32>} : memref<800x64xf32, #tpu.memory_space<vmem>>, vector<1x16xf32>,
          %get3A_98 = vector.shape_cast %get3A_97 : vector<1x16xf32> to vector<16xf32>
          %mul3A_99 = arith.mulf %get3A_98, %get3A_94 : vector<16xf32>
          %swap3A = arith.index_cast %add3A_91 : i32 to index
          %swap3A_100 = arith.constant 0 : index
          %swap3A_101 = tpu.vector_load %arg10[%swap3A, %swap3A_100] {strides = array<i32>} : memref<800x64xf32, #tpu.memory_space<vmem>>, vector<1x16xf32>,
          %swap3A_102 = vector.shape_cast %swap3A_101 : vector<1x16xf32> to vector<16xf32>
          %swap3A_103 = vector.shape_cast %mul3A_99 : vector<16xf32> to vector<1x16xf32>
          tpu.vector_store %arg10[%swap3A, %swap3A_100], %swap3A_103 {strides = array<i32>} : memref<800x64xf32, #tpu.memory_space<vmem>>, vector<1x16xf32>,
          %get3A_104 = arith.index_cast %add3A_91 : i32 to index
          %get3A_105 = arith.constant 16 : index
          %get3A_106 = tpu.vector_load %arg10[%get3A_104, %get3A_105] {strides = array<i32>} : memref<800x64xf32, #tpu.memory_space<vmem>>, vector<1x16xf32>,
          %get3A_107 = vector.shape_cast %get3A_106 : vector<1x16xf32> to vector<16xf32>
          %mul3A_108 = arith.mulf %get3A_107, %get3A_94 : vector<16xf32>
          %swap3A_109 = arith.index_cast %add3A_91 : i32 to index
          %swap3A_110 = arith.constant 16 : index
          %swap3A_111 = tpu.vector_load %arg10[%swap3A_109, %swap3A_110] {strides = array<i32>} : memref<800x64xf32, #tpu.memory_space<vmem>>, vector<1x16xf32>,
          %swap3A_112 = vector.shape_cast %swap3A_111 : vector<1x16xf32> to vector<16xf32>
          %swap3A_113 = vector.shape_cast %mul3A_108 : vector<16xf32> to vector<1x16xf32>
          tpu.vector_store %arg10[%swap3A_109, %swap3A_110], %swap3A_113 {strides = array<i32>} : memref<800x64xf32, #tpu.memory_space<vmem>>, vector<1x16xf32>,
          %get3A_114 = arith.index_cast %add3A_91 : i32 to index
          %get3A_115 = arith.constant 32 : index
          %get3A_116 = tpu.vector_load %arg10[%get3A_114, %get3A_115] {strides = array<i32>} : memref<800x64xf32, #tpu.memory_space<vmem>>, vector<1x16xf32>,
          %get3A_117 = vector.shape_cast %get3A_116 : vector<1x16xf32> to vector<16xf32>
          %mul3A_118 = arith.mulf %get3A_117, %get3A_94 : vector<16xf32>
          %swap3A_119 = arith.index_cast %add3A_91 : i32 to index
          %swap3A_120 = arith.constant 32 : index
          %swap3A_121 = tpu.vector_load %arg10[%swap3A_119, %swap3A_120] {strides = array<i32>} : memref<800x64xf32, #tpu.memory_space<vmem>>, vector<1x16xf32>,
          %swap3A_122 = vector.shape_cast %swap3A_121 : vector<1x16xf32> to vector<16xf32>
          %swap3A_123 = vector.shape_cast %mul3A_118 : vector<16xf32> to vector<1x16xf32>
          tpu.vector_store %arg10[%swap3A_119, %swap3A_120], %swap3A_123 {strides = array<i32>} : memref<800x64xf32, #tpu.memory_space<vmem>>, vector<1x16xf32>,
          %get3A_124 = arith.index_cast %add3A_91 : i32 to index
          %get3A_125 = arith.constant 48 : index
          %get3A_126 = tpu.vector_load %arg10[%get3A_124, %get3A_125] {strides = array<i32>} : memref<800x64xf32, #tpu.memory_space<vmem>>, vector<1x16xf32>,
          %get3A_127 = vector.shape_cast %get3A_126 : vector<1x16xf32> to vector<16xf32>
          %mul3A_128 = arith.mulf %get3A_127, %get3A_94 : vector<16xf32>
          %swap3A_129 = arith.index_cast %add3A_91 : i32 to index
          %swap3A_130 = arith.constant 48 : index
          %swap3A_131 = tpu.vector_load %arg10[%swap3A_129, %swap3A_130] {strides = array<i32>} : memref<800x64xf32, #tpu.memory_space<vmem>>, vector<1x16xf32>,
          %swap3A_132 = vector.shape_cast %swap3A_131 : vector<1x16xf32> to vector<16xf32>
          %swap3A_133 = vector.shape_cast %mul3A_128 : vector<16xf32> to vector<1x16xf32>
          tpu.vector_store %arg10[%swap3A_129, %swap3A_130], %swap3A_133 {strides = array<i32>} : memref<800x64xf32, #tpu.memory_space<vmem>>, vector<1x16xf32>,
          %mul3A_134 = arith.constant 8 : i32
          %mul3A_135 = arith.muli %scan3A_87, %mul3A_134 : i32
          %add3A_136 = arith.constant 1 : i32
          %add3A_137 = arith.addi %mul3A_135, %add3A_136 : i32
          %get3A_138 = arith.index_cast %add3A_137 : i32 to index
          %get3A_139 = arith.constant 0 : index
          %get3A_140 = tpu.vector_load %arg9[%get3A_138, %get3A_139] {strides = array<i32>} : memref<800x16xf32, #tpu.memory_space<vmem>>, vector<1x16xf32>,
          %get3A_141 = vector.shape_cast %get3A_140 : vector<1x16xf32> to vector<16xf32>
          %get3A_142 = arith.index_cast %add3A_137 : i32 to index
          %get3A_143 = arith.constant 0 : index
          %get3A_144 = tpu.vector_load %arg10[%get3A_142, %get3A_143] {strides = array<i32>} : memref<800x64xf32, #tpu.memory_space<vmem>>, vector<1x16xf32>,
          %get3A_145 = vector.shape_cast %get3A_144 : vector<1x16xf32> to vector<16xf32>
          %mul3A_146 = arith.mulf %get3A_145, %get3A_141 : vector<16xf32>
          %swap3A_147 = arith.index_cast %add3A_137 : i32 to index
          %swap3A_148 = arith.constant 0 : index
          %swap3A_149 = tpu.vector_load %arg10[%swap3A_147, %swap3A_148] {strides = array<i32>} : memref<800x64xf32, #tpu.memory_space<vmem>>, vector<1x16xf32>,
          %swap3A_150 = vector.shape_cast %swap3A_149 : vector<1x16xf32> to vector<16xf32>
          %swap3A_151 = vector.shape_cast %mul3A_146 : vector<16xf32> to vector<1x16xf32>
          tpu.vector_store %arg10[%swap3A_147, %swap3A_148], %swap3A_151 {strides = array<i32>} : memref<800x64xf32, #tpu.memory_space<vmem>>, vector<1x16xf32>,
          %get3A_152 = arith.index_cast %add3A_137 : i32 to index
          %get3A_153 = arith.constant 16 : index
          %get3A_154 = tpu.vector_load %arg10[%get3A_152, %get3A_153] {strides = array<i32>} : memref<800x64xf32, #tpu.memory_space<vmem>>, vector<1x16xf32>,
          %get3A_155 = vector.shape_cast %get3A_154 : vector<1x16xf32> to vector<16xf32>
          %mul3A_156 = arith.mulf %get3A_155, %get3A_141 : vector<16xf32>
          %swap3A_157 = arith.index_cast %add3A_137 : i32 to index
          %swap3A_158 = arith.constant 16 : index
          %swap3A_159 = tpu.vector_load %arg10[%swap3A_157, %swap3A_158] {strides = array<i32>} : memref<800x64xf32, #tpu.memory_space<vmem>>, vector<1x16xf32>,
          %swap3A_160 = vector.shape_cast %swap3A_159 : vector<1x16xf32> to vector<16xf32>
          %swap3A_161 = vector.shape_cast %mul3A_156 : vector<16xf32> to vector<1x16xf32>
          tpu.vector_store %arg10[%swap3A_157, %swap3A_158], %swap3A_161 {strides = array<i32>} : memref<800x64xf32, #tpu.memory_space<vmem>>, vector<1x16xf32>,
          %get3A_162 = arith.index_cast %add3A_137 : i32 to index
          %get3A_163 = arith.constant 32 : index
          %get3A_164 = tpu.vector_load %arg10[%get3A_162, %get3A_163] {strides = array<i32>} : memref<800x64xf32, #tpu.memory_space<vmem>>, vector<1x16xf32>,
          %get3A_165 = vector.shape_cast %get3A_164 : vector<1x16xf32> to vector<16xf32>
          %mul3A_166 = arith.mulf %get3A_165, %get3A_141 : vector<16xf32>
          %swap3A_167 = arith.index_cast %add3A_137 : i32 to index
          %swap3A_168 = arith.constant 32 : index
          %swap3A_169 = tpu.vector_load %arg10[%swap3A_167, %swap3A_168] {strides = array<i32>} : memref<800x64xf32, #tpu.memory_space<vmem>>, vector<1x16xf32>,
          %swap3A_170 = vector.shape_cast %swap3A_169 : vector<1x16xf32> to vector<16xf32>
          %swap3A_171 = vector.shape_cast %mul3A_166 : vector<16xf32> to vector<1x16xf32>
          tpu.vector_store %arg10[%swap3A_167, %swap3A_168], %swap3A_171 {strides = array<i32>} : memref<800x64xf32, #tpu.memory_space<vmem>>, vector<1x16xf32>,
          %get3A_172 = arith.index_cast %add3A_137 : i32 to index
          %get3A_173 = arith.constant 48 : index
          %get3A_174 = tpu.vector_load %arg10[%get3A_172, %get3A_173] {strides = array<i32>} : memref<800x64xf32, #tpu.memory_space<vmem>>, vector<1x16xf32>,
          %get3A_175 = vector.shape_cast %get3A_174 : vector<1x16xf32> to vector<16xf32>
          %mul3A_176 = arith.mulf %get3A_175, %get3A_141 : vector<16xf32>
          %swap3A_177 = arith.index_cast %add3A_137 : i32 to index
          %swap3A_178 = arith.constant 48 : index
          %swap3A_179 = tpu.vector_load %arg10[%swap3A_177, %swap3A_178] {strides = array<i32>} : memref<800x64xf32, #tpu.memory_space<vmem>>, vector<1x16xf32>,
          %swap3A_180 = vector.shape_cast %swap3A_179 : vector<1x16xf32> to vector<16xf32>
          %swap3A_181 = vector.shape_cast %mul3A_176 : vector<16xf32> to vector<1x16xf32>
          tpu.vector_store %arg10[%swap3A_177, %swap3A_178], %swap3A_181 {strides = array<i32>} : memref<800x64xf32, #tpu.memory_space<vmem>>, vector<1x16xf32>,
          %mul3A_182 = arith.constant 8 : i32
          %mul3A_183 = arith.muli %scan3A_87, %mul3A_182 : i32
          %add3A_184 = arith.constant 2 : i32
          %add3A_185 = arith.addi %mul3A_183, %add3A_184 : i32
          %get3A_186 = arith.index_cast %add3A_185 : i32 to index
          %get3A_187 = arith.constant 0 : index
          %get3A_188 = tpu.vector_load %arg9[%get3A_186, %get3A_187] {strides = array<i32>} : memref<800x16xf32, #tpu.memory_space<vmem>>, vector<1x16xf32>,
          %get3A_189 = vector.shape_cast %get3A_188 : vector<1x16xf32> to vector<16xf32>
          %get3A_190 = arith.index_cast %add3A_185 : i32 to index
          %get3A_191 = arith.constant 0 : index
          %get3A_192 = tpu.vector_load %arg10[%get3A_190, %get3A_191] {strides = array<i32>} : memref<800x64xf32, #tpu.memory_space<vmem>>, vector<1x16xf32>,
          %get3A_193 = vector.shape_cast %get3A_192 : vector<1x16xf32> to vector<16xf32>
          %mul3A_194 = arith.mulf %get3A_193, %get3A_189 : vector<16xf32>
          %swap3A_195 = arith.index_cast %add3A_185 : i32 to index
          %swap3A_196 = arith.constant 0 : index
          %swap3A_197 = tpu.vector_load %arg10[%swap3A_195, %swap3A_196] {strides = array<i32>} : memref<800x64xf32, #tpu.memory_space<vmem>>, vector<1x16xf32>,
          %swap3A_198 = vector.shape_cast %swap3A_197 : vector<1x16xf32> to vector<16xf32>
          %swap3A_199 = vector.shape_cast %mul3A_194 : vector<16xf32> to vector<1x16xf32>
          tpu.vector_store %arg10[%swap3A_195, %swap3A_196], %swap3A_199 {strides = array<i32>} : memref<800x64xf32, #tpu.memory_space<vmem>>, vector<1x16xf32>,
          %get3A_200 = arith.index_cast %add3A_185 : i32 to index
          %get3A_201 = arith.constant 16 : index
          %get3A_202 = tpu.vector_load %arg10[%get3A_200, %get3A_201] {strides = array<i32>} : memref<800x64xf32, #tpu.memory_space<vmem>>, vector<1x16xf32>,
          %get3A_203 = vector.shape_cast %get3A_202 : vector<1x16xf32> to vector<16xf32>
          %mul3A_204 = arith.mulf %get3A_203, %get3A_189 : vector<16xf32>
          %swap3A_205 = arith.index_cast %add3A_185 : i32 to index
          %swap3A_206 = arith.constant 16 : index
          %swap3A_207 = tpu.vector_load %arg10[%swap3A_205, %swap3A_206] {strides = array<i32>} : memref<800x64xf32, #tpu.memory_space<vmem>>, vector<1x16xf32>,
          %swap3A_208 = vector.shape_cast %swap3A_207 : vector<1x16xf32> to vector<16xf32>
          %swap3A_209 = vector.shape_cast %mul3A_204 : vector<16xf32> to vector<1x16xf32>
          tpu.vector_store %arg10[%swap3A_205, %swap3A_206], %swap3A_209 {strides = array<i32>} : memref<800x64xf32, #tpu.memory_space<vmem>>, vector<1x16xf32>,
          %get3A_210 = arith.index_cast %add3A_185 : i32 to index
          %get3A_211 = arith.constant 32 : index
          %get3A_212 = tpu.vector_load %arg10[%get3A_210, %get3A_211] {strides = array<i32>} : memref<800x64xf32, #tpu.memory_space<vmem>>, vector<1x16xf32>,
          %get3A_213 = vector.shape_cast %get3A_212 : vector<1x16xf32> to vector<16xf32>
          %mul3A_214 = arith.mulf %get3A_213, %get3A_189 : vector<16xf32>
          %swap3A_215 = arith.index_cast %add3A_185 : i32 to index
          %swap3A_216 = arith.constant 32 : index
          %swap3A_217 = tpu.vector_load %arg10[%swap3A_215, %swap3A_216] {strides = array<i32>} : memref<800x64xf32, #tpu.memory_space<vmem>>, vector<1x16xf32>,
          %swap3A_218 = vector.shape_cast %swap3A_217 : vector<1x16xf32> to vector<16xf32>
          %swap3A_219 = vector.shape_cast %mul3A_214 : vector<16xf32> to vector<1x16xf32>
          tpu.vector_store %arg10[%swap3A_215, %swap3A_216], %swap3A_219 {strides = array<i32>} : memref<800x64xf32, #tpu.memory_space<vmem>>, vector<1x16xf32>,
          %get3A_220 = arith.index_cast %add3A_185 : i32 to index
          %get3A_221 = arith.constant 48 : index
          %get3A_222 = tpu.vector_load %arg10[%get3A_220, %get3A_221] {strides = array<i32>} : memref<800x64xf32, #tpu.memory_space<vmem>>, vector<1x16xf32>,
          %get3A_223 = vector.shape_cast %get3A_222 : vector<1x16xf32> to vector<16xf32>
          %mul3A_224 = arith.mulf %get3A_223, %get3A_189 : vector<16xf32>
          %swap3A_225 = arith.index_cast %add3A_185 : i32 to index
          %swap3A_226 = arith.constant 48 : index
          %swap3A_227 = tpu.vector_load %arg10[%swap3A_225, %swap3A_226] {strides = array<i32>} : memref<800x64xf32, #tpu.memory_space<vmem>>, vector<1x16xf32>,
          %swap3A_228 = vector.shape_cast %swap3A_227 : vector<1x16xf32> to vector<16xf32>
          %swap3A_229 = vector.shape_cast %mul3A_224 : vector<16xf32> to vector<1x16xf32>
          tpu.vector_store %arg10[%swap3A_225, %swap3A_226], %swap3A_229 {strides = array<i32>} : memref<800x64xf32, #tpu.memory_space<vmem>>, vector<1x16xf32>,
          %mul3A_230 = arith.constant 8 : i32
          %mul3A_231 = arith.muli %scan3A_87, %mul3A_230 : i32
          %add3A_232 = arith.constant 3 : i32
          %add3A_233 = arith.addi %mul3A_231, %add3A_232 : i32
          %get3A_234 = arith.index_cast %add3A_233 : i32 to index
          %get3A_235 = arith.constant 0 : index
          %get3A_236 = tpu.vector_load %arg9[%get3A_234, %get3A_235] {strides = array<i32>} : memref<800x16xf32, #tpu.memory_space<vmem>>, vector<1x16xf32>,
          %get3A_237 = vector.shape_cast %get3A_236 : vector<1x16xf32> to vector<16xf32>
          %get3A_238 = arith.index_cast %add3A_233 : i32 to index
          %get3A_239 = arith.constant 0 : index
          %get3A_240 = tpu.vector_load %arg10[%get3A_238, %get3A_239] {strides = array<i32>} : memref<800x64xf32, #tpu.memory_space<vmem>>, vector<1x16xf32>,
          %get3A_241 = vector.shape_cast %get3A_240 : vector<1x16xf32> to vector<16xf32>
          %mul3A_242 = arith.mulf %get3A_241, %get3A_237 : vector<16xf32>
          %swap3A_243 = arith.index_cast %add3A_233 : i32 to index
          %swap3A_244 = arith.constant 0 : index
          %swap3A_245 = tpu.vector_load %arg10[%swap3A_243, %swap3A_244] {strides = array<i32>} : memref<800x64xf32, #tpu.memory_space<vmem>>, vector<1x16xf32>,
          %swap3A_246 = vector.shape_cast %swap3A_245 : vector<1x16xf32> to vector<16xf32>
          %swap3A_247 = vector.shape_cast %mul3A_242 : vector<16xf32> to vector<1x16xf32>
          tpu.vector_store %arg10[%swap3A_243, %swap3A_244], %swap3A_247 {strides = array<i32>} : memref<800x64xf32, #tpu.memory_space<vmem>>, vector<1x16xf32>,
          %get3A_248 = arith.index_cast %add3A_233 : i32 to index
          %get3A_249 = arith.constant 16 : index
          %get3A_250 = tpu.vector_load %arg10[%get3A_248, %get3A_249] {strides = array<i32>} : memref<800x64xf32, #tpu.memory_space<vmem>>, vector<1x16xf32>,
          %get3A_251 = vector.shape_cast %get3A_250 : vector<1x16xf32> to vector<16xf32>
          %mul3A_252 = arith.mulf %get3A_251, %get3A_237 : vector<16xf32>
          %swap3A_253 = arith.index_cast %add3A_233 : i32 to index
          %swap3A_254 = arith.constant 16 : index
          %swap3A_255 = tpu.vector_load %arg10[%swap3A_253, %swap3A_254] {strides = array<i32>} : memref<800x64xf32, #tpu.memory_space<vmem>>, vector<1x16xf32>,
          %swap3A_256 = vector.shape_cast %swap3A_255 : vector<1x16xf32> to vector<16xf32>
          %swap3A_257 = vector.shape_cast %mul3A_252 : vector<16xf32> to vector<1x16xf32>
          tpu.vector_store %arg10[%swap3A_253, %swap3A_254], %swap3A_257 {strides = array<i32>} : memref<800x64xf32, #tpu.memory_space<vmem>>, vector<1x16xf32>,
          %get3A_258 = arith.index_cast %add3A_233 : i32 to index
          %get3A_259 = arith.constant 32 : index
          %get3A_260 = tpu.vector_load %arg10[%get3A_258, %get3A_259] {strides = array<i32>} : memref<800x64xf32, #tpu.memory_space<vmem>>, vector<1x16xf32>,
          %get3A_261 = vector.shape_cast %get3A_260 : vector<1x16xf32> to vector<16xf32>
          %mul3A_262 = arith.mulf %get3A_261, %get3A_237 : vector<16xf32>
          %swap3A_263 = arith.index_cast %add3A_233 : i32 to index
          %swap3A_264 = arith.constant 32 : index
          %swap3A_265 = tpu.vector_load %arg10[%swap3A_263, %swap3A_264] {strides = array<i32>} : memref<800x64xf32, #tpu.memory_space<vmem>>, vector<1x16xf32>,
          %swap3A_266 = vector.shape_cast %swap3A_265 : vector<1x16xf32> to vector<16xf32>
          %swap3A_267 = vector.shape_cast %mul3A_262 : vector<16xf32> to vector<1x16xf32>
          tpu.vector_store %arg10[%swap3A_263, %swap3A_264], %swap3A_267 {strides = array<i32>} : memref<800x64xf32, #tpu.memory_space<vmem>>, vector<1x16xf32>,
          %get3A_268 = arith.index_cast %add3A_233 : i32 to index
          %get3A_269 = arith.constant 48 : index
          %get3A_270 = tpu.vector_load %arg10[%get3A_268, %get3A_269] {strides = array<i32>} : memref<800x64xf32, #tpu.memory_space<vmem>>, vector<1x16xf32>,
          %get3A_271 = vector.shape_cast %get3A_270 : vector<1x16xf32> to vector<16xf32>
          %mul3A_272 = arith.mulf %get3A_271, %get3A_237 : vector<16xf32>
          %swap3A_273 = arith.index_cast %add3A_233 : i32 to index
          %swap3A_274 = arith.constant 48 : index
          %swap3A_275 = tpu.vector_load %arg10[%swap3A_273, %swap3A_274] {strides = array<i32>} : memref<800x64xf32, #tpu.memory_space<vmem>>, vector<1x16xf32>,
          %swap3A_276 = vector.shape_cast %swap3A_275 : vector<1x16xf32> to vector<16xf32>
          %swap3A_277 = vector.shape_cast %mul3A_272 : vector<16xf32> to vector<1x16xf32>
          tpu.vector_store %arg10[%swap3A_273, %swap3A_274], %swap3A_277 {strides = array<i32>} : memref<800x64xf32, #tpu.memory_space<vmem>>, vector<1x16xf32>,
          %mul3A_278 = arith.constant 8 : i32
          %mul3A_279 = arith.muli %scan3A_87, %mul3A_278 : i32
          %add3A_280 = arith.constant 4 : i32
          %add3A_281 = arith.addi %mul3A_279, %add3A_280 : i32
          %get3A_282 = arith.index_cast %add3A_281 : i32 to index
          %get3A_283 = arith.constant 0 : index
          %get3A_284 = tpu.vector_load %arg9[%get3A_282, %get3A_283] {strides = array<i32>} : memref<800x16xf32, #tpu.memory_space<vmem>>, vector<1x16xf32>,
          %get3A_285 = vector.shape_cast %get3A_284 : vector<1x16xf32> to vector<16xf32>
          %get3A_286 = arith.index_cast %add3A_281 : i32 to index
          %get3A_287 = arith.constant 0 : index
          %get3A_288 = tpu.vector_load %arg10[%get3A_286, %get3A_287] {strides = array<i32>} : memref<800x64xf32, #tpu.memory_space<vmem>>, vector<1x16xf32>,
          %get3A_289 = vector.shape_cast %get3A_288 : vector<1x16xf32> to vector<16xf32>
          %mul3A_290 = arith.mulf %get3A_289, %get3A_285 : vector<16xf32>
          %swap3A_291 = arith.index_cast %add3A_281 : i32 to index
          %swap3A_292 = arith.constant 0 : index
          %swap3A_293 = tpu.vector_load %arg10[%swap3A_291, %swap3A_292] {strides = array<i32>} : memref<800x64xf32, #tpu.memory_space<vmem>>, vector<1x16xf32>,
          %swap3A_294 = vector.shape_cast %swap3A_293 : vector<1x16xf32> to vector<16xf32>
          %swap3A_295 = vector.shape_cast %mul3A_290 : vector<16xf32> to vector<1x16xf32>
          tpu.vector_store %arg10[%swap3A_291, %swap3A_292], %swap3A_295 {strides = array<i32>} : memref<800x64xf32, #tpu.memory_space<vmem>>, vector<1x16xf32>,
          %get3A_296 = arith.index_cast %add3A_281 : i32 to index
          %get3A_297 = arith.constant 16 : index
          %get3A_298 = tpu.vector_load %arg10[%get3A_296, %get3A_297] {strides = array<i32>} : memref<800x64xf32, #tpu.memory_space<vmem>>, vector<1x16xf32>,
          %get3A_299 = vector.shape_cast %get3A_298 : vector<1x16xf32> to vector<16xf32>
          %mul3A_300 = arith.mulf %get3A_299, %get3A_285 : vector<16xf32>
          %swap3A_301 = arith.index_cast %add3A_281 : i32 to index
          %swap3A_302 = arith.constant 16 : index
          %swap3A_303 = tpu.vector_load %arg10[%swap3A_301, %swap3A_302] {strides = array<i32>} : memref<800x64xf32, #tpu.memory_space<vmem>>, vector<1x16xf32>,
          %swap3A_304 = vector.shape_cast %swap3A_303 : vector<1x16xf32> to vector<16xf32>
          %swap3A_305 = vector.shape_cast %mul3A_300 : vector<16xf32> to vector<1x16xf32>
          tpu.vector_store %arg10[%swap3A_301, %swap3A_302], %swap3A_305 {strides = array<i32>} : memref<800x64xf32, #tpu.memory_space<vmem>>, vector<1x16xf32>,
          %get3A_306 = arith.index_cast %add3A_281 : i32 to index
          %get3A_307 = arith.constant 32 : index
          %get3A_308 = tpu.vector_load %arg10[%get3A_306, %get3A_307] {strides = array<i32>} : memref<800x64xf32, #tpu.memory_space<vmem>>, vector<1x16xf32>,
          %get3A_309 = vector.shape_cast %get3A_308 : vector<1x16xf32> to vector<16xf32>
          %mul3A_310 = arith.mulf %get3A_309, %get3A_285 : vector<16xf32>
          %swap3A_311 = arith.index_cast %add3A_281 : i32 to index
          %swap3A_312 = arith.constant 32 : index
          %swap3A_313 = tpu.vector_load %arg10[%swap3A_311, %swap3A_312] {strides = array<i32>} : memref<800x64xf32, #tpu.memory_space<vmem>>, vector<1x16xf32>,
          %swap3A_314 = vector.shape_cast %swap3A_313 : vector<1x16xf32> to vector<16xf32>
          %swap3A_315 = vector.shape_cast %mul3A_310 : vector<16xf32> to vector<1x16xf32>
          tpu.vector_store %arg10[%swap3A_311, %swap3A_312], %swap3A_315 {strides = array<i32>} : memref<800x64xf32, #tpu.memory_space<vmem>>, vector<1x16xf32>,
          %get3A_316 = arith.index_cast %add3A_281 : i32 to index
          %get3A_317 = arith.constant 48 : index
          %get3A_318 = tpu.vector_load %arg10[%get3A_316, %get3A_317] {strides = array<i32>} : memref<800x64xf32, #tpu.memory_space<vmem>>, vector<1x16xf32>,
          %get3A_319 = vector.shape_cast %get3A_318 : vector<1x16xf32> to vector<16xf32>
          %mul3A_320 = arith.mulf %get3A_319, %get3A_285 : vector<16xf32>
          %swap3A_321 = arith.index_cast %add3A_281 : i32 to index
          %swap3A_322 = arith.constant 48 : index
          %swap3A_323 = tpu.vector_load %arg10[%swap3A_321, %swap3A_322] {strides = array<i32>} : memref<800x64xf32, #tpu.memory_space<vmem>>, vector<1x16xf32>,
          %swap3A_324 = vector.shape_cast %swap3A_323 : vector<1x16xf32> to vector<16xf32>
          %swap3A_325 = vector.shape_cast %mul3A_320 : vector<16xf32> to vector<1x16xf32>
          tpu.vector_store %arg10[%swap3A_321, %swap3A_322], %swap3A_325 {strides = array<i32>} : memref<800x64xf32, #tpu.memory_space<vmem>>, vector<1x16xf32>,
          %mul3A_326 = arith.constant 8 : i32
          %mul3A_327 = arith.muli %scan3A_87, %mul3A_326 : i32
          %add3A_328 = arith.constant 5 : i32
          %add3A_329 = arith.addi %mul3A_327, %add3A_328 : i32
          %get3A_330 = arith.index_cast %add3A_329 : i32 to index
          %get3A_331 = arith.constant 0 : index
          %get3A_332 = tpu.vector_load %arg9[%get3A_330, %get3A_331] {strides = array<i32>} : memref<800x16xf32, #tpu.memory_space<vmem>>, vector<1x16xf32>,
          %get3A_333 = vector.shape_cast %get3A_332 : vector<1x16xf32> to vector<16xf32>
          %get3A_334 = arith.index_cast %add3A_329 : i32 to index
          %get3A_335 = arith.constant 0 : index
          %get3A_336 = tpu.vector_load %arg10[%get3A_334, %get3A_335] {strides = array<i32>} : memref<800x64xf32, #tpu.memory_space<vmem>>, vector<1x16xf32>,
          %get3A_337 = vector.shape_cast %get3A_336 : vector<1x16xf32> to vector<16xf32>
          %mul3A_338 = arith.mulf %get3A_337, %get3A_333 : vector<16xf32>
          %swap3A_339 = arith.index_cast %add3A_329 : i32 to index
          %swap3A_340 = arith.constant 0 : index
          %swap3A_341 = tpu.vector_load %arg10[%swap3A_339, %swap3A_340] {strides = array<i32>} : memref<800x64xf32, #tpu.memory_space<vmem>>, vector<1x16xf32>,
          %swap3A_342 = vector.shape_cast %swap3A_341 : vector<1x16xf32> to vector<16xf32>
          %swap3A_343 = vector.shape_cast %mul3A_338 : vector<16xf32> to vector<1x16xf32>
          tpu.vector_store %arg10[%swap3A_339, %swap3A_340], %swap3A_343 {strides = array<i32>} : memref<800x64xf32, #tpu.memory_space<vmem>>, vector<1x16xf32>,
          %get3A_344 = arith.index_cast %add3A_329 : i32 to index
          %get3A_345 = arith.constant 16 : index
          %get3A_346 = tpu.vector_load %arg10[%get3A_344, %get3A_345] {strides = array<i32>} : memref<800x64xf32, #tpu.memory_space<vmem>>, vector<1x16xf32>,
          %get3A_347 = vector.shape_cast %get3A_346 : vector<1x16xf32> to vector<16xf32>
          %mul3A_348 = arith.mulf %get3A_347, %get3A_333 : vector<16xf32>
          %swap3A_349 = arith.index_cast %add3A_329 : i32 to index
          %swap3A_350 = arith.constant 16 : index
          %swap3A_351 = tpu.vector_load %arg10[%swap3A_349, %swap3A_350] {strides = array<i32>} : memref<800x64xf32, #tpu.memory_space<vmem>>, vector<1x16xf32>,
          %swap3A_352 = vector.shape_cast %swap3A_351 : vector<1x16xf32> to vector<16xf32>
          %swap3A_353 = vector.shape_cast %mul3A_348 : vector<16xf32> to vector<1x16xf32>
          tpu.vector_store %arg10[%swap3A_349, %swap3A_350], %swap3A_353 {strides = array<i32>} : memref<800x64xf32, #tpu.memory_space<vmem>>, vector<1x16xf32>,
          %get3A_354 = arith.index_cast %add3A_329 : i32 to index
          %get3A_355 = arith.constant 32 : index
          %get3A_356 = tpu.vector_load %arg10[%get3A_354, %get3A_355] {strides = array<i32>} : memref<800x64xf32, #tpu.memory_space<vmem>>, vector<1x16xf32>,
          %get3A_357 = vector.shape_cast %get3A_356 : vector<1x16xf32> to vector<16xf32>
          %mul3A_358 = arith.mulf %get3A_357, %get3A_333 : vector<16xf32>
          %swap3A_359 = arith.index_cast %add3A_329 : i32 to index
          %swap3A_360 = arith.constant 32 : index
          %swap3A_361 = tpu.vector_load %arg10[%swap3A_359, %swap3A_360] {strides = array<i32>} : memref<800x64xf32, #tpu.memory_space<vmem>>, vector<1x16xf32>,
          %swap3A_362 = vector.shape_cast %swap3A_361 : vector<1x16xf32> to vector<16xf32>
          %swap3A_363 = vector.shape_cast %mul3A_358 : vector<16xf32> to vector<1x16xf32>
          tpu.vector_store %arg10[%swap3A_359, %swap3A_360], %swap3A_363 {strides = array<i32>} : memref<800x64xf32, #tpu.memory_space<vmem>>, vector<1x16xf32>,
          %get3A_364 = arith.index_cast %add3A_329 : i32 to index
          %get3A_365 = arith.constant 48 : index
          %get3A_366 = tpu.vector_load %arg10[%get3A_364, %get3A_365] {strides = array<i32>} : memref<800x64xf32, #tpu.memory_space<vmem>>, vector<1x16xf32>,
          %get3A_367 = vector.shape_cast %get3A_366 : vector<1x16xf32> to vector<16xf32>
          %mul3A_368 = arith.mulf %get3A_367, %get3A_333 : vector<16xf32>
          %swap3A_369 = arith.index_cast %add3A_329 : i32 to index
          %swap3A_370 = arith.constant 48 : index
          %swap3A_371 = tpu.vector_load %arg10[%swap3A_369, %swap3A_370] {strides = array<i32>} : memref<800x64xf32, #tpu.memory_space<vmem>>, vector<1x16xf32>,
          %swap3A_372 = vector.shape_cast %swap3A_371 : vector<1x16xf32> to vector<16xf32>
          %swap3A_373 = vector.shape_cast %mul3A_368 : vector<16xf32> to vector<1x16xf32>
          tpu.vector_store %arg10[%swap3A_369, %swap3A_370], %swap3A_373 {strides = array<i32>} : memref<800x64xf32, #tpu.memory_space<vmem>>, vector<1x16xf32>,
          %mul3A_374 = arith.constant 8 : i32
          %mul3A_375 = arith.muli %scan3A_87, %mul3A_374 : i32
          %add3A_376 = arith.constant 6 : i32
          %add3A_377 = arith.addi %mul3A_375, %add3A_376 : i32
          %get3A_378 = arith.index_cast %add3A_377 : i32 to index
          %get3A_379 = arith.constant 0 : index
          %get3A_380 = tpu.vector_load %arg9[%get3A_378, %get3A_379] {strides = array<i32>} : memref<800x16xf32, #tpu.memory_space<vmem>>, vector<1x16xf32>,
          %get3A_381 = vector.shape_cast %get3A_380 : vector<1x16xf32> to vector<16xf32>
          %get3A_382 = arith.index_cast %add3A_377 : i32 to index
          %get3A_383 = arith.constant 0 : index
          %get3A_384 = tpu.vector_load %arg10[%get3A_382, %get3A_383] {strides = array<i32>} : memref<800x64xf32, #tpu.memory_space<vmem>>, vector<1x16xf32>,
          %get3A_385 = vector.shape_cast %get3A_384 : vector<1x16xf32> to vector<16xf32>
          %mul3A_386 = arith.mulf %get3A_385, %get3A_381 : vector<16xf32>
          %swap3A_387 = arith.index_cast %add3A_377 : i32 to index
          %swap3A_388 = arith.constant 0 : index
          %swap3A_389 = tpu.vector_load %arg10[%swap3A_387, %swap3A_388] {strides = array<i32>} : memref<800x64xf32, #tpu.memory_space<vmem>>, vector<1x16xf32>,
          %swap3A_390 = vector.shape_cast %swap3A_389 : vector<1x16xf32> to vector<16xf32>
          %swap3A_391 = vector.shape_cast %mul3A_386 : vector<16xf32> to vector<1x16xf32>
          tpu.vector_store %arg10[%swap3A_387, %swap3A_388], %swap3A_391 {strides = array<i32>} : memref<800x64xf32, #tpu.memory_space<vmem>>, vector<1x16xf32>,
          %get3A_392 = arith.index_cast %add3A_377 : i32 to index
          %get3A_393 = arith.constant 16 : index
          %get3A_394 = tpu.vector_load %arg10[%get3A_392, %get3A_393] {strides = array<i32>} : memref<800x64xf32, #tpu.memory_space<vmem>>, vector<1x16xf32>,
          %get3A_395 = vector.shape_cast %get3A_394 : vector<1x16xf32> to vector<16xf32>
          %mul3A_396 = arith.mulf %get3A_395, %get3A_381 : vector<16xf32>
          %swap3A_397 = arith.index_cast %add3A_377 : i32 to index
          %swap3A_398 = arith.constant 16 : index
          %swap3A_399 = tpu.vector_load %arg10[%swap3A_397, %swap3A_398] {strides = array<i32>} : memref<800x64xf32, #tpu.memory_space<vmem>>, vector<1x16xf32>,
          %swap3A_400 = vector.shape_cast %swap3A_399 : vector<1x16xf32> to vector<16xf32>
          %swap3A_401 = vector.shape_cast %mul3A_396 : vector<16xf32> to vector<1x16xf32>
          tpu.vector_store %arg10[%swap3A_397, %swap3A_398], %swap3A_401 {strides = array<i32>} : memref<800x64xf32, #tpu.memory_space<vmem>>, vector<1x16xf32>,
          %get3A_402 = arith.index_cast %add3A_377 : i32 to index
          %get3A_403 = arith.constant 32 : index
          %get3A_404 = tpu.vector_load %arg10[%get3A_402, %get3A_403] {strides = array<i32>} : memref<800x64xf32, #tpu.memory_space<vmem>>, vector<1x16xf32>,
          %get3A_405 = vector.shape_cast %get3A_404 : vector<1x16xf32> to vector<16xf32>
          %mul3A_406 = arith.mulf %get3A_405, %get3A_381 : vector<16xf32>
          %swap3A_407 = arith.index_cast %add3A_377 : i32 to index
          %swap3A_408 = arith.constant 32 : index
          %swap3A_409 = tpu.vector_load %arg10[%swap3A_407, %swap3A_408] {strides = array<i32>} : memref<800x64xf32, #tpu.memory_space<vmem>>, vector<1x16xf32>,
          %swap3A_410 = vector.shape_cast %swap3A_409 : vector<1x16xf32> to vector<16xf32>
          %swap3A_411 = vector.shape_cast %mul3A_406 : vector<16xf32> to vector<1x16xf32>
          tpu.vector_store %arg10[%swap3A_407, %swap3A_408], %swap3A_411 {strides = array<i32>} : memref<800x64xf32, #tpu.memory_space<vmem>>, vector<1x16xf32>,
          %get3A_412 = arith.index_cast %add3A_377 : i32 to index
          %get3A_413 = arith.constant 48 : index
          %get3A_414 = tpu.vector_load %arg10[%get3A_412, %get3A_413] {strides = array<i32>} : memref<800x64xf32, #tpu.memory_space<vmem>>, vector<1x16xf32>,
          %get3A_415 = vector.shape_cast %get3A_414 : vector<1x16xf32> to vector<16xf32>
          %mul3A_416 = arith.mulf %get3A_415, %get3A_381 : vector<16xf32>
          %swap3A_417 = arith.index_cast %add3A_377 : i32 to index
          %swap3A_418 = arith.constant 48 : index
          %swap3A_419 = tpu.vector_load %arg10[%swap3A_417, %swap3A_418] {strides = array<i32>} : memref<800x64xf32, #tpu.memory_space<vmem>>, vector<1x16xf32>,
          %swap3A_420 = vector.shape_cast %swap3A_419 : vector<1x16xf32> to vector<16xf32>
          %swap3A_421 = vector.shape_cast %mul3A_416 : vector<16xf32> to vector<1x16xf32>
          tpu.vector_store %arg10[%swap3A_417, %swap3A_418], %swap3A_421 {strides = array<i32>} : memref<800x64xf32, #tpu.memory_space<vmem>>, vector<1x16xf32>,
          %mul3A_422 = arith.constant 8 : i32
          %mul3A_423 = arith.muli %scan3A_87, %mul3A_422 : i32
          %add3A_424 = arith.constant 7 : i32
          %add3A_425 = arith.addi %mul3A_423, %add3A_424 : i32
          %get3A_426 = arith.index_cast %add3A_425 : i32 to index
          %get3A_427 = arith.constant 0 : index
          %get3A_428 = tpu.vector_load %arg9[%get3A_426, %get3A_427] {strides = array<i32>} : memref<800x16xf32, #tpu.memory_space<vmem>>, vector<1x16xf32>,
          %get3A_429 = vector.shape_cast %get3A_428 : vector<1x16xf32> to vector<16xf32>
          %get3A_430 = arith.index_cast %add3A_425 : i32 to index
          %get3A_431 = arith.constant 0 : index
          %get3A_432 = tpu.vector_load %arg10[%get3A_430, %get3A_431] {strides = array<i32>} : memref<800x64xf32, #tpu.memory_space<vmem>>, vector<1x16xf32>,
          %get3A_433 = vector.shape_cast %get3A_432 : vector<1x16xf32> to vector<16xf32>
          %mul3A_434 = arith.mulf %get3A_433, %get3A_429 : vector<16xf32>
          %swap3A_435 = arith.index_cast %add3A_425 : i32 to index
          %swap3A_436 = arith.constant 0 : index
          %swap3A_437 = tpu.vector_load %arg10[%swap3A_435, %swap3A_436] {strides = array<i32>} : memref<800x64xf32, #tpu.memory_space<vmem>>, vector<1x16xf32>,
          %swap3A_438 = vector.shape_cast %swap3A_437 : vector<1x16xf32> to vector<16xf32>
          %swap3A_439 = vector.shape_cast %mul3A_434 : vector<16xf32> to vector<1x16xf32>
          tpu.vector_store %arg10[%swap3A_435, %swap3A_436], %swap3A_439 {strides = array<i32>} : memref<800x64xf32, #tpu.memory_space<vmem>>, vector<1x16xf32>,
          %get3A_440 = arith.index_cast %add3A_425 : i32 to index
          %get3A_441 = arith.constant 16 : index
          %get3A_442 = tpu.vector_load %arg10[%get3A_440, %get3A_441] {strides = array<i32>} : memref<800x64xf32, #tpu.memory_space<vmem>>, vector<1x16xf32>,
          %get3A_443 = vector.shape_cast %get3A_442 : vector<1x16xf32> to vector<16xf32>
          %mul3A_444 = arith.mulf %get3A_443, %get3A_429 : vector<16xf32>
          %swap3A_445 = arith.index_cast %add3A_425 : i32 to index
          %swap3A_446 = arith.constant 16 : index
          %swap3A_447 = tpu.vector_load %arg10[%swap3A_445, %swap3A_446] {strides = array<i32>} : memref<800x64xf32, #tpu.memory_space<vmem>>, vector<1x16xf32>,
          %swap3A_448 = vector.shape_cast %swap3A_447 : vector<1x16xf32> to vector<16xf32>
          %swap3A_449 = vector.shape_cast %mul3A_444 : vector<16xf32> to vector<1x16xf32>
          tpu.vector_store %arg10[%swap3A_445, %swap3A_446], %swap3A_449 {strides = array<i32>} : memref<800x64xf32, #tpu.memory_space<vmem>>, vector<1x16xf32>,
          %get3A_450 = arith.index_cast %add3A_425 : i32 to index
          %get3A_451 = arith.constant 32 : index
          %get3A_452 = tpu.vector_load %arg10[%get3A_450, %get3A_451] {strides = array<i32>} : memref<800x64xf32, #tpu.memory_space<vmem>>, vector<1x16xf32>,
          %get3A_453 = vector.shape_cast %get3A_452 : vector<1x16xf32> to vector<16xf32>
          %mul3A_454 = arith.mulf %get3A_453, %get3A_429 : vector<16xf32>
          %swap3A_455 = arith.index_cast %add3A_425 : i32 to index
          %swap3A_456 = arith.constant 32 : index
          %swap3A_457 = tpu.vector_load %arg10[%swap3A_455, %swap3A_456] {strides = array<i32>} : memref<800x64xf32, #tpu.memory_space<vmem>>, vector<1x16xf32>,
          %swap3A_458 = vector.shape_cast %swap3A_457 : vector<1x16xf32> to vector<16xf32>
          %swap3A_459 = vector.shape_cast %mul3A_454 : vector<16xf32> to vector<1x16xf32>
          tpu.vector_store %arg10[%swap3A_455, %swap3A_456], %swap3A_459 {strides = array<i32>} : memref<800x64xf32, #tpu.memory_space<vmem>>, vector<1x16xf32>,
          %get3A_460 = arith.index_cast %add3A_425 : i32 to index
          %get3A_461 = arith.constant 48 : index
          %get3A_462 = tpu.vector_load %arg10[%get3A_460, %get3A_461] {strides = array<i32>} : memref<800x64xf32, #tpu.memory_space<vmem>>, vector<1x16xf32>,
          %get3A_463 = vector.shape_cast %get3A_462 : vector<1x16xf32> to vector<16xf32>
          %mul3A_464 = arith.mulf %get3A_463, %get3A_429 : vector<16xf32>
          %swap3A_465 = arith.index_cast %add3A_425 : i32 to index
          %swap3A_466 = arith.constant 48 : index
          %swap3A_467 = tpu.vector_load %arg10[%swap3A_465, %swap3A_466] {strides = array<i32>} : memref<800x64xf32, #tpu.memory_space<vmem>>, vector<1x16xf32>,
          %swap3A_468 = vector.shape_cast %swap3A_467 : vector<1x16xf32> to vector<16xf32>
          %swap3A_469 = vector.shape_cast %mul3A_464 : vector<16xf32> to vector<1x16xf32>
          tpu.vector_store %arg10[%swap3A_465, %swap3A_466], %swap3A_469 {strides = array<i32>} : memref<800x64xf32, #tpu.memory_space<vmem>>, vector<1x16xf32>,
        }
        %scan3A_86 = arith.constant 100 : i32
        "tpu.region"() ({
          %run_scoped3A = tpu.sem_alloc : memref<!tpu.dma_semaphore, #tpu.memory_space<semaphore_mem>>
          %dma_start3A_87 = arith.constant 0 : i32
          %dma_start3A_88 = arith.constant 0 : i32
          %dma_start3A_89 = tpu.memref_slice %arg11[%dma_start3A_87, %dma_start3A_88] : memref<10000x64xf32, #tpu.memory_space<vmem_shared>> -> memref<10000x64xf32, #tpu.memory_space<vmem_shared>>
          tpu.enqueue_indirect_dma source(%arg10 : memref<800x64xf32, #tpu.memory_space<vmem>>) target(%dma_start3A_89 : memref<10000x64xf32, #tpu.memory_space<vmem_shared>>) offsets(%arg8 : memref<800xi32, #tpu.memory_space<vmem>>) semaphore(%run_scoped3A : memref<!tpu.dma_semaphore, #tpu.memory_space<semaphore_mem>>) {add = true}
          %dma_wait3A_90 = arith.constant 0 : i32
          %dma_wait3A_91 = arith.constant 0 : i32
          %dma_wait3A_92 = tpu.memref_slice %arg11[%dma_wait3A_90, %dma_wait3A_91] : memref<10000x64xf32, #tpu.memory_space<vmem_shared>> -> memref<10000x64xf32, #tpu.memory_space<vmem_shared>>
          tpu.wait_indirect_dma semaphore(%run_scoped3A : memref<!tpu.dma_semaphore, #tpu.memory_space<semaphore_mem>>) src(%arg10 : memref<800x64xf32, #tpu.memory_space<vmem>>) dst(%dma_wait3A_92 : memref<10000x64xf32, #tpu.memory_space<vmem_shared>>)
          tpu.yield
        }) : () -> ()
      } else {
      }
    }
    %scan3A_36 = arith.constant 13 : i32
    %barrier3A_37 = arith.constant 0 : index
    tpu.barrier barrier_id(%barrier3A_37)
    %add3A_38 = arith.constant 0 : i32
    %add3A_39 = arith.addi %add3A_38, %arg1 : i32
    %lt3A_40 = arith.constant 50 : i32
    %lt3A_41 = arith.cmpi slt, %add3A_39, %lt3A_40 : i32
    %convert_element_type3A_42 = arith.extui %lt3A_41 : i1 to i32
    %cond3A_43 = arith.constant 0 : i32
    %cond3A_44 = arith.cmpi ne, %convert_element_type3A_42, %cond3A_43 : i32
    scf.if %cond3A_44 {
      %mul3A_66 = arith.constant 200 : i32
      %mul3A_67 = arith.muli %add3A_39, %mul3A_66 : i32
      %multiple_of3A = tpu.assume_multiple %mul3A_67, 200 : i32
      "tpu.region"() ({
        %run_scoped3A = tpu.sem_alloc : memref<!tpu.dma_semaphore, #tpu.memory_space<semaphore_mem>>
        %dma_start3A = arith.constant 0 : i32
        %dma_start3A_68 = tpu.memref_slice %arg6[%arg0, %multiple_of3A, %dma_start3A] : memref<2x10000x64xf32, #tpu.memory_space<hbm>> -> memref<1x200x64xf32, #tpu.memory_space<hbm>>
        %dma_start3A_69 = tpu.memref_squeeze %dma_start3A_68 : memref<1x200x64xf32, #tpu.memory_space<hbm>> -> memref<200x64xf32, #tpu.memory_space<hbm>>
        %dma_start3A_70 = arith.constant 0 : i32
        %dma_start3A_71 = tpu.memref_slice %arg11[%multiple_of3A, %dma_start3A_70] : memref<10000x64xf32, #tpu.memory_space<vmem_shared>> -> memref<200x64xf32, #tpu.memory_space<vmem_shared>>
        tpu.enqueue_dma source(%dma_start3A_71 : memref<200x64xf32, #tpu.memory_space<vmem_shared>>) target(%dma_start3A_69 : memref<200x64xf32, #tpu.memory_space<hbm>>) target_semaphore(%run_scoped3A : memref<!tpu.dma_semaphore, #tpu.memory_space<semaphore_mem>>)
        %dma_wait3A = arith.constant 0 : i32
        %dma_wait3A_72 = tpu.memref_slice %arg6[%arg0, %multiple_of3A, %dma_wait3A] : memref<2x10000x64xf32, #tpu.memory_space<hbm>> -> memref<1x200x64xf32, #tpu.memory_space<hbm>>
        %dma_wait3A_73 = tpu.memref_squeeze %dma_wait3A_72 : memref<1x200x64xf32, #tpu.memory_space<hbm>> -> memref<200x64xf32, #tpu.memory_space<hbm>>
        %dma_wait3A_74 = arith.constant 0 : i32
        %dma_wait3A_75 = tpu.memref_slice %arg11[%multiple_of3A, %dma_wait3A_74] : memref<10000x64xf32, #tpu.memory_space<vmem_shared>> -> memref<200x64xf32, #tpu.memory_space<vmem_shared>>
        tpu.wait_dma2 semaphore(%run_scoped3A : memref<!tpu.dma_semaphore, #tpu.memory_space<semaphore_mem>>) src(%dma_wait3A_75 : memref<200x64xf32, #tpu.memory_space<vmem_shared>>) dst(%dma_wait3A_73 : memref<200x64xf32, #tpu.memory_space<hbm>>)
        tpu.yield
      }) : () -> ()
    } else {
    }
    %add3A_45 = arith.constant 16 : i32
    %add3A_46 = arith.addi %add3A_45, %arg1 : i32
    %lt3A_47 = arith.constant 50 : i32
    %lt3A_48 = arith.cmpi slt, %add3A_46, %lt3A_47 : i32
    %convert_element_type3A_49 = arith.extui %lt3A_48 : i1 to i32
    %cond3A_50 = arith.constant 0 : i32
    %cond3A_51 = arith.cmpi ne, %convert_element_type3A_49, %cond3A_50 : i32
    scf.if %cond3A_51 {
      %mul3A_66 = arith.constant 200 : i32
      %mul3A_67 = arith.muli %add3A_46, %mul3A_66 : i32
      %multiple_of3A = tpu.assume_multiple %mul3A_67, 200 : i32
      "tpu.region"() ({
        %run_scoped3A = tpu.sem_alloc : memref<!tpu.dma_semaphore, #tpu.memory_space<semaphore_mem>>
        %dma_start3A = arith.constant 0 : i32
        %dma_start3A_68 = tpu.memref_slice %arg6[%arg0, %multiple_of3A, %dma_start3A] : memref<2x10000x64xf32, #tpu.memory_space<hbm>> -> memref<1x200x64xf32, #tpu.memory_space<hbm>>
        %dma_start3A_69 = tpu.memref_squeeze %dma_start3A_68 : memref<1x200x64xf32, #tpu.memory_space<hbm>> -> memref<200x64xf32, #tpu.memory_space<hbm>>
        %dma_start3A_70 = arith.constant 0 : i32
        %dma_start3A_71 = tpu.memref_slice %arg11[%multiple_of3A, %dma_start3A_70] : memref<10000x64xf32, #tpu.memory_space<vmem_shared>> -> memref<200x64xf32, #tpu.memory_space<vmem_shared>>
        tpu.enqueue_dma source(%dma_start3A_71 : memref<200x64xf32, #tpu.memory_space<vmem_shared>>) target(%dma_start3A_69 : memref<200x64xf32, #tpu.memory_space<hbm>>) target_semaphore(%run_scoped3A : memref<!tpu.dma_semaphore, #tpu.memory_space<semaphore_mem>>)
        %dma_wait3A = arith.constant 0 : i32
        %dma_wait3A_72 = tpu.memref_slice %arg6[%arg0, %multiple_of3A, %dma_wait3A] : memref<2x10000x64xf32, #tpu.memory_space<hbm>> -> memref<1x200x64xf32, #tpu.memory_space<hbm>>
        %dma_wait3A_73 = tpu.memref_squeeze %dma_wait3A_72 : memref<1x200x64xf32, #tpu.memory_space<hbm>> -> memref<200x64xf32, #tpu.memory_space<hbm>>
        %dma_wait3A_74 = arith.constant 0 : i32
        %dma_wait3A_75 = tpu.memref_slice %arg11[%multiple_of3A, %dma_wait3A_74] : memref<10000x64xf32, #tpu.memory_space<vmem_shared>> -> memref<200x64xf32, #tpu.memory_space<vmem_shared>>
        tpu.wait_dma2 semaphore(%run_scoped3A : memref<!tpu.dma_semaphore, #tpu.memory_space<semaphore_mem>>) src(%dma_wait3A_75 : memref<200x64xf32, #tpu.memory_space<vmem_shared>>) dst(%dma_wait3A_73 : memref<200x64xf32, #tpu.memory_space<hbm>>)
        tpu.yield
      }) : () -> ()
    } else {
    }
    %add3A_52 = arith.constant 32 : i32
    %add3A_53 = arith.addi %add3A_52, %arg1 : i32
    %lt3A_54 = arith.constant 50 : i32
    %lt3A_55 = arith.cmpi slt, %add3A_53, %lt3A_54 : i32
    %convert_element_type3A_56 = arith.extui %lt3A_55 : i1 to i32
    %cond3A_57 = arith.constant 0 : i32
    %cond3A_58 = arith.cmpi ne, %convert_element_type3A_56, %cond3A_57 : i32
    scf.if %cond3A_58 {
      %mul3A_66 = arith.constant 200 : i32
      %mul3A_67 = arith.muli %add3A_53, %mul3A_66 : i32
      %multiple_of3A = tpu.assume_multiple %mul3A_67, 200 : i32
      "tpu.region"() ({
        %run_scoped3A = tpu.sem_alloc : memref<!tpu.dma_semaphore, #tpu.memory_space<semaphore_mem>>
        %dma_start3A = arith.constant 0 : i32
        %dma_start3A_68 = tpu.memref_slice %arg6[%arg0, %multiple_of3A, %dma_start3A] : memref<2x10000x64xf32, #tpu.memory_space<hbm>> -> memref<1x200x64xf32, #tpu.memory_space<hbm>>
        %dma_start3A_69 = tpu.memref_squeeze %dma_start3A_68 : memref<1x200x64xf32, #tpu.memory_space<hbm>> -> memref<200x64xf32, #tpu.memory_space<hbm>>
        %dma_start3A_70 = arith.constant 0 : i32
        %dma_start3A_71 = tpu.memref_slice %arg11[%multiple_of3A, %dma_start3A_70] : memref<10000x64xf32, #tpu.memory_space<vmem_shared>> -> memref<200x64xf32, #tpu.memory_space<vmem_shared>>
        tpu.enqueue_dma source(%dma_start3A_71 : memref<200x64xf32, #tpu.memory_space<vmem_shared>>) target(%dma_start3A_69 : memref<200x64xf32, #tpu.memory_space<hbm>>) target_semaphore(%run_scoped3A : memref<!tpu.dma_semaphore, #tpu.memory_space<semaphore_mem>>)
        %dma_wait3A = arith.constant 0 : i32
        %dma_wait3A_72 = tpu.memref_slice %arg6[%arg0, %multiple_of3A, %dma_wait3A] : memref<2x10000x64xf32, #tpu.memory_space<hbm>> -> memref<1x200x64xf32, #tpu.memory_space<hbm>>
        %dma_wait3A_73 = tpu.memref_squeeze %dma_wait3A_72 : memref<1x200x64xf32, #tpu.memory_space<hbm>> -> memref<200x64xf32, #tpu.memory_space<hbm>>
        %dma_wait3A_74 = arith.constant 0 : i32
        %dma_wait3A_75 = tpu.memref_slice %arg11[%multiple_of3A, %dma_wait3A_74] : memref<10000x64xf32, #tpu.memory_space<vmem_shared>> -> memref<200x64xf32, #tpu.memory_space<vmem_shared>>
        tpu.wait_dma2 semaphore(%run_scoped3A : memref<!tpu.dma_semaphore, #tpu.memory_space<semaphore_mem>>) src(%dma_wait3A_75 : memref<200x64xf32, #tpu.memory_space<vmem_shared>>) dst(%dma_wait3A_73 : memref<200x64xf32, #tpu.memory_space<hbm>>)
        tpu.yield
      }) : () -> ()
    } else {
    }
    %add3A_59 = arith.constant 48 : i32
    %add3A_60 = arith.addi %add3A_59, %arg1 : i32
    %lt3A_61 = arith.constant 50 : i32
    %lt3A_62 = arith.cmpi slt, %add3A_60, %lt3A_61 : i32
    %convert_element_type3A_63 = arith.extui %lt3A_62 : i1 to i32
    %cond3A_64 = arith.constant 0 : i32
    %cond3A_65 = arith.cmpi ne, %convert_element_type3A_63, %cond3A_64 : i32
    scf.if %cond3A_65 {
      %mul3A_66 = arith.constant 200 : i32
      %mul3A_67 = arith.muli %add3A_60, %mul3A_66 : i32
      %multiple_of3A = tpu.assume_multiple %mul3A_67, 200 : i32
      "tpu.region"() ({
        %run_scoped3A = tpu.sem_alloc : memref<!tpu.dma_semaphore, #tpu.memory_space<semaphore_mem>>
        %dma_start3A = arith.constant 0 : i32
        %dma_start3A_68 = tpu.memref_slice %arg6[%arg0, %multiple_of3A, %dma_start3A] : memref<2x10000x64xf32, #tpu.memory_space<hbm>> -> memref<1x200x64xf32, #tpu.memory_space<hbm>>
        %dma_start3A_69 = tpu.memref_squeeze %dma_start3A_68 : memref<1x200x64xf32, #tpu.memory_space<hbm>> -> memref<200x64xf32, #tpu.memory_space<hbm>>
        %dma_start3A_70 = arith.constant 0 : i32
        %dma_start3A_71 = tpu.memref_slice %arg11[%multiple_of3A, %dma_start3A_70] : memref<10000x64xf32, #tpu.memory_space<vmem_shared>> -> memref<200x64xf32, #tpu.memory_space<vmem_shared>>
        tpu.enqueue_dma source(%dma_start3A_71 : memref<200x64xf32, #tpu.memory_space<vmem_shared>>) target(%dma_start3A_69 : memref<200x64xf32, #tpu.memory_space<hbm>>) target_semaphore(%run_scoped3A : memref<!tpu.dma_semaphore, #tpu.memory_space<semaphore_mem>>)
        %dma_wait3A = arith.constant 0 : i32
        %dma_wait3A_72 = tpu.memref_slice %arg6[%arg0, %multiple_of3A, %dma_wait3A] : memref<2x10000x64xf32, #tpu.memory_space<hbm>> -> memref<1x200x64xf32, #tpu.memory_space<hbm>>
        %dma_wait3A_73 = tpu.memref_squeeze %dma_wait3A_72 : memref<1x200x64xf32, #tpu.memory_space<hbm>> -> memref<200x64xf32, #tpu.memory_space<hbm>>
        %dma_wait3A_74 = arith.constant 0 : i32
        %dma_wait3A_75 = tpu.memref_slice %arg11[%multiple_of3A, %dma_wait3A_74] : memref<10000x64xf32, #tpu.memory_space<vmem_shared>> -> memref<200x64xf32, #tpu.memory_space<vmem_shared>>
        tpu.wait_dma2 semaphore(%run_scoped3A : memref<!tpu.dma_semaphore, #tpu.memory_space<semaphore_mem>>) src(%dma_wait3A_75 : memref<200x64xf32, #tpu.memory_space<vmem_shared>>) dst(%dma_wait3A_73 : memref<200x64xf32, #tpu.memory_space<hbm>>)
        tpu.yield
      }) : () -> ()
    } else {
    }
    return
  }
}

#map = affine_map<(d0, d1) -> (0, 0)>
#map1 = affine_map<(d0, d1) -> (0)>
#map2 = affine_map<(d0, d1) -> (0, 0, 0)>
module attributes {stable_mosaic.version = 14 : i64} {
  func.func @agg(%arg0: i32, %arg1: i32, %arg2: memref<10000x32xf32, #tpu.memory_space<hbm>>, %arg3: memref<320000xi32, #tpu.memory_space<hbm>>, %arg4: memref<320000xi32, #tpu.memory_space<hbm>>, %arg5: memref<320000x16xf32, #tpu.memory_space<hbm>>, %arg6: memref<2x10000x32xf32, #tpu.memory_space<hbm>>, %arg7: memref<800xi32, #tpu.memory_space<vmem>>, %arg8: memref<800xi32, #tpu.memory_space<vmem>>, %arg9: memref<800x16xf32, #tpu.memory_space<vmem>>, %arg10: memref<800x32xf32, #tpu.memory_space<vmem>>, %arg11: memref<10000x32xf32, #tpu.memory_space<vmem_shared>>, %arg12: memref<!tpu.dma_semaphore, #tpu.memory_space<semaphore_mem>>) attributes {dimension_semantics = [#tpu.dimension_semantics<core_parallel>, #tpu.dimension_semantics<subcore_parallel>], iteration_bounds = array<i64: 2, 16>, scalar_prefetch = 0 : i64, scratch_operands = 6 : i64, tpu.core_type = #tpu.core_type<sc_vector_subcore>, window_params = [{transform_indices = #map}, {transform_indices = #map1}, {transform_indices = #map1}, {transform_indices = #map}, {transform_indices = #map2}]} {
    %mul3A = arith.constant 2 : i32
    %mul3A_0 = arith.muli %arg1, %mul3A : i32
    %add3A = arith.addi %mul3A_0, %arg0 : i32
    %scan3A = arith.constant 0 : i32
    %scan3A_1 = arith.constant 0 : i32
    %scan3A_2 = arith.constant 200 : i32
    %scan3A_3 = arith.addi %scan3A_1, %scan3A_2 : i32
    %scan3A_4 = arith.constant 1 : i32
    scf.for %scan3A_66 = %scan3A_1 to %scan3A_3 step %scan3A_4  : i32 {
      %broadcast_in_dim3A = arith.constant 0.000000e+00 : f32
      %broadcast_in_dim3A_67 = vector.broadcast %broadcast_in_dim3A : f32 to vector<16xf32>
      %swap3A = arith.index_cast %scan3A_66 : i32 to index
      %swap3A_68 = arith.constant 0 : index
      %swap3A_69 = tpu.vector_load %arg10[%swap3A, %swap3A_68] {strides = array<i32>} : memref<800x32xf32, #tpu.memory_space<vmem>>, vector<1x16xf32>,
      %swap3A_70 = vector.shape_cast %swap3A_69 : vector<1x16xf32> to vector<16xf32>
      %swap3A_71 = vector.shape_cast %broadcast_in_dim3A_67 : vector<16xf32> to vector<1x16xf32>
      tpu.vector_store %arg10[%swap3A, %swap3A_68], %swap3A_71 {strides = array<i32>} : memref<800x32xf32, #tpu.memory_space<vmem>>, vector<1x16xf32>,
      %broadcast_in_dim3A_72 = arith.constant 0.000000e+00 : f32
      %broadcast_in_dim3A_73 = vector.broadcast %broadcast_in_dim3A_72 : f32 to vector<16xf32>
      %swap3A_74 = arith.index_cast %scan3A_66 : i32 to index
      %swap3A_75 = arith.constant 16 : index
      %swap3A_76 = tpu.vector_load %arg10[%swap3A_74, %swap3A_75] {strides = array<i32>} : memref<800x32xf32, #tpu.memory_space<vmem>>, vector<1x16xf32>,
      %swap3A_77 = vector.shape_cast %swap3A_76 : vector<1x16xf32> to vector<16xf32>
      %swap3A_78 = vector.shape_cast %broadcast_in_dim3A_73 : vector<16xf32> to vector<1x16xf32>
      tpu.vector_store %arg10[%swap3A_74, %swap3A_75], %swap3A_78 {strides = array<i32>} : memref<800x32xf32, #tpu.memory_space<vmem>>, vector<1x16xf32>,
    }
    %scan3A_5 = arith.constant 200 : i32
    %add3A_6 = arith.constant 0 : i32
    %add3A_7 = arith.addi %add3A_6, %arg1 : i32
    %lt3A = arith.constant 50 : i32
    %lt3A_8 = arith.cmpi slt, %add3A_7, %lt3A : i32
    %convert_element_type3A = arith.extui %lt3A_8 : i1 to i32
    %cond3A = arith.constant 0 : i32
    %cond3A_9 = arith.cmpi ne, %convert_element_type3A, %cond3A : i32
    scf.if %cond3A_9 {
      %mul3A_66 = arith.constant 200 : i32
      %mul3A_67 = arith.muli %add3A_7, %mul3A_66 : i32
      %multiple_of3A = tpu.assume_multiple %mul3A_67, 200 : i32
      "tpu.region"() ({
        %run_scoped3A = tpu.sem_alloc : memref<!tpu.dma_semaphore, #tpu.memory_space<semaphore_mem>>
        %dma_start3A = arith.constant 0 : i32
        %dma_start3A_68 = arith.constant 0 : i32
        %dma_start3A_69 = tpu.memref_slice %arg10[%dma_start3A, %dma_start3A_68] : memref<800x32xf32, #tpu.memory_space<vmem>> -> memref<200x32xf32, #tpu.memory_space<vmem>>
        %dma_start3A_70 = arith.constant 0 : i32
        %dma_start3A_71 = tpu.memref_slice %arg11[%multiple_of3A, %dma_start3A_70] : memref<10000x32xf32, #tpu.memory_space<vmem_shared>> -> memref<200x32xf32, #tpu.memory_space<vmem_shared>>
        %dma_start3A_72 = arith.constant 0 : i32
        %dma_start3A_73 = tpu.memref_slice %arg11[%multiple_of3A, %dma_start3A_72] : memref<10000x32xf32, #tpu.memory_space<vmem_shared>> -> memref<200x32xf32, #tpu.memory_space<vmem_shared>>
        %dma_start3A_74 = arith.constant 0 : i32
        %dma_start3A_75 = arith.constant 0 : i32
        %dma_start3A_76 = tpu.memref_slice %arg10[%dma_start3A_74, %dma_start3A_75] : memref<800x32xf32, #tpu.memory_space<vmem>> -> memref<200x32xf32, #tpu.memory_space<vmem>>
        tpu.enqueue_dma source(%dma_start3A_76 : memref<200x32xf32, #tpu.memory_space<vmem>>) target(%dma_start3A_73 : memref<200x32xf32, #tpu.memory_space<vmem_shared>>) target_semaphore(%run_scoped3A : memref<!tpu.dma_semaphore, #tpu.memory_space<semaphore_mem>>)
        %dma_wait3A = arith.constant 0 : i32
        %dma_wait3A_77 = arith.constant 0 : i32
        %dma_wait3A_78 = tpu.memref_slice %arg10[%dma_wait3A, %dma_wait3A_77] : memref<800x32xf32, #tpu.memory_space<vmem>> -> memref<200x32xf32, #tpu.memory_space<vmem>>
        %dma_wait3A_79 = arith.constant 0 : i32
        %dma_wait3A_80 = tpu.memref_slice %arg11[%multiple_of3A, %dma_wait3A_79] : memref<10000x32xf32, #tpu.memory_space<vmem_shared>> -> memref<200x32xf32, #tpu.memory_space<vmem_shared>>
        %dma_wait3A_81 = arith.constant 0 : i32
        %dma_wait3A_82 = tpu.memref_slice %arg11[%multiple_of3A, %dma_wait3A_81] : memref<10000x32xf32, #tpu.memory_space<vmem_shared>> -> memref<200x32xf32, #tpu.memory_space<vmem_shared>>
        %dma_wait3A_83 = arith.constant 0 : i32
        %dma_wait3A_84 = arith.constant 0 : i32
        %dma_wait3A_85 = tpu.memref_slice %arg10[%dma_wait3A_83, %dma_wait3A_84] : memref<800x32xf32, #tpu.memory_space<vmem>> -> memref<200x32xf32, #tpu.memory_space<vmem>>
        tpu.wait_dma2 semaphore(%run_scoped3A : memref<!tpu.dma_semaphore, #tpu.memory_space<semaphore_mem>>) src(%dma_wait3A_85 : memref<200x32xf32, #tpu.memory_space<vmem>>) dst(%dma_wait3A_82 : memref<200x32xf32, #tpu.memory_space<vmem_shared>>)
        tpu.yield
      }) : () -> ()
    } else {
    }
    %add3A_10 = arith.constant 16 : i32
    %add3A_11 = arith.addi %add3A_10, %arg1 : i32
    %lt3A_12 = arith.constant 50 : i32
    %lt3A_13 = arith.cmpi slt, %add3A_11, %lt3A_12 : i32
    %convert_element_type3A_14 = arith.extui %lt3A_13 : i1 to i32
    %cond3A_15 = arith.constant 0 : i32
    %cond3A_16 = arith.cmpi ne, %convert_element_type3A_14, %cond3A_15 : i32
    scf.if %cond3A_16 {
      %mul3A_66 = arith.constant 200 : i32
      %mul3A_67 = arith.muli %add3A_11, %mul3A_66 : i32
      %multiple_of3A = tpu.assume_multiple %mul3A_67, 200 : i32
      "tpu.region"() ({
        %run_scoped3A = tpu.sem_alloc : memref<!tpu.dma_semaphore, #tpu.memory_space<semaphore_mem>>
        %dma_start3A = arith.constant 0 : i32
        %dma_start3A_68 = arith.constant 0 : i32
        %dma_start3A_69 = tpu.memref_slice %arg10[%dma_start3A, %dma_start3A_68] : memref<800x32xf32, #tpu.memory_space<vmem>> -> memref<200x32xf32, #tpu.memory_space<vmem>>
        %dma_start3A_70 = arith.constant 0 : i32
        %dma_start3A_71 = tpu.memref_slice %arg11[%multiple_of3A, %dma_start3A_70] : memref<10000x32xf32, #tpu.memory_space<vmem_shared>> -> memref<200x32xf32, #tpu.memory_space<vmem_shared>>
        %dma_start3A_72 = arith.constant 0 : i32
        %dma_start3A_73 = tpu.memref_slice %arg11[%multiple_of3A, %dma_start3A_72] : memref<10000x32xf32, #tpu.memory_space<vmem_shared>> -> memref<200x32xf32, #tpu.memory_space<vmem_shared>>
        %dma_start3A_74 = arith.constant 0 : i32
        %dma_start3A_75 = arith.constant 0 : i32
        %dma_start3A_76 = tpu.memref_slice %arg10[%dma_start3A_74, %dma_start3A_75] : memref<800x32xf32, #tpu.memory_space<vmem>> -> memref<200x32xf32, #tpu.memory_space<vmem>>
        tpu.enqueue_dma source(%dma_start3A_76 : memref<200x32xf32, #tpu.memory_space<vmem>>) target(%dma_start3A_73 : memref<200x32xf32, #tpu.memory_space<vmem_shared>>) target_semaphore(%run_scoped3A : memref<!tpu.dma_semaphore, #tpu.memory_space<semaphore_mem>>)
        %dma_wait3A = arith.constant 0 : i32
        %dma_wait3A_77 = arith.constant 0 : i32
        %dma_wait3A_78 = tpu.memref_slice %arg10[%dma_wait3A, %dma_wait3A_77] : memref<800x32xf32, #tpu.memory_space<vmem>> -> memref<200x32xf32, #tpu.memory_space<vmem>>
        %dma_wait3A_79 = arith.constant 0 : i32
        %dma_wait3A_80 = tpu.memref_slice %arg11[%multiple_of3A, %dma_wait3A_79] : memref<10000x32xf32, #tpu.memory_space<vmem_shared>> -> memref<200x32xf32, #tpu.memory_space<vmem_shared>>
        %dma_wait3A_81 = arith.constant 0 : i32
        %dma_wait3A_82 = tpu.memref_slice %arg11[%multiple_of3A, %dma_wait3A_81] : memref<10000x32xf32, #tpu.memory_space<vmem_shared>> -> memref<200x32xf32, #tpu.memory_space<vmem_shared>>
        %dma_wait3A_83 = arith.constant 0 : i32
        %dma_wait3A_84 = arith.constant 0 : i32
        %dma_wait3A_85 = tpu.memref_slice %arg10[%dma_wait3A_83, %dma_wait3A_84] : memref<800x32xf32, #tpu.memory_space<vmem>> -> memref<200x32xf32, #tpu.memory_space<vmem>>
        tpu.wait_dma2 semaphore(%run_scoped3A : memref<!tpu.dma_semaphore, #tpu.memory_space<semaphore_mem>>) src(%dma_wait3A_85 : memref<200x32xf32, #tpu.memory_space<vmem>>) dst(%dma_wait3A_82 : memref<200x32xf32, #tpu.memory_space<vmem_shared>>)
        tpu.yield
      }) : () -> ()
    } else {
    }
    %add3A_17 = arith.constant 32 : i32
    %add3A_18 = arith.addi %add3A_17, %arg1 : i32
    %lt3A_19 = arith.constant 50 : i32
    %lt3A_20 = arith.cmpi slt, %add3A_18, %lt3A_19 : i32
    %convert_element_type3A_21 = arith.extui %lt3A_20 : i1 to i32
    %cond3A_22 = arith.constant 0 : i32
    %cond3A_23 = arith.cmpi ne, %convert_element_type3A_21, %cond3A_22 : i32
    scf.if %cond3A_23 {
      %mul3A_66 = arith.constant 200 : i32
      %mul3A_67 = arith.muli %add3A_18, %mul3A_66 : i32
      %multiple_of3A = tpu.assume_multiple %mul3A_67, 200 : i32
      "tpu.region"() ({
        %run_scoped3A = tpu.sem_alloc : memref<!tpu.dma_semaphore, #tpu.memory_space<semaphore_mem>>
        %dma_start3A = arith.constant 0 : i32
        %dma_start3A_68 = arith.constant 0 : i32
        %dma_start3A_69 = tpu.memref_slice %arg10[%dma_start3A, %dma_start3A_68] : memref<800x32xf32, #tpu.memory_space<vmem>> -> memref<200x32xf32, #tpu.memory_space<vmem>>
        %dma_start3A_70 = arith.constant 0 : i32
        %dma_start3A_71 = tpu.memref_slice %arg11[%multiple_of3A, %dma_start3A_70] : memref<10000x32xf32, #tpu.memory_space<vmem_shared>> -> memref<200x32xf32, #tpu.memory_space<vmem_shared>>
        %dma_start3A_72 = arith.constant 0 : i32
        %dma_start3A_73 = tpu.memref_slice %arg11[%multiple_of3A, %dma_start3A_72] : memref<10000x32xf32, #tpu.memory_space<vmem_shared>> -> memref<200x32xf32, #tpu.memory_space<vmem_shared>>
        %dma_start3A_74 = arith.constant 0 : i32
        %dma_start3A_75 = arith.constant 0 : i32
        %dma_start3A_76 = tpu.memref_slice %arg10[%dma_start3A_74, %dma_start3A_75] : memref<800x32xf32, #tpu.memory_space<vmem>> -> memref<200x32xf32, #tpu.memory_space<vmem>>
        tpu.enqueue_dma source(%dma_start3A_76 : memref<200x32xf32, #tpu.memory_space<vmem>>) target(%dma_start3A_73 : memref<200x32xf32, #tpu.memory_space<vmem_shared>>) target_semaphore(%run_scoped3A : memref<!tpu.dma_semaphore, #tpu.memory_space<semaphore_mem>>)
        %dma_wait3A = arith.constant 0 : i32
        %dma_wait3A_77 = arith.constant 0 : i32
        %dma_wait3A_78 = tpu.memref_slice %arg10[%dma_wait3A, %dma_wait3A_77] : memref<800x32xf32, #tpu.memory_space<vmem>> -> memref<200x32xf32, #tpu.memory_space<vmem>>
        %dma_wait3A_79 = arith.constant 0 : i32
        %dma_wait3A_80 = tpu.memref_slice %arg11[%multiple_of3A, %dma_wait3A_79] : memref<10000x32xf32, #tpu.memory_space<vmem_shared>> -> memref<200x32xf32, #tpu.memory_space<vmem_shared>>
        %dma_wait3A_81 = arith.constant 0 : i32
        %dma_wait3A_82 = tpu.memref_slice %arg11[%multiple_of3A, %dma_wait3A_81] : memref<10000x32xf32, #tpu.memory_space<vmem_shared>> -> memref<200x32xf32, #tpu.memory_space<vmem_shared>>
        %dma_wait3A_83 = arith.constant 0 : i32
        %dma_wait3A_84 = arith.constant 0 : i32
        %dma_wait3A_85 = tpu.memref_slice %arg10[%dma_wait3A_83, %dma_wait3A_84] : memref<800x32xf32, #tpu.memory_space<vmem>> -> memref<200x32xf32, #tpu.memory_space<vmem>>
        tpu.wait_dma2 semaphore(%run_scoped3A : memref<!tpu.dma_semaphore, #tpu.memory_space<semaphore_mem>>) src(%dma_wait3A_85 : memref<200x32xf32, #tpu.memory_space<vmem>>) dst(%dma_wait3A_82 : memref<200x32xf32, #tpu.memory_space<vmem_shared>>)
        tpu.yield
      }) : () -> ()
    } else {
    }
    %add3A_24 = arith.constant 48 : i32
    %add3A_25 = arith.addi %add3A_24, %arg1 : i32
    %lt3A_26 = arith.constant 50 : i32
    %lt3A_27 = arith.cmpi slt, %add3A_25, %lt3A_26 : i32
    %convert_element_type3A_28 = arith.extui %lt3A_27 : i1 to i32
    %cond3A_29 = arith.constant 0 : i32
    %cond3A_30 = arith.cmpi ne, %convert_element_type3A_28, %cond3A_29 : i32
    scf.if %cond3A_30 {
      %mul3A_66 = arith.constant 200 : i32
      %mul3A_67 = arith.muli %add3A_25, %mul3A_66 : i32
      %multiple_of3A = tpu.assume_multiple %mul3A_67, 200 : i32
      "tpu.region"() ({
        %run_scoped3A = tpu.sem_alloc : memref<!tpu.dma_semaphore, #tpu.memory_space<semaphore_mem>>
        %dma_start3A = arith.constant 0 : i32
        %dma_start3A_68 = arith.constant 0 : i32
        %dma_start3A_69 = tpu.memref_slice %arg10[%dma_start3A, %dma_start3A_68] : memref<800x32xf32, #tpu.memory_space<vmem>> -> memref<200x32xf32, #tpu.memory_space<vmem>>
        %dma_start3A_70 = arith.constant 0 : i32
        %dma_start3A_71 = tpu.memref_slice %arg11[%multiple_of3A, %dma_start3A_70] : memref<10000x32xf32, #tpu.memory_space<vmem_shared>> -> memref<200x32xf32, #tpu.memory_space<vmem_shared>>
        %dma_start3A_72 = arith.constant 0 : i32
        %dma_start3A_73 = tpu.memref_slice %arg11[%multiple_of3A, %dma_start3A_72] : memref<10000x32xf32, #tpu.memory_space<vmem_shared>> -> memref<200x32xf32, #tpu.memory_space<vmem_shared>>
        %dma_start3A_74 = arith.constant 0 : i32
        %dma_start3A_75 = arith.constant 0 : i32
        %dma_start3A_76 = tpu.memref_slice %arg10[%dma_start3A_74, %dma_start3A_75] : memref<800x32xf32, #tpu.memory_space<vmem>> -> memref<200x32xf32, #tpu.memory_space<vmem>>
        tpu.enqueue_dma source(%dma_start3A_76 : memref<200x32xf32, #tpu.memory_space<vmem>>) target(%dma_start3A_73 : memref<200x32xf32, #tpu.memory_space<vmem_shared>>) target_semaphore(%run_scoped3A : memref<!tpu.dma_semaphore, #tpu.memory_space<semaphore_mem>>)
        %dma_wait3A = arith.constant 0 : i32
        %dma_wait3A_77 = arith.constant 0 : i32
        %dma_wait3A_78 = tpu.memref_slice %arg10[%dma_wait3A, %dma_wait3A_77] : memref<800x32xf32, #tpu.memory_space<vmem>> -> memref<200x32xf32, #tpu.memory_space<vmem>>
        %dma_wait3A_79 = arith.constant 0 : i32
        %dma_wait3A_80 = tpu.memref_slice %arg11[%multiple_of3A, %dma_wait3A_79] : memref<10000x32xf32, #tpu.memory_space<vmem_shared>> -> memref<200x32xf32, #tpu.memory_space<vmem_shared>>
        %dma_wait3A_81 = arith.constant 0 : i32
        %dma_wait3A_82 = tpu.memref_slice %arg11[%multiple_of3A, %dma_wait3A_81] : memref<10000x32xf32, #tpu.memory_space<vmem_shared>> -> memref<200x32xf32, #tpu.memory_space<vmem_shared>>
        %dma_wait3A_83 = arith.constant 0 : i32
        %dma_wait3A_84 = arith.constant 0 : i32
        %dma_wait3A_85 = tpu.memref_slice %arg10[%dma_wait3A_83, %dma_wait3A_84] : memref<800x32xf32, #tpu.memory_space<vmem>> -> memref<200x32xf32, #tpu.memory_space<vmem>>
        tpu.wait_dma2 semaphore(%run_scoped3A : memref<!tpu.dma_semaphore, #tpu.memory_space<semaphore_mem>>) src(%dma_wait3A_85 : memref<200x32xf32, #tpu.memory_space<vmem>>) dst(%dma_wait3A_82 : memref<200x32xf32, #tpu.memory_space<vmem_shared>>)
        tpu.yield
      }) : () -> ()
    } else {
    }
    %barrier3A = arith.constant 0 : index
    tpu.barrier barrier_id(%barrier3A)
    %scan3A_31 = arith.constant 0 : i32
    %scan3A_32 = arith.constant 0 : i32
    %scan3A_33 = arith.constant 13 : i32
    %scan3A_34 = arith.addi %scan3A_32, %scan3A_33 : i32
    %scan3A_35 = arith.constant 1 : i32
    scf.for %scan3A_66 = %scan3A_32 to %scan3A_34 step %scan3A_35  : i32 {
      %mul3A_67 = arith.constant 32 : i32
      %mul3A_68 = arith.muli %scan3A_66, %mul3A_67 : i32
      %add3A_69 = arith.addi %add3A, %mul3A_68 : i32
      %lt3A_70 = arith.constant 400 : i32
      %lt3A_71 = arith.cmpi slt, %add3A_69, %lt3A_70 : i32
      %convert_element_type3A_72 = arith.extui %lt3A_71 : i1 to i32
      %cond3A_73 = arith.constant 0 : i32
      %cond3A_74 = arith.cmpi ne, %convert_element_type3A_72, %cond3A_73 : i32
      scf.if %cond3A_74 {
        %mul3A_75 = arith.constant 800 : i32
        %mul3A_76 = arith.muli %add3A_69, %mul3A_75 : i32
        %multiple_of3A = tpu.assume_multiple %mul3A_76, 800 : i32
        "tpu.region"() ({
          %run_scoped3A = tpu.sem_alloc : memref<!tpu.dma_semaphore, #tpu.memory_space<semaphore_mem>>
          %dma_start3A_87 = tpu.memref_slice %arg3[%multiple_of3A] : memref<320000xi32, #tpu.memory_space<hbm>> -> memref<800xi32, #tpu.memory_space<hbm>>
          %dma_start3A_88 = tpu.memref_slice %arg3[%multiple_of3A] : memref<320000xi32, #tpu.memory_space<hbm>> -> memref<800xi32, #tpu.memory_space<hbm>>
          tpu.enqueue_dma source(%dma_start3A_88 : memref<800xi32, #tpu.memory_space<hbm>>) target(%arg7 : memref<800xi32, #tpu.memory_space<vmem>>) target_semaphore(%run_scoped3A : memref<!tpu.dma_semaphore, #tpu.memory_space<semaphore_mem>>)
          %dma_wait3A_89 = tpu.memref_slice %arg3[%multiple_of3A] : memref<320000xi32, #tpu.memory_space<hbm>> -> memref<800xi32, #tpu.memory_space<hbm>>
          %dma_wait3A_90 = tpu.memref_slice %arg3[%multiple_of3A] : memref<320000xi32, #tpu.memory_space<hbm>> -> memref<800xi32, #tpu.memory_space<hbm>>
          tpu.wait_dma2 semaphore(%run_scoped3A : memref<!tpu.dma_semaphore, #tpu.memory_space<semaphore_mem>>) src(%dma_wait3A_90 : memref<800xi32, #tpu.memory_space<hbm>>) dst(%arg7 : memref<800xi32, #tpu.memory_space<vmem>>)
          tpu.yield
        }) : () -> ()
        "tpu.region"() ({
          %run_scoped3A = tpu.sem_alloc : memref<!tpu.dma_semaphore, #tpu.memory_space<semaphore_mem>>
          %dma_start3A_87 = tpu.memref_slice %arg4[%multiple_of3A] : memref<320000xi32, #tpu.memory_space<hbm>> -> memref<800xi32, #tpu.memory_space<hbm>>
          %dma_start3A_88 = tpu.memref_slice %arg4[%multiple_of3A] : memref<320000xi32, #tpu.memory_space<hbm>> -> memref<800xi32, #tpu.memory_space<hbm>>
          tpu.enqueue_dma source(%dma_start3A_88 : memref<800xi32, #tpu.memory_space<hbm>>) target(%arg8 : memref<800xi32, #tpu.memory_space<vmem>>) target_semaphore(%run_scoped3A : memref<!tpu.dma_semaphore, #tpu.memory_space<semaphore_mem>>)
          %dma_wait3A_89 = tpu.memref_slice %arg4[%multiple_of3A] : memref<320000xi32, #tpu.memory_space<hbm>> -> memref<800xi32, #tpu.memory_space<hbm>>
          %dma_wait3A_90 = tpu.memref_slice %arg4[%multiple_of3A] : memref<320000xi32, #tpu.memory_space<hbm>> -> memref<800xi32, #tpu.memory_space<hbm>>
          tpu.wait_dma2 semaphore(%run_scoped3A : memref<!tpu.dma_semaphore, #tpu.memory_space<semaphore_mem>>) src(%dma_wait3A_90 : memref<800xi32, #tpu.memory_space<hbm>>) dst(%arg8 : memref<800xi32, #tpu.memory_space<vmem>>)
          tpu.yield
        }) : () -> ()
        "tpu.region"() ({
          %run_scoped3A = tpu.sem_alloc : memref<!tpu.dma_semaphore, #tpu.memory_space<semaphore_mem>>
          %dma_start3A_87 = arith.constant 0 : i32
          %dma_start3A_88 = tpu.memref_slice %arg5[%multiple_of3A, %dma_start3A_87] : memref<320000x16xf32, #tpu.memory_space<hbm>> -> memref<800x16xf32, #tpu.memory_space<hbm>>
          %dma_start3A_89 = arith.constant 0 : i32
          %dma_start3A_90 = tpu.memref_slice %arg5[%multiple_of3A, %dma_start3A_89] : memref<320000x16xf32, #tpu.memory_space<hbm>> -> memref<800x16xf32, #tpu.memory_space<hbm>>
          tpu.enqueue_dma source(%dma_start3A_90 : memref<800x16xf32, #tpu.memory_space<hbm>>) target(%arg9 : memref<800x16xf32, #tpu.memory_space<vmem>>) target_semaphore(%run_scoped3A : memref<!tpu.dma_semaphore, #tpu.memory_space<semaphore_mem>>)
          %dma_wait3A_91 = arith.constant 0 : i32
          %dma_wait3A_92 = tpu.memref_slice %arg5[%multiple_of3A, %dma_wait3A_91] : memref<320000x16xf32, #tpu.memory_space<hbm>> -> memref<800x16xf32, #tpu.memory_space<hbm>>
          %dma_wait3A_93 = arith.constant 0 : i32
          %dma_wait3A_94 = tpu.memref_slice %arg5[%multiple_of3A, %dma_wait3A_93] : memref<320000x16xf32, #tpu.memory_space<hbm>> -> memref<800x16xf32, #tpu.memory_space<hbm>>
          tpu.wait_dma2 semaphore(%run_scoped3A : memref<!tpu.dma_semaphore, #tpu.memory_space<semaphore_mem>>) src(%dma_wait3A_94 : memref<800x16xf32, #tpu.memory_space<hbm>>) dst(%arg9 : memref<800x16xf32, #tpu.memory_space<vmem>>)
          tpu.yield
        }) : () -> ()
        %dma_start3A = arith.constant 0 : i32
        %dma_start3A_77 = arith.constant 0 : i32
        %dma_start3A_78 = tpu.memref_slice %arg2[%dma_start3A, %dma_start3A_77] : memref<10000x32xf32, #tpu.memory_space<hbm>> -> memref<10000x32xf32, #tpu.memory_space<hbm>>
        tpu.enqueue_indirect_dma source(%dma_start3A_78 : memref<10000x32xf32, #tpu.memory_space<hbm>>) target(%arg10 : memref<800x32xf32, #tpu.memory_space<vmem>>) offsets(%arg7 : memref<800xi32, #tpu.memory_space<vmem>>) semaphore(%arg12 : memref<!tpu.dma_semaphore, #tpu.memory_space<semaphore_mem>>)
        %dma_wait3A = arith.constant 0 : i32
        %dma_wait3A_79 = arith.constant 0 : i32
        %dma_wait3A_80 = tpu.memref_slice %arg2[%dma_wait3A, %dma_wait3A_79] : memref<10000x32xf32, #tpu.memory_space<hbm>> -> memref<10000x32xf32, #tpu.memory_space<hbm>>
        tpu.wait_indirect_dma semaphore(%arg12 : memref<!tpu.dma_semaphore, #tpu.memory_space<semaphore_mem>>) src(%dma_wait3A_80 : memref<10000x32xf32, #tpu.memory_space<hbm>>) dst(%arg10 : memref<800x32xf32, #tpu.memory_space<vmem>>)
        %scan3A_81 = arith.constant 0 : i32
        %scan3A_82 = arith.constant 0 : i32
        %scan3A_83 = arith.constant 100 : i32
        %scan3A_84 = arith.addi %scan3A_82, %scan3A_83 : i32
        %scan3A_85 = arith.constant 1 : i32
        scf.for %scan3A_87 = %scan3A_82 to %scan3A_84 step %scan3A_85  : i32 {
          %mul3A_88 = arith.constant 8 : i32
          %mul3A_89 = arith.muli %scan3A_87, %mul3A_88 : i32
          %add3A_90 = arith.constant 0 : i32
          %add3A_91 = arith.addi %mul3A_89, %add3A_90 : i32
          %get3A = arith.index_cast %add3A_91 : i32 to index
          %get3A_92 = arith.constant 0 : index
          %get3A_93 = tpu.vector_load %arg9[%get3A, %get3A_92] {strides = array<i32>} : memref<800x16xf32, #tpu.memory_space<vmem>>, vector<1x16xf32>,
          %get3A_94 = vector.shape_cast %get3A_93 : vector<1x16xf32> to vector<16xf32>
          %get3A_95 = arith.index_cast %add3A_91 : i32 to index
          %get3A_96 = arith.constant 0 : index
          %get3A_97 = tpu.vector_load %arg10[%get3A_95, %get3A_96] {strides = array<i32>} : memref<800x32xf32, #tpu.memory_space<vmem>>, vector<1x16xf32>,
          %get3A_98 = vector.shape_cast %get3A_97 : vector<1x16xf32> to vector<16xf32>
          %mul3A_99 = arith.mulf %get3A_98, %get3A_94 : vector<16xf32>
          %swap3A = arith.index_cast %add3A_91 : i32 to index
          %swap3A_100 = arith.constant 0 : index
          %swap3A_101 = tpu.vector_load %arg10[%swap3A, %swap3A_100] {strides = array<i32>} : memref<800x32xf32, #tpu.memory_space<vmem>>, vector<1x16xf32>,
          %swap3A_102 = vector.shape_cast %swap3A_101 : vector<1x16xf32> to vector<16xf32>
          %swap3A_103 = vector.shape_cast %mul3A_99 : vector<16xf32> to vector<1x16xf32>
          tpu.vector_store %arg10[%swap3A, %swap3A_100], %swap3A_103 {strides = array<i32>} : memref<800x32xf32, #tpu.memory_space<vmem>>, vector<1x16xf32>,
          %get3A_104 = arith.index_cast %add3A_91 : i32 to index
          %get3A_105 = arith.constant 16 : index
          %get3A_106 = tpu.vector_load %arg10[%get3A_104, %get3A_105] {strides = array<i32>} : memref<800x32xf32, #tpu.memory_space<vmem>>, vector<1x16xf32>,
          %get3A_107 = vector.shape_cast %get3A_106 : vector<1x16xf32> to vector<16xf32>
          %mul3A_108 = arith.mulf %get3A_107, %get3A_94 : vector<16xf32>
          %swap3A_109 = arith.index_cast %add3A_91 : i32 to index
          %swap3A_110 = arith.constant 16 : index
          %swap3A_111 = tpu.vector_load %arg10[%swap3A_109, %swap3A_110] {strides = array<i32>} : memref<800x32xf32, #tpu.memory_space<vmem>>, vector<1x16xf32>,
          %swap3A_112 = vector.shape_cast %swap3A_111 : vector<1x16xf32> to vector<16xf32>
          %swap3A_113 = vector.shape_cast %mul3A_108 : vector<16xf32> to vector<1x16xf32>
          tpu.vector_store %arg10[%swap3A_109, %swap3A_110], %swap3A_113 {strides = array<i32>} : memref<800x32xf32, #tpu.memory_space<vmem>>, vector<1x16xf32>,
          %mul3A_114 = arith.constant 8 : i32
          %mul3A_115 = arith.muli %scan3A_87, %mul3A_114 : i32
          %add3A_116 = arith.constant 1 : i32
          %add3A_117 = arith.addi %mul3A_115, %add3A_116 : i32
          %get3A_118 = arith.index_cast %add3A_117 : i32 to index
          %get3A_119 = arith.constant 0 : index
          %get3A_120 = tpu.vector_load %arg9[%get3A_118, %get3A_119] {strides = array<i32>} : memref<800x16xf32, #tpu.memory_space<vmem>>, vector<1x16xf32>,
          %get3A_121 = vector.shape_cast %get3A_120 : vector<1x16xf32> to vector<16xf32>
          %get3A_122 = arith.index_cast %add3A_117 : i32 to index
          %get3A_123 = arith.constant 0 : index
          %get3A_124 = tpu.vector_load %arg10[%get3A_122, %get3A_123] {strides = array<i32>} : memref<800x32xf32, #tpu.memory_space<vmem>>, vector<1x16xf32>,
          %get3A_125 = vector.shape_cast %get3A_124 : vector<1x16xf32> to vector<16xf32>
          %mul3A_126 = arith.mulf %get3A_125, %get3A_121 : vector<16xf32>
          %swap3A_127 = arith.index_cast %add3A_117 : i32 to index
          %swap3A_128 = arith.constant 0 : index
          %swap3A_129 = tpu.vector_load %arg10[%swap3A_127, %swap3A_128] {strides = array<i32>} : memref<800x32xf32, #tpu.memory_space<vmem>>, vector<1x16xf32>,
          %swap3A_130 = vector.shape_cast %swap3A_129 : vector<1x16xf32> to vector<16xf32>
          %swap3A_131 = vector.shape_cast %mul3A_126 : vector<16xf32> to vector<1x16xf32>
          tpu.vector_store %arg10[%swap3A_127, %swap3A_128], %swap3A_131 {strides = array<i32>} : memref<800x32xf32, #tpu.memory_space<vmem>>, vector<1x16xf32>,
          %get3A_132 = arith.index_cast %add3A_117 : i32 to index
          %get3A_133 = arith.constant 16 : index
          %get3A_134 = tpu.vector_load %arg10[%get3A_132, %get3A_133] {strides = array<i32>} : memref<800x32xf32, #tpu.memory_space<vmem>>, vector<1x16xf32>,
          %get3A_135 = vector.shape_cast %get3A_134 : vector<1x16xf32> to vector<16xf32>
          %mul3A_136 = arith.mulf %get3A_135, %get3A_121 : vector<16xf32>
          %swap3A_137 = arith.index_cast %add3A_117 : i32 to index
          %swap3A_138 = arith.constant 16 : index
          %swap3A_139 = tpu.vector_load %arg10[%swap3A_137, %swap3A_138] {strides = array<i32>} : memref<800x32xf32, #tpu.memory_space<vmem>>, vector<1x16xf32>,
          %swap3A_140 = vector.shape_cast %swap3A_139 : vector<1x16xf32> to vector<16xf32>
          %swap3A_141 = vector.shape_cast %mul3A_136 : vector<16xf32> to vector<1x16xf32>
          tpu.vector_store %arg10[%swap3A_137, %swap3A_138], %swap3A_141 {strides = array<i32>} : memref<800x32xf32, #tpu.memory_space<vmem>>, vector<1x16xf32>,
          %mul3A_142 = arith.constant 8 : i32
          %mul3A_143 = arith.muli %scan3A_87, %mul3A_142 : i32
          %add3A_144 = arith.constant 2 : i32
          %add3A_145 = arith.addi %mul3A_143, %add3A_144 : i32
          %get3A_146 = arith.index_cast %add3A_145 : i32 to index
          %get3A_147 = arith.constant 0 : index
          %get3A_148 = tpu.vector_load %arg9[%get3A_146, %get3A_147] {strides = array<i32>} : memref<800x16xf32, #tpu.memory_space<vmem>>, vector<1x16xf32>,
          %get3A_149 = vector.shape_cast %get3A_148 : vector<1x16xf32> to vector<16xf32>
          %get3A_150 = arith.index_cast %add3A_145 : i32 to index
          %get3A_151 = arith.constant 0 : index
          %get3A_152 = tpu.vector_load %arg10[%get3A_150, %get3A_151] {strides = array<i32>} : memref<800x32xf32, #tpu.memory_space<vmem>>, vector<1x16xf32>,
          %get3A_153 = vector.shape_cast %get3A_152 : vector<1x16xf32> to vector<16xf32>
          %mul3A_154 = arith.mulf %get3A_153, %get3A_149 : vector<16xf32>
          %swap3A_155 = arith.index_cast %add3A_145 : i32 to index
          %swap3A_156 = arith.constant 0 : index
          %swap3A_157 = tpu.vector_load %arg10[%swap3A_155, %swap3A_156] {strides = array<i32>} : memref<800x32xf32, #tpu.memory_space<vmem>>, vector<1x16xf32>,
          %swap3A_158 = vector.shape_cast %swap3A_157 : vector<1x16xf32> to vector<16xf32>
          %swap3A_159 = vector.shape_cast %mul3A_154 : vector<16xf32> to vector<1x16xf32>
          tpu.vector_store %arg10[%swap3A_155, %swap3A_156], %swap3A_159 {strides = array<i32>} : memref<800x32xf32, #tpu.memory_space<vmem>>, vector<1x16xf32>,
          %get3A_160 = arith.index_cast %add3A_145 : i32 to index
          %get3A_161 = arith.constant 16 : index
          %get3A_162 = tpu.vector_load %arg10[%get3A_160, %get3A_161] {strides = array<i32>} : memref<800x32xf32, #tpu.memory_space<vmem>>, vector<1x16xf32>,
          %get3A_163 = vector.shape_cast %get3A_162 : vector<1x16xf32> to vector<16xf32>
          %mul3A_164 = arith.mulf %get3A_163, %get3A_149 : vector<16xf32>
          %swap3A_165 = arith.index_cast %add3A_145 : i32 to index
          %swap3A_166 = arith.constant 16 : index
          %swap3A_167 = tpu.vector_load %arg10[%swap3A_165, %swap3A_166] {strides = array<i32>} : memref<800x32xf32, #tpu.memory_space<vmem>>, vector<1x16xf32>,
          %swap3A_168 = vector.shape_cast %swap3A_167 : vector<1x16xf32> to vector<16xf32>
          %swap3A_169 = vector.shape_cast %mul3A_164 : vector<16xf32> to vector<1x16xf32>
          tpu.vector_store %arg10[%swap3A_165, %swap3A_166], %swap3A_169 {strides = array<i32>} : memref<800x32xf32, #tpu.memory_space<vmem>>, vector<1x16xf32>,
          %mul3A_170 = arith.constant 8 : i32
          %mul3A_171 = arith.muli %scan3A_87, %mul3A_170 : i32
          %add3A_172 = arith.constant 3 : i32
          %add3A_173 = arith.addi %mul3A_171, %add3A_172 : i32
          %get3A_174 = arith.index_cast %add3A_173 : i32 to index
          %get3A_175 = arith.constant 0 : index
          %get3A_176 = tpu.vector_load %arg9[%get3A_174, %get3A_175] {strides = array<i32>} : memref<800x16xf32, #tpu.memory_space<vmem>>, vector<1x16xf32>,
          %get3A_177 = vector.shape_cast %get3A_176 : vector<1x16xf32> to vector<16xf32>
          %get3A_178 = arith.index_cast %add3A_173 : i32 to index
          %get3A_179 = arith.constant 0 : index
          %get3A_180 = tpu.vector_load %arg10[%get3A_178, %get3A_179] {strides = array<i32>} : memref<800x32xf32, #tpu.memory_space<vmem>>, vector<1x16xf32>,
          %get3A_181 = vector.shape_cast %get3A_180 : vector<1x16xf32> to vector<16xf32>
          %mul3A_182 = arith.mulf %get3A_181, %get3A_177 : vector<16xf32>
          %swap3A_183 = arith.index_cast %add3A_173 : i32 to index
          %swap3A_184 = arith.constant 0 : index
          %swap3A_185 = tpu.vector_load %arg10[%swap3A_183, %swap3A_184] {strides = array<i32>} : memref<800x32xf32, #tpu.memory_space<vmem>>, vector<1x16xf32>,
          %swap3A_186 = vector.shape_cast %swap3A_185 : vector<1x16xf32> to vector<16xf32>
          %swap3A_187 = vector.shape_cast %mul3A_182 : vector<16xf32> to vector<1x16xf32>
          tpu.vector_store %arg10[%swap3A_183, %swap3A_184], %swap3A_187 {strides = array<i32>} : memref<800x32xf32, #tpu.memory_space<vmem>>, vector<1x16xf32>,
          %get3A_188 = arith.index_cast %add3A_173 : i32 to index
          %get3A_189 = arith.constant 16 : index
          %get3A_190 = tpu.vector_load %arg10[%get3A_188, %get3A_189] {strides = array<i32>} : memref<800x32xf32, #tpu.memory_space<vmem>>, vector<1x16xf32>,
          %get3A_191 = vector.shape_cast %get3A_190 : vector<1x16xf32> to vector<16xf32>
          %mul3A_192 = arith.mulf %get3A_191, %get3A_177 : vector<16xf32>
          %swap3A_193 = arith.index_cast %add3A_173 : i32 to index
          %swap3A_194 = arith.constant 16 : index
          %swap3A_195 = tpu.vector_load %arg10[%swap3A_193, %swap3A_194] {strides = array<i32>} : memref<800x32xf32, #tpu.memory_space<vmem>>, vector<1x16xf32>,
          %swap3A_196 = vector.shape_cast %swap3A_195 : vector<1x16xf32> to vector<16xf32>
          %swap3A_197 = vector.shape_cast %mul3A_192 : vector<16xf32> to vector<1x16xf32>
          tpu.vector_store %arg10[%swap3A_193, %swap3A_194], %swap3A_197 {strides = array<i32>} : memref<800x32xf32, #tpu.memory_space<vmem>>, vector<1x16xf32>,
          %mul3A_198 = arith.constant 8 : i32
          %mul3A_199 = arith.muli %scan3A_87, %mul3A_198 : i32
          %add3A_200 = arith.constant 4 : i32
          %add3A_201 = arith.addi %mul3A_199, %add3A_200 : i32
          %get3A_202 = arith.index_cast %add3A_201 : i32 to index
          %get3A_203 = arith.constant 0 : index
          %get3A_204 = tpu.vector_load %arg9[%get3A_202, %get3A_203] {strides = array<i32>} : memref<800x16xf32, #tpu.memory_space<vmem>>, vector<1x16xf32>,
          %get3A_205 = vector.shape_cast %get3A_204 : vector<1x16xf32> to vector<16xf32>
          %get3A_206 = arith.index_cast %add3A_201 : i32 to index
          %get3A_207 = arith.constant 0 : index
          %get3A_208 = tpu.vector_load %arg10[%get3A_206, %get3A_207] {strides = array<i32>} : memref<800x32xf32, #tpu.memory_space<vmem>>, vector<1x16xf32>,
          %get3A_209 = vector.shape_cast %get3A_208 : vector<1x16xf32> to vector<16xf32>
          %mul3A_210 = arith.mulf %get3A_209, %get3A_205 : vector<16xf32>
          %swap3A_211 = arith.index_cast %add3A_201 : i32 to index
          %swap3A_212 = arith.constant 0 : index
          %swap3A_213 = tpu.vector_load %arg10[%swap3A_211, %swap3A_212] {strides = array<i32>} : memref<800x32xf32, #tpu.memory_space<vmem>>, vector<1x16xf32>,
          %swap3A_214 = vector.shape_cast %swap3A_213 : vector<1x16xf32> to vector<16xf32>
          %swap3A_215 = vector.shape_cast %mul3A_210 : vector<16xf32> to vector<1x16xf32>
          tpu.vector_store %arg10[%swap3A_211, %swap3A_212], %swap3A_215 {strides = array<i32>} : memref<800x32xf32, #tpu.memory_space<vmem>>, vector<1x16xf32>,
          %get3A_216 = arith.index_cast %add3A_201 : i32 to index
          %get3A_217 = arith.constant 16 : index
          %get3A_218 = tpu.vector_load %arg10[%get3A_216, %get3A_217] {strides = array<i32>} : memref<800x32xf32, #tpu.memory_space<vmem>>, vector<1x16xf32>,
          %get3A_219 = vector.shape_cast %get3A_218 : vector<1x16xf32> to vector<16xf32>
          %mul3A_220 = arith.mulf %get3A_219, %get3A_205 : vector<16xf32>
          %swap3A_221 = arith.index_cast %add3A_201 : i32 to index
          %swap3A_222 = arith.constant 16 : index
          %swap3A_223 = tpu.vector_load %arg10[%swap3A_221, %swap3A_222] {strides = array<i32>} : memref<800x32xf32, #tpu.memory_space<vmem>>, vector<1x16xf32>,
          %swap3A_224 = vector.shape_cast %swap3A_223 : vector<1x16xf32> to vector<16xf32>
          %swap3A_225 = vector.shape_cast %mul3A_220 : vector<16xf32> to vector<1x16xf32>
          tpu.vector_store %arg10[%swap3A_221, %swap3A_222], %swap3A_225 {strides = array<i32>} : memref<800x32xf32, #tpu.memory_space<vmem>>, vector<1x16xf32>,
          %mul3A_226 = arith.constant 8 : i32
          %mul3A_227 = arith.muli %scan3A_87, %mul3A_226 : i32
          %add3A_228 = arith.constant 5 : i32
          %add3A_229 = arith.addi %mul3A_227, %add3A_228 : i32
          %get3A_230 = arith.index_cast %add3A_229 : i32 to index
          %get3A_231 = arith.constant 0 : index
          %get3A_232 = tpu.vector_load %arg9[%get3A_230, %get3A_231] {strides = array<i32>} : memref<800x16xf32, #tpu.memory_space<vmem>>, vector<1x16xf32>,
          %get3A_233 = vector.shape_cast %get3A_232 : vector<1x16xf32> to vector<16xf32>
          %get3A_234 = arith.index_cast %add3A_229 : i32 to index
          %get3A_235 = arith.constant 0 : index
          %get3A_236 = tpu.vector_load %arg10[%get3A_234, %get3A_235] {strides = array<i32>} : memref<800x32xf32, #tpu.memory_space<vmem>>, vector<1x16xf32>,
          %get3A_237 = vector.shape_cast %get3A_236 : vector<1x16xf32> to vector<16xf32>
          %mul3A_238 = arith.mulf %get3A_237, %get3A_233 : vector<16xf32>
          %swap3A_239 = arith.index_cast %add3A_229 : i32 to index
          %swap3A_240 = arith.constant 0 : index
          %swap3A_241 = tpu.vector_load %arg10[%swap3A_239, %swap3A_240] {strides = array<i32>} : memref<800x32xf32, #tpu.memory_space<vmem>>, vector<1x16xf32>,
          %swap3A_242 = vector.shape_cast %swap3A_241 : vector<1x16xf32> to vector<16xf32>
          %swap3A_243 = vector.shape_cast %mul3A_238 : vector<16xf32> to vector<1x16xf32>
          tpu.vector_store %arg10[%swap3A_239, %swap3A_240], %swap3A_243 {strides = array<i32>} : memref<800x32xf32, #tpu.memory_space<vmem>>, vector<1x16xf32>,
          %get3A_244 = arith.index_cast %add3A_229 : i32 to index
          %get3A_245 = arith.constant 16 : index
          %get3A_246 = tpu.vector_load %arg10[%get3A_244, %get3A_245] {strides = array<i32>} : memref<800x32xf32, #tpu.memory_space<vmem>>, vector<1x16xf32>,
          %get3A_247 = vector.shape_cast %get3A_246 : vector<1x16xf32> to vector<16xf32>
          %mul3A_248 = arith.mulf %get3A_247, %get3A_233 : vector<16xf32>
          %swap3A_249 = arith.index_cast %add3A_229 : i32 to index
          %swap3A_250 = arith.constant 16 : index
          %swap3A_251 = tpu.vector_load %arg10[%swap3A_249, %swap3A_250] {strides = array<i32>} : memref<800x32xf32, #tpu.memory_space<vmem>>, vector<1x16xf32>,
          %swap3A_252 = vector.shape_cast %swap3A_251 : vector<1x16xf32> to vector<16xf32>
          %swap3A_253 = vector.shape_cast %mul3A_248 : vector<16xf32> to vector<1x16xf32>
          tpu.vector_store %arg10[%swap3A_249, %swap3A_250], %swap3A_253 {strides = array<i32>} : memref<800x32xf32, #tpu.memory_space<vmem>>, vector<1x16xf32>,
          %mul3A_254 = arith.constant 8 : i32
          %mul3A_255 = arith.muli %scan3A_87, %mul3A_254 : i32
          %add3A_256 = arith.constant 6 : i32
          %add3A_257 = arith.addi %mul3A_255, %add3A_256 : i32
          %get3A_258 = arith.index_cast %add3A_257 : i32 to index
          %get3A_259 = arith.constant 0 : index
          %get3A_260 = tpu.vector_load %arg9[%get3A_258, %get3A_259] {strides = array<i32>} : memref<800x16xf32, #tpu.memory_space<vmem>>, vector<1x16xf32>,
          %get3A_261 = vector.shape_cast %get3A_260 : vector<1x16xf32> to vector<16xf32>
          %get3A_262 = arith.index_cast %add3A_257 : i32 to index
          %get3A_263 = arith.constant 0 : index
          %get3A_264 = tpu.vector_load %arg10[%get3A_262, %get3A_263] {strides = array<i32>} : memref<800x32xf32, #tpu.memory_space<vmem>>, vector<1x16xf32>,
          %get3A_265 = vector.shape_cast %get3A_264 : vector<1x16xf32> to vector<16xf32>
          %mul3A_266 = arith.mulf %get3A_265, %get3A_261 : vector<16xf32>
          %swap3A_267 = arith.index_cast %add3A_257 : i32 to index
          %swap3A_268 = arith.constant 0 : index
          %swap3A_269 = tpu.vector_load %arg10[%swap3A_267, %swap3A_268] {strides = array<i32>} : memref<800x32xf32, #tpu.memory_space<vmem>>, vector<1x16xf32>,
          %swap3A_270 = vector.shape_cast %swap3A_269 : vector<1x16xf32> to vector<16xf32>
          %swap3A_271 = vector.shape_cast %mul3A_266 : vector<16xf32> to vector<1x16xf32>
          tpu.vector_store %arg10[%swap3A_267, %swap3A_268], %swap3A_271 {strides = array<i32>} : memref<800x32xf32, #tpu.memory_space<vmem>>, vector<1x16xf32>,
          %get3A_272 = arith.index_cast %add3A_257 : i32 to index
          %get3A_273 = arith.constant 16 : index
          %get3A_274 = tpu.vector_load %arg10[%get3A_272, %get3A_273] {strides = array<i32>} : memref<800x32xf32, #tpu.memory_space<vmem>>, vector<1x16xf32>,
          %get3A_275 = vector.shape_cast %get3A_274 : vector<1x16xf32> to vector<16xf32>
          %mul3A_276 = arith.mulf %get3A_275, %get3A_261 : vector<16xf32>
          %swap3A_277 = arith.index_cast %add3A_257 : i32 to index
          %swap3A_278 = arith.constant 16 : index
          %swap3A_279 = tpu.vector_load %arg10[%swap3A_277, %swap3A_278] {strides = array<i32>} : memref<800x32xf32, #tpu.memory_space<vmem>>, vector<1x16xf32>,
          %swap3A_280 = vector.shape_cast %swap3A_279 : vector<1x16xf32> to vector<16xf32>
          %swap3A_281 = vector.shape_cast %mul3A_276 : vector<16xf32> to vector<1x16xf32>
          tpu.vector_store %arg10[%swap3A_277, %swap3A_278], %swap3A_281 {strides = array<i32>} : memref<800x32xf32, #tpu.memory_space<vmem>>, vector<1x16xf32>,
          %mul3A_282 = arith.constant 8 : i32
          %mul3A_283 = arith.muli %scan3A_87, %mul3A_282 : i32
          %add3A_284 = arith.constant 7 : i32
          %add3A_285 = arith.addi %mul3A_283, %add3A_284 : i32
          %get3A_286 = arith.index_cast %add3A_285 : i32 to index
          %get3A_287 = arith.constant 0 : index
          %get3A_288 = tpu.vector_load %arg9[%get3A_286, %get3A_287] {strides = array<i32>} : memref<800x16xf32, #tpu.memory_space<vmem>>, vector<1x16xf32>,
          %get3A_289 = vector.shape_cast %get3A_288 : vector<1x16xf32> to vector<16xf32>
          %get3A_290 = arith.index_cast %add3A_285 : i32 to index
          %get3A_291 = arith.constant 0 : index
          %get3A_292 = tpu.vector_load %arg10[%get3A_290, %get3A_291] {strides = array<i32>} : memref<800x32xf32, #tpu.memory_space<vmem>>, vector<1x16xf32>,
          %get3A_293 = vector.shape_cast %get3A_292 : vector<1x16xf32> to vector<16xf32>
          %mul3A_294 = arith.mulf %get3A_293, %get3A_289 : vector<16xf32>
          %swap3A_295 = arith.index_cast %add3A_285 : i32 to index
          %swap3A_296 = arith.constant 0 : index
          %swap3A_297 = tpu.vector_load %arg10[%swap3A_295, %swap3A_296] {strides = array<i32>} : memref<800x32xf32, #tpu.memory_space<vmem>>, vector<1x16xf32>,
          %swap3A_298 = vector.shape_cast %swap3A_297 : vector<1x16xf32> to vector<16xf32>
          %swap3A_299 = vector.shape_cast %mul3A_294 : vector<16xf32> to vector<1x16xf32>
          tpu.vector_store %arg10[%swap3A_295, %swap3A_296], %swap3A_299 {strides = array<i32>} : memref<800x32xf32, #tpu.memory_space<vmem>>, vector<1x16xf32>,
          %get3A_300 = arith.index_cast %add3A_285 : i32 to index
          %get3A_301 = arith.constant 16 : index
          %get3A_302 = tpu.vector_load %arg10[%get3A_300, %get3A_301] {strides = array<i32>} : memref<800x32xf32, #tpu.memory_space<vmem>>, vector<1x16xf32>,
          %get3A_303 = vector.shape_cast %get3A_302 : vector<1x16xf32> to vector<16xf32>
          %mul3A_304 = arith.mulf %get3A_303, %get3A_289 : vector<16xf32>
          %swap3A_305 = arith.index_cast %add3A_285 : i32 to index
          %swap3A_306 = arith.constant 16 : index
          %swap3A_307 = tpu.vector_load %arg10[%swap3A_305, %swap3A_306] {strides = array<i32>} : memref<800x32xf32, #tpu.memory_space<vmem>>, vector<1x16xf32>,
          %swap3A_308 = vector.shape_cast %swap3A_307 : vector<1x16xf32> to vector<16xf32>
          %swap3A_309 = vector.shape_cast %mul3A_304 : vector<16xf32> to vector<1x16xf32>
          tpu.vector_store %arg10[%swap3A_305, %swap3A_306], %swap3A_309 {strides = array<i32>} : memref<800x32xf32, #tpu.memory_space<vmem>>, vector<1x16xf32>,
        }
        %scan3A_86 = arith.constant 100 : i32
        "tpu.region"() ({
          %run_scoped3A = tpu.sem_alloc : memref<!tpu.dma_semaphore, #tpu.memory_space<semaphore_mem>>
          %dma_start3A_87 = arith.constant 0 : i32
          %dma_start3A_88 = arith.constant 0 : i32
          %dma_start3A_89 = tpu.memref_slice %arg11[%dma_start3A_87, %dma_start3A_88] : memref<10000x32xf32, #tpu.memory_space<vmem_shared>> -> memref<10000x32xf32, #tpu.memory_space<vmem_shared>>
          tpu.enqueue_indirect_dma source(%arg10 : memref<800x32xf32, #tpu.memory_space<vmem>>) target(%dma_start3A_89 : memref<10000x32xf32, #tpu.memory_space<vmem_shared>>) offsets(%arg8 : memref<800xi32, #tpu.memory_space<vmem>>) semaphore(%run_scoped3A : memref<!tpu.dma_semaphore, #tpu.memory_space<semaphore_mem>>) {add = true}
          %dma_wait3A_90 = arith.constant 0 : i32
          %dma_wait3A_91 = arith.constant 0 : i32
          %dma_wait3A_92 = tpu.memref_slice %arg11[%dma_wait3A_90, %dma_wait3A_91] : memref<10000x32xf32, #tpu.memory_space<vmem_shared>> -> memref<10000x32xf32, #tpu.memory_space<vmem_shared>>
          tpu.wait_indirect_dma semaphore(%run_scoped3A : memref<!tpu.dma_semaphore, #tpu.memory_space<semaphore_mem>>) src(%arg10 : memref<800x32xf32, #tpu.memory_space<vmem>>) dst(%dma_wait3A_92 : memref<10000x32xf32, #tpu.memory_space<vmem_shared>>)
          tpu.yield
        }) : () -> ()
      } else {
      }
    }
    %scan3A_36 = arith.constant 13 : i32
    %barrier3A_37 = arith.constant 0 : index
    tpu.barrier barrier_id(%barrier3A_37)
    %add3A_38 = arith.constant 0 : i32
    %add3A_39 = arith.addi %add3A_38, %arg1 : i32
    %lt3A_40 = arith.constant 50 : i32
    %lt3A_41 = arith.cmpi slt, %add3A_39, %lt3A_40 : i32
    %convert_element_type3A_42 = arith.extui %lt3A_41 : i1 to i32
    %cond3A_43 = arith.constant 0 : i32
    %cond3A_44 = arith.cmpi ne, %convert_element_type3A_42, %cond3A_43 : i32
    scf.if %cond3A_44 {
      %mul3A_66 = arith.constant 200 : i32
      %mul3A_67 = arith.muli %add3A_39, %mul3A_66 : i32
      %multiple_of3A = tpu.assume_multiple %mul3A_67, 200 : i32
      "tpu.region"() ({
        %run_scoped3A = tpu.sem_alloc : memref<!tpu.dma_semaphore, #tpu.memory_space<semaphore_mem>>
        %dma_start3A = arith.constant 0 : i32
        %dma_start3A_68 = tpu.memref_slice %arg6[%arg0, %multiple_of3A, %dma_start3A] : memref<2x10000x32xf32, #tpu.memory_space<hbm>> -> memref<1x200x32xf32, #tpu.memory_space<hbm>>
        %dma_start3A_69 = tpu.memref_squeeze %dma_start3A_68 : memref<1x200x32xf32, #tpu.memory_space<hbm>> -> memref<200x32xf32, #tpu.memory_space<hbm>>
        %dma_start3A_70 = arith.constant 0 : i32
        %dma_start3A_71 = tpu.memref_slice %arg11[%multiple_of3A, %dma_start3A_70] : memref<10000x32xf32, #tpu.memory_space<vmem_shared>> -> memref<200x32xf32, #tpu.memory_space<vmem_shared>>
        tpu.enqueue_dma source(%dma_start3A_71 : memref<200x32xf32, #tpu.memory_space<vmem_shared>>) target(%dma_start3A_69 : memref<200x32xf32, #tpu.memory_space<hbm>>) target_semaphore(%run_scoped3A : memref<!tpu.dma_semaphore, #tpu.memory_space<semaphore_mem>>)
        %dma_wait3A = arith.constant 0 : i32
        %dma_wait3A_72 = tpu.memref_slice %arg6[%arg0, %multiple_of3A, %dma_wait3A] : memref<2x10000x32xf32, #tpu.memory_space<hbm>> -> memref<1x200x32xf32, #tpu.memory_space<hbm>>
        %dma_wait3A_73 = tpu.memref_squeeze %dma_wait3A_72 : memref<1x200x32xf32, #tpu.memory_space<hbm>> -> memref<200x32xf32, #tpu.memory_space<hbm>>
        %dma_wait3A_74 = arith.constant 0 : i32
        %dma_wait3A_75 = tpu.memref_slice %arg11[%multiple_of3A, %dma_wait3A_74] : memref<10000x32xf32, #tpu.memory_space<vmem_shared>> -> memref<200x32xf32, #tpu.memory_space<vmem_shared>>
        tpu.wait_dma2 semaphore(%run_scoped3A : memref<!tpu.dma_semaphore, #tpu.memory_space<semaphore_mem>>) src(%dma_wait3A_75 : memref<200x32xf32, #tpu.memory_space<vmem_shared>>) dst(%dma_wait3A_73 : memref<200x32xf32, #tpu.memory_space<hbm>>)
        tpu.yield
      }) : () -> ()
    } else {
    }
    %add3A_45 = arith.constant 16 : i32
    %add3A_46 = arith.addi %add3A_45, %arg1 : i32
    %lt3A_47 = arith.constant 50 : i32
    %lt3A_48 = arith.cmpi slt, %add3A_46, %lt3A_47 : i32
    %convert_element_type3A_49 = arith.extui %lt3A_48 : i1 to i32
    %cond3A_50 = arith.constant 0 : i32
    %cond3A_51 = arith.cmpi ne, %convert_element_type3A_49, %cond3A_50 : i32
    scf.if %cond3A_51 {
      %mul3A_66 = arith.constant 200 : i32
      %mul3A_67 = arith.muli %add3A_46, %mul3A_66 : i32
      %multiple_of3A = tpu.assume_multiple %mul3A_67, 200 : i32
      "tpu.region"() ({
        %run_scoped3A = tpu.sem_alloc : memref<!tpu.dma_semaphore, #tpu.memory_space<semaphore_mem>>
        %dma_start3A = arith.constant 0 : i32
        %dma_start3A_68 = tpu.memref_slice %arg6[%arg0, %multiple_of3A, %dma_start3A] : memref<2x10000x32xf32, #tpu.memory_space<hbm>> -> memref<1x200x32xf32, #tpu.memory_space<hbm>>
        %dma_start3A_69 = tpu.memref_squeeze %dma_start3A_68 : memref<1x200x32xf32, #tpu.memory_space<hbm>> -> memref<200x32xf32, #tpu.memory_space<hbm>>
        %dma_start3A_70 = arith.constant 0 : i32
        %dma_start3A_71 = tpu.memref_slice %arg11[%multiple_of3A, %dma_start3A_70] : memref<10000x32xf32, #tpu.memory_space<vmem_shared>> -> memref<200x32xf32, #tpu.memory_space<vmem_shared>>
        tpu.enqueue_dma source(%dma_start3A_71 : memref<200x32xf32, #tpu.memory_space<vmem_shared>>) target(%dma_start3A_69 : memref<200x32xf32, #tpu.memory_space<hbm>>) target_semaphore(%run_scoped3A : memref<!tpu.dma_semaphore, #tpu.memory_space<semaphore_mem>>)
        %dma_wait3A = arith.constant 0 : i32
        %dma_wait3A_72 = tpu.memref_slice %arg6[%arg0, %multiple_of3A, %dma_wait3A] : memref<2x10000x32xf32, #tpu.memory_space<hbm>> -> memref<1x200x32xf32, #tpu.memory_space<hbm>>
        %dma_wait3A_73 = tpu.memref_squeeze %dma_wait3A_72 : memref<1x200x32xf32, #tpu.memory_space<hbm>> -> memref<200x32xf32, #tpu.memory_space<hbm>>
        %dma_wait3A_74 = arith.constant 0 : i32
        %dma_wait3A_75 = tpu.memref_slice %arg11[%multiple_of3A, %dma_wait3A_74] : memref<10000x32xf32, #tpu.memory_space<vmem_shared>> -> memref<200x32xf32, #tpu.memory_space<vmem_shared>>
        tpu.wait_dma2 semaphore(%run_scoped3A : memref<!tpu.dma_semaphore, #tpu.memory_space<semaphore_mem>>) src(%dma_wait3A_75 : memref<200x32xf32, #tpu.memory_space<vmem_shared>>) dst(%dma_wait3A_73 : memref<200x32xf32, #tpu.memory_space<hbm>>)
        tpu.yield
      }) : () -> ()
    } else {
    }
    %add3A_52 = arith.constant 32 : i32
    %add3A_53 = arith.addi %add3A_52, %arg1 : i32
    %lt3A_54 = arith.constant 50 : i32
    %lt3A_55 = arith.cmpi slt, %add3A_53, %lt3A_54 : i32
    %convert_element_type3A_56 = arith.extui %lt3A_55 : i1 to i32
    %cond3A_57 = arith.constant 0 : i32
    %cond3A_58 = arith.cmpi ne, %convert_element_type3A_56, %cond3A_57 : i32
    scf.if %cond3A_58 {
      %mul3A_66 = arith.constant 200 : i32
      %mul3A_67 = arith.muli %add3A_53, %mul3A_66 : i32
      %multiple_of3A = tpu.assume_multiple %mul3A_67, 200 : i32
      "tpu.region"() ({
        %run_scoped3A = tpu.sem_alloc : memref<!tpu.dma_semaphore, #tpu.memory_space<semaphore_mem>>
        %dma_start3A = arith.constant 0 : i32
        %dma_start3A_68 = tpu.memref_slice %arg6[%arg0, %multiple_of3A, %dma_start3A] : memref<2x10000x32xf32, #tpu.memory_space<hbm>> -> memref<1x200x32xf32, #tpu.memory_space<hbm>>
        %dma_start3A_69 = tpu.memref_squeeze %dma_start3A_68 : memref<1x200x32xf32, #tpu.memory_space<hbm>> -> memref<200x32xf32, #tpu.memory_space<hbm>>
        %dma_start3A_70 = arith.constant 0 : i32
        %dma_start3A_71 = tpu.memref_slice %arg11[%multiple_of3A, %dma_start3A_70] : memref<10000x32xf32, #tpu.memory_space<vmem_shared>> -> memref<200x32xf32, #tpu.memory_space<vmem_shared>>
        tpu.enqueue_dma source(%dma_start3A_71 : memref<200x32xf32, #tpu.memory_space<vmem_shared>>) target(%dma_start3A_69 : memref<200x32xf32, #tpu.memory_space<hbm>>) target_semaphore(%run_scoped3A : memref<!tpu.dma_semaphore, #tpu.memory_space<semaphore_mem>>)
        %dma_wait3A = arith.constant 0 : i32
        %dma_wait3A_72 = tpu.memref_slice %arg6[%arg0, %multiple_of3A, %dma_wait3A] : memref<2x10000x32xf32, #tpu.memory_space<hbm>> -> memref<1x200x32xf32, #tpu.memory_space<hbm>>
        %dma_wait3A_73 = tpu.memref_squeeze %dma_wait3A_72 : memref<1x200x32xf32, #tpu.memory_space<hbm>> -> memref<200x32xf32, #tpu.memory_space<hbm>>
        %dma_wait3A_74 = arith.constant 0 : i32
        %dma_wait3A_75 = tpu.memref_slice %arg11[%multiple_of3A, %dma_wait3A_74] : memref<10000x32xf32, #tpu.memory_space<vmem_shared>> -> memref<200x32xf32, #tpu.memory_space<vmem_shared>>
        tpu.wait_dma2 semaphore(%run_scoped3A : memref<!tpu.dma_semaphore, #tpu.memory_space<semaphore_mem>>) src(%dma_wait3A_75 : memref<200x32xf32, #tpu.memory_space<vmem_shared>>) dst(%dma_wait3A_73 : memref<200x32xf32, #tpu.memory_space<hbm>>)
        tpu.yield
      }) : () -> ()
    } else {
    }
    %add3A_59 = arith.constant 48 : i32
    %add3A_60 = arith.addi %add3A_59, %arg1 : i32
    %lt3A_61 = arith.constant 50 : i32
    %lt3A_62 = arith.cmpi slt, %add3A_60, %lt3A_61 : i32
    %convert_element_type3A_63 = arith.extui %lt3A_62 : i1 to i32
    %cond3A_64 = arith.constant 0 : i32
    %cond3A_65 = arith.cmpi ne, %convert_element_type3A_63, %cond3A_64 : i32
    scf.if %cond3A_65 {
      %mul3A_66 = arith.constant 200 : i32
      %mul3A_67 = arith.muli %add3A_60, %mul3A_66 : i32
      %multiple_of3A = tpu.assume_multiple %mul3A_67, 200 : i32
      "tpu.region"() ({
        %run_scoped3A = tpu.sem_alloc : memref<!tpu.dma_semaphore, #tpu.memory_space<semaphore_mem>>
        %dma_start3A = arith.constant 0 : i32
        %dma_start3A_68 = tpu.memref_slice %arg6[%arg0, %multiple_of3A, %dma_start3A] : memref<2x10000x32xf32, #tpu.memory_space<hbm>> -> memref<1x200x32xf32, #tpu.memory_space<hbm>>
        %dma_start3A_69 = tpu.memref_squeeze %dma_start3A_68 : memref<1x200x32xf32, #tpu.memory_space<hbm>> -> memref<200x32xf32, #tpu.memory_space<hbm>>
        %dma_start3A_70 = arith.constant 0 : i32
        %dma_start3A_71 = tpu.memref_slice %arg11[%multiple_of3A, %dma_start3A_70] : memref<10000x32xf32, #tpu.memory_space<vmem_shared>> -> memref<200x32xf32, #tpu.memory_space<vmem_shared>>
        tpu.enqueue_dma source(%dma_start3A_71 : memref<200x32xf32, #tpu.memory_space<vmem_shared>>) target(%dma_start3A_69 : memref<200x32xf32, #tpu.memory_space<hbm>>) target_semaphore(%run_scoped3A : memref<!tpu.dma_semaphore, #tpu.memory_space<semaphore_mem>>)
        %dma_wait3A = arith.constant 0 : i32
        %dma_wait3A_72 = tpu.memref_slice %arg6[%arg0, %multiple_of3A, %dma_wait3A] : memref<2x10000x32xf32, #tpu.memory_space<hbm>> -> memref<1x200x32xf32, #tpu.memory_space<hbm>>
        %dma_wait3A_73 = tpu.memref_squeeze %dma_wait3A_72 : memref<1x200x32xf32, #tpu.memory_space<hbm>> -> memref<200x32xf32, #tpu.memory_space<hbm>>
        %dma_wait3A_74 = arith.constant 0 : i32
        %dma_wait3A_75 = tpu.memref_slice %arg11[%multiple_of3A, %dma_wait3A_74] : memref<10000x32xf32, #tpu.memory_space<vmem_shared>> -> memref<200x32xf32, #tpu.memory_space<vmem_shared>>
        tpu.wait_dma2 semaphore(%run_scoped3A : memref<!tpu.dma_semaphore, #tpu.memory_space<semaphore_mem>>) src(%dma_wait3A_75 : memref<200x32xf32, #tpu.memory_space<vmem_shared>>) dst(%dma_wait3A_73 : memref<200x32xf32, #tpu.memory_space<hbm>>)
        tpu.yield
      }) : () -> ()
    } else {
    }
    return
  }
}

module attributes {stable_mosaic.version = 14 : i64} {
  func.func @_rank_body(%arg0: i32, %arg1: i32, %arg2: memref<512x1xf32, #tpu.memory_space<vmem>>, %arg3: memref<512x1xi32, #tpu.memory_space<vmem>>, %arg4: memref<1x2048xf32, #tpu.memory_space<vmem>>, %arg5: memref<1x2048xi32, #tpu.memory_space<vmem>>, %arg6: memref<512x1xi32, #tpu.memory_space<vmem>>, %arg7: memref<512x1xi32, #tpu.memory_space<vmem>>) attributes {dimension_semantics = [#tpu.dimension_semantics<arbitrary>, #tpu.dimension_semantics<arbitrary>], iteration_bounds = array<i64: 20, 5>, scalar_prefetch = 0 : i64, scratch_operands = 0 : i64, tpu.core_type = #tpu.core_type<tc>, window_params = [{transform_indices = @transform_0, window_bounds = array<i64: 512, 1>}, {transform_indices = @transform_1, window_bounds = array<i64: 512, 1>}, {transform_indices = @transform_2, window_bounds = array<i64: 1, 2048>}, {transform_indices = @transform_3, window_bounds = array<i64: 1, 2048>}, {transform_indices = @transform_4, window_bounds = array<i64: 512, 1>}, {transform_indices = @transform_5, window_bounds = array<i64: 512, 1>}]} {
    %eq3A = arith.constant 0 : i32
    %eq3A_0 = arith.cmpi eq, %arg1, %eq3A : i32
    %convert_element_type3A = arith.extui %eq3A_0 : i1 to i32
    %cond3A = arith.constant 0 : i32
    %cond3A_1 = arith.cmpi ne, %convert_element_type3A, %cond3A : i32
    scf.if %cond3A_1 {
      %broadcast_in_dim3A = arith.constant 0 : i32
      %broadcast_in_dim3A_28 = vector.broadcast %broadcast_in_dim3A : i32 to vector<512x1xi32>
      %swap3A = arith.constant 0 : index
      %swap3A_29 = arith.constant 0 : index
      %swap3A_30 = vector.load %arg6[%swap3A, %swap3A_29] : memref<512x1xi32, #tpu.memory_space<vmem>>, vector<512x1xi32>
      tpu.vector_store %arg6[%swap3A, %swap3A_29], %broadcast_in_dim3A_28 {strides = array<i32>} : memref<512x1xi32, #tpu.memory_space<vmem>>, vector<512x1xi32>,
      %broadcast_in_dim3A_31 = arith.constant 0 : i32
      %broadcast_in_dim3A_32 = vector.broadcast %broadcast_in_dim3A_31 : i32 to vector<512x1xi32>
      %swap3A_33 = arith.constant 0 : index
      %swap3A_34 = arith.constant 0 : index
      %swap3A_35 = vector.load %arg7[%swap3A_33, %swap3A_34] : memref<512x1xi32, #tpu.memory_space<vmem>>, vector<512x1xi32>
      tpu.vector_store %arg7[%swap3A_33, %swap3A_34], %broadcast_in_dim3A_32 {strides = array<i32>} : memref<512x1xi32, #tpu.memory_space<vmem>>, vector<512x1xi32>,
    } else {
    }
    %get3A = arith.constant 0 : index
    %get3A_2 = arith.constant 0 : index
    %get3A_3 = vector.load %arg3[%get3A, %get3A_2] : memref<512x1xi32, #tpu.memory_space<vmem>>, vector<512x1xi32>
    %get3A_4 = arith.constant 0 : index
    %get3A_5 = arith.constant 0 : index
    %get3A_6 = vector.load %arg5[%get3A_4, %get3A_5] : memref<1x2048xi32, #tpu.memory_space<vmem>>, vector<1x2048xi32>
    %reduce_min3A = vector.shape_cast %get3A_3 : vector<512x1xi32> to vector<1x512x1xi32>
    %reduce_min3A_7 = arith.constant dense<2147483647> : vector<1xi32>
    %reduce_min3A_8 = vector.multi_reduction <minsi>, %reduce_min3A, %reduce_min3A_7 [1, 2] : vector<1x512x1xi32> to vector<1xi32>
    %reduce_min3A_9 = vector.shape_cast %reduce_min3A_8 : vector<1xi32> to vector<1x1x1xi32>
    %reduce_min3A_10 = vector.extract %reduce_min3A_9[0, 0, 0] : i32 from vector<1x1x1xi32>
    %reduce_max3A = vector.shape_cast %get3A_6 : vector<1x2048xi32> to vector<1x1x2048xi32>
    %reduce_max3A_11 = arith.constant dense<-2147483648> : vector<1xi32>
    %reduce_max3A_12 = vector.multi_reduction <maxsi>, %reduce_max3A, %reduce_max3A_11 [1, 2] : vector<1x1x2048xi32> to vector<1xi32>
    %reduce_max3A_13 = vector.shape_cast %reduce_max3A_12 : vector<1xi32> to vector<1x1x1xi32>
    %reduce_max3A_14 = vector.extract %reduce_max3A_13[0, 0, 0] : i32 from vector<1x1x1xi32>
    %le3A = arith.cmpi sle, %reduce_min3A_10, %reduce_max3A_14 : i32
    %reduce_max3A_15 = vector.shape_cast %get3A_3 : vector<512x1xi32> to vector<1x512x1xi32>
    %reduce_max3A_16 = arith.constant dense<-2147483648> : vector<1xi32>
    %reduce_max3A_17 = vector.multi_reduction <maxsi>, %reduce_max3A_15, %reduce_max3A_16 [1, 2] : vector<1x512x1xi32> to vector<1xi32>
    %reduce_max3A_18 = vector.shape_cast %reduce_max3A_17 : vector<1xi32> to vector<1x1x1xi32>
    %reduce_max3A_19 = vector.extract %reduce_max3A_18[0, 0, 0] : i32 from vector<1x1x1xi32>
    %reduce_min3A_20 = vector.shape_cast %get3A_6 : vector<1x2048xi32> to vector<1x1x2048xi32>
    %reduce_min3A_21 = arith.constant dense<2147483647> : vector<1xi32>
    %reduce_min3A_22 = vector.multi_reduction <minsi>, %reduce_min3A_20, %reduce_min3A_21 [1, 2] : vector<1x1x2048xi32> to vector<1xi32>
    %reduce_min3A_23 = vector.shape_cast %reduce_min3A_22 : vector<1xi32> to vector<1x1x1xi32>
    %reduce_min3A_24 = vector.extract %reduce_min3A_23[0, 0, 0] : i32 from vector<1x1x1xi32>
    %ge3A = arith.cmpi sge, %reduce_max3A_19, %reduce_min3A_24 : i32
    %and3A = arith.andi %le3A, %ge3A : i1
    %convert_element_type3A_25 = arith.extui %and3A : i1 to i32
    %cond3A_26 = arith.constant 0 : i32
    %cond3A_27 = arith.cmpi ne, %convert_element_type3A_25, %cond3A_26 : i32
    scf.if %cond3A_27 {
      %get3A_28 = arith.constant 0 : index
      %get3A_29 = arith.constant 0 : index
      %get3A_30 = vector.load %arg2[%get3A_28, %get3A_29] : memref<512x1xf32, #tpu.memory_space<vmem>>, vector<512x1xf32>
      %get3A_31 = arith.constant 0 : index
      %get3A_32 = arith.constant 0 : index
      %get3A_33 = vector.load %arg4[%get3A_31, %get3A_32] : memref<1x2048xf32, #tpu.memory_space<vmem>>, vector<1x2048xf32>
      %mul3A = arith.constant 512 : i32
      %mul3A_34 = arith.muli %arg0, %mul3A : i32
      %iota3A = tpu.iota {dimensions = array<i32: 0>} : vector<512x1xi32>
      %add3A = vector.broadcast %mul3A_34 : i32 to vector<512x1xi32>
      %add3A_35 = arith.addi %add3A, %iota3A : vector<512x1xi32>
      %mul3A_36 = arith.constant 2048 : i32
      %mul3A_37 = arith.muli %arg1, %mul3A_36 : i32
      %iota3A_38 = tpu.iota {dimensions = array<i32: 1>} : vector<1x2048xi32>
      %add3A_39 = vector.broadcast %mul3A_37 : i32 to vector<1x2048xi32>
      %add3A_40 = arith.addi %add3A_39, %iota3A_38 : vector<1x2048xi32>
      %eq3A_41 = vector.broadcast %get3A_3 : vector<512x1xi32> to vector<512x2048xi32>
      %eq3A_42 = vector.broadcast %get3A_6 : vector<1x2048xi32> to vector<512x2048xi32>
      %eq3A_43 = arith.cmpi eq, %eq3A_41, %eq3A_42 : vector<512x2048xi32>
      %gt3A = vector.broadcast %get3A_33 : vector<1x2048xf32> to vector<512x2048xf32>
      %gt3A_44 = vector.broadcast %get3A_30 : vector<512x1xf32> to vector<512x2048xf32>
      %gt3A_45 = arith.cmpf ogt, %gt3A, %gt3A_44 : vector<512x2048xf32>
      %eq3A_46 = vector.broadcast %get3A_33 : vector<1x2048xf32> to vector<512x2048xf32>
      %eq3A_47 = vector.broadcast %get3A_30 : vector<512x1xf32> to vector<512x2048xf32>
      %eq3A_48 = arith.cmpf oeq, %eq3A_46, %eq3A_47 : vector<512x2048xf32>
      %lt3A = vector.broadcast %add3A_40 : vector<1x2048xi32> to vector<512x2048xi32>
      %lt3A_49 = vector.broadcast %add3A_35 : vector<512x1xi32> to vector<512x2048xi32>
      %lt3A_50 = arith.cmpi slt, %lt3A, %lt3A_49 : vector<512x2048xi32>
      %and3A_51 = arith.andi %eq3A_48, %lt3A_50 : vector<512x2048xi1>
      %or3A = arith.ori %gt3A_45, %and3A_51 : vector<512x2048xi1>
      %and3A_52 = arith.andi %eq3A_43, %or3A : vector<512x2048xi1>
      %get3A_53 = arith.constant 0 : index
      %get3A_54 = arith.constant 0 : index
      %get3A_55 = vector.load %arg6[%get3A_53, %get3A_54] : memref<512x1xi32, #tpu.memory_space<vmem>>, vector<512x1xi32>
      %convert_element_type3A_56 = arith.extui %and3A_52 : vector<512x2048xi1> to vector<512x2048xi32>
      %reduce_sum3A = arith.constant dense<0> : vector<512xi32>
      %reduce_sum3A_57 = vector.multi_reduction <add>, %convert_element_type3A_56, %reduce_sum3A [1] : vector<512x2048xi32> to vector<512xi32>
      %broadcast_in_dim3A = vector.shape_cast %reduce_sum3A_57 : vector<512xi32> to vector<512x1xi32>
      %add3A_58 = arith.addi %get3A_55, %broadcast_in_dim3A : vector<512x1xi32>
      %swap3A = arith.constant 0 : index
      %swap3A_59 = arith.constant 0 : index
      %swap3A_60 = vector.load %arg6[%swap3A, %swap3A_59] : memref<512x1xi32, #tpu.memory_space<vmem>>, vector<512x1xi32>
      tpu.vector_store %arg6[%swap3A, %swap3A_59], %add3A_58 {strides = array<i32>} : memref<512x1xi32, #tpu.memory_space<vmem>>, vector<512x1xi32>,
      %get3A_61 = arith.constant 0 : index
      %get3A_62 = arith.constant 0 : index
      %get3A_63 = vector.load %arg7[%get3A_61, %get3A_62] : memref<512x1xi32, #tpu.memory_space<vmem>>, vector<512x1xi32>
      %convert_element_type3A_64 = arith.extui %eq3A_43 : vector<512x2048xi1> to vector<512x2048xi32>
      %reduce_sum3A_65 = arith.constant dense<0> : vector<512xi32>
      %reduce_sum3A_66 = vector.multi_reduction <add>, %convert_element_type3A_64, %reduce_sum3A_65 [1] : vector<512x2048xi32> to vector<512xi32>
      %broadcast_in_dim3A_67 = vector.shape_cast %reduce_sum3A_66 : vector<512xi32> to vector<512x1xi32>
      %add3A_68 = arith.addi %get3A_63, %broadcast_in_dim3A_67 : vector<512x1xi32>
      %swap3A_69 = arith.constant 0 : index
      %swap3A_70 = arith.constant 0 : index
      %swap3A_71 = vector.load %arg7[%swap3A_69, %swap3A_70] : memref<512x1xi32, #tpu.memory_space<vmem>>, vector<512x1xi32>
      tpu.vector_store %arg7[%swap3A_69, %swap3A_70], %add3A_68 {strides = array<i32>} : memref<512x1xi32, #tpu.memory_space<vmem>>, vector<512x1xi32>,
    } else {
    }
    return
  }
  func.func @transform_0(%arg0: i32, %arg1: i32) -> (i32, i32) {
    %c0_i32 = arith.constant 0 : i32
    %c0_i32_0 = arith.constant 0 : i32
    return %arg0, %c0_i32 : i32, i32
  }
  func.func @transform_1(%arg0: i32, %arg1: i32) -> (i32, i32) {
    %c0_i32 = arith.constant 0 : i32
    %c0_i32_0 = arith.constant 0 : i32
    return %arg0, %c0_i32 : i32, i32
  }
  func.func @transform_2(%arg0: i32, %arg1: i32) -> (i32, i32) {
    %c0_i32 = arith.constant 0 : i32
    %c0_i32_0 = arith.constant 0 : i32
    return %c0_i32, %arg1 : i32, i32
  }
  func.func @transform_3(%arg0: i32, %arg1: i32) -> (i32, i32) {
    %c0_i32 = arith.constant 0 : i32
    %c0_i32_0 = arith.constant 0 : i32
    return %c0_i32, %arg1 : i32, i32
  }
  func.func @transform_4(%arg0: i32, %arg1: i32) -> (i32, i32) {
    %c0_i32 = arith.constant 0 : i32
    %c0_i32_0 = arith.constant 0 : i32
    return %arg0, %c0_i32 : i32, i32
  }
  func.func @transform_5(%arg0: i32, %arg1: i32) -> (i32, i32) {
    %c0_i32 = arith.constant 0 : i32
    %c0_i32_0 = arith.constant 0 : i32
    return %arg0, %c0_i32 : i32, i32
  }
}

module attributes {stable_mosaic.version = 14 : i64} {
  func.func @_pool_body(%arg0: i32, %arg1: memref<512x32xf32, #tpu.memory_space<vmem>>, %arg2: memref<512x1xi32, #tpu.memory_space<vmem>>, %arg3: memref<512x1xi32, #tpu.memory_space<vmem>>, %arg4: memref<16x32xf32, #tpu.memory_space<vmem>>, %arg5: memref<16x32xf32, #tpu.memory_space<vmem>>, %arg6: memref<16x1xf32, #tpu.memory_space<vmem>>) attributes {dimension_semantics = [#tpu.dimension_semantics<arbitrary>], iteration_bounds = array<i64: 20>, scalar_prefetch = 0 : i64, scratch_operands = 0 : i64, tpu.core_type = #tpu.core_type<tc>, window_params = [{transform_indices = @transform_0, window_bounds = array<i64: 512, 32>}, {transform_indices = @transform_1, window_bounds = array<i64: 512, 1>}, {transform_indices = @transform_2, window_bounds = array<i64: 512, 1>}, {pipeline_mode = #tpu.pipeline_mode<synchronous>, transform_indices = @transform_3, window_bounds = array<i64: 16, 32>}, {pipeline_mode = #tpu.pipeline_mode<synchronous>, transform_indices = @transform_4, window_bounds = array<i64: 16, 32>}, {pipeline_mode = #tpu.pipeline_mode<synchronous>, transform_indices = @transform_5, window_bounds = array<i64: 16, 1>}]} {
    %eq3A = arith.constant 0 : i32
    %eq3A_0 = arith.cmpi eq, %arg0, %eq3A : i32
    %convert_element_type3A = arith.extui %eq3A_0 : i1 to i32
    %cond3A = arith.constant 0 : i32
    %cond3A_1 = arith.cmpi ne, %convert_element_type3A, %cond3A : i32
    scf.if %cond3A_1 {
      %broadcast_in_dim3A_739 = arith.constant 0xFF800000 : f32
      %broadcast_in_dim3A_740 = vector.broadcast %broadcast_in_dim3A_739 : f32 to vector<16x32xf32>
      %swap3A_741 = arith.constant 0 : index
      %swap3A_742 = arith.constant 0 : index
      %swap3A_743 = vector.load %arg4[%swap3A_741, %swap3A_742] : memref<16x32xf32, #tpu.memory_space<vmem>>, vector<16x32xf32>
      tpu.vector_store %arg4[%swap3A_741, %swap3A_742], %broadcast_in_dim3A_740 {strides = array<i32>} : memref<16x32xf32, #tpu.memory_space<vmem>>, vector<16x32xf32>,
      %broadcast_in_dim3A_744 = arith.constant 0.000000e+00 : f32
      %broadcast_in_dim3A_745 = vector.broadcast %broadcast_in_dim3A_744 : f32 to vector<16x32xf32>
      %swap3A_746 = arith.constant 0 : index
      %swap3A_747 = arith.constant 0 : index
      %swap3A_748 = vector.load %arg5[%swap3A_746, %swap3A_747] : memref<16x32xf32, #tpu.memory_space<vmem>>, vector<16x32xf32>
      tpu.vector_store %arg5[%swap3A_746, %swap3A_747], %broadcast_in_dim3A_745 {strides = array<i32>} : memref<16x32xf32, #tpu.memory_space<vmem>>, vector<16x32xf32>,
      %broadcast_in_dim3A_749 = arith.constant 0.000000e+00 : f32
      %broadcast_in_dim3A_750 = vector.broadcast %broadcast_in_dim3A_749 : f32 to vector<16x1xf32>
      %swap3A_751 = arith.constant 0 : index
      %swap3A_752 = arith.constant 0 : index
      %swap3A_753 = vector.load %arg6[%swap3A_751, %swap3A_752] : memref<16x1xf32, #tpu.memory_space<vmem>>, vector<16x1xf32>
      tpu.vector_store %arg6[%swap3A_751, %swap3A_752], %broadcast_in_dim3A_750 {strides = array<i32>} : memref<16x1xf32, #tpu.memory_space<vmem>>, vector<16x1xf32>,
    } else {
    }
    %get3A = arith.constant 0 : index
    %get3A_2 = arith.constant 0 : index
    %get3A_3 = vector.load %arg1[%get3A, %get3A_2] : memref<512x32xf32, #tpu.memory_space<vmem>>, vector<512x32xf32>
    %get3A_4 = arith.constant 0 : index
    %get3A_5 = arith.constant 0 : index
    %get3A_6 = vector.load %arg2[%get3A_4, %get3A_5] : memref<512x1xi32, #tpu.memory_space<vmem>>, vector<512x1xi32>
    %get3A_7 = arith.constant 0 : index
    %get3A_8 = arith.constant 0 : index
    %get3A_9 = vector.load %arg3[%get3A_7, %get3A_8] : memref<512x1xi32, #tpu.memory_space<vmem>>, vector<512x1xi32>
    %ne3A = arith.constant 0 : i32
    %ne3A_10 = vector.broadcast %ne3A : i32 to vector<512x1xi32>
    %ne3A_11 = arith.cmpi ne, %get3A_9, %ne3A_10 : vector<512x1xi32>
    %eq3A_12 = arith.constant 0 : i32
    %eq3A_13 = vector.broadcast %eq3A_12 : i32 to vector<512x1xi32>
    %eq3A_14 = arith.cmpi eq, %get3A_6, %eq3A_13 : vector<512x1xi32>
    %and3A = arith.andi %eq3A_14, %ne3A_11 : vector<512x1xi1>
    %get3A_15 = arith.constant 0 : index
    %get3A_16 = arith.constant 0 : index
    %get3A_17 = vector.load %arg4[%get3A_15, %get3A_16] : memref<16x32xf32, #tpu.memory_space<vmem>>, vector<1x32xf32>
    %jit3A = arith.constant 0xFF800000 : f32
    %broadcast_in_dim3A = vector.shape_cast %and3A : vector<512x1xi1> to vector<512x1xi1>
    %broadcast_in_dim3A_18 = vector.broadcast %broadcast_in_dim3A : vector<512x1xi1> to vector<512x32xi1>
    %broadcast_in_dim3A_19 = vector.broadcast %jit3A : f32 to vector<512x32xf32>
    %select_n3A = arith.select %broadcast_in_dim3A_18, %get3A_3, %broadcast_in_dim3A_19 : vector<512x32xi1>, vector<512x32xf32>
    %reduce_max3A = arith.constant dense<0xFF800000> : vector<32xf32>
    %reduce_max3A_20 = vector.multi_reduction <maximumf>, %select_n3A, %reduce_max3A [0] : vector<512x32xf32> to vector<32xf32>
    %broadcast_in_dim3A_21 = vector.shape_cast %reduce_max3A_20 : vector<32xf32> to vector<1x32xf32>
    %max3A = arith.maximumf %get3A_17, %broadcast_in_dim3A_21 : vector<1x32xf32>
    %swap3A = arith.constant 0 : index
    %swap3A_22 = arith.constant 0 : index
    %swap3A_23 = vector.load %arg4[%swap3A, %swap3A_22] : memref<16x32xf32, #tpu.memory_space<vmem>>, vector<1x32xf32>
    tpu.vector_store %arg4[%swap3A, %swap3A_22], %max3A {strides = array<i32>} : memref<16x32xf32, #tpu.memory_space<vmem>>, vector<1x32xf32>,
    %get3A_24 = arith.constant 0 : index
    %get3A_25 = arith.constant 0 : index
    %get3A_26 = vector.load %arg5[%get3A_24, %get3A_25] : memref<16x32xf32, #tpu.memory_space<vmem>>, vector<1x32xf32>
    %jit3A_27 = arith.constant 0.000000e+00 : f32
    %broadcast_in_dim3A_28 = vector.shape_cast %and3A : vector<512x1xi1> to vector<512x1xi1>
    %broadcast_in_dim3A_29 = vector.broadcast %broadcast_in_dim3A_28 : vector<512x1xi1> to vector<512x32xi1>
    %broadcast_in_dim3A_30 = vector.broadcast %jit3A_27 : f32 to vector<512x32xf32>
    %select_n3A_31 = arith.select %broadcast_in_dim3A_29, %get3A_3, %broadcast_in_dim3A_30 : vector<512x32xi1>, vector<512x32xf32>
    %reduce_sum3A = arith.constant dense<0.000000e+00> : vector<32xf32>
    %reduce_sum3A_32 = vector.multi_reduction <add>, %select_n3A_31, %reduce_sum3A [0] : vector<512x32xf32> to vector<32xf32>
    %broadcast_in_dim3A_33 = vector.shape_cast %reduce_sum3A_32 : vector<32xf32> to vector<1x32xf32>
    %add3A = arith.addf %get3A_26, %broadcast_in_dim3A_33 : vector<1x32xf32>
    %swap3A_34 = arith.constant 0 : index
    %swap3A_35 = arith.constant 0 : index
    %swap3A_36 = vector.load %arg5[%swap3A_34, %swap3A_35] : memref<16x32xf32, #tpu.memory_space<vmem>>, vector<1x32xf32>
    tpu.vector_store %arg5[%swap3A_34, %swap3A_35], %add3A {strides = array<i32>} : memref<16x32xf32, #tpu.memory_space<vmem>>, vector<1x32xf32>,
    %get3A_37 = arith.constant 0 : index
    %get3A_38 = arith.constant 0 : index
    %get3A_39 = vector.load %arg6[%get3A_37, %get3A_38] : memref<16x1xf32, #tpu.memory_space<vmem>>, vector<1x1xf32>
    %convert_element_type3A_40 = arith.extui %and3A : vector<512x1xi1> to vector<512x1xi32>
    %convert_element_type3A_41 = arith.sitofp %convert_element_type3A_40 : vector<512x1xi32> to vector<512x1xf32>
    %reduce_sum3A_42 = arith.constant dense<0.000000e+00> : vector<1xf32>
    %reduce_sum3A_43 = vector.multi_reduction <add>, %convert_element_type3A_41, %reduce_sum3A_42 [0] : vector<512x1xf32> to vector<1xf32>
    %broadcast_in_dim3A_44 = vector.shape_cast %reduce_sum3A_43 : vector<1xf32> to vector<1x1xf32>
    %add3A_45 = arith.addf %get3A_39, %broadcast_in_dim3A_44 : vector<1x1xf32>
    %swap3A_46 = arith.constant 0 : index
    %swap3A_47 = arith.constant 0 : index
    %swap3A_48 = vector.load %arg6[%swap3A_46, %swap3A_47] : memref<16x1xf32, #tpu.memory_space<vmem>>, vector<1x1xf32>
    tpu.vector_store %arg6[%swap3A_46, %swap3A_47], %add3A_45 {strides = array<i32>} : memref<16x1xf32, #tpu.memory_space<vmem>>, vector<1x1xf32>,
    %eq3A_49 = arith.constant 1 : i32
    %eq3A_50 = vector.broadcast %eq3A_49 : i32 to vector<512x1xi32>
    %eq3A_51 = arith.cmpi eq, %get3A_6, %eq3A_50 : vector<512x1xi32>
    %and3A_52 = arith.andi %eq3A_51, %ne3A_11 : vector<512x1xi1>
    %get3A_53 = arith.constant 1 : index
    %get3A_54 = arith.constant 0 : index
    %get3A_55 = vector.load %arg4[%get3A_53, %get3A_54] : memref<16x32xf32, #tpu.memory_space<vmem>>, vector<1x32xf32>
    %jit3A_56 = arith.constant 0xFF800000 : f32
    %broadcast_in_dim3A_57 = vector.shape_cast %and3A_52 : vector<512x1xi1> to vector<512x1xi1>
    %broadcast_in_dim3A_58 = vector.broadcast %broadcast_in_dim3A_57 : vector<512x1xi1> to vector<512x32xi1>
    %broadcast_in_dim3A_59 = vector.broadcast %jit3A_56 : f32 to vector<512x32xf32>
    %select_n3A_60 = arith.select %broadcast_in_dim3A_58, %get3A_3, %broadcast_in_dim3A_59 : vector<512x32xi1>, vector<512x32xf32>
    %reduce_max3A_61 = arith.constant dense<0xFF800000> : vector<32xf32>
    %reduce_max3A_62 = vector.multi_reduction <maximumf>, %select_n3A_60, %reduce_max3A_61 [0] : vector<512x32xf32> to vector<32xf32>
    %broadcast_in_dim3A_63 = vector.shape_cast %reduce_max3A_62 : vector<32xf32> to vector<1x32xf32>
    %max3A_64 = arith.maximumf %get3A_55, %broadcast_in_dim3A_63 : vector<1x32xf32>
    %swap3A_65 = arith.constant 1 : index
    %swap3A_66 = arith.constant 0 : index
    %swap3A_67 = vector.load %arg4[%swap3A_65, %swap3A_66] : memref<16x32xf32, #tpu.memory_space<vmem>>, vector<1x32xf32>
    tpu.vector_store %arg4[%swap3A_65, %swap3A_66], %max3A_64 {strides = array<i32>} : memref<16x32xf32, #tpu.memory_space<vmem>>, vector<1x32xf32>,
    %get3A_68 = arith.constant 1 : index
    %get3A_69 = arith.constant 0 : index
    %get3A_70 = vector.load %arg5[%get3A_68, %get3A_69] : memref<16x32xf32, #tpu.memory_space<vmem>>, vector<1x32xf32>
    %jit3A_71 = arith.constant 0.000000e+00 : f32
    %broadcast_in_dim3A_72 = vector.shape_cast %and3A_52 : vector<512x1xi1> to vector<512x1xi1>
    %broadcast_in_dim3A_73 = vector.broadcast %broadcast_in_dim3A_72 : vector<512x1xi1> to vector<512x32xi1>
    %broadcast_in_dim3A_74 = vector.broadcast %jit3A_71 : f32 to vector<512x32xf32>
    %select_n3A_75 = arith.select %broadcast_in_dim3A_73, %get3A_3, %broadcast_in_dim3A_74 : vector<512x32xi1>, vector<512x32xf32>
    %reduce_sum3A_76 = arith.constant dense<0.000000e+00> : vector<32xf32>
    %reduce_sum3A_77 = vector.multi_reduction <add>, %select_n3A_75, %reduce_sum3A_76 [0] : vector<512x32xf32> to vector<32xf32>
    %broadcast_in_dim3A_78 = vector.shape_cast %reduce_sum3A_77 : vector<32xf32> to vector<1x32xf32>
    %add3A_79 = arith.addf %get3A_70, %broadcast_in_dim3A_78 : vector<1x32xf32>
    %swap3A_80 = arith.constant 1 : index
    %swap3A_81 = arith.constant 0 : index
    %swap3A_82 = vector.load %arg5[%swap3A_80, %swap3A_81] : memref<16x32xf32, #tpu.memory_space<vmem>>, vector<1x32xf32>
    tpu.vector_store %arg5[%swap3A_80, %swap3A_81], %add3A_79 {strides = array<i32>} : memref<16x32xf32, #tpu.memory_space<vmem>>, vector<1x32xf32>,
    %get3A_83 = arith.constant 1 : index
    %get3A_84 = arith.constant 0 : index
    %get3A_85 = vector.load %arg6[%get3A_83, %get3A_84] : memref<16x1xf32, #tpu.memory_space<vmem>>, vector<1x1xf32>
    %convert_element_type3A_86 = arith.extui %and3A_52 : vector<512x1xi1> to vector<512x1xi32>
    %convert_element_type3A_87 = arith.sitofp %convert_element_type3A_86 : vector<512x1xi32> to vector<512x1xf32>
    %reduce_sum3A_88 = arith.constant dense<0.000000e+00> : vector<1xf32>
    %reduce_sum3A_89 = vector.multi_reduction <add>, %convert_element_type3A_87, %reduce_sum3A_88 [0] : vector<512x1xf32> to vector<1xf32>
    %broadcast_in_dim3A_90 = vector.shape_cast %reduce_sum3A_89 : vector<1xf32> to vector<1x1xf32>
    %add3A_91 = arith.addf %get3A_85, %broadcast_in_dim3A_90 : vector<1x1xf32>
    %swap3A_92 = arith.constant 1 : index
    %swap3A_93 = arith.constant 0 : index
    %swap3A_94 = vector.load %arg6[%swap3A_92, %swap3A_93] : memref<16x1xf32, #tpu.memory_space<vmem>>, vector<1x1xf32>
    tpu.vector_store %arg6[%swap3A_92, %swap3A_93], %add3A_91 {strides = array<i32>} : memref<16x1xf32, #tpu.memory_space<vmem>>, vector<1x1xf32>,
    %eq3A_95 = arith.constant 2 : i32
    %eq3A_96 = vector.broadcast %eq3A_95 : i32 to vector<512x1xi32>
    %eq3A_97 = arith.cmpi eq, %get3A_6, %eq3A_96 : vector<512x1xi32>
    %and3A_98 = arith.andi %eq3A_97, %ne3A_11 : vector<512x1xi1>
    %get3A_99 = arith.constant 2 : index
    %get3A_100 = arith.constant 0 : index
    %get3A_101 = vector.load %arg4[%get3A_99, %get3A_100] : memref<16x32xf32, #tpu.memory_space<vmem>>, vector<1x32xf32>
    %jit3A_102 = arith.constant 0xFF800000 : f32
    %broadcast_in_dim3A_103 = vector.shape_cast %and3A_98 : vector<512x1xi1> to vector<512x1xi1>
    %broadcast_in_dim3A_104 = vector.broadcast %broadcast_in_dim3A_103 : vector<512x1xi1> to vector<512x32xi1>
    %broadcast_in_dim3A_105 = vector.broadcast %jit3A_102 : f32 to vector<512x32xf32>
    %select_n3A_106 = arith.select %broadcast_in_dim3A_104, %get3A_3, %broadcast_in_dim3A_105 : vector<512x32xi1>, vector<512x32xf32>
    %reduce_max3A_107 = arith.constant dense<0xFF800000> : vector<32xf32>
    %reduce_max3A_108 = vector.multi_reduction <maximumf>, %select_n3A_106, %reduce_max3A_107 [0] : vector<512x32xf32> to vector<32xf32>
    %broadcast_in_dim3A_109 = vector.shape_cast %reduce_max3A_108 : vector<32xf32> to vector<1x32xf32>
    %max3A_110 = arith.maximumf %get3A_101, %broadcast_in_dim3A_109 : vector<1x32xf32>
    %swap3A_111 = arith.constant 2 : index
    %swap3A_112 = arith.constant 0 : index
    %swap3A_113 = vector.load %arg4[%swap3A_111, %swap3A_112] : memref<16x32xf32, #tpu.memory_space<vmem>>, vector<1x32xf32>
    tpu.vector_store %arg4[%swap3A_111, %swap3A_112], %max3A_110 {strides = array<i32>} : memref<16x32xf32, #tpu.memory_space<vmem>>, vector<1x32xf32>,
    %get3A_114 = arith.constant 2 : index
    %get3A_115 = arith.constant 0 : index
    %get3A_116 = vector.load %arg5[%get3A_114, %get3A_115] : memref<16x32xf32, #tpu.memory_space<vmem>>, vector<1x32xf32>
    %jit3A_117 = arith.constant 0.000000e+00 : f32
    %broadcast_in_dim3A_118 = vector.shape_cast %and3A_98 : vector<512x1xi1> to vector<512x1xi1>
    %broadcast_in_dim3A_119 = vector.broadcast %broadcast_in_dim3A_118 : vector<512x1xi1> to vector<512x32xi1>
    %broadcast_in_dim3A_120 = vector.broadcast %jit3A_117 : f32 to vector<512x32xf32>
    %select_n3A_121 = arith.select %broadcast_in_dim3A_119, %get3A_3, %broadcast_in_dim3A_120 : vector<512x32xi1>, vector<512x32xf32>
    %reduce_sum3A_122 = arith.constant dense<0.000000e+00> : vector<32xf32>
    %reduce_sum3A_123 = vector.multi_reduction <add>, %select_n3A_121, %reduce_sum3A_122 [0] : vector<512x32xf32> to vector<32xf32>
    %broadcast_in_dim3A_124 = vector.shape_cast %reduce_sum3A_123 : vector<32xf32> to vector<1x32xf32>
    %add3A_125 = arith.addf %get3A_116, %broadcast_in_dim3A_124 : vector<1x32xf32>
    %swap3A_126 = arith.constant 2 : index
    %swap3A_127 = arith.constant 0 : index
    %swap3A_128 = vector.load %arg5[%swap3A_126, %swap3A_127] : memref<16x32xf32, #tpu.memory_space<vmem>>, vector<1x32xf32>
    tpu.vector_store %arg5[%swap3A_126, %swap3A_127], %add3A_125 {strides = array<i32>} : memref<16x32xf32, #tpu.memory_space<vmem>>, vector<1x32xf32>,
    %get3A_129 = arith.constant 2 : index
    %get3A_130 = arith.constant 0 : index
    %get3A_131 = vector.load %arg6[%get3A_129, %get3A_130] : memref<16x1xf32, #tpu.memory_space<vmem>>, vector<1x1xf32>
    %convert_element_type3A_132 = arith.extui %and3A_98 : vector<512x1xi1> to vector<512x1xi32>
    %convert_element_type3A_133 = arith.sitofp %convert_element_type3A_132 : vector<512x1xi32> to vector<512x1xf32>
    %reduce_sum3A_134 = arith.constant dense<0.000000e+00> : vector<1xf32>
    %reduce_sum3A_135 = vector.multi_reduction <add>, %convert_element_type3A_133, %reduce_sum3A_134 [0] : vector<512x1xf32> to vector<1xf32>
    %broadcast_in_dim3A_136 = vector.shape_cast %reduce_sum3A_135 : vector<1xf32> to vector<1x1xf32>
    %add3A_137 = arith.addf %get3A_131, %broadcast_in_dim3A_136 : vector<1x1xf32>
    %swap3A_138 = arith.constant 2 : index
    %swap3A_139 = arith.constant 0 : index
    %swap3A_140 = vector.load %arg6[%swap3A_138, %swap3A_139] : memref<16x1xf32, #tpu.memory_space<vmem>>, vector<1x1xf32>
    tpu.vector_store %arg6[%swap3A_138, %swap3A_139], %add3A_137 {strides = array<i32>} : memref<16x1xf32, #tpu.memory_space<vmem>>, vector<1x1xf32>,
    %eq3A_141 = arith.constant 3 : i32
    %eq3A_142 = vector.broadcast %eq3A_141 : i32 to vector<512x1xi32>
    %eq3A_143 = arith.cmpi eq, %get3A_6, %eq3A_142 : vector<512x1xi32>
    %and3A_144 = arith.andi %eq3A_143, %ne3A_11 : vector<512x1xi1>
    %get3A_145 = arith.constant 3 : index
    %get3A_146 = arith.constant 0 : index
    %get3A_147 = vector.load %arg4[%get3A_145, %get3A_146] : memref<16x32xf32, #tpu.memory_space<vmem>>, vector<1x32xf32>
    %jit3A_148 = arith.constant 0xFF800000 : f32
    %broadcast_in_dim3A_149 = vector.shape_cast %and3A_144 : vector<512x1xi1> to vector<512x1xi1>
    %broadcast_in_dim3A_150 = vector.broadcast %broadcast_in_dim3A_149 : vector<512x1xi1> to vector<512x32xi1>
    %broadcast_in_dim3A_151 = vector.broadcast %jit3A_148 : f32 to vector<512x32xf32>
    %select_n3A_152 = arith.select %broadcast_in_dim3A_150, %get3A_3, %broadcast_in_dim3A_151 : vector<512x32xi1>, vector<512x32xf32>
    %reduce_max3A_153 = arith.constant dense<0xFF800000> : vector<32xf32>
    %reduce_max3A_154 = vector.multi_reduction <maximumf>, %select_n3A_152, %reduce_max3A_153 [0] : vector<512x32xf32> to vector<32xf32>
    %broadcast_in_dim3A_155 = vector.shape_cast %reduce_max3A_154 : vector<32xf32> to vector<1x32xf32>
    %max3A_156 = arith.maximumf %get3A_147, %broadcast_in_dim3A_155 : vector<1x32xf32>
    %swap3A_157 = arith.constant 3 : index
    %swap3A_158 = arith.constant 0 : index
    %swap3A_159 = vector.load %arg4[%swap3A_157, %swap3A_158] : memref<16x32xf32, #tpu.memory_space<vmem>>, vector<1x32xf32>
    tpu.vector_store %arg4[%swap3A_157, %swap3A_158], %max3A_156 {strides = array<i32>} : memref<16x32xf32, #tpu.memory_space<vmem>>, vector<1x32xf32>,
    %get3A_160 = arith.constant 3 : index
    %get3A_161 = arith.constant 0 : index
    %get3A_162 = vector.load %arg5[%get3A_160, %get3A_161] : memref<16x32xf32, #tpu.memory_space<vmem>>, vector<1x32xf32>
    %jit3A_163 = arith.constant 0.000000e+00 : f32
    %broadcast_in_dim3A_164 = vector.shape_cast %and3A_144 : vector<512x1xi1> to vector<512x1xi1>
    %broadcast_in_dim3A_165 = vector.broadcast %broadcast_in_dim3A_164 : vector<512x1xi1> to vector<512x32xi1>
    %broadcast_in_dim3A_166 = vector.broadcast %jit3A_163 : f32 to vector<512x32xf32>
    %select_n3A_167 = arith.select %broadcast_in_dim3A_165, %get3A_3, %broadcast_in_dim3A_166 : vector<512x32xi1>, vector<512x32xf32>
    %reduce_sum3A_168 = arith.constant dense<0.000000e+00> : vector<32xf32>
    %reduce_sum3A_169 = vector.multi_reduction <add>, %select_n3A_167, %reduce_sum3A_168 [0] : vector<512x32xf32> to vector<32xf32>
    %broadcast_in_dim3A_170 = vector.shape_cast %reduce_sum3A_169 : vector<32xf32> to vector<1x32xf32>
    %add3A_171 = arith.addf %get3A_162, %broadcast_in_dim3A_170 : vector<1x32xf32>
    %swap3A_172 = arith.constant 3 : index
    %swap3A_173 = arith.constant 0 : index
    %swap3A_174 = vector.load %arg5[%swap3A_172, %swap3A_173] : memref<16x32xf32, #tpu.memory_space<vmem>>, vector<1x32xf32>
    tpu.vector_store %arg5[%swap3A_172, %swap3A_173], %add3A_171 {strides = array<i32>} : memref<16x32xf32, #tpu.memory_space<vmem>>, vector<1x32xf32>,
    %get3A_175 = arith.constant 3 : index
    %get3A_176 = arith.constant 0 : index
    %get3A_177 = vector.load %arg6[%get3A_175, %get3A_176] : memref<16x1xf32, #tpu.memory_space<vmem>>, vector<1x1xf32>
    %convert_element_type3A_178 = arith.extui %and3A_144 : vector<512x1xi1> to vector<512x1xi32>
    %convert_element_type3A_179 = arith.sitofp %convert_element_type3A_178 : vector<512x1xi32> to vector<512x1xf32>
    %reduce_sum3A_180 = arith.constant dense<0.000000e+00> : vector<1xf32>
    %reduce_sum3A_181 = vector.multi_reduction <add>, %convert_element_type3A_179, %reduce_sum3A_180 [0] : vector<512x1xf32> to vector<1xf32>
    %broadcast_in_dim3A_182 = vector.shape_cast %reduce_sum3A_181 : vector<1xf32> to vector<1x1xf32>
    %add3A_183 = arith.addf %get3A_177, %broadcast_in_dim3A_182 : vector<1x1xf32>
    %swap3A_184 = arith.constant 3 : index
    %swap3A_185 = arith.constant 0 : index
    %swap3A_186 = vector.load %arg6[%swap3A_184, %swap3A_185] : memref<16x1xf32, #tpu.memory_space<vmem>>, vector<1x1xf32>
    tpu.vector_store %arg6[%swap3A_184, %swap3A_185], %add3A_183 {strides = array<i32>} : memref<16x1xf32, #tpu.memory_space<vmem>>, vector<1x1xf32>,
    %eq3A_187 = arith.constant 4 : i32
    %eq3A_188 = vector.broadcast %eq3A_187 : i32 to vector<512x1xi32>
    %eq3A_189 = arith.cmpi eq, %get3A_6, %eq3A_188 : vector<512x1xi32>
    %and3A_190 = arith.andi %eq3A_189, %ne3A_11 : vector<512x1xi1>
    %get3A_191 = arith.constant 4 : index
    %get3A_192 = arith.constant 0 : index
    %get3A_193 = vector.load %arg4[%get3A_191, %get3A_192] : memref<16x32xf32, #tpu.memory_space<vmem>>, vector<1x32xf32>
    %jit3A_194 = arith.constant 0xFF800000 : f32
    %broadcast_in_dim3A_195 = vector.shape_cast %and3A_190 : vector<512x1xi1> to vector<512x1xi1>
    %broadcast_in_dim3A_196 = vector.broadcast %broadcast_in_dim3A_195 : vector<512x1xi1> to vector<512x32xi1>
    %broadcast_in_dim3A_197 = vector.broadcast %jit3A_194 : f32 to vector<512x32xf32>
    %select_n3A_198 = arith.select %broadcast_in_dim3A_196, %get3A_3, %broadcast_in_dim3A_197 : vector<512x32xi1>, vector<512x32xf32>
    %reduce_max3A_199 = arith.constant dense<0xFF800000> : vector<32xf32>
    %reduce_max3A_200 = vector.multi_reduction <maximumf>, %select_n3A_198, %reduce_max3A_199 [0] : vector<512x32xf32> to vector<32xf32>
    %broadcast_in_dim3A_201 = vector.shape_cast %reduce_max3A_200 : vector<32xf32> to vector<1x32xf32>
    %max3A_202 = arith.maximumf %get3A_193, %broadcast_in_dim3A_201 : vector<1x32xf32>
    %swap3A_203 = arith.constant 4 : index
    %swap3A_204 = arith.constant 0 : index
    %swap3A_205 = vector.load %arg4[%swap3A_203, %swap3A_204] : memref<16x32xf32, #tpu.memory_space<vmem>>, vector<1x32xf32>
    tpu.vector_store %arg4[%swap3A_203, %swap3A_204], %max3A_202 {strides = array<i32>} : memref<16x32xf32, #tpu.memory_space<vmem>>, vector<1x32xf32>,
    %get3A_206 = arith.constant 4 : index
    %get3A_207 = arith.constant 0 : index
    %get3A_208 = vector.load %arg5[%get3A_206, %get3A_207] : memref<16x32xf32, #tpu.memory_space<vmem>>, vector<1x32xf32>
    %jit3A_209 = arith.constant 0.000000e+00 : f32
    %broadcast_in_dim3A_210 = vector.shape_cast %and3A_190 : vector<512x1xi1> to vector<512x1xi1>
    %broadcast_in_dim3A_211 = vector.broadcast %broadcast_in_dim3A_210 : vector<512x1xi1> to vector<512x32xi1>
    %broadcast_in_dim3A_212 = vector.broadcast %jit3A_209 : f32 to vector<512x32xf32>
    %select_n3A_213 = arith.select %broadcast_in_dim3A_211, %get3A_3, %broadcast_in_dim3A_212 : vector<512x32xi1>, vector<512x32xf32>
    %reduce_sum3A_214 = arith.constant dense<0.000000e+00> : vector<32xf32>
    %reduce_sum3A_215 = vector.multi_reduction <add>, %select_n3A_213, %reduce_sum3A_214 [0] : vector<512x32xf32> to vector<32xf32>
    %broadcast_in_dim3A_216 = vector.shape_cast %reduce_sum3A_215 : vector<32xf32> to vector<1x32xf32>
    %add3A_217 = arith.addf %get3A_208, %broadcast_in_dim3A_216 : vector<1x32xf32>
    %swap3A_218 = arith.constant 4 : index
    %swap3A_219 = arith.constant 0 : index
    %swap3A_220 = vector.load %arg5[%swap3A_218, %swap3A_219] : memref<16x32xf32, #tpu.memory_space<vmem>>, vector<1x32xf32>
    tpu.vector_store %arg5[%swap3A_218, %swap3A_219], %add3A_217 {strides = array<i32>} : memref<16x32xf32, #tpu.memory_space<vmem>>, vector<1x32xf32>,
    %get3A_221 = arith.constant 4 : index
    %get3A_222 = arith.constant 0 : index
    %get3A_223 = vector.load %arg6[%get3A_221, %get3A_222] : memref<16x1xf32, #tpu.memory_space<vmem>>, vector<1x1xf32>
    %convert_element_type3A_224 = arith.extui %and3A_190 : vector<512x1xi1> to vector<512x1xi32>
    %convert_element_type3A_225 = arith.sitofp %convert_element_type3A_224 : vector<512x1xi32> to vector<512x1xf32>
    %reduce_sum3A_226 = arith.constant dense<0.000000e+00> : vector<1xf32>
    %reduce_sum3A_227 = vector.multi_reduction <add>, %convert_element_type3A_225, %reduce_sum3A_226 [0] : vector<512x1xf32> to vector<1xf32>
    %broadcast_in_dim3A_228 = vector.shape_cast %reduce_sum3A_227 : vector<1xf32> to vector<1x1xf32>
    %add3A_229 = arith.addf %get3A_223, %broadcast_in_dim3A_228 : vector<1x1xf32>
    %swap3A_230 = arith.constant 4 : index
    %swap3A_231 = arith.constant 0 : index
    %swap3A_232 = vector.load %arg6[%swap3A_230, %swap3A_231] : memref<16x1xf32, #tpu.memory_space<vmem>>, vector<1x1xf32>
    tpu.vector_store %arg6[%swap3A_230, %swap3A_231], %add3A_229 {strides = array<i32>} : memref<16x1xf32, #tpu.memory_space<vmem>>, vector<1x1xf32>,
    %eq3A_233 = arith.constant 5 : i32
    %eq3A_234 = vector.broadcast %eq3A_233 : i32 to vector<512x1xi32>
    %eq3A_235 = arith.cmpi eq, %get3A_6, %eq3A_234 : vector<512x1xi32>
    %and3A_236 = arith.andi %eq3A_235, %ne3A_11 : vector<512x1xi1>
    %get3A_237 = arith.constant 5 : index
    %get3A_238 = arith.constant 0 : index
    %get3A_239 = vector.load %arg4[%get3A_237, %get3A_238] : memref<16x32xf32, #tpu.memory_space<vmem>>, vector<1x32xf32>
    %jit3A_240 = arith.constant 0xFF800000 : f32
    %broadcast_in_dim3A_241 = vector.shape_cast %and3A_236 : vector<512x1xi1> to vector<512x1xi1>
    %broadcast_in_dim3A_242 = vector.broadcast %broadcast_in_dim3A_241 : vector<512x1xi1> to vector<512x32xi1>
    %broadcast_in_dim3A_243 = vector.broadcast %jit3A_240 : f32 to vector<512x32xf32>
    %select_n3A_244 = arith.select %broadcast_in_dim3A_242, %get3A_3, %broadcast_in_dim3A_243 : vector<512x32xi1>, vector<512x32xf32>
    %reduce_max3A_245 = arith.constant dense<0xFF800000> : vector<32xf32>
    %reduce_max3A_246 = vector.multi_reduction <maximumf>, %select_n3A_244, %reduce_max3A_245 [0] : vector<512x32xf32> to vector<32xf32>
    %broadcast_in_dim3A_247 = vector.shape_cast %reduce_max3A_246 : vector<32xf32> to vector<1x32xf32>
    %max3A_248 = arith.maximumf %get3A_239, %broadcast_in_dim3A_247 : vector<1x32xf32>
    %swap3A_249 = arith.constant 5 : index
    %swap3A_250 = arith.constant 0 : index
    %swap3A_251 = vector.load %arg4[%swap3A_249, %swap3A_250] : memref<16x32xf32, #tpu.memory_space<vmem>>, vector<1x32xf32>
    tpu.vector_store %arg4[%swap3A_249, %swap3A_250], %max3A_248 {strides = array<i32>} : memref<16x32xf32, #tpu.memory_space<vmem>>, vector<1x32xf32>,
    %get3A_252 = arith.constant 5 : index
    %get3A_253 = arith.constant 0 : index
    %get3A_254 = vector.load %arg5[%get3A_252, %get3A_253] : memref<16x32xf32, #tpu.memory_space<vmem>>, vector<1x32xf32>
    %jit3A_255 = arith.constant 0.000000e+00 : f32
    %broadcast_in_dim3A_256 = vector.shape_cast %and3A_236 : vector<512x1xi1> to vector<512x1xi1>
    %broadcast_in_dim3A_257 = vector.broadcast %broadcast_in_dim3A_256 : vector<512x1xi1> to vector<512x32xi1>
    %broadcast_in_dim3A_258 = vector.broadcast %jit3A_255 : f32 to vector<512x32xf32>
    %select_n3A_259 = arith.select %broadcast_in_dim3A_257, %get3A_3, %broadcast_in_dim3A_258 : vector<512x32xi1>, vector<512x32xf32>
    %reduce_sum3A_260 = arith.constant dense<0.000000e+00> : vector<32xf32>
    %reduce_sum3A_261 = vector.multi_reduction <add>, %select_n3A_259, %reduce_sum3A_260 [0] : vector<512x32xf32> to vector<32xf32>
    %broadcast_in_dim3A_262 = vector.shape_cast %reduce_sum3A_261 : vector<32xf32> to vector<1x32xf32>
    %add3A_263 = arith.addf %get3A_254, %broadcast_in_dim3A_262 : vector<1x32xf32>
    %swap3A_264 = arith.constant 5 : index
    %swap3A_265 = arith.constant 0 : index
    %swap3A_266 = vector.load %arg5[%swap3A_264, %swap3A_265] : memref<16x32xf32, #tpu.memory_space<vmem>>, vector<1x32xf32>
    tpu.vector_store %arg5[%swap3A_264, %swap3A_265], %add3A_263 {strides = array<i32>} : memref<16x32xf32, #tpu.memory_space<vmem>>, vector<1x32xf32>,
    %get3A_267 = arith.constant 5 : index
    %get3A_268 = arith.constant 0 : index
    %get3A_269 = vector.load %arg6[%get3A_267, %get3A_268] : memref<16x1xf32, #tpu.memory_space<vmem>>, vector<1x1xf32>
    %convert_element_type3A_270 = arith.extui %and3A_236 : vector<512x1xi1> to vector<512x1xi32>
    %convert_element_type3A_271 = arith.sitofp %convert_element_type3A_270 : vector<512x1xi32> to vector<512x1xf32>
    %reduce_sum3A_272 = arith.constant dense<0.000000e+00> : vector<1xf32>
    %reduce_sum3A_273 = vector.multi_reduction <add>, %convert_element_type3A_271, %reduce_sum3A_272 [0] : vector<512x1xf32> to vector<1xf32>
    %broadcast_in_dim3A_274 = vector.shape_cast %reduce_sum3A_273 : vector<1xf32> to vector<1x1xf32>
    %add3A_275 = arith.addf %get3A_269, %broadcast_in_dim3A_274 : vector<1x1xf32>
    %swap3A_276 = arith.constant 5 : index
    %swap3A_277 = arith.constant 0 : index
    %swap3A_278 = vector.load %arg6[%swap3A_276, %swap3A_277] : memref<16x1xf32, #tpu.memory_space<vmem>>, vector<1x1xf32>
    tpu.vector_store %arg6[%swap3A_276, %swap3A_277], %add3A_275 {strides = array<i32>} : memref<16x1xf32, #tpu.memory_space<vmem>>, vector<1x1xf32>,
    %eq3A_279 = arith.constant 6 : i32
    %eq3A_280 = vector.broadcast %eq3A_279 : i32 to vector<512x1xi32>
    %eq3A_281 = arith.cmpi eq, %get3A_6, %eq3A_280 : vector<512x1xi32>
    %and3A_282 = arith.andi %eq3A_281, %ne3A_11 : vector<512x1xi1>
    %get3A_283 = arith.constant 6 : index
    %get3A_284 = arith.constant 0 : index
    %get3A_285 = vector.load %arg4[%get3A_283, %get3A_284] : memref<16x32xf32, #tpu.memory_space<vmem>>, vector<1x32xf32>
    %jit3A_286 = arith.constant 0xFF800000 : f32
    %broadcast_in_dim3A_287 = vector.shape_cast %and3A_282 : vector<512x1xi1> to vector<512x1xi1>
    %broadcast_in_dim3A_288 = vector.broadcast %broadcast_in_dim3A_287 : vector<512x1xi1> to vector<512x32xi1>
    %broadcast_in_dim3A_289 = vector.broadcast %jit3A_286 : f32 to vector<512x32xf32>
    %select_n3A_290 = arith.select %broadcast_in_dim3A_288, %get3A_3, %broadcast_in_dim3A_289 : vector<512x32xi1>, vector<512x32xf32>
    %reduce_max3A_291 = arith.constant dense<0xFF800000> : vector<32xf32>
    %reduce_max3A_292 = vector.multi_reduction <maximumf>, %select_n3A_290, %reduce_max3A_291 [0] : vector<512x32xf32> to vector<32xf32>
    %broadcast_in_dim3A_293 = vector.shape_cast %reduce_max3A_292 : vector<32xf32> to vector<1x32xf32>
    %max3A_294 = arith.maximumf %get3A_285, %broadcast_in_dim3A_293 : vector<1x32xf32>
    %swap3A_295 = arith.constant 6 : index
    %swap3A_296 = arith.constant 0 : index
    %swap3A_297 = vector.load %arg4[%swap3A_295, %swap3A_296] : memref<16x32xf32, #tpu.memory_space<vmem>>, vector<1x32xf32>
    tpu.vector_store %arg4[%swap3A_295, %swap3A_296], %max3A_294 {strides = array<i32>} : memref<16x32xf32, #tpu.memory_space<vmem>>, vector<1x32xf32>,
    %get3A_298 = arith.constant 6 : index
    %get3A_299 = arith.constant 0 : index
    %get3A_300 = vector.load %arg5[%get3A_298, %get3A_299] : memref<16x32xf32, #tpu.memory_space<vmem>>, vector<1x32xf32>
    %jit3A_301 = arith.constant 0.000000e+00 : f32
    %broadcast_in_dim3A_302 = vector.shape_cast %and3A_282 : vector<512x1xi1> to vector<512x1xi1>
    %broadcast_in_dim3A_303 = vector.broadcast %broadcast_in_dim3A_302 : vector<512x1xi1> to vector<512x32xi1>
    %broadcast_in_dim3A_304 = vector.broadcast %jit3A_301 : f32 to vector<512x32xf32>
    %select_n3A_305 = arith.select %broadcast_in_dim3A_303, %get3A_3, %broadcast_in_dim3A_304 : vector<512x32xi1>, vector<512x32xf32>
    %reduce_sum3A_306 = arith.constant dense<0.000000e+00> : vector<32xf32>
    %reduce_sum3A_307 = vector.multi_reduction <add>, %select_n3A_305, %reduce_sum3A_306 [0] : vector<512x32xf32> to vector<32xf32>
    %broadcast_in_dim3A_308 = vector.shape_cast %reduce_sum3A_307 : vector<32xf32> to vector<1x32xf32>
    %add3A_309 = arith.addf %get3A_300, %broadcast_in_dim3A_308 : vector<1x32xf32>
    %swap3A_310 = arith.constant 6 : index
    %swap3A_311 = arith.constant 0 : index
    %swap3A_312 = vector.load %arg5[%swap3A_310, %swap3A_311] : memref<16x32xf32, #tpu.memory_space<vmem>>, vector<1x32xf32>
    tpu.vector_store %arg5[%swap3A_310, %swap3A_311], %add3A_309 {strides = array<i32>} : memref<16x32xf32, #tpu.memory_space<vmem>>, vector<1x32xf32>,
    %get3A_313 = arith.constant 6 : index
    %get3A_314 = arith.constant 0 : index
    %get3A_315 = vector.load %arg6[%get3A_313, %get3A_314] : memref<16x1xf32, #tpu.memory_space<vmem>>, vector<1x1xf32>
    %convert_element_type3A_316 = arith.extui %and3A_282 : vector<512x1xi1> to vector<512x1xi32>
    %convert_element_type3A_317 = arith.sitofp %convert_element_type3A_316 : vector<512x1xi32> to vector<512x1xf32>
    %reduce_sum3A_318 = arith.constant dense<0.000000e+00> : vector<1xf32>
    %reduce_sum3A_319 = vector.multi_reduction <add>, %convert_element_type3A_317, %reduce_sum3A_318 [0] : vector<512x1xf32> to vector<1xf32>
    %broadcast_in_dim3A_320 = vector.shape_cast %reduce_sum3A_319 : vector<1xf32> to vector<1x1xf32>
    %add3A_321 = arith.addf %get3A_315, %broadcast_in_dim3A_320 : vector<1x1xf32>
    %swap3A_322 = arith.constant 6 : index
    %swap3A_323 = arith.constant 0 : index
    %swap3A_324 = vector.load %arg6[%swap3A_322, %swap3A_323] : memref<16x1xf32, #tpu.memory_space<vmem>>, vector<1x1xf32>
    tpu.vector_store %arg6[%swap3A_322, %swap3A_323], %add3A_321 {strides = array<i32>} : memref<16x1xf32, #tpu.memory_space<vmem>>, vector<1x1xf32>,
    %eq3A_325 = arith.constant 7 : i32
    %eq3A_326 = vector.broadcast %eq3A_325 : i32 to vector<512x1xi32>
    %eq3A_327 = arith.cmpi eq, %get3A_6, %eq3A_326 : vector<512x1xi32>
    %and3A_328 = arith.andi %eq3A_327, %ne3A_11 : vector<512x1xi1>
    %get3A_329 = arith.constant 7 : index
    %get3A_330 = arith.constant 0 : index
    %get3A_331 = vector.load %arg4[%get3A_329, %get3A_330] : memref<16x32xf32, #tpu.memory_space<vmem>>, vector<1x32xf32>
    %jit3A_332 = arith.constant 0xFF800000 : f32
    %broadcast_in_dim3A_333 = vector.shape_cast %and3A_328 : vector<512x1xi1> to vector<512x1xi1>
    %broadcast_in_dim3A_334 = vector.broadcast %broadcast_in_dim3A_333 : vector<512x1xi1> to vector<512x32xi1>
    %broadcast_in_dim3A_335 = vector.broadcast %jit3A_332 : f32 to vector<512x32xf32>
    %select_n3A_336 = arith.select %broadcast_in_dim3A_334, %get3A_3, %broadcast_in_dim3A_335 : vector<512x32xi1>, vector<512x32xf32>
    %reduce_max3A_337 = arith.constant dense<0xFF800000> : vector<32xf32>
    %reduce_max3A_338 = vector.multi_reduction <maximumf>, %select_n3A_336, %reduce_max3A_337 [0] : vector<512x32xf32> to vector<32xf32>
    %broadcast_in_dim3A_339 = vector.shape_cast %reduce_max3A_338 : vector<32xf32> to vector<1x32xf32>
    %max3A_340 = arith.maximumf %get3A_331, %broadcast_in_dim3A_339 : vector<1x32xf32>
    %swap3A_341 = arith.constant 7 : index
    %swap3A_342 = arith.constant 0 : index
    %swap3A_343 = vector.load %arg4[%swap3A_341, %swap3A_342] : memref<16x32xf32, #tpu.memory_space<vmem>>, vector<1x32xf32>
    tpu.vector_store %arg4[%swap3A_341, %swap3A_342], %max3A_340 {strides = array<i32>} : memref<16x32xf32, #tpu.memory_space<vmem>>, vector<1x32xf32>,
    %get3A_344 = arith.constant 7 : index
    %get3A_345 = arith.constant 0 : index
    %get3A_346 = vector.load %arg5[%get3A_344, %get3A_345] : memref<16x32xf32, #tpu.memory_space<vmem>>, vector<1x32xf32>
    %jit3A_347 = arith.constant 0.000000e+00 : f32
    %broadcast_in_dim3A_348 = vector.shape_cast %and3A_328 : vector<512x1xi1> to vector<512x1xi1>
    %broadcast_in_dim3A_349 = vector.broadcast %broadcast_in_dim3A_348 : vector<512x1xi1> to vector<512x32xi1>
    %broadcast_in_dim3A_350 = vector.broadcast %jit3A_347 : f32 to vector<512x32xf32>
    %select_n3A_351 = arith.select %broadcast_in_dim3A_349, %get3A_3, %broadcast_in_dim3A_350 : vector<512x32xi1>, vector<512x32xf32>
    %reduce_sum3A_352 = arith.constant dense<0.000000e+00> : vector<32xf32>
    %reduce_sum3A_353 = vector.multi_reduction <add>, %select_n3A_351, %reduce_sum3A_352 [0] : vector<512x32xf32> to vector<32xf32>
    %broadcast_in_dim3A_354 = vector.shape_cast %reduce_sum3A_353 : vector<32xf32> to vector<1x32xf32>
    %add3A_355 = arith.addf %get3A_346, %broadcast_in_dim3A_354 : vector<1x32xf32>
    %swap3A_356 = arith.constant 7 : index
    %swap3A_357 = arith.constant 0 : index
    %swap3A_358 = vector.load %arg5[%swap3A_356, %swap3A_357] : memref<16x32xf32, #tpu.memory_space<vmem>>, vector<1x32xf32>
    tpu.vector_store %arg5[%swap3A_356, %swap3A_357], %add3A_355 {strides = array<i32>} : memref<16x32xf32, #tpu.memory_space<vmem>>, vector<1x32xf32>,
    %get3A_359 = arith.constant 7 : index
    %get3A_360 = arith.constant 0 : index
    %get3A_361 = vector.load %arg6[%get3A_359, %get3A_360] : memref<16x1xf32, #tpu.memory_space<vmem>>, vector<1x1xf32>
    %convert_element_type3A_362 = arith.extui %and3A_328 : vector<512x1xi1> to vector<512x1xi32>
    %convert_element_type3A_363 = arith.sitofp %convert_element_type3A_362 : vector<512x1xi32> to vector<512x1xf32>
    %reduce_sum3A_364 = arith.constant dense<0.000000e+00> : vector<1xf32>
    %reduce_sum3A_365 = vector.multi_reduction <add>, %convert_element_type3A_363, %reduce_sum3A_364 [0] : vector<512x1xf32> to vector<1xf32>
    %broadcast_in_dim3A_366 = vector.shape_cast %reduce_sum3A_365 : vector<1xf32> to vector<1x1xf32>
    %add3A_367 = arith.addf %get3A_361, %broadcast_in_dim3A_366 : vector<1x1xf32>
    %swap3A_368 = arith.constant 7 : index
    %swap3A_369 = arith.constant 0 : index
    %swap3A_370 = vector.load %arg6[%swap3A_368, %swap3A_369] : memref<16x1xf32, #tpu.memory_space<vmem>>, vector<1x1xf32>
    tpu.vector_store %arg6[%swap3A_368, %swap3A_369], %add3A_367 {strides = array<i32>} : memref<16x1xf32, #tpu.memory_space<vmem>>, vector<1x1xf32>,
    %eq3A_371 = arith.constant 8 : i32
    %eq3A_372 = vector.broadcast %eq3A_371 : i32 to vector<512x1xi32>
    %eq3A_373 = arith.cmpi eq, %get3A_6, %eq3A_372 : vector<512x1xi32>
    %and3A_374 = arith.andi %eq3A_373, %ne3A_11 : vector<512x1xi1>
    %get3A_375 = arith.constant 8 : index
    %get3A_376 = arith.constant 0 : index
    %get3A_377 = vector.load %arg4[%get3A_375, %get3A_376] : memref<16x32xf32, #tpu.memory_space<vmem>>, vector<1x32xf32>
    %jit3A_378 = arith.constant 0xFF800000 : f32
    %broadcast_in_dim3A_379 = vector.shape_cast %and3A_374 : vector<512x1xi1> to vector<512x1xi1>
    %broadcast_in_dim3A_380 = vector.broadcast %broadcast_in_dim3A_379 : vector<512x1xi1> to vector<512x32xi1>
    %broadcast_in_dim3A_381 = vector.broadcast %jit3A_378 : f32 to vector<512x32xf32>
    %select_n3A_382 = arith.select %broadcast_in_dim3A_380, %get3A_3, %broadcast_in_dim3A_381 : vector<512x32xi1>, vector<512x32xf32>
    %reduce_max3A_383 = arith.constant dense<0xFF800000> : vector<32xf32>
    %reduce_max3A_384 = vector.multi_reduction <maximumf>, %select_n3A_382, %reduce_max3A_383 [0] : vector<512x32xf32> to vector<32xf32>
    %broadcast_in_dim3A_385 = vector.shape_cast %reduce_max3A_384 : vector<32xf32> to vector<1x32xf32>
    %max3A_386 = arith.maximumf %get3A_377, %broadcast_in_dim3A_385 : vector<1x32xf32>
    %swap3A_387 = arith.constant 8 : index
    %swap3A_388 = arith.constant 0 : index
    %swap3A_389 = vector.load %arg4[%swap3A_387, %swap3A_388] : memref<16x32xf32, #tpu.memory_space<vmem>>, vector<1x32xf32>
    tpu.vector_store %arg4[%swap3A_387, %swap3A_388], %max3A_386 {strides = array<i32>} : memref<16x32xf32, #tpu.memory_space<vmem>>, vector<1x32xf32>,
    %get3A_390 = arith.constant 8 : index
    %get3A_391 = arith.constant 0 : index
    %get3A_392 = vector.load %arg5[%get3A_390, %get3A_391] : memref<16x32xf32, #tpu.memory_space<vmem>>, vector<1x32xf32>
    %jit3A_393 = arith.constant 0.000000e+00 : f32
    %broadcast_in_dim3A_394 = vector.shape_cast %and3A_374 : vector<512x1xi1> to vector<512x1xi1>
    %broadcast_in_dim3A_395 = vector.broadcast %broadcast_in_dim3A_394 : vector<512x1xi1> to vector<512x32xi1>
    %broadcast_in_dim3A_396 = vector.broadcast %jit3A_393 : f32 to vector<512x32xf32>
    %select_n3A_397 = arith.select %broadcast_in_dim3A_395, %get3A_3, %broadcast_in_dim3A_396 : vector<512x32xi1>, vector<512x32xf32>
    %reduce_sum3A_398 = arith.constant dense<0.000000e+00> : vector<32xf32>
    %reduce_sum3A_399 = vector.multi_reduction <add>, %select_n3A_397, %reduce_sum3A_398 [0] : vector<512x32xf32> to vector<32xf32>
    %broadcast_in_dim3A_400 = vector.shape_cast %reduce_sum3A_399 : vector<32xf32> to vector<1x32xf32>
    %add3A_401 = arith.addf %get3A_392, %broadcast_in_dim3A_400 : vector<1x32xf32>
    %swap3A_402 = arith.constant 8 : index
    %swap3A_403 = arith.constant 0 : index
    %swap3A_404 = vector.load %arg5[%swap3A_402, %swap3A_403] : memref<16x32xf32, #tpu.memory_space<vmem>>, vector<1x32xf32>
    tpu.vector_store %arg5[%swap3A_402, %swap3A_403], %add3A_401 {strides = array<i32>} : memref<16x32xf32, #tpu.memory_space<vmem>>, vector<1x32xf32>,
    %get3A_405 = arith.constant 8 : index
    %get3A_406 = arith.constant 0 : index
    %get3A_407 = vector.load %arg6[%get3A_405, %get3A_406] : memref<16x1xf32, #tpu.memory_space<vmem>>, vector<1x1xf32>
    %convert_element_type3A_408 = arith.extui %and3A_374 : vector<512x1xi1> to vector<512x1xi32>
    %convert_element_type3A_409 = arith.sitofp %convert_element_type3A_408 : vector<512x1xi32> to vector<512x1xf32>
    %reduce_sum3A_410 = arith.constant dense<0.000000e+00> : vector<1xf32>
    %reduce_sum3A_411 = vector.multi_reduction <add>, %convert_element_type3A_409, %reduce_sum3A_410 [0] : vector<512x1xf32> to vector<1xf32>
    %broadcast_in_dim3A_412 = vector.shape_cast %reduce_sum3A_411 : vector<1xf32> to vector<1x1xf32>
    %add3A_413 = arith.addf %get3A_407, %broadcast_in_dim3A_412 : vector<1x1xf32>
    %swap3A_414 = arith.constant 8 : index
    %swap3A_415 = arith.constant 0 : index
    %swap3A_416 = vector.load %arg6[%swap3A_414, %swap3A_415] : memref<16x1xf32, #tpu.memory_space<vmem>>, vector<1x1xf32>
    tpu.vector_store %arg6[%swap3A_414, %swap3A_415], %add3A_413 {strides = array<i32>} : memref<16x1xf32, #tpu.memory_space<vmem>>, vector<1x1xf32>,
    %eq3A_417 = arith.constant 9 : i32
    %eq3A_418 = vector.broadcast %eq3A_417 : i32 to vector<512x1xi32>
    %eq3A_419 = arith.cmpi eq, %get3A_6, %eq3A_418 : vector<512x1xi32>
    %and3A_420 = arith.andi %eq3A_419, %ne3A_11 : vector<512x1xi1>
    %get3A_421 = arith.constant 9 : index
    %get3A_422 = arith.constant 0 : index
    %get3A_423 = vector.load %arg4[%get3A_421, %get3A_422] : memref<16x32xf32, #tpu.memory_space<vmem>>, vector<1x32xf32>
    %jit3A_424 = arith.constant 0xFF800000 : f32
    %broadcast_in_dim3A_425 = vector.shape_cast %and3A_420 : vector<512x1xi1> to vector<512x1xi1>
    %broadcast_in_dim3A_426 = vector.broadcast %broadcast_in_dim3A_425 : vector<512x1xi1> to vector<512x32xi1>
    %broadcast_in_dim3A_427 = vector.broadcast %jit3A_424 : f32 to vector<512x32xf32>
    %select_n3A_428 = arith.select %broadcast_in_dim3A_426, %get3A_3, %broadcast_in_dim3A_427 : vector<512x32xi1>, vector<512x32xf32>
    %reduce_max3A_429 = arith.constant dense<0xFF800000> : vector<32xf32>
    %reduce_max3A_430 = vector.multi_reduction <maximumf>, %select_n3A_428, %reduce_max3A_429 [0] : vector<512x32xf32> to vector<32xf32>
    %broadcast_in_dim3A_431 = vector.shape_cast %reduce_max3A_430 : vector<32xf32> to vector<1x32xf32>
    %max3A_432 = arith.maximumf %get3A_423, %broadcast_in_dim3A_431 : vector<1x32xf32>
    %swap3A_433 = arith.constant 9 : index
    %swap3A_434 = arith.constant 0 : index
    %swap3A_435 = vector.load %arg4[%swap3A_433, %swap3A_434] : memref<16x32xf32, #tpu.memory_space<vmem>>, vector<1x32xf32>
    tpu.vector_store %arg4[%swap3A_433, %swap3A_434], %max3A_432 {strides = array<i32>} : memref<16x32xf32, #tpu.memory_space<vmem>>, vector<1x32xf32>,
    %get3A_436 = arith.constant 9 : index
    %get3A_437 = arith.constant 0 : index
    %get3A_438 = vector.load %arg5[%get3A_436, %get3A_437] : memref<16x32xf32, #tpu.memory_space<vmem>>, vector<1x32xf32>
    %jit3A_439 = arith.constant 0.000000e+00 : f32
    %broadcast_in_dim3A_440 = vector.shape_cast %and3A_420 : vector<512x1xi1> to vector<512x1xi1>
    %broadcast_in_dim3A_441 = vector.broadcast %broadcast_in_dim3A_440 : vector<512x1xi1> to vector<512x32xi1>
    %broadcast_in_dim3A_442 = vector.broadcast %jit3A_439 : f32 to vector<512x32xf32>
    %select_n3A_443 = arith.select %broadcast_in_dim3A_441, %get3A_3, %broadcast_in_dim3A_442 : vector<512x32xi1>, vector<512x32xf32>
    %reduce_sum3A_444 = arith.constant dense<0.000000e+00> : vector<32xf32>
    %reduce_sum3A_445 = vector.multi_reduction <add>, %select_n3A_443, %reduce_sum3A_444 [0] : vector<512x32xf32> to vector<32xf32>
    %broadcast_in_dim3A_446 = vector.shape_cast %reduce_sum3A_445 : vector<32xf32> to vector<1x32xf32>
    %add3A_447 = arith.addf %get3A_438, %broadcast_in_dim3A_446 : vector<1x32xf32>
    %swap3A_448 = arith.constant 9 : index
    %swap3A_449 = arith.constant 0 : index
    %swap3A_450 = vector.load %arg5[%swap3A_448, %swap3A_449] : memref<16x32xf32, #tpu.memory_space<vmem>>, vector<1x32xf32>
    tpu.vector_store %arg5[%swap3A_448, %swap3A_449], %add3A_447 {strides = array<i32>} : memref<16x32xf32, #tpu.memory_space<vmem>>, vector<1x32xf32>,
    %get3A_451 = arith.constant 9 : index
    %get3A_452 = arith.constant 0 : index
    %get3A_453 = vector.load %arg6[%get3A_451, %get3A_452] : memref<16x1xf32, #tpu.memory_space<vmem>>, vector<1x1xf32>
    %convert_element_type3A_454 = arith.extui %and3A_420 : vector<512x1xi1> to vector<512x1xi32>
    %convert_element_type3A_455 = arith.sitofp %convert_element_type3A_454 : vector<512x1xi32> to vector<512x1xf32>
    %reduce_sum3A_456 = arith.constant dense<0.000000e+00> : vector<1xf32>
    %reduce_sum3A_457 = vector.multi_reduction <add>, %convert_element_type3A_455, %reduce_sum3A_456 [0] : vector<512x1xf32> to vector<1xf32>
    %broadcast_in_dim3A_458 = vector.shape_cast %reduce_sum3A_457 : vector<1xf32> to vector<1x1xf32>
    %add3A_459 = arith.addf %get3A_453, %broadcast_in_dim3A_458 : vector<1x1xf32>
    %swap3A_460 = arith.constant 9 : index
    %swap3A_461 = arith.constant 0 : index
    %swap3A_462 = vector.load %arg6[%swap3A_460, %swap3A_461] : memref<16x1xf32, #tpu.memory_space<vmem>>, vector<1x1xf32>
    tpu.vector_store %arg6[%swap3A_460, %swap3A_461], %add3A_459 {strides = array<i32>} : memref<16x1xf32, #tpu.memory_space<vmem>>, vector<1x1xf32>,
    %eq3A_463 = arith.constant 10 : i32
    %eq3A_464 = vector.broadcast %eq3A_463 : i32 to vector<512x1xi32>
    %eq3A_465 = arith.cmpi eq, %get3A_6, %eq3A_464 : vector<512x1xi32>
    %and3A_466 = arith.andi %eq3A_465, %ne3A_11 : vector<512x1xi1>
    %get3A_467 = arith.constant 10 : index
    %get3A_468 = arith.constant 0 : index
    %get3A_469 = vector.load %arg4[%get3A_467, %get3A_468] : memref<16x32xf32, #tpu.memory_space<vmem>>, vector<1x32xf32>
    %jit3A_470 = arith.constant 0xFF800000 : f32
    %broadcast_in_dim3A_471 = vector.shape_cast %and3A_466 : vector<512x1xi1> to vector<512x1xi1>
    %broadcast_in_dim3A_472 = vector.broadcast %broadcast_in_dim3A_471 : vector<512x1xi1> to vector<512x32xi1>
    %broadcast_in_dim3A_473 = vector.broadcast %jit3A_470 : f32 to vector<512x32xf32>
    %select_n3A_474 = arith.select %broadcast_in_dim3A_472, %get3A_3, %broadcast_in_dim3A_473 : vector<512x32xi1>, vector<512x32xf32>
    %reduce_max3A_475 = arith.constant dense<0xFF800000> : vector<32xf32>
    %reduce_max3A_476 = vector.multi_reduction <maximumf>, %select_n3A_474, %reduce_max3A_475 [0] : vector<512x32xf32> to vector<32xf32>
    %broadcast_in_dim3A_477 = vector.shape_cast %reduce_max3A_476 : vector<32xf32> to vector<1x32xf32>
    %max3A_478 = arith.maximumf %get3A_469, %broadcast_in_dim3A_477 : vector<1x32xf32>
    %swap3A_479 = arith.constant 10 : index
    %swap3A_480 = arith.constant 0 : index
    %swap3A_481 = vector.load %arg4[%swap3A_479, %swap3A_480] : memref<16x32xf32, #tpu.memory_space<vmem>>, vector<1x32xf32>
    tpu.vector_store %arg4[%swap3A_479, %swap3A_480], %max3A_478 {strides = array<i32>} : memref<16x32xf32, #tpu.memory_space<vmem>>, vector<1x32xf32>,
    %get3A_482 = arith.constant 10 : index
    %get3A_483 = arith.constant 0 : index
    %get3A_484 = vector.load %arg5[%get3A_482, %get3A_483] : memref<16x32xf32, #tpu.memory_space<vmem>>, vector<1x32xf32>
    %jit3A_485 = arith.constant 0.000000e+00 : f32
    %broadcast_in_dim3A_486 = vector.shape_cast %and3A_466 : vector<512x1xi1> to vector<512x1xi1>
    %broadcast_in_dim3A_487 = vector.broadcast %broadcast_in_dim3A_486 : vector<512x1xi1> to vector<512x32xi1>
    %broadcast_in_dim3A_488 = vector.broadcast %jit3A_485 : f32 to vector<512x32xf32>
    %select_n3A_489 = arith.select %broadcast_in_dim3A_487, %get3A_3, %broadcast_in_dim3A_488 : vector<512x32xi1>, vector<512x32xf32>
    %reduce_sum3A_490 = arith.constant dense<0.000000e+00> : vector<32xf32>
    %reduce_sum3A_491 = vector.multi_reduction <add>, %select_n3A_489, %reduce_sum3A_490 [0] : vector<512x32xf32> to vector<32xf32>
    %broadcast_in_dim3A_492 = vector.shape_cast %reduce_sum3A_491 : vector<32xf32> to vector<1x32xf32>
    %add3A_493 = arith.addf %get3A_484, %broadcast_in_dim3A_492 : vector<1x32xf32>
    %swap3A_494 = arith.constant 10 : index
    %swap3A_495 = arith.constant 0 : index
    %swap3A_496 = vector.load %arg5[%swap3A_494, %swap3A_495] : memref<16x32xf32, #tpu.memory_space<vmem>>, vector<1x32xf32>
    tpu.vector_store %arg5[%swap3A_494, %swap3A_495], %add3A_493 {strides = array<i32>} : memref<16x32xf32, #tpu.memory_space<vmem>>, vector<1x32xf32>,
    %get3A_497 = arith.constant 10 : index
    %get3A_498 = arith.constant 0 : index
    %get3A_499 = vector.load %arg6[%get3A_497, %get3A_498] : memref<16x1xf32, #tpu.memory_space<vmem>>, vector<1x1xf32>
    %convert_element_type3A_500 = arith.extui %and3A_466 : vector<512x1xi1> to vector<512x1xi32>
    %convert_element_type3A_501 = arith.sitofp %convert_element_type3A_500 : vector<512x1xi32> to vector<512x1xf32>
    %reduce_sum3A_502 = arith.constant dense<0.000000e+00> : vector<1xf32>
    %reduce_sum3A_503 = vector.multi_reduction <add>, %convert_element_type3A_501, %reduce_sum3A_502 [0] : vector<512x1xf32> to vector<1xf32>
    %broadcast_in_dim3A_504 = vector.shape_cast %reduce_sum3A_503 : vector<1xf32> to vector<1x1xf32>
    %add3A_505 = arith.addf %get3A_499, %broadcast_in_dim3A_504 : vector<1x1xf32>
    %swap3A_506 = arith.constant 10 : index
    %swap3A_507 = arith.constant 0 : index
    %swap3A_508 = vector.load %arg6[%swap3A_506, %swap3A_507] : memref<16x1xf32, #tpu.memory_space<vmem>>, vector<1x1xf32>
    tpu.vector_store %arg6[%swap3A_506, %swap3A_507], %add3A_505 {strides = array<i32>} : memref<16x1xf32, #tpu.memory_space<vmem>>, vector<1x1xf32>,
    %eq3A_509 = arith.constant 11 : i32
    %eq3A_510 = vector.broadcast %eq3A_509 : i32 to vector<512x1xi32>
    %eq3A_511 = arith.cmpi eq, %get3A_6, %eq3A_510 : vector<512x1xi32>
    %and3A_512 = arith.andi %eq3A_511, %ne3A_11 : vector<512x1xi1>
    %get3A_513 = arith.constant 11 : index
    %get3A_514 = arith.constant 0 : index
    %get3A_515 = vector.load %arg4[%get3A_513, %get3A_514] : memref<16x32xf32, #tpu.memory_space<vmem>>, vector<1x32xf32>
    %jit3A_516 = arith.constant 0xFF800000 : f32
    %broadcast_in_dim3A_517 = vector.shape_cast %and3A_512 : vector<512x1xi1> to vector<512x1xi1>
    %broadcast_in_dim3A_518 = vector.broadcast %broadcast_in_dim3A_517 : vector<512x1xi1> to vector<512x32xi1>
    %broadcast_in_dim3A_519 = vector.broadcast %jit3A_516 : f32 to vector<512x32xf32>
    %select_n3A_520 = arith.select %broadcast_in_dim3A_518, %get3A_3, %broadcast_in_dim3A_519 : vector<512x32xi1>, vector<512x32xf32>
    %reduce_max3A_521 = arith.constant dense<0xFF800000> : vector<32xf32>
    %reduce_max3A_522 = vector.multi_reduction <maximumf>, %select_n3A_520, %reduce_max3A_521 [0] : vector<512x32xf32> to vector<32xf32>
    %broadcast_in_dim3A_523 = vector.shape_cast %reduce_max3A_522 : vector<32xf32> to vector<1x32xf32>
    %max3A_524 = arith.maximumf %get3A_515, %broadcast_in_dim3A_523 : vector<1x32xf32>
    %swap3A_525 = arith.constant 11 : index
    %swap3A_526 = arith.constant 0 : index
    %swap3A_527 = vector.load %arg4[%swap3A_525, %swap3A_526] : memref<16x32xf32, #tpu.memory_space<vmem>>, vector<1x32xf32>
    tpu.vector_store %arg4[%swap3A_525, %swap3A_526], %max3A_524 {strides = array<i32>} : memref<16x32xf32, #tpu.memory_space<vmem>>, vector<1x32xf32>,
    %get3A_528 = arith.constant 11 : index
    %get3A_529 = arith.constant 0 : index
    %get3A_530 = vector.load %arg5[%get3A_528, %get3A_529] : memref<16x32xf32, #tpu.memory_space<vmem>>, vector<1x32xf32>
    %jit3A_531 = arith.constant 0.000000e+00 : f32
    %broadcast_in_dim3A_532 = vector.shape_cast %and3A_512 : vector<512x1xi1> to vector<512x1xi1>
    %broadcast_in_dim3A_533 = vector.broadcast %broadcast_in_dim3A_532 : vector<512x1xi1> to vector<512x32xi1>
    %broadcast_in_dim3A_534 = vector.broadcast %jit3A_531 : f32 to vector<512x32xf32>
    %select_n3A_535 = arith.select %broadcast_in_dim3A_533, %get3A_3, %broadcast_in_dim3A_534 : vector<512x32xi1>, vector<512x32xf32>
    %reduce_sum3A_536 = arith.constant dense<0.000000e+00> : vector<32xf32>
    %reduce_sum3A_537 = vector.multi_reduction <add>, %select_n3A_535, %reduce_sum3A_536 [0] : vector<512x32xf32> to vector<32xf32>
    %broadcast_in_dim3A_538 = vector.shape_cast %reduce_sum3A_537 : vector<32xf32> to vector<1x32xf32>
    %add3A_539 = arith.addf %get3A_530, %broadcast_in_dim3A_538 : vector<1x32xf32>
    %swap3A_540 = arith.constant 11 : index
    %swap3A_541 = arith.constant 0 : index
    %swap3A_542 = vector.load %arg5[%swap3A_540, %swap3A_541] : memref<16x32xf32, #tpu.memory_space<vmem>>, vector<1x32xf32>
    tpu.vector_store %arg5[%swap3A_540, %swap3A_541], %add3A_539 {strides = array<i32>} : memref<16x32xf32, #tpu.memory_space<vmem>>, vector<1x32xf32>,
    %get3A_543 = arith.constant 11 : index
    %get3A_544 = arith.constant 0 : index
    %get3A_545 = vector.load %arg6[%get3A_543, %get3A_544] : memref<16x1xf32, #tpu.memory_space<vmem>>, vector<1x1xf32>
    %convert_element_type3A_546 = arith.extui %and3A_512 : vector<512x1xi1> to vector<512x1xi32>
    %convert_element_type3A_547 = arith.sitofp %convert_element_type3A_546 : vector<512x1xi32> to vector<512x1xf32>
    %reduce_sum3A_548 = arith.constant dense<0.000000e+00> : vector<1xf32>
    %reduce_sum3A_549 = vector.multi_reduction <add>, %convert_element_type3A_547, %reduce_sum3A_548 [0] : vector<512x1xf32> to vector<1xf32>
    %broadcast_in_dim3A_550 = vector.shape_cast %reduce_sum3A_549 : vector<1xf32> to vector<1x1xf32>
    %add3A_551 = arith.addf %get3A_545, %broadcast_in_dim3A_550 : vector<1x1xf32>
    %swap3A_552 = arith.constant 11 : index
    %swap3A_553 = arith.constant 0 : index
    %swap3A_554 = vector.load %arg6[%swap3A_552, %swap3A_553] : memref<16x1xf32, #tpu.memory_space<vmem>>, vector<1x1xf32>
    tpu.vector_store %arg6[%swap3A_552, %swap3A_553], %add3A_551 {strides = array<i32>} : memref<16x1xf32, #tpu.memory_space<vmem>>, vector<1x1xf32>,
    %eq3A_555 = arith.constant 12 : i32
    %eq3A_556 = vector.broadcast %eq3A_555 : i32 to vector<512x1xi32>
    %eq3A_557 = arith.cmpi eq, %get3A_6, %eq3A_556 : vector<512x1xi32>
    %and3A_558 = arith.andi %eq3A_557, %ne3A_11 : vector<512x1xi1>
    %get3A_559 = arith.constant 12 : index
    %get3A_560 = arith.constant 0 : index
    %get3A_561 = vector.load %arg4[%get3A_559, %get3A_560] : memref<16x32xf32, #tpu.memory_space<vmem>>, vector<1x32xf32>
    %jit3A_562 = arith.constant 0xFF800000 : f32
    %broadcast_in_dim3A_563 = vector.shape_cast %and3A_558 : vector<512x1xi1> to vector<512x1xi1>
    %broadcast_in_dim3A_564 = vector.broadcast %broadcast_in_dim3A_563 : vector<512x1xi1> to vector<512x32xi1>
    %broadcast_in_dim3A_565 = vector.broadcast %jit3A_562 : f32 to vector<512x32xf32>
    %select_n3A_566 = arith.select %broadcast_in_dim3A_564, %get3A_3, %broadcast_in_dim3A_565 : vector<512x32xi1>, vector<512x32xf32>
    %reduce_max3A_567 = arith.constant dense<0xFF800000> : vector<32xf32>
    %reduce_max3A_568 = vector.multi_reduction <maximumf>, %select_n3A_566, %reduce_max3A_567 [0] : vector<512x32xf32> to vector<32xf32>
    %broadcast_in_dim3A_569 = vector.shape_cast %reduce_max3A_568 : vector<32xf32> to vector<1x32xf32>
    %max3A_570 = arith.maximumf %get3A_561, %broadcast_in_dim3A_569 : vector<1x32xf32>
    %swap3A_571 = arith.constant 12 : index
    %swap3A_572 = arith.constant 0 : index
    %swap3A_573 = vector.load %arg4[%swap3A_571, %swap3A_572] : memref<16x32xf32, #tpu.memory_space<vmem>>, vector<1x32xf32>
    tpu.vector_store %arg4[%swap3A_571, %swap3A_572], %max3A_570 {strides = array<i32>} : memref<16x32xf32, #tpu.memory_space<vmem>>, vector<1x32xf32>,
    %get3A_574 = arith.constant 12 : index
    %get3A_575 = arith.constant 0 : index
    %get3A_576 = vector.load %arg5[%get3A_574, %get3A_575] : memref<16x32xf32, #tpu.memory_space<vmem>>, vector<1x32xf32>
    %jit3A_577 = arith.constant 0.000000e+00 : f32
    %broadcast_in_dim3A_578 = vector.shape_cast %and3A_558 : vector<512x1xi1> to vector<512x1xi1>
    %broadcast_in_dim3A_579 = vector.broadcast %broadcast_in_dim3A_578 : vector<512x1xi1> to vector<512x32xi1>
    %broadcast_in_dim3A_580 = vector.broadcast %jit3A_577 : f32 to vector<512x32xf32>
    %select_n3A_581 = arith.select %broadcast_in_dim3A_579, %get3A_3, %broadcast_in_dim3A_580 : vector<512x32xi1>, vector<512x32xf32>
    %reduce_sum3A_582 = arith.constant dense<0.000000e+00> : vector<32xf32>
    %reduce_sum3A_583 = vector.multi_reduction <add>, %select_n3A_581, %reduce_sum3A_582 [0] : vector<512x32xf32> to vector<32xf32>
    %broadcast_in_dim3A_584 = vector.shape_cast %reduce_sum3A_583 : vector<32xf32> to vector<1x32xf32>
    %add3A_585 = arith.addf %get3A_576, %broadcast_in_dim3A_584 : vector<1x32xf32>
    %swap3A_586 = arith.constant 12 : index
    %swap3A_587 = arith.constant 0 : index
    %swap3A_588 = vector.load %arg5[%swap3A_586, %swap3A_587] : memref<16x32xf32, #tpu.memory_space<vmem>>, vector<1x32xf32>
    tpu.vector_store %arg5[%swap3A_586, %swap3A_587], %add3A_585 {strides = array<i32>} : memref<16x32xf32, #tpu.memory_space<vmem>>, vector<1x32xf32>,
    %get3A_589 = arith.constant 12 : index
    %get3A_590 = arith.constant 0 : index
    %get3A_591 = vector.load %arg6[%get3A_589, %get3A_590] : memref<16x1xf32, #tpu.memory_space<vmem>>, vector<1x1xf32>
    %convert_element_type3A_592 = arith.extui %and3A_558 : vector<512x1xi1> to vector<512x1xi32>
    %convert_element_type3A_593 = arith.sitofp %convert_element_type3A_592 : vector<512x1xi32> to vector<512x1xf32>
    %reduce_sum3A_594 = arith.constant dense<0.000000e+00> : vector<1xf32>
    %reduce_sum3A_595 = vector.multi_reduction <add>, %convert_element_type3A_593, %reduce_sum3A_594 [0] : vector<512x1xf32> to vector<1xf32>
    %broadcast_in_dim3A_596 = vector.shape_cast %reduce_sum3A_595 : vector<1xf32> to vector<1x1xf32>
    %add3A_597 = arith.addf %get3A_591, %broadcast_in_dim3A_596 : vector<1x1xf32>
    %swap3A_598 = arith.constant 12 : index
    %swap3A_599 = arith.constant 0 : index
    %swap3A_600 = vector.load %arg6[%swap3A_598, %swap3A_599] : memref<16x1xf32, #tpu.memory_space<vmem>>, vector<1x1xf32>
    tpu.vector_store %arg6[%swap3A_598, %swap3A_599], %add3A_597 {strides = array<i32>} : memref<16x1xf32, #tpu.memory_space<vmem>>, vector<1x1xf32>,
    %eq3A_601 = arith.constant 13 : i32
    %eq3A_602 = vector.broadcast %eq3A_601 : i32 to vector<512x1xi32>
    %eq3A_603 = arith.cmpi eq, %get3A_6, %eq3A_602 : vector<512x1xi32>
    %and3A_604 = arith.andi %eq3A_603, %ne3A_11 : vector<512x1xi1>
    %get3A_605 = arith.constant 13 : index
    %get3A_606 = arith.constant 0 : index
    %get3A_607 = vector.load %arg4[%get3A_605, %get3A_606] : memref<16x32xf32, #tpu.memory_space<vmem>>, vector<1x32xf32>
    %jit3A_608 = arith.constant 0xFF800000 : f32
    %broadcast_in_dim3A_609 = vector.shape_cast %and3A_604 : vector<512x1xi1> to vector<512x1xi1>
    %broadcast_in_dim3A_610 = vector.broadcast %broadcast_in_dim3A_609 : vector<512x1xi1> to vector<512x32xi1>
    %broadcast_in_dim3A_611 = vector.broadcast %jit3A_608 : f32 to vector<512x32xf32>
    %select_n3A_612 = arith.select %broadcast_in_dim3A_610, %get3A_3, %broadcast_in_dim3A_611 : vector<512x32xi1>, vector<512x32xf32>
    %reduce_max3A_613 = arith.constant dense<0xFF800000> : vector<32xf32>
    %reduce_max3A_614 = vector.multi_reduction <maximumf>, %select_n3A_612, %reduce_max3A_613 [0] : vector<512x32xf32> to vector<32xf32>
    %broadcast_in_dim3A_615 = vector.shape_cast %reduce_max3A_614 : vector<32xf32> to vector<1x32xf32>
    %max3A_616 = arith.maximumf %get3A_607, %broadcast_in_dim3A_615 : vector<1x32xf32>
    %swap3A_617 = arith.constant 13 : index
    %swap3A_618 = arith.constant 0 : index
    %swap3A_619 = vector.load %arg4[%swap3A_617, %swap3A_618] : memref<16x32xf32, #tpu.memory_space<vmem>>, vector<1x32xf32>
    tpu.vector_store %arg4[%swap3A_617, %swap3A_618], %max3A_616 {strides = array<i32>} : memref<16x32xf32, #tpu.memory_space<vmem>>, vector<1x32xf32>,
    %get3A_620 = arith.constant 13 : index
    %get3A_621 = arith.constant 0 : index
    %get3A_622 = vector.load %arg5[%get3A_620, %get3A_621] : memref<16x32xf32, #tpu.memory_space<vmem>>, vector<1x32xf32>
    %jit3A_623 = arith.constant 0.000000e+00 : f32
    %broadcast_in_dim3A_624 = vector.shape_cast %and3A_604 : vector<512x1xi1> to vector<512x1xi1>
    %broadcast_in_dim3A_625 = vector.broadcast %broadcast_in_dim3A_624 : vector<512x1xi1> to vector<512x32xi1>
    %broadcast_in_dim3A_626 = vector.broadcast %jit3A_623 : f32 to vector<512x32xf32>
    %select_n3A_627 = arith.select %broadcast_in_dim3A_625, %get3A_3, %broadcast_in_dim3A_626 : vector<512x32xi1>, vector<512x32xf32>
    %reduce_sum3A_628 = arith.constant dense<0.000000e+00> : vector<32xf32>
    %reduce_sum3A_629 = vector.multi_reduction <add>, %select_n3A_627, %reduce_sum3A_628 [0] : vector<512x32xf32> to vector<32xf32>
    %broadcast_in_dim3A_630 = vector.shape_cast %reduce_sum3A_629 : vector<32xf32> to vector<1x32xf32>
    %add3A_631 = arith.addf %get3A_622, %broadcast_in_dim3A_630 : vector<1x32xf32>
    %swap3A_632 = arith.constant 13 : index
    %swap3A_633 = arith.constant 0 : index
    %swap3A_634 = vector.load %arg5[%swap3A_632, %swap3A_633] : memref<16x32xf32, #tpu.memory_space<vmem>>, vector<1x32xf32>
    tpu.vector_store %arg5[%swap3A_632, %swap3A_633], %add3A_631 {strides = array<i32>} : memref<16x32xf32, #tpu.memory_space<vmem>>, vector<1x32xf32>,
    %get3A_635 = arith.constant 13 : index
    %get3A_636 = arith.constant 0 : index
    %get3A_637 = vector.load %arg6[%get3A_635, %get3A_636] : memref<16x1xf32, #tpu.memory_space<vmem>>, vector<1x1xf32>
    %convert_element_type3A_638 = arith.extui %and3A_604 : vector<512x1xi1> to vector<512x1xi32>
    %convert_element_type3A_639 = arith.sitofp %convert_element_type3A_638 : vector<512x1xi32> to vector<512x1xf32>
    %reduce_sum3A_640 = arith.constant dense<0.000000e+00> : vector<1xf32>
    %reduce_sum3A_641 = vector.multi_reduction <add>, %convert_element_type3A_639, %reduce_sum3A_640 [0] : vector<512x1xf32> to vector<1xf32>
    %broadcast_in_dim3A_642 = vector.shape_cast %reduce_sum3A_641 : vector<1xf32> to vector<1x1xf32>
    %add3A_643 = arith.addf %get3A_637, %broadcast_in_dim3A_642 : vector<1x1xf32>
    %swap3A_644 = arith.constant 13 : index
    %swap3A_645 = arith.constant 0 : index
    %swap3A_646 = vector.load %arg6[%swap3A_644, %swap3A_645] : memref<16x1xf32, #tpu.memory_space<vmem>>, vector<1x1xf32>
    tpu.vector_store %arg6[%swap3A_644, %swap3A_645], %add3A_643 {strides = array<i32>} : memref<16x1xf32, #tpu.memory_space<vmem>>, vector<1x1xf32>,
    %eq3A_647 = arith.constant 14 : i32
    %eq3A_648 = vector.broadcast %eq3A_647 : i32 to vector<512x1xi32>
    %eq3A_649 = arith.cmpi eq, %get3A_6, %eq3A_648 : vector<512x1xi32>
    %and3A_650 = arith.andi %eq3A_649, %ne3A_11 : vector<512x1xi1>
    %get3A_651 = arith.constant 14 : index
    %get3A_652 = arith.constant 0 : index
    %get3A_653 = vector.load %arg4[%get3A_651, %get3A_652] : memref<16x32xf32, #tpu.memory_space<vmem>>, vector<1x32xf32>
    %jit3A_654 = arith.constant 0xFF800000 : f32
    %broadcast_in_dim3A_655 = vector.shape_cast %and3A_650 : vector<512x1xi1> to vector<512x1xi1>
    %broadcast_in_dim3A_656 = vector.broadcast %broadcast_in_dim3A_655 : vector<512x1xi1> to vector<512x32xi1>
    %broadcast_in_dim3A_657 = vector.broadcast %jit3A_654 : f32 to vector<512x32xf32>
    %select_n3A_658 = arith.select %broadcast_in_dim3A_656, %get3A_3, %broadcast_in_dim3A_657 : vector<512x32xi1>, vector<512x32xf32>
    %reduce_max3A_659 = arith.constant dense<0xFF800000> : vector<32xf32>
    %reduce_max3A_660 = vector.multi_reduction <maximumf>, %select_n3A_658, %reduce_max3A_659 [0] : vector<512x32xf32> to vector<32xf32>
    %broadcast_in_dim3A_661 = vector.shape_cast %reduce_max3A_660 : vector<32xf32> to vector<1x32xf32>
    %max3A_662 = arith.maximumf %get3A_653, %broadcast_in_dim3A_661 : vector<1x32xf32>
    %swap3A_663 = arith.constant 14 : index
    %swap3A_664 = arith.constant 0 : index
    %swap3A_665 = vector.load %arg4[%swap3A_663, %swap3A_664] : memref<16x32xf32, #tpu.memory_space<vmem>>, vector<1x32xf32>
    tpu.vector_store %arg4[%swap3A_663, %swap3A_664], %max3A_662 {strides = array<i32>} : memref<16x32xf32, #tpu.memory_space<vmem>>, vector<1x32xf32>,
    %get3A_666 = arith.constant 14 : index
    %get3A_667 = arith.constant 0 : index
    %get3A_668 = vector.load %arg5[%get3A_666, %get3A_667] : memref<16x32xf32, #tpu.memory_space<vmem>>, vector<1x32xf32>
    %jit3A_669 = arith.constant 0.000000e+00 : f32
    %broadcast_in_dim3A_670 = vector.shape_cast %and3A_650 : vector<512x1xi1> to vector<512x1xi1>
    %broadcast_in_dim3A_671 = vector.broadcast %broadcast_in_dim3A_670 : vector<512x1xi1> to vector<512x32xi1>
    %broadcast_in_dim3A_672 = vector.broadcast %jit3A_669 : f32 to vector<512x32xf32>
    %select_n3A_673 = arith.select %broadcast_in_dim3A_671, %get3A_3, %broadcast_in_dim3A_672 : vector<512x32xi1>, vector<512x32xf32>
    %reduce_sum3A_674 = arith.constant dense<0.000000e+00> : vector<32xf32>
    %reduce_sum3A_675 = vector.multi_reduction <add>, %select_n3A_673, %reduce_sum3A_674 [0] : vector<512x32xf32> to vector<32xf32>
    %broadcast_in_dim3A_676 = vector.shape_cast %reduce_sum3A_675 : vector<32xf32> to vector<1x32xf32>
    %add3A_677 = arith.addf %get3A_668, %broadcast_in_dim3A_676 : vector<1x32xf32>
    %swap3A_678 = arith.constant 14 : index
    %swap3A_679 = arith.constant 0 : index
    %swap3A_680 = vector.load %arg5[%swap3A_678, %swap3A_679] : memref<16x32xf32, #tpu.memory_space<vmem>>, vector<1x32xf32>
    tpu.vector_store %arg5[%swap3A_678, %swap3A_679], %add3A_677 {strides = array<i32>} : memref<16x32xf32, #tpu.memory_space<vmem>>, vector<1x32xf32>,
    %get3A_681 = arith.constant 14 : index
    %get3A_682 = arith.constant 0 : index
    %get3A_683 = vector.load %arg6[%get3A_681, %get3A_682] : memref<16x1xf32, #tpu.memory_space<vmem>>, vector<1x1xf32>
    %convert_element_type3A_684 = arith.extui %and3A_650 : vector<512x1xi1> to vector<512x1xi32>
    %convert_element_type3A_685 = arith.sitofp %convert_element_type3A_684 : vector<512x1xi32> to vector<512x1xf32>
    %reduce_sum3A_686 = arith.constant dense<0.000000e+00> : vector<1xf32>
    %reduce_sum3A_687 = vector.multi_reduction <add>, %convert_element_type3A_685, %reduce_sum3A_686 [0] : vector<512x1xf32> to vector<1xf32>
    %broadcast_in_dim3A_688 = vector.shape_cast %reduce_sum3A_687 : vector<1xf32> to vector<1x1xf32>
    %add3A_689 = arith.addf %get3A_683, %broadcast_in_dim3A_688 : vector<1x1xf32>
    %swap3A_690 = arith.constant 14 : index
    %swap3A_691 = arith.constant 0 : index
    %swap3A_692 = vector.load %arg6[%swap3A_690, %swap3A_691] : memref<16x1xf32, #tpu.memory_space<vmem>>, vector<1x1xf32>
    tpu.vector_store %arg6[%swap3A_690, %swap3A_691], %add3A_689 {strides = array<i32>} : memref<16x1xf32, #tpu.memory_space<vmem>>, vector<1x1xf32>,
    %eq3A_693 = arith.constant 15 : i32
    %eq3A_694 = vector.broadcast %eq3A_693 : i32 to vector<512x1xi32>
    %eq3A_695 = arith.cmpi eq, %get3A_6, %eq3A_694 : vector<512x1xi32>
    %and3A_696 = arith.andi %eq3A_695, %ne3A_11 : vector<512x1xi1>
    %get3A_697 = arith.constant 15 : index
    %get3A_698 = arith.constant 0 : index
    %get3A_699 = vector.load %arg4[%get3A_697, %get3A_698] : memref<16x32xf32, #tpu.memory_space<vmem>>, vector<1x32xf32>
    %jit3A_700 = arith.constant 0xFF800000 : f32
    %broadcast_in_dim3A_701 = vector.shape_cast %and3A_696 : vector<512x1xi1> to vector<512x1xi1>
    %broadcast_in_dim3A_702 = vector.broadcast %broadcast_in_dim3A_701 : vector<512x1xi1> to vector<512x32xi1>
    %broadcast_in_dim3A_703 = vector.broadcast %jit3A_700 : f32 to vector<512x32xf32>
    %select_n3A_704 = arith.select %broadcast_in_dim3A_702, %get3A_3, %broadcast_in_dim3A_703 : vector<512x32xi1>, vector<512x32xf32>
    %reduce_max3A_705 = arith.constant dense<0xFF800000> : vector<32xf32>
    %reduce_max3A_706 = vector.multi_reduction <maximumf>, %select_n3A_704, %reduce_max3A_705 [0] : vector<512x32xf32> to vector<32xf32>
    %broadcast_in_dim3A_707 = vector.shape_cast %reduce_max3A_706 : vector<32xf32> to vector<1x32xf32>
    %max3A_708 = arith.maximumf %get3A_699, %broadcast_in_dim3A_707 : vector<1x32xf32>
    %swap3A_709 = arith.constant 15 : index
    %swap3A_710 = arith.constant 0 : index
    %swap3A_711 = vector.load %arg4[%swap3A_709, %swap3A_710] : memref<16x32xf32, #tpu.memory_space<vmem>>, vector<1x32xf32>
    tpu.vector_store %arg4[%swap3A_709, %swap3A_710], %max3A_708 {strides = array<i32>} : memref<16x32xf32, #tpu.memory_space<vmem>>, vector<1x32xf32>,
    %get3A_712 = arith.constant 15 : index
    %get3A_713 = arith.constant 0 : index
    %get3A_714 = vector.load %arg5[%get3A_712, %get3A_713] : memref<16x32xf32, #tpu.memory_space<vmem>>, vector<1x32xf32>
    %jit3A_715 = arith.constant 0.000000e+00 : f32
    %broadcast_in_dim3A_716 = vector.shape_cast %and3A_696 : vector<512x1xi1> to vector<512x1xi1>
    %broadcast_in_dim3A_717 = vector.broadcast %broadcast_in_dim3A_716 : vector<512x1xi1> to vector<512x32xi1>
    %broadcast_in_dim3A_718 = vector.broadcast %jit3A_715 : f32 to vector<512x32xf32>
    %select_n3A_719 = arith.select %broadcast_in_dim3A_717, %get3A_3, %broadcast_in_dim3A_718 : vector<512x32xi1>, vector<512x32xf32>
    %reduce_sum3A_720 = arith.constant dense<0.000000e+00> : vector<32xf32>
    %reduce_sum3A_721 = vector.multi_reduction <add>, %select_n3A_719, %reduce_sum3A_720 [0] : vector<512x32xf32> to vector<32xf32>
    %broadcast_in_dim3A_722 = vector.shape_cast %reduce_sum3A_721 : vector<32xf32> to vector<1x32xf32>
    %add3A_723 = arith.addf %get3A_714, %broadcast_in_dim3A_722 : vector<1x32xf32>
    %swap3A_724 = arith.constant 15 : index
    %swap3A_725 = arith.constant 0 : index
    %swap3A_726 = vector.load %arg5[%swap3A_724, %swap3A_725] : memref<16x32xf32, #tpu.memory_space<vmem>>, vector<1x32xf32>
    tpu.vector_store %arg5[%swap3A_724, %swap3A_725], %add3A_723 {strides = array<i32>} : memref<16x32xf32, #tpu.memory_space<vmem>>, vector<1x32xf32>,
    %get3A_727 = arith.constant 15 : index
    %get3A_728 = arith.constant 0 : index
    %get3A_729 = vector.load %arg6[%get3A_727, %get3A_728] : memref<16x1xf32, #tpu.memory_space<vmem>>, vector<1x1xf32>
    %convert_element_type3A_730 = arith.extui %and3A_696 : vector<512x1xi1> to vector<512x1xi32>
    %convert_element_type3A_731 = arith.sitofp %convert_element_type3A_730 : vector<512x1xi32> to vector<512x1xf32>
    %reduce_sum3A_732 = arith.constant dense<0.000000e+00> : vector<1xf32>
    %reduce_sum3A_733 = vector.multi_reduction <add>, %convert_element_type3A_731, %reduce_sum3A_732 [0] : vector<512x1xf32> to vector<1xf32>
    %broadcast_in_dim3A_734 = vector.shape_cast %reduce_sum3A_733 : vector<1xf32> to vector<1x1xf32>
    %add3A_735 = arith.addf %get3A_729, %broadcast_in_dim3A_734 : vector<1x1xf32>
    %swap3A_736 = arith.constant 15 : index
    %swap3A_737 = arith.constant 0 : index
    %swap3A_738 = vector.load %arg6[%swap3A_736, %swap3A_737] : memref<16x1xf32, #tpu.memory_space<vmem>>, vector<1x1xf32>
    tpu.vector_store %arg6[%swap3A_736, %swap3A_737], %add3A_735 {strides = array<i32>} : memref<16x1xf32, #tpu.memory_space<vmem>>, vector<1x1xf32>,
    return
  }
  func.func @transform_0(%arg0: i32) -> (i32, i32) {
    %c0_i32 = arith.constant 0 : i32
    %c0_i32_0 = arith.constant 0 : i32
    return %arg0, %c0_i32 : i32, i32
  }
  func.func @transform_1(%arg0: i32) -> (i32, i32) {
    %c0_i32 = arith.constant 0 : i32
    %c0_i32_0 = arith.constant 0 : i32
    return %arg0, %c0_i32 : i32, i32
  }
  func.func @transform_2(%arg0: i32) -> (i32, i32) {
    %c0_i32 = arith.constant 0 : i32
    %c0_i32_0 = arith.constant 0 : i32
    return %arg0, %c0_i32 : i32, i32
  }
  func.func @transform_3(%arg0: i32) -> (i32, i32) {
    %c0_i32 = arith.constant 0 : i32
    %c0_i32_0 = arith.constant 0 : i32
    %c0_i32_1 = arith.constant 0 : i32
    return %c0_i32, %c0_i32_0 : i32, i32
  }
  func.func @transform_4(%arg0: i32) -> (i32, i32) {
    %c0_i32 = arith.constant 0 : i32
    %c0_i32_0 = arith.constant 0 : i32
    %c0_i32_1 = arith.constant 0 : i32
    return %c0_i32, %c0_i32_0 : i32, i32
  }
  func.func @transform_5(%arg0: i32) -> (i32, i32) {
    %c0_i32 = arith.constant 0 : i32
    %c0_i32_0 = arith.constant 0 : i32
    %c0_i32_1 = arith.constant 0 : i32
    return %c0_i32, %c0_i32_0 : i32, i32
  }
}

module attributes {stable_mosaic.version = 14 : i64} {
  func.func @_rank_body(%arg0: i32, %arg1: i32, %arg2: memref<512x1xf32, #tpu.memory_space<vmem>>, %arg3: memref<512x1xi32, #tpu.memory_space<vmem>>, %arg4: memref<1x2048xf32, #tpu.memory_space<vmem>>, %arg5: memref<1x2048xi32, #tpu.memory_space<vmem>>, %arg6: memref<512x1xi32, #tpu.memory_space<vmem>>, %arg7: memref<512x1xi32, #tpu.memory_space<vmem>>) attributes {dimension_semantics = [#tpu.dimension_semantics<arbitrary>, #tpu.dimension_semantics<arbitrary>], iteration_bounds = array<i64: 20, 5>, scalar_prefetch = 0 : i64, scratch_operands = 0 : i64, tpu.core_type = #tpu.core_type<tc>, window_params = [{transform_indices = @transform_0, window_bounds = array<i64: 512, 1>}, {transform_indices = @transform_1, window_bounds = array<i64: 512, 1>}, {transform_indices = @transform_2, window_bounds = array<i64: 1, 2048>}, {transform_indices = @transform_3, window_bounds = array<i64: 1, 2048>}, {transform_indices = @transform_4, window_bounds = array<i64: 512, 1>}, {transform_indices = @transform_5, window_bounds = array<i64: 512, 1>}]} {
    %eq3A = arith.constant 0 : i32
    %eq3A_0 = arith.cmpi eq, %arg1, %eq3A : i32
    %convert_element_type3A = arith.extui %eq3A_0 : i1 to i32
    %cond3A = arith.constant 0 : i32
    %cond3A_1 = arith.cmpi ne, %convert_element_type3A, %cond3A : i32
    scf.if %cond3A_1 {
      %broadcast_in_dim3A = arith.constant 0 : i32
      %broadcast_in_dim3A_28 = vector.broadcast %broadcast_in_dim3A : i32 to vector<512x1xi32>
      %swap3A = arith.constant 0 : index
      %swap3A_29 = arith.constant 0 : index
      %swap3A_30 = vector.load %arg6[%swap3A, %swap3A_29] : memref<512x1xi32, #tpu.memory_space<vmem>>, vector<512x1xi32>
      tpu.vector_store %arg6[%swap3A, %swap3A_29], %broadcast_in_dim3A_28 {strides = array<i32>} : memref<512x1xi32, #tpu.memory_space<vmem>>, vector<512x1xi32>,
      %broadcast_in_dim3A_31 = arith.constant 0 : i32
      %broadcast_in_dim3A_32 = vector.broadcast %broadcast_in_dim3A_31 : i32 to vector<512x1xi32>
      %swap3A_33 = arith.constant 0 : index
      %swap3A_34 = arith.constant 0 : index
      %swap3A_35 = vector.load %arg7[%swap3A_33, %swap3A_34] : memref<512x1xi32, #tpu.memory_space<vmem>>, vector<512x1xi32>
      tpu.vector_store %arg7[%swap3A_33, %swap3A_34], %broadcast_in_dim3A_32 {strides = array<i32>} : memref<512x1xi32, #tpu.memory_space<vmem>>, vector<512x1xi32>,
    } else {
    }
    %get3A = arith.constant 0 : index
    %get3A_2 = arith.constant 0 : index
    %get3A_3 = vector.load %arg3[%get3A, %get3A_2] : memref<512x1xi32, #tpu.memory_space<vmem>>, vector<512x1xi32>
    %get3A_4 = arith.constant 0 : index
    %get3A_5 = arith.constant 0 : index
    %get3A_6 = vector.load %arg5[%get3A_4, %get3A_5] : memref<1x2048xi32, #tpu.memory_space<vmem>>, vector<1x2048xi32>
    %reduce_min3A = vector.shape_cast %get3A_3 : vector<512x1xi32> to vector<1x512x1xi32>
    %reduce_min3A_7 = arith.constant dense<2147483647> : vector<1xi32>
    %reduce_min3A_8 = vector.multi_reduction <minsi>, %reduce_min3A, %reduce_min3A_7 [1, 2] : vector<1x512x1xi32> to vector<1xi32>
    %reduce_min3A_9 = vector.shape_cast %reduce_min3A_8 : vector<1xi32> to vector<1x1x1xi32>
    %reduce_min3A_10 = vector.extract %reduce_min3A_9[0, 0, 0] : i32 from vector<1x1x1xi32>
    %reduce_max3A = vector.shape_cast %get3A_6 : vector<1x2048xi32> to vector<1x1x2048xi32>
    %reduce_max3A_11 = arith.constant dense<-2147483648> : vector<1xi32>
    %reduce_max3A_12 = vector.multi_reduction <maxsi>, %reduce_max3A, %reduce_max3A_11 [1, 2] : vector<1x1x2048xi32> to vector<1xi32>
    %reduce_max3A_13 = vector.shape_cast %reduce_max3A_12 : vector<1xi32> to vector<1x1x1xi32>
    %reduce_max3A_14 = vector.extract %reduce_max3A_13[0, 0, 0] : i32 from vector<1x1x1xi32>
    %le3A = arith.cmpi sle, %reduce_min3A_10, %reduce_max3A_14 : i32
    %reduce_max3A_15 = vector.shape_cast %get3A_3 : vector<512x1xi32> to vector<1x512x1xi32>
    %reduce_max3A_16 = arith.constant dense<-2147483648> : vector<1xi32>
    %reduce_max3A_17 = vector.multi_reduction <maxsi>, %reduce_max3A_15, %reduce_max3A_16 [1, 2] : vector<1x512x1xi32> to vector<1xi32>
    %reduce_max3A_18 = vector.shape_cast %reduce_max3A_17 : vector<1xi32> to vector<1x1x1xi32>
    %reduce_max3A_19 = vector.extract %reduce_max3A_18[0, 0, 0] : i32 from vector<1x1x1xi32>
    %reduce_min3A_20 = vector.shape_cast %get3A_6 : vector<1x2048xi32> to vector<1x1x2048xi32>
    %reduce_min3A_21 = arith.constant dense<2147483647> : vector<1xi32>
    %reduce_min3A_22 = vector.multi_reduction <minsi>, %reduce_min3A_20, %reduce_min3A_21 [1, 2] : vector<1x1x2048xi32> to vector<1xi32>
    %reduce_min3A_23 = vector.shape_cast %reduce_min3A_22 : vector<1xi32> to vector<1x1x1xi32>
    %reduce_min3A_24 = vector.extract %reduce_min3A_23[0, 0, 0] : i32 from vector<1x1x1xi32>
    %ge3A = arith.cmpi sge, %reduce_max3A_19, %reduce_min3A_24 : i32
    %and3A = arith.andi %le3A, %ge3A : i1
    %convert_element_type3A_25 = arith.extui %and3A : i1 to i32
    %cond3A_26 = arith.constant 0 : i32
    %cond3A_27 = arith.cmpi ne, %convert_element_type3A_25, %cond3A_26 : i32
    scf.if %cond3A_27 {
      %get3A_28 = arith.constant 0 : index
      %get3A_29 = arith.constant 0 : index
      %get3A_30 = vector.load %arg2[%get3A_28, %get3A_29] : memref<512x1xf32, #tpu.memory_space<vmem>>, vector<512x1xf32>
      %get3A_31 = arith.constant 0 : index
      %get3A_32 = arith.constant 0 : index
      %get3A_33 = vector.load %arg4[%get3A_31, %get3A_32] : memref<1x2048xf32, #tpu.memory_space<vmem>>, vector<1x2048xf32>
      %mul3A = arith.constant 512 : i32
      %mul3A_34 = arith.muli %arg0, %mul3A : i32
      %iota3A = tpu.iota {dimensions = array<i32: 0>} : vector<512x1xi32>
      %add3A = vector.broadcast %mul3A_34 : i32 to vector<512x1xi32>
      %add3A_35 = arith.addi %add3A, %iota3A : vector<512x1xi32>
      %mul3A_36 = arith.constant 2048 : i32
      %mul3A_37 = arith.muli %arg1, %mul3A_36 : i32
      %iota3A_38 = tpu.iota {dimensions = array<i32: 1>} : vector<1x2048xi32>
      %add3A_39 = vector.broadcast %mul3A_37 : i32 to vector<1x2048xi32>
      %add3A_40 = arith.addi %add3A_39, %iota3A_38 : vector<1x2048xi32>
      %eq3A_41 = vector.broadcast %get3A_3 : vector<512x1xi32> to vector<512x2048xi32>
      %eq3A_42 = vector.broadcast %get3A_6 : vector<1x2048xi32> to vector<512x2048xi32>
      %eq3A_43 = arith.cmpi eq, %eq3A_41, %eq3A_42 : vector<512x2048xi32>
      %gt3A = vector.broadcast %get3A_33 : vector<1x2048xf32> to vector<512x2048xf32>
      %gt3A_44 = vector.broadcast %get3A_30 : vector<512x1xf32> to vector<512x2048xf32>
      %gt3A_45 = arith.cmpf ogt, %gt3A, %gt3A_44 : vector<512x2048xf32>
      %eq3A_46 = vector.broadcast %get3A_33 : vector<1x2048xf32> to vector<512x2048xf32>
      %eq3A_47 = vector.broadcast %get3A_30 : vector<512x1xf32> to vector<512x2048xf32>
      %eq3A_48 = arith.cmpf oeq, %eq3A_46, %eq3A_47 : vector<512x2048xf32>
      %lt3A = vector.broadcast %add3A_40 : vector<1x2048xi32> to vector<512x2048xi32>
      %lt3A_49 = vector.broadcast %add3A_35 : vector<512x1xi32> to vector<512x2048xi32>
      %lt3A_50 = arith.cmpi slt, %lt3A, %lt3A_49 : vector<512x2048xi32>
      %and3A_51 = arith.andi %eq3A_48, %lt3A_50 : vector<512x2048xi1>
      %or3A = arith.ori %gt3A_45, %and3A_51 : vector<512x2048xi1>
      %and3A_52 = arith.andi %eq3A_43, %or3A : vector<512x2048xi1>
      %get3A_53 = arith.constant 0 : index
      %get3A_54 = arith.constant 0 : index
      %get3A_55 = vector.load %arg6[%get3A_53, %get3A_54] : memref<512x1xi32, #tpu.memory_space<vmem>>, vector<512x1xi32>
      %convert_element_type3A_56 = arith.extui %and3A_52 : vector<512x2048xi1> to vector<512x2048xi32>
      %reduce_sum3A = arith.constant dense<0> : vector<512xi32>
      %reduce_sum3A_57 = vector.multi_reduction <add>, %convert_element_type3A_56, %reduce_sum3A [1] : vector<512x2048xi32> to vector<512xi32>
      %broadcast_in_dim3A = vector.shape_cast %reduce_sum3A_57 : vector<512xi32> to vector<512x1xi32>
      %add3A_58 = arith.addi %get3A_55, %broadcast_in_dim3A : vector<512x1xi32>
      %swap3A = arith.constant 0 : index
      %swap3A_59 = arith.constant 0 : index
      %swap3A_60 = vector.load %arg6[%swap3A, %swap3A_59] : memref<512x1xi32, #tpu.memory_space<vmem>>, vector<512x1xi32>
      tpu.vector_store %arg6[%swap3A, %swap3A_59], %add3A_58 {strides = array<i32>} : memref<512x1xi32, #tpu.memory_space<vmem>>, vector<512x1xi32>,
      %get3A_61 = arith.constant 0 : index
      %get3A_62 = arith.constant 0 : index
      %get3A_63 = vector.load %arg7[%get3A_61, %get3A_62] : memref<512x1xi32, #tpu.memory_space<vmem>>, vector<512x1xi32>
      %convert_element_type3A_64 = arith.extui %eq3A_43 : vector<512x2048xi1> to vector<512x2048xi32>
      %reduce_sum3A_65 = arith.constant dense<0> : vector<512xi32>
      %reduce_sum3A_66 = vector.multi_reduction <add>, %convert_element_type3A_64, %reduce_sum3A_65 [1] : vector<512x2048xi32> to vector<512xi32>
      %broadcast_in_dim3A_67 = vector.shape_cast %reduce_sum3A_66 : vector<512xi32> to vector<512x1xi32>
      %add3A_68 = arith.addi %get3A_63, %broadcast_in_dim3A_67 : vector<512x1xi32>
      %swap3A_69 = arith.constant 0 : index
      %swap3A_70 = arith.constant 0 : index
      %swap3A_71 = vector.load %arg7[%swap3A_69, %swap3A_70] : memref<512x1xi32, #tpu.memory_space<vmem>>, vector<512x1xi32>
      tpu.vector_store %arg7[%swap3A_69, %swap3A_70], %add3A_68 {strides = array<i32>} : memref<512x1xi32, #tpu.memory_space<vmem>>, vector<512x1xi32>,
    } else {
    }
    return
  }
  func.func @transform_0(%arg0: i32, %arg1: i32) -> (i32, i32) {
    %c0_i32 = arith.constant 0 : i32
    %c0_i32_0 = arith.constant 0 : i32
    return %arg0, %c0_i32 : i32, i32
  }
  func.func @transform_1(%arg0: i32, %arg1: i32) -> (i32, i32) {
    %c0_i32 = arith.constant 0 : i32
    %c0_i32_0 = arith.constant 0 : i32
    return %arg0, %c0_i32 : i32, i32
  }
  func.func @transform_2(%arg0: i32, %arg1: i32) -> (i32, i32) {
    %c0_i32 = arith.constant 0 : i32
    %c0_i32_0 = arith.constant 0 : i32
    return %c0_i32, %arg1 : i32, i32
  }
  func.func @transform_3(%arg0: i32, %arg1: i32) -> (i32, i32) {
    %c0_i32 = arith.constant 0 : i32
    %c0_i32_0 = arith.constant 0 : i32
    return %c0_i32, %arg1 : i32, i32
  }
  func.func @transform_4(%arg0: i32, %arg1: i32) -> (i32, i32) {
    %c0_i32 = arith.constant 0 : i32
    %c0_i32_0 = arith.constant 0 : i32
    return %arg0, %c0_i32 : i32, i32
  }
  func.func @transform_5(%arg0: i32, %arg1: i32) -> (i32, i32) {
    %c0_i32 = arith.constant 0 : i32
    %c0_i32_0 = arith.constant 0 : i32
    return %arg0, %c0_i32 : i32, i32
  }
}

</mosaic_0001>

<sc_bundles>
// kernel: kernel.12.cloned.1.call-start
scs
__scs_entry_jumppad:
0x0: {  	(pc) =	sbr.rel $0x88, $3  }
0x1: {  	(tag) =	ssettag $0x0;
	lr =	simm.s32 $0x1  }
0x2: {  	[smem:$0x3F8F] =	sst lr;
	_ =	strace $0xD0000000  }
0x3: {  	_ = 	snop  }
0x4: {  	_ = 	snop  }
0x5: {  	_ = 	snop  }
0x6: {  	_ = 	snop  }
0x7: {  	_ = 	snop  }
__scs_overlays_trampoline_lowered:
0x8: {  	[smem:$0x3F9E] =	sst s0  }
0x9: {  	[smem:$0x3F9F] =	sst s1  }
0xa: {  	[smem:$0x3FA0] =	sst s2  }
0xb: {  	[smem:$0x3FA1] =	sst s3  }
0xc: {  	[smem:$0x3FA2] =	sst s4  }
0xd: {  	[smem:$0x3FA3] =	sst s5  }
0xe: {  	[smem:$0x3FA4] =	sst s6  }
0xf: {  	[smem:$0x3FA5] =	sst s7  }
0x10: {  	[smem:$0x3FA6] =	sst s8  }
0x11: {  	[smem:$0x3FA7] =	sst s9;
	s0 =	simm.s32 @!p0 $0x0  }
0x12: {  	s1 =	sld [smem:$0x3F8D];
	s0 =	simm.s32 @p0 $0x1  }
0x13: {  	[smem:$0x3FA8] =	sst s0;
	s0 =	simm.s32 @!p1 $0x0  }
0x14: {  	s2 =	sld [smem:$0x3F8C];
	s0 =	simm.s32 @p1 $0x1  }
0x15: {  	[smem:$0x3FA9] =	sst s0;
	s0 =	simm.s32 @!p2 $0x0  }
0x16: {  	s3 =	sld [smem:$0x3FDB];
	s0 =	simm.s32 @p2 $0x1  }
0x17: {  	s4 =	simm.s32 $0x1BF5;
	[smem:$0x3FAB] =	sst s0  }
0x18: {  	s0 =	sld [smem:$0x3F8E];
	_ =	swait.ge [sflag:s4], $0x0  }
0x19: {  	s7 =	sld [smem:$0x3F8F]  }
0x1a: {  	s8 =	sadd.s32 $0xFFFFE003, lr  }
0x1b: {  	s9 =	sadd.s32 $0xFFFFFEF7, lr;
	s5 =	simm.s32 $0xFFFFFFFF;
	p2 =	slt.u32 s8, $0xFFFFF086  }
0x1c: {  	p1 =	slt.u32 s9, $0xF7A;
	s5 =	simm.s32 @!p2 $0x0  }
0x1d: {  	s5 =	simm.s32 @p1 $0x1;
	p0 =	seq.s32 s7, s2  }
0x1e: {  	s7 =	smul.u32 @!p0 $0xF7A, s2;
	p2 =	seq.s32 @!p0 s5, $0x0  }
0x1f: {  	s9 =	smul.u32 $0xF7A, s1;
	s8 =	simm.s32 @!p0 $0x1BF5;
	p2 =	por !p2, p0  }
0x20: {  	[sflag:s8] =	ssyncset.s32 @!p0 $0xFFFFF086;
	s6 =	sadd.s32 @!p0 s3, s7;
	s7 =	simm.s32 @!p0 $0x108  }
0x21: {  	s3 =	sadd.s32 s3, s9;
	s6 =	sadd.s32 @!p0 $0x88, s6;
	s7 =	simm.s32 @p2 $0x1082  }
0x22: {  	[simem:s7], [sflag:s8] =	dma.local @!p0 [hbm:s6], $0xF7A  }
0x23: {  	s9 =	sor.u32 $0xD0000000, s2;
	s6 =	simm.s32 $0x108;
	_ =	swait.ge @!p0 [sflag:s8], $0x0  }
0x24: {  	s3 =	sadd.s32 $0x88, s3;
	s6 =	simm.s32 @!p1 $0x1082;
	[sflag:s4] =	ssyncset.s32 $0xFFFFF086  }
0x25: {  	[simem:s6], [sflag:s4] =	dma.local [hbm:s3], $0xF7A  }
0x26: {  	[smem:$0x3F8F] =	sst s1;
	(tag) =	ssettag s2;
	_ =	strace s9  }
0x27: {  	s1 =	sld [smem:$0x3F9F]  }
0x28: {  	s2 =	sld [smem:$0x3FA0]  }
0x29: {  	s4 =	sld [smem:$0x3FA2]  }
0x2a: {  	p0 =	seq.s32 s5, $0x0;
	s5 =	sld [smem:$0x3FA3]  }
0x2b: {  	s6 =	sld [smem:$0x3FA4]  }
0x2c: {  	s7 =	sld [smem:$0x3FA5]  }
0x2d: {  	s3 =	simm.s32 $0x108;
	s8 =	sld [smem:$0x3FA6]  }
0x2e: {  	s3 =	simm.s32 @!p0 $0x1082;
	s9 =	sld [smem:$0x3FA7]  }
0x2f: {  	lr =	sadd.s32 s0, s3;
	s0 =	sld [smem:$0x3F9E]  }
0x30: {  	s3 =	sld [smem:$0x3FA1]  }
0x31: {  	[smem:$0x3FAA] =	sst s10  }
0x32: {  	s10 =	sld [smem:$0x3FA8];
	_ =	sdelay $0x3  }
0x33: {  	p0 =	seq.s32 s10, $0x1;
	s10 =	sld [smem:$0x3FAA];
	_ =	sdelay $0x3  }
0x34: {  	[smem:$0x3FAA] =	sst s10  }
0x35: {  	s10 =	sld [smem:$0x3FA9];
	_ =	sdelay $0x3  }
0x36: {  	p1 =	seq.s32 s10, $0x1;
	s10 =	sld [smem:$0x3FAA];
	_ =	sdelay $0x3  }
0x37: {  	[smem:$0x3FAA] =	sst s10  }
0x38: {  	s10 =	sld [smem:$0x3FAB]  }
0x39: {  	_ = 	snop;
	(pc) =	sbr.ind lr, $3  }
0x3a: {  	_ = 	snop  }
0x3b: {  	_ = 	snop  }
0x3c: {  	p2 =	seq.s32 s10, $0x1;
	s10 =	sld [smem:$0x3FAA]  }
0x3d: {  	_ =	shalt  }
0x3e: {  	_ =	shalt  }
0x3f: {  	_ =	shalt  }
0x40: {  	_ =	shalt  }
0x41: {  	_ =	shalt  }
0x42: {  	_ =	shalt  }
0x43: {  	_ =	shalt  }
0x44: {  	_ =	shalt  }
0x45: {  	_ =	shalt  }
0x46: {  	_ =	shalt  }
0x47: {  	_ =	shalt  }
0x48: {  	_ =	shalt  }
0x49: {  	_ =	shalt  }
0x4a: {  	_ =	shalt  }
0x4b: {  	_ =	shalt  }
0x4c: {  	_ =	shalt  }
0x4d: {  	_ =	shalt  }
0x4e: {  	_ =	shalt  }
0x4f: {  	_ =	shalt  }
0x50: {  	_ =	shalt  }
0x51: {  	_ =	shalt  }
0x52: {  	_ =	shalt  }
0x53: {  	_ =	shalt  }
0x54: {  	_ =	shalt  }
0x55: {  	_ =	shalt  }
0x56: {  	_ =	shalt  }
0x57: {  	_ =	shalt  }
0x58: {  	_ =	shalt  }
0x59: {  	_ =	shalt  }
0x5a: {  	_ =	shalt  }
0x5b: {  	_ =	shalt  }
0x5c: {  	_ =	shalt  }
0x5d: {  	_ =	shalt  }
0x5e: {  	_ =	shalt  }
0x5f: {  	_ =	shalt  }
0x60: {  	_ =	shalt  }
0x61: {  	_ =	shalt  }
0x62: {  	_ =	shalt  }
0x63: {  	_ =	shalt  }
0x64: {  	_ =	shalt  }
0x65: {  	_ =	shalt  }
0x66: {  	_ =	shalt  }
0x67: {  	_ =	shalt  }
0x68: {  	_ =	shalt  }
0x69: {  	_ =	shalt  }
0x6a: {  	_ =	shalt  }
0x6b: {  	_ =	shalt  }
0x6c: {  	_ =	shalt  }
0x6d: {  	_ =	shalt  }
0x6e: {  	_ =	shalt  }
0x6f: {  	_ =	shalt  }
0x70: {  	_ =	shalt  }
0x71: {  	_ =	shalt  }
0x72: {  	_ =	shalt  }
0x73: {  	_ =	shalt  }
0x74: {  	_ =	shalt  }
0x75: {  	_ =	shalt  }
0x76: {  	_ =	shalt  }
0x77: {  	_ =	shalt  }
0x78: {  	_ =	shalt  }
0x79: {  	_ =	shalt  }
0x7a: {  	_ =	shalt  }
0x7b: {  	_ =	shalt  }
0x7c: {  	_ =	shalt  }
0x7d: {  	_ =	shalt  }
0x7e: {  	_ =	shalt  }
0x7f: {  	_ =	shalt  }
0x80: {  	_ =	shalt  }
0x81: {  	_ =	shalt  }
0x82: {  	_ =	shalt  }
0x83: {  	_ =	shalt  }
0x84: {  	_ =	shalt  }
0x85: {  	_ =	shalt  }
0x86: {  	_ =	shalt  }
0x87: {  	_ =	shalt  }
.Lfunc_end0:
.L_simem_size_0:
called_computation.1_lowered:
.L_overlay_start_0:
0x88: {  	s2 =	sld [smem:$0x3FD9]  }
0x89: {  	s3 =	sld [smem:$0x3FFE];
	_ =	sdelay $0x1  }
0x8a: {  	s1 =	srdreg.scid  }
0x8b: {  	s0 =	sand.u32 $0x1, s1  }
0x8c: {  	s17 =	sshll.u32 s0, $0xA;
	s2 =	sadd.s32 s3, s2  }
0x8d: {  	s2 =	sadd.s32 s2, s17  }
0x8e: {  	[smem:$0x3FB6] =	sst s2  }
0x8f: {  	_ = 	snop  }
0x90: {  	(tm) =	ssettm $0x1  }
0x91: {  	s18 =	sld [smem:$0x3FFB];
	_ =	sdelay $0x3  }
0x92: {  	_ =	strace s18  }
0x93: {  	s2 =	sld [smem:$0x3FFC];
	_ =	sdelay $0x3  }
0x94: {  	_ =	strace s2  }
0x95: {  	s2 =	sld [smem:$0x3FFD];
	_ =	sdelay $0x3  }
0x96: {  	_ =	strace s2  }
0x97: {  	_ =	strace $0x8FFFFFFF  }
0x98: {  	s19 =	sld [smem:$0x3FDB];
	_ =	sdelay $0x1  }
0x99: {  	s20 =	simm.s32 $_scs_section_size  }
0x9a: {  	s4 =	simm.s32 $_size__tile_overlayer_lowered;
	s5 =	simm.s32 $_tile_overlayer_lowered  }
0x9b: {  	s6 =	simm.s32 $0x1BFF;
	s21 =	sshll.u32 s5, $0x1;
	s3 =	sadd.s32 s20, s19  }
0x9c: {  	s22 =	simm.s32 $0x0;
	s4 =	sshll.u32 s4, $0x1;
	s5 =	sadd.s32 s21, s3  }
0x9d: {  	[timem:s22], [sflag:s6] =	dma.local [hbm:s5], s4  }
0x9e: {  	_ =	swait.ge [sflag:s6], s4  }
0x9f: {  	s4 =	ssub.s32 $0x0, s4;
	[sflag:s6] =	ssyncset.done $0x0  }
0xa0: {  	[sflag:s6] =	ssyncadd.s32 s4;
	_ =	sdelay $0x1  }
0xa1: {  	s23 =	simm.s32 $0x1B8B  }
0xa2: {  	_ =	swait.ge [sflag:s23], $0x1  }
0xa3: {  	[sflag:s23] =	ssyncset.done $0x0  }
0xa4: {  	[sflag:s23] =	ssyncadd.s32 $0xFFFFFFFF  }
0xa5: {  	s4 =	sld [smem:$0x0]  }
0xa6: {  	s5 =	sand.u32 $0xFFFFFFFE, s1  }
0xa7: {  	p0 =	sne.s32 s1, s5  }
0xa8: {  	s5 =	sshll.u32 @p0 s5, $0xE  }
0xa9: {  	s5 =	sadd.s32 @p0 $0x11B8D, s5;
	s6 =	sshll.u32 @p0 s4, $0x11  }
0xaa: {  	s5 =	sor.u32 @p0 s6, s5  }
0xab: {  	[sflag:s5] =	ssyncadd.remote.s32 @p0 $0x1;
	_ =	sdelay $0x1  }
0xac: {  	s5 =	simm.s32 @p0 $0x1B8D  }
0xad: {  	_ =	swait.eq @p0 [sflag:s5], $0x1  }
0xae: {  	[sflag:s5] =	ssyncadd.s32 @p0 $0xFFFFFFFF  }
0xaf: {  	s6 =	sshll.u32 @!p0 s1, $0xE  }
0xb0: {  	s6 =	sor.u32 @!p0 $0x4000, s6;
	s5 =	simm.s32 @!p0 $0x1B8D  }
0xb1: {  	s4 =	sshll.u32 @!p0 s4, $0x11;
	s6 =	sadd.s32 @!p0 $0x11B8D, s6;
	_ =	swait.eq @!p0 [sflag:s5], $0x1  }
0xb2: {  	s4 =	sor.u32 @!p0 s4, s6;
	[sflag:s5] =	ssyncadd.s32 @!p0 $0xFFFFFFFF  }
0xb3: {  	s25 =	simm.s32 $0x1B8E;
	s24 =	sld [smem:$0x3FFE];
	[sflag:s4] =	ssyncadd.remote.s32 @!p0 $0x1  }
0xb4: {  	s26 =	simm.s32 $execute0_lowered;
	[smem:$0x3FD2] =	sst s25  }
0xb5: {  	s5 =	sshll.u32 s26, $0x1;
	_ =	strace $0x80000049;
	[dreg:$0x1] =	wrdreg $0xFFFFFFFF  }
0xb6: {  	s28 =	simm.s32 $_size_execute0_lowered;
	s3 =	sadd.s32 s3, s5;
	[dreg:$0x0] =	wrdreg $0x0  }
0xb7: {  	s5 =	sshll.u32 s28, $0x1;
	[dreg:$0x2] =	wrdreg s3  }
0xb8: {  	[dreg:$0x3] =	wrdreg s5  }
0xb9: {  	[dreg:$0x4] =	wrdreg $0xC0  }
0xba: {  	_ =	task [dreg:s22], $0x5FFFF  }
0xbb: {  	[dreg:$0x1] =	wrdreg $0xFFFFFFFF  }
0xbc: {  	[dreg:$0x0] =	wrdreg $0x60  }
0xbd: {  	[dreg:$0x2] =	wrdreg s24  }
0xbe: {  	[dreg:$0x3] =	wrdreg $0x100400  }
0xbf: {  	[dreg:$0x4] =	wrdreg $0xA  }
0xc0: {  	_ =	task.clear_ibuf [dreg:s22], $0x5FFFF;
	_ =	strace $0x90000049  }
0xc1: {  	s29 =	simm.s32 $0xA;
	_ =	strace $0x8000004B  }
0xc2: {  	_ =	swait.ge [sflag:s29], $0x1  }
0xc3: {  	[sflag:s29] =	ssyncadd.s32 $0xFFFFFFFF  }
0xc4: {  	_ =	strace $0x9000004B  }
0xc5: {  	_ =	sfence  }
0xc6: {  	s30 =	sld [smem:$0x0];
	_ =	sdelay $0x2  }
0xc7: {  	s31 =	sshll.u32 s1, $0xD;
	s1 =	sshrl.u32 s1, $0x2  }
0xc8: {  	s4 =	sand.u32 $0x4000, s31;
	s1 =	sadd.s32 s1, s30  }
0xc9: {  	s0 =	sor.u32 s4, s0;
	s1 =	sshll.u32 s1, $0x11  }
0xca: {  	s0 =	sor.u32 s1, s0  }
0xcb: {  	s0 =	sadd.s32 $0x8F2B, s0  }
0xcc: {  	[sflag:s0] =	ssyncadd.remote.s32 $0x1  }
0xcd: {  	_ =	sfence.sel $0xFFFF  }
0xce: {  	[dreg:$0x0] =	wrdreg $0xFFFFFFFF;
	(pc) =	sbr.abs _section_cstart, $3  }
0xcf: {  	[dreg:$0x1] =	wrdreg $0xFFFFFFFF  }
0xd0: {  	_ =	task.clear_ibuf [dreg:s22], $0x2FFFF;
	_ =	strace $0x9FFFFFFF  }
0xd1: {  	(tm) =	ssettm $0x7FFFFFFF  }
tec
execute0_lowered:
.L_overlay_start_1:
0x0: {  	(tag) =	ssettag $0x1  }
0x1: {  	s0 =	rddreg [dreg:$0x0]  }
0x2: {  	s1 =	rddreg [dreg:$0x1]  }
0x3: {  	s2 =	simm.s32 $0x0;
	s4 =	srdreg.scid;
	s23 =	stileid.u32  }
0x4: {  	s28 =	simm.s32 $0x640;
	s29 =	simm.s32 $0x1;
	[smem:$0x7FF] =	sst s2  }
0x5: {  	s3 =	sadd.s32 $0x4EC00, s0;
	s5 =	sadd.s32 $0xA200, s0;
	s31 =	smul.u32 $0xC800, s23  }
0x6: {  	s6 =	sadd.s32 $0x400, s0;
	s10 =	sor.u32 $0x10, s23;
	s19 =	smul.u32 $0x3200, s23  }
0x7: {  	s7 =	sadd.s32 $0x4F6000, s0;
	s14 =	sor.u32 $0x20, s23;
	s11 =	smul.u32 $0xC800, s10  }
0x8: {  	s8 =	sand.u32 $0x1, s4;
	s15 =	sor.u32 $0x30, s23;
	s13 =	smul.u32 $0xC800, s14  }
0x9: {  	s0 =	sadd.s32 $0x62600, s0;
	p0 =	sgt.u32 s23, $0x1;
	s16 =	smul.u32 $0xC800, s15  }
0xa: {  	_ =	strace $0x8000004A;
	s9 =	ssub.s32 $0x2, s8;
	s17 =	smul.u32 $0x9C400, s8  }
0xb: {  	s10 =	smul.u32 $0x3200, s10;
	s12 =	sshrl.u32 s9, $0x1;
	s4 =	sshrl.u32 s31, $0x2  }
0xc: {  	s18 =	ssub.s32 s9, s12;
	s9 =	sshll.u32 s23, $0x1;
	s11 =	sshrl.u32 s11, $0x2  }
0xd: {  	s13 =	sshrl.u32 s13, $0x2;
	s4 =	sadd.s32 s4, s1;
	s21 =	sshrl.u32 s16, $0x2  }
0xe: {  	s22 =	sadd.s32 s19, s17;
	s25 =	sadd.s32 s17, s10;
	s10 =	sadd.s32 s10, s1  }
0xf: {  	[dreg:$0x3] =	wrdreg s4;
	s20 =	sadd.s32 s11, s1;
	s12 =	sadd.s32 s13, s1  }
0x10: {  	s13 =	sadd.s32 s21, s1;
	s24 =	sshrl.u32 s22, $0x3;
	s21 =	smul.u32 $0x3200, s15  }
0x11: {  	s22 =	sadd.s32 s19, s1;
	s4 =	sshrl.u32 s25, $0x3;
	s18 =	smax.u32 s18, $0x1  }
0x12: {  	s19 =	simm.s32 $0x3840;
	[dreg:$0x4] =	wrdreg s20;
	s20 =	smul.u32 $0x3200, s14  }
0x13: {  	s23 =	sshrl.u32 s10, $0x3;
	s14 =	sadd.s32 s0, s24;
	s15 =	sadd.s32 s0, s4  }
.Ltmp0:
0x14: {  	s22 =	sshrl.u32 s22, $0x3;
	s26 =	sadd.s32 s17, s20;
	(pc) =	sbr.rel .LBB2_1-.Ltmp0, $4  }
0x15: {  	s17 =	sadd.s32 s17, s21;
	s24 =	sadd.s32 s20, s1;
	s20 =	simm.s32 $0x2  }
0x16: {  	s30 =	sshrl.u32 s26, $0x3;
	s31 =	sshrl.u32 s17, $0x3;
	s24 =	sshrl.u32 s24, $0x3  }
0x17: {  	s16 =	sadd.s32 s0, s30;
	s17 =	sadd.s32 s0, s31;
	s0 =	sadd.s32 s21, s1  }
0x18: {  	v0 =	vimm.f32 $0.0e+00;
	s26 =	simm.s32 $0x320;
	s21 =	simm.s32 $0x3;
	s25 =	sshrl.u32 @!p0 s0, $0x3  }
.LBB2_9:
0x19: {  	s0 =	stileid.u32  }
0x1a: {  	s0 =	sshll.u32 s0, $0x6  }
0x1b: {  	[bflag:$0x0] =	sbarrier.arrive $0xFFFF;
	s0 =	sor.u32 $0x1C02, s0  }
0x1c: {  	[hbm:s14], [sflag:s0] =	dma.local [spmem:s22], $0x640  }
0x1d: {  	_ =	swait.ge [sflag:s20], $0x640  }
0x1e: {  	[sflag:s20] =	ssyncset.done $0x0  }
0x1f: {  	[sflag:s20] =	ssyncadd.s32 $0xFFFFF9C0  }
0x20: {  	[hbm:s15], [sflag:s0] =	dma.local [spmem:s23], $0x640  }
0x21: {  	_ =	swait.ge [sflag:s20], $0x640  }
0x22: {  	[sflag:s20] =	ssyncset.done $0x0  }
0x23: {  	[sflag:s20] =	ssyncadd.s32 $0xFFFFF9C0  }
0x24: {  	[hbm:s16], [sflag:s0] =	dma.local [spmem:s24], $0x640  }
0x25: {  	_ =	swait.ge [sflag:s20], $0x640  }
0x26: {  	s2 =	sadd.s32 $0x1, s2;
	[sflag:s20] =	ssyncset.done $0x0  }
0x27: {  	p1 =	sne.s32 s2, s18;
	[sflag:s20] =	ssyncadd.s32 $0xFFFFF9C0  }
0x28: {  	[hbm:s17], [sflag:s0] =	dma.local @!p0 [spmem:s25], $0x640  }
.Ltmp1:
0x29: {  	_ = 	snop;
	(pc) =	sbr.rel @!p1 .LBB2_10-.Ltmp1, $4  }
0x2a: {  	s0 =	simm.s32 @!p0 $0x2  }
0x2b: {  	_ =	swait.ge @!p0 [sflag:s0], $0x640  }
0x2c: {  	[sflag:s0] =	ssyncset.done @!p0 $0x0  }
0x2d: {  	[sflag:s0] =	ssyncadd.s32 @!p0 $0xFFFFF9C0  }
.LBB2_1:
0x2e: {  	s4 =	simm.s32 $0x100;
	s0 =	simm.s32 $0x0  }
.LBB2_2:
0x2f: {  	p1 =	sne.s32 s4, $0xC700;
	[tilespmem:s0+$0x3870] =	vst v0;
	s10 =	smov.u32 s4;
	s4 =	sadd.s32 $0x100, s4  }
.Ltmp2:
0x30: {  	[tilespmem:s0+$0x3860] =	vst v0;
	(pc) =	sbr.rel @p1 .LBB2_2-.Ltmp2, $3  }
0x31: {  	[tilespmem:s0+$0x3840] =	vst v0  }
0x32: {  	[tilespmem:s0+$0x3850] =	vst v0;
	_ =	sdelay $0x1  }
0x33: {  	s0 =	sshra.s32 s10, $0x2  }
0x34: {  	[tilespmem:s0+$0x3870] =	vst v0  }
0x35: {  	[tilespmem:s0+$0x3860] =	vst v0  }
0x36: {  	[tilespmem:s0+$0x3840] =	vst v0  }
0x37: {  	[tilespmem:s0+$0x3850] =	vst v0;
	s11 =	rddreg [dreg:$0x3]  }
0x38: {  	[spmem:s11] =	stream.linear.scatter [tilespmem:s19], [sflag:$0x2], $0x3200, $0x38;
	[tilespmem:$0x19C80] =	vst v63  }
0x39: {  	_ =	swait.ge [sflag:s20], $0x3200  }
0x3a: {  	[sflag:s20] =	ssyncset.done $0x0  }
0x3b: {  	s31 =	rddreg [dreg:$0x4];
	[sflag:s20] =	ssyncadd.s32 $0xFFFFCE00  }
0x3c: {  	[spmem:s31] =	stream.linear.scatter [tilespmem:s19], [sflag:$0x2], $0x3200, $0x38;
	[tilespmem:$0x19C80] =	vst v63  }
0x3d: {  	_ =	swait.ge [sflag:s20], $0x3200  }
0x3e: {  	[sflag:s20] =	ssyncset.done $0x0  }
0x3f: {  	[sflag:s20] =	ssyncadd.s32 $0xFFFFCE00  }
0x40: {  	[spmem:s12] =	stream.linear.scatter [tilespmem:s19], [sflag:$0x2], $0x3200, $0x38;
	[tilespmem:$0x19C80] =	vst v63  }
0x41: {  	_ =	swait.ge [sflag:s20], $0x3200  }
0x42: {  	[sflag:s20] =	ssyncset.done $0x0  }
0x43: {  	s0 =	simm.s32 @!p0 $0x3840;
	[sflag:s20] =	ssyncadd.s32 $0xFFFFCE00  }
0x44: {  	[spmem:s13] =	stream.linear.scatter @!p0 [tilespmem:s0], [sflag:$0x2], $0x3200, $0x38;
	[tilespmem:$0x19C80] =	vst v63  }
0x45: {  	s0 =	simm.s32 @!p0 $0x2  }
.Ltmp3:
0x46: {  	_ =	swait.ge @!p0 [sflag:s0], $0x3200;
	(pc) =	sbr.rel .LBB2_4-.Ltmp3, $4  }
0x47: {  	[sflag:s0] =	ssyncset.done @!p0 $0x0  }
0x48: {  	[sflag:s0] =	ssyncadd.s32 @!p0 $0xFFFFCE00  }
0x49: {  	[bflag:$0x0] =	sbarrier.arrive $0xFFFF  }
0x4a: {  	s30 =	simm.s32 $0x0  }
.LBB2_8:
0x4b: {  	s30 =	sadd.s32 $0x1, s30  }
0x4c: {  	p1 =	sne.s32 s30, $0xD  }
.Ltmp4:
0x4d: {  	_ = 	snop;
	(pc) =	sbr.rel @!p1 .LBB2_9-.Ltmp4, $1  }
0x4e: {  	_ =	sdelay $0x3  }
.LBB2_4:
0x4f: {  	s0 =	sshll.u32 s30, $0x5  }
0x50: {  	s0 =	sor.u32 s9, s0  }
0x51: {  	p1 =	sgt.u32 s0, $0x18F  }
.Ltmp5:
0x52: {  	_ = 	snop;
	(pc) =	sbr.rel @p1 .LBB2_8-.Ltmp5, $1  }
0x53: {  	_ =	sdelay $0x3  }
0x54: {  	s0 =	sor.u32 s8, s0  }
0x55: {  	s4 =	smul.u32 $0x64, s0;
	_ =	sdelay $0x1  }
0x56: {  	s31 =	simm.s32 $0x0;
	s10 =	sadd.s32 s5, s4  }
0x57: {  	[tilespmem:s31], [sflag:$0x3] =	stream.linear.gather [hbm4b:s10+s31], $0x320, $0x38;
	[tilespmem:$0x19C80] =	vst v63  }
0x58: {  	_ =	swait.ge [sflag:s21], $0x320  }
0x59: {  	[sflag:s21] =	ssyncset.done $0x0  }
0x5a: {  	s4 =	sadd.s32 s6, s4;
	[sflag:s21] =	ssyncadd.s32 $0xFFFFFCE0  }
0x5b: {  	[tilespmem:s26], [sflag:$0x3] =	stream.linear.gather [hbm4b:s4+s31], $0x320, $0x38;
	[tilespmem:$0x19C80] =	vst v63  }
0x5c: {  	s0 =	smul.u32 $0x640, s0;
	_ =	swait.ge [sflag:s21], $0x320  }
0x5d: {  	[sflag:s21] =	ssyncset.done $0x0  }
0x5e: {  	s0 =	sadd.s32 s7, s0;
	[sflag:s21] =	ssyncadd.s32 $0xFFFFFCE0  }
0x5f: {  	[tilespmem:s28], [sflag:$0x3] =	stream.linear.gather [hbm4b:s0+s31], $0x3200, $0x38;
	[tilespmem:$0x19C80] =	vst v63  }
0x60: {  	_ =	swait.ge [sflag:s21], $0x3200  }
0x61: {  	[sflag:s21] =	ssyncset.done $0x0  }
0x62: {  	[sflag:s21] =	ssyncadd.s32 $0xFFFFCE00  }
0x63: {  	[tilespmem:s19], [sflag:$0x1] =	stream.indirect.gather [hbm4b:s3+s26], $0x40, s31, s26, $0xb8;
	[tilespmem:$0x19C80] =	vst v63  }
0x64: {  	_ =	swait.ge [sflag:s29], $0xC800  }
0x65: {  	[sflag:s29] =	ssyncset.done $0x0  }
0x66: {  	s31 =	simm.s32 $0x3940;
	[sflag:s29] =	ssyncadd.s32 $0xFFFF3800  }
0x67: {  	s0 =	simm.s32 $0x0;
	v1 =	vld [tilespmem:s31+$0xFFFFFF30]  }
0x68: {  	v2 =	vld [tilespmem:s0+$0x640]  }
0x69: {  	v3 =	vld [tilespmem:s31+$0xFFFFFF00]  }
0x6a: {  	v4 =	vld [tilespmem:s31+$0xFFFFFF10]  }
0x6b: {  	v5 =	vld [tilespmem:s31+$0xFFFFFF20];
	_ =	sdelay $0x1  }
0x6c: {  	v1 =	vmul.f32 v1, v2  }
0x6d: {  	v3 =	vmul.f32 v3, v2  }
0x6e: {  	v4 =	vmul.f32 v4, v2;
	[tilespmem:s31+$0xFFFFFF30] =	vst v1  }
0x6f: {  	v1 =	vmul.f32 v5, v2;
	[tilespmem:s31+$0xFFFFFF00] =	vst v3  }
0x70: {  	[tilespmem:s31+$0xFFFFFF10] =	vst v4  }
0x71: {  	[tilespmem:s31+$0xFFFFFF20] =	vst v1;
	v1 =	vld [tilespmem:s31+$0xFFFFFF40]  }
0x72: {  	v3 =	vld [tilespmem:s0+$0x650]  }
0x73: {  	v2 =	vld [tilespmem:s31+$0xFFFFFF50]  }
0x74: {  	v4 =	vld [tilespmem:s31+$0xFFFFFF70]  }
0x75: {  	v5 =	vld [tilespmem:s31+$0xFFFFFF60];
	_ =	sdelay $0x1  }
0x76: {  	v1 =	vmul.f32 v1, v3  }
0x77: {  	v2 =	vmul.f32 v2, v3  }
0x78: {  	v4 =	vmul.f32 v4, v3;
	[tilespmem:s31+$0xFFFFFF40] =	vst v1  }
0x79: {  	[tilespmem:s31+$0xFFFFFF50] =	vst v2;
	v1 =	vmul.f32 v5, v3  }
0x7a: {  	[tilespmem:s31+$0xFFFFFF70] =	vst v4  }
0x7b: {  	[tilespmem:s31+$0xFFFFFF60] =	vst v1;
	v1 =	vld [tilespmem:s31+$0xFFFFFF80]  }
0x7c: {  	v3 =	vld [tilespmem:s0+$0x660]  }
0x7d: {  	v4 =	vld [tilespmem:s31+$0xFFFFFFB0]  }
0x7e: {  	v2 =	vld [tilespmem:s31+$0xFFFFFF90]  }
0x7f: {  	v5 =	vld [tilespmem:s31+$0xFFFFFFA0];
	_ =	sdelay $0x1  }
0x80: {  	v1 =	vmul.f32 v1, v3  }
0x81: {  	v4 =	vmul.f32 v4, v3  }
0x82: {  	v2 =	vmul.f32 v2, v3;
	[tilespmem:s31+$0xFFFFFF80] =	vst v1  }
0x83: {  	v1 =	vmul.f32 v5, v3;
	[tilespmem:s31+$0xFFFFFFB0] =	vst v4  }
0x84: {  	[tilespmem:s31+$0xFFFFFF90] =	vst v2  }
0x85: {  	[tilespmem:s31+$0xFFFFFFA0] =	vst v1;
	v1 =	vld [tilespmem:s31+$0xFFFFFFC0]  }
0x86: {  	v3 =	vld [tilespmem:s0+$0x670]  }
0x87: {  	v2 =	vld [tilespmem:s31+$0xFFFFFFD0]  }
0x88: {  	v4 =	vld [tilespmem:s31+$0xFFFFFFF0]  }
0x89: {  	v5 =	vld [tilespmem:s31+$0xFFFFFFE0];
	_ =	sdelay $0x1  }
0x8a: {  	v1 =	vmul.f32 v1, v3  }
0x8b: {  	v2 =	vmul.f32 v2, v3  }
0x8c: {  	v4 =	vmul.f32 v4, v3;
	[tilespmem:s31+$0xFFFFFFC0] =	vst v1  }
0x8d: {  	[tilespmem:s31+$0xFFFFFFD0] =	vst v2;
	v1 =	vmul.f32 v5, v3  }
0x8e: {  	[tilespmem:s31+$0xFFFFFFF0] =	vst v4  }
0x8f: {  	[tilespmem:s31+$0xFFFFFFE0] =	vst v1;
	v1 =	vld [tilespmem:s31+$0x0]  }
0x90: {  	v3 =	vld [tilespmem:s0+$0x680]  }
0x91: {  	v4 =	vld [tilespmem:s31+$0x30]  }
0x92: {  	v2 =	vld [tilespmem:s31+$0x10]  }
0x93: {  	v5 =	vld [tilespmem:s31+$0x20];
	_ =	sdelay $0x1  }
0x94: {  	v1 =	vmul.f32 v1, v3  }
0x95: {  	v4 =	vmul.f32 v4, v3  }
0x96: {  	[tilespmem:s31+$0x0] =	vst v1;
	v1 =	vmul.f32 v2, v3  }
0x97: {  	[tilespmem:s31+$0x30] =	vst v4;
	v2 =	vmul.f32 v5, v3  }
0x98: {  	v3 =	vld [tilespmem:s31+$0x40];
	[tilespmem:s31+$0x10] =	vst v1  }
0x99: {  	v4 =	vld [tilespmem:s31+$0x70];
	[tilespmem:s31+$0x20] =	vst v2  }
0x9a: {  	v2 =	vld [tilespmem:s0+$0x690]  }
0x9b: {  	v1 =	vld [tilespmem:s31+$0x50]  }
0x9c: {  	v5 =	vld [tilespmem:s31+$0x60];
	_ =	sdelay $0x2  }
0x9d: {  	v6 =	vmul.f32 v3, v2  }
0x9e: {  	v3 =	vmul.f32 v1, v2  }
0x9f: {  	s10 =	simm.s32 $0x3940;
	s4 =	simm.s32 $0x200;
	v1 =	vmul.f32 v5, v2;
	v2 =	vmul.f32 v4, v2;
	[tilespmem:s31+$0x40] =	vst v6  }
.LBB2_6:
0xa0: {  	p1 =	sne.s32 s4, $0xC600  }
0xa1: {  	[tilespmem:s31+$0x50] =	vst v3;
	v3 =	vld [tilespmem:s31+$0x80];
	s10 =	sadd.s32 $0x200, s10;
	s11 =	smov.u32 s4;
	s4 =	sadd.s32 $0x200, s4  }
0xa2: {  	[tilespmem:s31+$0x70] =	vst v2;
	v2 =	vld [tilespmem:s31+$0xB0]  }
0xa3: {  	[tilespmem:s31+$0x60] =	vst v1;
	v1 =	vld [tilespmem:s31+$0x90]  }
0xa4: {  	v4 =	vld [tilespmem:s0+$0x6A0]  }
0xa5: {  	v5 =	vld [tilespmem:s31+$0xA0];
	_ =	sdelay $0x3  }
0xa6: {  	v3 =	vmul.f32 v3, v4;
	v1 =	vmul.f32 v1, v4  }
0xa7: {  	v2 =	vmul.f32 v2, v4;
	v5 =	vmul.f32 v5, v4  }
0xa8: {  	[tilespmem:s31+$0x80] =	vst v3  }
0xa9: {  	[tilespmem:s31+$0xB0] =	vst v2;
	v2 =	vld [tilespmem:s31+$0xC0]  }
0xaa: {  	[tilespmem:s31+$0x90] =	vst v1;
	v1 =	vld [tilespmem:s31+$0xF0]  }
0xab: {  	[tilespmem:s31+$0xA0] =	vst v5;
	v3 =	vld [tilespmem:s31+$0xD0]  }
0xac: {  	v4 =	vld [tilespmem:s0+$0x6B0]  }
0xad: {  	v5 =	vld [tilespmem:s31+$0xE0];
	_ =	sdelay $0x3  }
0xae: {  	v2 =	vmul.f32 v2, v4;
	v3 =	vmul.f32 v3, v4  }
0xaf: {  	v1 =	vmul.f32 v1, v4;
	v5 =	vmul.f32 v5, v4  }
0xb0: {  	[tilespmem:s31+$0xC0] =	vst v2  }
0xb1: {  	v2 =	vld [tilespmem:s10+$0xFFFFFF20];
	[tilespmem:s31+$0xD0] =	vst v3  }
0xb2: {  	v3 =	vld [tilespmem:s10+$0xFFFFFF30];
	[tilespmem:s31+$0xF0] =	vst v1  }
0xb3: {  	s0 =	sshra.s32 s11, $0x2;
	v1 =	vld [tilespmem:s10+$0xFFFFFF00];
	[tilespmem:s31+$0xE0] =	vst v5;
	s31 =	smov.u32 s10  }
0xb4: {  	v4 =	vld [tilespmem:s0+$0x640]  }
0xb5: {  	v5 =	vld [tilespmem:s10+$0xFFFFFF10];
	_ =	sdelay $0x3  }
0xb6: {  	v1 =	vmul.f32 v1, v4;
	v3 =	vmul.f32 v3, v4  }
0xb7: {  	v2 =	vmul.f32 v2, v4;
	v5 =	vmul.f32 v5, v4  }
0xb8: {  	[tilespmem:s10+$0xFFFFFF30] =	vst v3  }
0xb9: {  	[tilespmem:s10+$0xFFFFFF00] =	vst v1;
	v1 =	vld [tilespmem:s10+$0xFFFFFF70]  }
0xba: {  	[tilespmem:s10+$0xFFFFFF10] =	vst v5;
	v3 =	vld [tilespmem:s10+$0xFFFFFF50]  }
0xbb: {  	[tilespmem:s10+$0xFFFFFF20] =	vst v2;
	v2 =	vld [tilespmem:s10+$0xFFFFFF40]  }
0xbc: {  	v4 =	vld [tilespmem:s0+$0x650]  }
0xbd: {  	v5 =	vld [tilespmem:s10+$0xFFFFFF60];
	_ =	sdelay $0x3  }
0xbe: {  	v2 =	vmul.f32 v2, v4;
	v3 =	vmul.f32 v3, v4  }
0xbf: {  	v1 =	vmul.f32 v1, v4;
	v5 =	vmul.f32 v5, v4  }
0xc0: {  	[tilespmem:s10+$0xFFFFFF40] =	vst v2  }
0xc1: {  	[tilespmem:s10+$0xFFFFFF50] =	vst v3;
	v2 =	vld [tilespmem:s10+$0xFFFFFFB0]  }
0xc2: {  	[tilespmem:s10+$0xFFFFFF70] =	vst v1;
	v1 =	vld [tilespmem:s10+$0xFFFFFF90]  }
0xc3: {  	[tilespmem:s10+$0xFFFFFF60] =	vst v5;
	v3 =	vld [tilespmem:s10+$0xFFFFFF80]  }
0xc4: {  	v4 =	vld [tilespmem:s0+$0x660]  }
0xc5: {  	v5 =	vld [tilespmem:s10+$0xFFFFFFA0];
	_ =	sdelay $0x3  }
0xc6: {  	v3 =	vmul.f32 v3, v4;
	v1 =	vmul.f32 v1, v4  }
0xc7: {  	v2 =	vmul.f32 v2, v4;
	v5 =	vmul.f32 v5, v4  }
0xc8: {  	[tilespmem:s10+$0xFFFFFF80] =	vst v3  }
0xc9: {  	[tilespmem:s10+$0xFFFFFFB0] =	vst v2;
	v2 =	vld [tilespmem:s10+$0xFFFFFFF0]  }
0xca: {  	[tilespmem:s10+$0xFFFFFF90] =	vst v1;
	v1 =	vld [tilespmem:s10+$0xFFFFFFD0]  }
0xcb: {  	[tilespmem:s10+$0xFFFFFFA0] =	vst v5;
	v3 =	vld [tilespmem:s10+$0xFFFFFFC0]  }
0xcc: {  	v4 =	vld [tilespmem:s0+$0x670]  }
0xcd: {  	v5 =	vld [tilespmem:s10+$0xFFFFFFE0];
	_ =	sdelay $0x3  }
0xce: {  	v3 =	vmul.f32 v3, v4;
	v1 =	vmul.f32 v1, v4  }
0xcf: {  	v2 =	vmul.f32 v2, v4;
	v5 =	vmul.f32 v5, v4  }
0xd0: {  	[tilespmem:s10+$0xFFFFFFC0] =	vst v3  }
0xd1: {  	[tilespmem:s10+$0xFFFFFFD0] =	vst v1;
	v1 =	vld [tilespmem:s10+$0x30]  }
0xd2: {  	[tilespmem:s10+$0xFFFFFFF0] =	vst v2;
	v2 =	vld [tilespmem:s10+$0x10]  }
0xd3: {  	[tilespmem:s10+$0xFFFFFFE0] =	vst v5;
	v3 =	vld [tilespmem:s10+$0x0]  }
0xd4: {  	v4 =	vld [tilespmem:s0+$0x680]  }
0xd5: {  	v5 =	vld [tilespmem:s10+$0x20];
	_ =	sdelay $0x3  }
0xd6: {  	v3 =	vmul.f32 v3, v4;
	v2 =	vmul.f32 v2, v4  }
0xd7: {  	v1 =	vmul.f32 v1, v4;
	v5 =	vmul.f32 v5, v4  }
0xd8: {  	[tilespmem:s10+$0x0] =	vst v3  }
0xd9: {  	[tilespmem:s10+$0x30] =	vst v1;
	v1 =	vld [tilespmem:s10+$0x40]  }
0xda: {  	[tilespmem:s10+$0x10] =	vst v2;
	v2 =	vld [tilespmem:s10+$0x70]  }
0xdb: {  	[tilespmem:s10+$0x20] =	vst v5;
	v3 =	vld [tilespmem:s10+$0x50]  }
0xdc: {  	v4 =	vld [tilespmem:s0+$0x690]  }
0xdd: {  	v5 =	vld [tilespmem:s10+$0x60];
	_ =	sdelay $0x1  }
.Ltmp6:
0xde: {  	(pc) =	sbr.rel @p1 .LBB2_6-.Ltmp6, $4  }
0xdf: {  	_ = 	snop  }
0xe0: {  	v6 =	vmul.f32 v1, v4;
	v3 =	vmul.f32 v3, v4  }
0xe1: {  	v2 =	vmul.f32 v2, v4;
	v1 =	vmul.f32 v5, v4  }
0xe2: {  	[tilespmem:s10+$0x40] =	vst v6  }
0xe3: {  	[tilespmem:s31+$0x50] =	vst v3  }
0xe4: {  	[tilespmem:s31+$0x70] =	vst v2  }
0xe5: {  	v3 =	vld [tilespmem:s31+$0x80];
	[tilespmem:s31+$0x60] =	vst v1  }
0xe6: {  	v1 =	vld [tilespmem:s0+$0x6A0]  }
0xe7: {  	v2 =	vld [tilespmem:s31+$0xB0]  }
0xe8: {  	v4 =	vld [tilespmem:s31+$0x90]  }
0xe9: {  	v5 =	vld [tilespmem:s31+$0xA0];
	_ =	sdelay $0x1  }
0xea: {  	v3 =	vmul.f32 v3, v1  }
0xeb: {  	v2 =	vmul.f32 v2, v1  }
0xec: {  	[tilespmem:s31+$0x80] =	vst v3;
	v3 =	vmul.f32 v4, v1  }
0xed: {  	[tilespmem:s31+$0xB0] =	vst v2;
	v1 =	vmul.f32 v5, v1  }
0xee: {  	[tilespmem:s31+$0x90] =	vst v3  }
0xef: {  	v2 =	vld [tilespmem:s31+$0xC0];
	[tilespmem:s31+$0xA0] =	vst v1  }
0xf0: {  	v1 =	vld [tilespmem:s0+$0x6B0]  }
0xf1: {  	v3 =	vld [tilespmem:s31+$0xD0]  }
0xf2: {  	v62 =	vld [tilespmem:s31+$0xF0]  }
0xf3: {  	v63 =	vld [tilespmem:s31+$0xE0];
	_ =	sdelay $0x1  }
0xf4: {  	v2 =	vmul.f32 v2, v1  }
0xf5: {  	v3 =	vmul.f32 v3, v1  }
0xf6: {  	v4 =	vmul.f32 v62, v1;
	[tilespmem:s31+$0xC0] =	vst v2  }
0xf7: {  	v1 =	vmul.f32 v63, v1;
	[tilespmem:s31+$0xD0] =	vst v3  }
0xf8: {  	[tilespmem:s31+$0xF0] =	vst v4  }
.Ltmp7:
0xf9: {  	[tilespmem:s31+$0xE0] =	vst v1;
	(pc) =	sbr.rel .LBB2_8-.Ltmp7, $4  }
0xfa: {  	[spmem:s1] =	stream.indirect.scatter.add.f32 [tilespmem:s19], [sflag:$0x2], $0x40, s26, s26, $0xb8;
	[tilespmem:$0x19C80] =	vst v63  }
0xfb: {  	_ =	swait.ge [sflag:s20], $0xC800  }
0xfc: {  	[sflag:s20] =	ssyncset.done $0x0  }
0xfd: {  	[sflag:s20] =	ssyncadd.s32 $0xFFFF3800  }
.LBB2_10:
0xfe: {  	_ =	sfence.sel $0x180000  }
0xff: {  	[bflag:$0x0] =	sbarrier.arrive $0xFFFF  }
0x100: {  	_ =	strace $0x9000004A  }
0x101: {  	s0 =	stileid.u32;
	[bflag:$0x2] =	sbarrier.arrive $0xFFFF  }
0x102: {  	p0 =	sne.s32 s0, $0x0;
	s0 =	rddreg [dreg:$0x2]  }
0x103: {  	s0 =	sadd.s32 @!p0 $0x100000, s0  }
0x104: {  	[sflag:s0] =	ssyncadd.tile.s32 @!p0 $0x1;
	_ =	shalt  }
.Lfunc_end2:
_tile_overlayer_lowered:
.L_overlay_start_2:
0x105: {  	(tag) =	ssettag $0x2  }
0x106: {  	s0 =	rddreg [dreg:$0x0];
	s2 =	stileid.u32  }
0x107: {  	s1 =	rddreg [dreg:$0x1];
	p0 =	sne.s32 s2, $0x0  }
0x108: {  	s3 =	rddreg [dreg:$0x2];
	[bflag:$0x3] =	sbarrier.arrive $0xFFFF;
	s2 =	simm.s32 @!p0 $0x1C02  }
0x109: {  	[timem:s3], [sflag:s2] =	dma.local @!p0 [hbm:s0], s1  }
0x10a: {  	s0 =	simm.s32 @!p0 $0x2  }
0x10b: {  	_ =	swait.ge @!p0 [sflag:s0], s1  }
0x10c: {  	s1 =	ssub.s32 @!p0 $0x0, s1;
	[sflag:s0] =	ssyncset.done @!p0 $0x0  }
0x10d: {  	[sflag:s0] =	ssyncadd.s32 @!p0 s1  }
0x10e: {  	[bflag:$0x3] =	sbarrier.arrive $0xFFFF  }
0x10f: {  	_ =	shalt  }

// kernel: kernel.15.cloned.1.call-start
scs
__scs_entry_jumppad:
0x0: {  	(pc) =	sbr.rel $0x88, $3  }
0x1: {  	(tag) =	ssettag $0x0;
	lr =	simm.s32 $0x1  }
0x2: {  	[smem:$0x3F8F] =	sst lr;
	_ =	strace $0xD0000000  }
0x3: {  	_ = 	snop  }
0x4: {  	_ = 	snop  }
0x5: {  	_ = 	snop  }
0x6: {  	_ = 	snop  }
0x7: {  	_ = 	snop  }
__scs_overlays_trampoline_lowered:
0x8: {  	[smem:$0x3F9E] =	sst s0  }
0x9: {  	[smem:$0x3F9F] =	sst s1  }
0xa: {  	[smem:$0x3FA0] =	sst s2  }
0xb: {  	[smem:$0x3FA1] =	sst s3  }
0xc: {  	[smem:$0x3FA2] =	sst s4  }
0xd: {  	[smem:$0x3FA3] =	sst s5  }
0xe: {  	[smem:$0x3FA4] =	sst s6  }
0xf: {  	[smem:$0x3FA5] =	sst s7  }
0x10: {  	[smem:$0x3FA6] =	sst s8  }
0x11: {  	[smem:$0x3FA7] =	sst s9;
	s0 =	simm.s32 @!p0 $0x0  }
0x12: {  	s1 =	sld [smem:$0x3F8D];
	s0 =	simm.s32 @p0 $0x1  }
0x13: {  	[smem:$0x3FA8] =	sst s0;
	s0 =	simm.s32 @!p1 $0x0  }
0x14: {  	s2 =	sld [smem:$0x3F8C];
	s0 =	simm.s32 @p1 $0x1  }
0x15: {  	[smem:$0x3FA9] =	sst s0;
	s0 =	simm.s32 @!p2 $0x0  }
0x16: {  	s3 =	sld [smem:$0x3FDB];
	s0 =	simm.s32 @p2 $0x1  }
0x17: {  	s4 =	simm.s32 $0x1BF5;
	[smem:$0x3FAB] =	sst s0  }
0x18: {  	s0 =	sld [smem:$0x3F8E];
	_ =	swait.ge [sflag:s4], $0x0  }
0x19: {  	s7 =	sld [smem:$0x3F8F]  }
0x1a: {  	s8 =	sadd.s32 $0xFFFFE003, lr  }
0x1b: {  	s9 =	sadd.s32 $0xFFFFFEF7, lr;
	s5 =	simm.s32 $0xFFFFFFFF;
	p2 =	slt.u32 s8, $0xFFFFF086  }
0x1c: {  	p1 =	slt.u32 s9, $0xF7A;
	s5 =	simm.s32 @!p2 $0x0  }
0x1d: {  	s5 =	simm.s32 @p1 $0x1;
	p0 =	seq.s32 s7, s2  }
0x1e: {  	s7 =	smul.u32 @!p0 $0xF7A, s2;
	p2 =	seq.s32 @!p0 s5, $0x0  }
0x1f: {  	s9 =	smul.u32 $0xF7A, s1;
	s8 =	simm.s32 @!p0 $0x1BF5;
	p2 =	por !p2, p0  }
0x20: {  	[sflag:s8] =	ssyncset.s32 @!p0 $0xFFFFF086;
	s6 =	sadd.s32 @!p0 s3, s7;
	s7 =	simm.s32 @!p0 $0x108  }
0x21: {  	s3 =	sadd.s32 s3, s9;
	s6 =	sadd.s32 @!p0 $0x88, s6;
	s7 =	simm.s32 @p2 $0x1082  }
0x22: {  	[simem:s7], [sflag:s8] =	dma.local @!p0 [hbm:s6], $0xF7A  }
0x23: {  	s9 =	sor.u32 $0xD0000000, s2;
	s6 =	simm.s32 $0x108;
	_ =	swait.ge @!p0 [sflag:s8], $0x0  }
0x24: {  	s3 =	sadd.s32 $0x88, s3;
	s6 =	simm.s32 @!p1 $0x1082;
	[sflag:s4] =	ssyncset.s32 $0xFFFFF086  }
0x25: {  	[simem:s6], [sflag:s4] =	dma.local [hbm:s3], $0xF7A  }
0x26: {  	[smem:$0x3F8F] =	sst s1;
	(tag) =	ssettag s2;
	_ =	strace s9  }
0x27: {  	s1 =	sld [smem:$0x3F9F]  }
0x28: {  	s2 =	sld [smem:$0x3FA0]  }
0x29: {  	s4 =	sld [smem:$0x3FA2]  }
0x2a: {  	p0 =	seq.s32 s5, $0x0;
	s5 =	sld [smem:$0x3FA3]  }
0x2b: {  	s6 =	sld [smem:$0x3FA4]  }
0x2c: {  	s7 =	sld [smem:$0x3FA5]  }
0x2d: {  	s3 =	simm.s32 $0x108;
	s8 =	sld [smem:$0x3FA6]  }
0x2e: {  	s3 =	simm.s32 @!p0 $0x1082;
	s9 =	sld [smem:$0x3FA7]  }
0x2f: {  	lr =	sadd.s32 s0, s3;
	s0 =	sld [smem:$0x3F9E]  }
0x30: {  	s3 =	sld [smem:$0x3FA1]  }
0x31: {  	[smem:$0x3FAA] =	sst s10  }
0x32: {  	s10 =	sld [smem:$0x3FA8];
	_ =	sdelay $0x3  }
0x33: {  	p0 =	seq.s32 s10, $0x1;
	s10 =	sld [smem:$0x3FAA];
	_ =	sdelay $0x3  }
0x34: {  	[smem:$0x3FAA] =	sst s10  }
0x35: {  	s10 =	sld [smem:$0x3FA9];
	_ =	sdelay $0x3  }
0x36: {  	p1 =	seq.s32 s10, $0x1;
	s10 =	sld [smem:$0x3FAA];
	_ =	sdelay $0x3  }
0x37: {  	[smem:$0x3FAA] =	sst s10  }
0x38: {  	s10 =	sld [smem:$0x3FAB]  }
0x39: {  	_ = 	snop;
	(pc) =	sbr.ind lr, $3  }
0x3a: {  	_ = 	snop  }
0x3b: {  	_ = 	snop  }
0x3c: {  	p2 =	seq.s32 s10, $0x1;
	s10 =	sld [smem:$0x3FAA]  }
0x3d: {  	_ =	shalt  }
0x3e: {  	_ =	shalt  }
0x3f: {  	_ =	shalt  }
0x40: {  	_ =	shalt  }
0x41: {  	_ =	shalt  }
0x42: {  	_ =	shalt  }
0x43: {  	_ =	shalt  }
0x44: {  	_ =	shalt  }
0x45: {  	_ =	shalt  }
0x46: {  	_ =	shalt  }
0x47: {  	_ =	shalt  }
0x48: {  	_ =	shalt  }
0x49: {  	_ =	shalt  }
0x4a: {  	_ =	shalt  }
0x4b: {  	_ =	shalt  }
0x4c: {  	_ =	shalt  }
0x4d: {  	_ =	shalt  }
0x4e: {  	_ =	shalt  }
0x4f: {  	_ =	shalt  }
0x50: {  	_ =	shalt  }
0x51: {  	_ =	shalt  }
0x52: {  	_ =	shalt  }
0x53: {  	_ =	shalt  }
0x54: {  	_ =	shalt  }
0x55: {  	_ =	shalt  }
0x56: {  	_ =	shalt  }
0x57: {  	_ =	shalt  }
0x58: {  	_ =	shalt  }
0x59: {  	_ =	shalt  }
0x5a: {  	_ =	shalt  }
0x5b: {  	_ =	shalt  }
0x5c: {  	_ =	shalt  }
0x5d: {  	_ =	shalt  }
0x5e: {  	_ =	shalt  }
0x5f: {  	_ =	shalt  }
0x60: {  	_ =	shalt  }
0x61: {  	_ =	shalt  }
0x62: {  	_ =	shalt  }
0x63: {  	_ =	shalt  }
0x64: {  	_ =	shalt  }
0x65: {  	_ =	shalt  }
0x66: {  	_ =	shalt  }
0x67: {  	_ =	shalt  }
0x68: {  	_ =	shalt  }
0x69: {  	_ =	shalt  }
0x6a: {  	_ =	shalt  }
0x6b: {  	_ =	shalt  }
0x6c: {  	_ =	shalt  }
0x6d: {  	_ =	shalt  }
0x6e: {  	_ =	shalt  }
0x6f: {  	_ =	shalt  }
0x70: {  	_ =	shalt  }
0x71: {  	_ =	shalt  }
0x72: {  	_ =	shalt  }
0x73: {  	_ =	shalt  }
0x74: {  	_ =	shalt  }
0x75: {  	_ =	shalt  }
0x76: {  	_ =	shalt  }
0x77: {  	_ =	shalt  }
0x78: {  	_ =	shalt  }
0x79: {  	_ =	shalt  }
0x7a: {  	_ =	shalt  }
0x7b: {  	_ =	shalt  }
0x7c: {  	_ =	shalt  }
0x7d: {  	_ =	shalt  }
0x7e: {  	_ =	shalt  }
0x7f: {  	_ =	shalt  }
0x80: {  	_ =	shalt  }
0x81: {  	_ =	shalt  }
0x82: {  	_ =	shalt  }
0x83: {  	_ =	shalt  }
0x84: {  	_ =	shalt  }
0x85: {  	_ =	shalt  }
0x86: {  	_ =	shalt  }
0x87: {  	_ =	shalt  }
.Lfunc_end0:
.L_simem_size_0:
called_computation.2_lowered:
.L_overlay_start_0:
0x88: {  	s2 =	sld [smem:$0x3FD9]  }
0x89: {  	s3 =	sld [smem:$0x3FFE];
	_ =	sdelay $0x1  }
0x8a: {  	s1 =	srdreg.scid  }
0x8b: {  	s0 =	sand.u32 $0x1, s1  }
0x8c: {  	s16 =	sshll.u32 s0, $0xA;
	s2 =	sadd.s32 s3, s2  }
0x8d: {  	s2 =	sadd.s32 s2, s16  }
0x8e: {  	[smem:$0x3FB6] =	sst s2  }
0x8f: {  	_ = 	snop  }
0x90: {  	(tm) =	ssettm $0x1  }
0x91: {  	s17 =	sld [smem:$0x3FFB];
	_ =	sdelay $0x3  }
0x92: {  	_ =	strace s17  }
0x93: {  	s2 =	sld [smem:$0x3FFC];
	_ =	sdelay $0x3  }
0x94: {  	_ =	strace s2  }
0x95: {  	s2 =	sld [smem:$0x3FFD];
	_ =	sdelay $0x3  }
0x96: {  	_ =	strace s2  }
0x97: {  	_ =	strace $0x8FFFFFFF  }
0x98: {  	s18 =	sld [smem:$0x3FDB];
	_ =	sdelay $0x1  }
0x99: {  	s19 =	simm.s32 $_scs_section_size  }
0x9a: {  	s4 =	simm.s32 $_size__tile_overlayer_lowered;
	s5 =	simm.s32 $_tile_overlayer_lowered  }
0x9b: {  	s22 =	simm.s32 $0x1BFF;
	s21 =	sshll.u32 s5, $0x1;
	s2 =	sadd.s32 s19, s18  }
0x9c: {  	s6 =	simm.s32 $0x0;
	s20 =	sshll.u32 s4, $0x1;
	s4 =	sadd.s32 s21, s2  }
0x9d: {  	[timem:s6], [sflag:s22] =	dma.local [hbm:s4], s20  }
0x9e: {  	_ =	swait.ge [sflag:s22], s20  }
0x9f: {  	s3 =	ssub.s32 $0x0, s20;
	[sflag:s22] =	ssyncset.done $0x0  }
0xa0: {  	[sflag:s22] =	ssyncadd.s32 s3;
	_ =	sdelay $0x1  }
0xa1: {  	s23 =	simm.s32 $0x1B8B  }
0xa2: {  	_ =	swait.ge [sflag:s23], $0x1  }
0xa3: {  	[sflag:s23] =	ssyncset.done $0x0  }
0xa4: {  	s25 =	simm.s32 $0x1B8E;
	s24 =	sld [smem:$0x3FFE];
	[sflag:s23] =	ssyncadd.s32 $0xFFFFFFFF  }
0xa5: {  	s26 =	simm.s32 $execute0_lowered;
	[smem:$0x3FD2] =	sst s25  }
0xa6: {  	s4 =	sshll.u32 s26, $0x1;
	_ =	strace $0x8000004C;
	[dreg:$0x1] =	wrdreg $0xFFFFFFFF  }
0xa7: {  	s28 =	simm.s32 $_size_execute0_lowered;
	s2 =	sadd.s32 s2, s4;
	[dreg:$0x0] =	wrdreg $0x0  }
0xa8: {  	s4 =	sshll.u32 s28, $0x1;
	[dreg:$0x2] =	wrdreg s2  }
0xa9: {  	[dreg:$0x3] =	wrdreg s4  }
0xaa: {  	[dreg:$0x4] =	wrdreg $0xC0  }
0xab: {  	_ =	task [dreg:s6], $0x5FFFF  }
0xac: {  	[dreg:$0x1] =	wrdreg $0xFFFFFFFF  }
0xad: {  	[dreg:$0x0] =	wrdreg $0x60  }
0xae: {  	[dreg:$0x2] =	wrdreg s24  }
0xaf: {  	[dreg:$0x3] =	wrdreg $0x9C400  }
0xb0: {  	[dreg:$0x4] =	wrdreg $0x9  }
0xb1: {  	_ =	task.clear_ibuf [dreg:s6], $0x5FFFF;
	_ =	strace $0x9000004C  }
0xb2: {  	s29 =	simm.s32 $0x9;
	_ =	strace $0x8000004E  }
0xb3: {  	_ =	swait.ge [sflag:s29], $0x1  }
0xb4: {  	[sflag:s29] =	ssyncadd.s32 $0xFFFFFFFF  }
0xb5: {  	_ =	strace $0x9000004E  }
0xb6: {  	_ =	sfence  }
0xb7: {  	s30 =	sld [smem:$0x0];
	_ =	sdelay $0x2  }
0xb8: {  	s31 =	sshll.u32 s1, $0xD;
	s1 =	sshrl.u32 s1, $0x2  }
0xb9: {  	s3 =	sand.u32 $0x4000, s31;
	s1 =	sadd.s32 s1, s30  }
0xba: {  	s0 =	sor.u32 s3, s0;
	s1 =	sshll.u32 s1, $0x11  }
0xbb: {  	s0 =	sor.u32 s1, s0  }
0xbc: {  	s0 =	sadd.s32 $0x8F2B, s0  }
0xbd: {  	[sflag:s0] =	ssyncadd.remote.s32 $0x1  }
0xbe: {  	_ =	sfence.sel $0xFFFF  }
0xbf: {  	[dreg:$0x0] =	wrdreg $0xFFFFFFFF;
	(pc) =	sbr.abs _section_cstart, $3  }
0xc0: {  	[dreg:$0x1] =	wrdreg $0xFFFFFFFF  }
0xc1: {  	_ =	task.clear_ibuf [dreg:s6], $0x2FFFF;
	_ =	strace $0x9FFFFFFF  }
0xc2: {  	(tm) =	ssettm $0x7FFFFFFF  }
0xc3: {  	_ =	shalt  }
tec
execute0_lowered:
.L_overlay_start_1:
0x0: {  	(tag) =	ssettag $0x1  }
0x1: {  	s0 =	rddreg [dreg:$0x0]  }
0x2: {  	s1 =	rddreg [dreg:$0x1];
	s2 =	simm.s32 $0x0  }
0x3: {  	s5 =	srdreg.scid;
	s21 =	stileid.u32;
	s28 =	simm.s32 $0x640  }
0x4: {  	s29 =	simm.s32 $0x1;
	s30 =	simm.s32 $0x0;
	s24 =	smul.u32 $0x6400, s21  }
0x5: {  	[smem:$0x7FF] =	sst s2;
	s10 =	sor.u32 $0x10, s21;
	s31 =	smul.u32 $0x1900, s21  }
0x6: {  	s3 =	sadd.s32 $0x14000, s0;
	s14 =	sor.u32 $0x20, s21;
	s11 =	smul.u32 $0x6400, s10  }
0x7: {  	s4 =	sadd.s32 $0xA200, s0;
	s15 =	sor.u32 $0x30, s21;
	s13 =	smul.u32 $0x6400, s14  }
0x8: {  	s6 =	sadd.s32 $0x400, s0;
	s8 =	sand.u32 $0x1, s5;
	s25 =	smul.u32 $0x6400, s15  }
0x9: {  	s7 =	sadd.s32 $0x4F6000, s0;
	s0 =	sadd.s32 $0x1DE00, s0;
	s16 =	smul.u32 $0x4E200, s8  }
0xa: {  	p0 =	sgt.u32 s21, $0x1;
	s9 =	ssub.s32 $0x2, s8;
	s10 =	smul.u32 $0x1900, s10  }
0xb: {  	_ =	strace $0x8000004D;
	s19 =	smul.u32 $0x1900, s14;
	s12 =	sshrl.u32 s9, $0x1  }
0xc: {  	s5 =	sshrl.u32 s24, $0x2;
	s18 =	ssub.s32 s9, s12;
	s9 =	sshll.u32 s21, $0x1  }
0xd: {  	s11 =	sshrl.u32 s11, $0x2;
	s5 =	sadd.s32 s5, s1;
	s20 =	sshrl.u32 s13, $0x2  }
0xe: {  	s22 =	sshrl.u32 s25, $0x2;
	s23 =	sadd.s32 s31, s16;
	s17 =	sadd.s32 s16, s10  }
0xf: {  	s25 =	sadd.s32 s16, s19;
	s10 =	sadd.s32 s10, s1;
	s21 =	simm.s32 $0x3  }
0x10: {  	[dreg:$0x3] =	wrdreg s5;
	s26 =	sadd.s32 s11, s1;
	s12 =	sadd.s32 s20, s1  }
0x11: {  	s13 =	sadd.s32 s22, s1;
	s11 =	sshrl.u32 s23, $0x3;
	s24 =	sshrl.u32 s17, $0x3  }
0x12: {  	s20 =	smul.u32 $0x1900, s15;
	s5 =	sadd.s32 s31, s1;
	s31 =	sadd.s32 s19, s1  }
0x13: {  	s18 =	smax.u32 s18, $0x1;
	s19 =	simm.s32 $0x3840;
	s23 =	sshrl.u32 s10, $0x3  }
.Ltmp0:
0x14: {  	[dreg:$0x4] =	wrdreg s26;
	s14 =	sadd.s32 s0, s11;
	(pc) =	sbr.rel .LBB2_1-.Ltmp0, $4  }
0x15: {  	s15 =	sadd.s32 s0, s24;
	s11 =	sshrl.u32 s25, $0x3;
	s26 =	sadd.s32 s16, s20  }
0x16: {  	s22 =	sshrl.u32 s5, $0x3;
	s24 =	sshrl.u32 s31, $0x3;
	s17 =	sshrl.u32 s26, $0x3  }
0x17: {  	s16 =	sadd.s32 s0, s11;
	s17 =	sadd.s32 s0, s17;
	s0 =	sadd.s32 s20, s1  }
0x18: {  	v0 =	vimm.f32 $0.0e+00;
	s26 =	simm.s32 $0x320;
	s20 =	simm.s32 $0x2;
	s25 =	sshrl.u32 @!p0 s0, $0x3  }
.LBB2_9:
0x19: {  	s0 =	stileid.u32  }
0x1a: {  	s0 =	sshll.u32 s0, $0x6  }
0x1b: {  	[bflag:$0x0] =	sbarrier.arrive $0xFFFF;
	s0 =	sor.u32 $0x1C02, s0  }
0x1c: {  	[hbm:s14], [sflag:s0] =	dma.local [spmem:s22], $0x320  }
0x1d: {  	_ =	swait.ge [sflag:s20], $0x320  }
0x1e: {  	[sflag:s20] =	ssyncset.done $0x0  }
0x1f: {  	[sflag:s20] =	ssyncadd.s32 $0xFFFFFCE0  }
0x20: {  	[hbm:s15], [sflag:s0] =	dma.local [spmem:s23], $0x320  }
0x21: {  	_ =	swait.ge [sflag:s20], $0x320  }
0x22: {  	[sflag:s20] =	ssyncset.done $0x0  }
0x23: {  	[sflag:s20] =	ssyncadd.s32 $0xFFFFFCE0  }
0x24: {  	[hbm:s16], [sflag:s0] =	dma.local [spmem:s24], $0x320  }
0x25: {  	_ =	swait.ge [sflag:s20], $0x320  }
0x26: {  	s30 =	sadd.s32 $0x1, s30;
	[sflag:s20] =	ssyncset.done $0x0  }
0x27: {  	p1 =	sne.s32 s30, s18;
	[sflag:s20] =	ssyncadd.s32 $0xFFFFFCE0  }
0x28: {  	[hbm:s17], [sflag:s0] =	dma.local @!p0 [spmem:s25], $0x320  }
.Ltmp1:
0x29: {  	_ = 	snop;
	(pc) =	sbr.rel @!p1 .LBB2_10-.Ltmp1, $4  }
0x2a: {  	s0 =	simm.s32 @!p0 $0x2  }
0x2b: {  	_ =	swait.ge @!p0 [sflag:s0], $0x320  }
0x2c: {  	[sflag:s0] =	ssyncset.done @!p0 $0x0  }
0x2d: {  	[sflag:s0] =	ssyncadd.s32 @!p0 $0xFFFFFCE0  }
.LBB2_1:
0x2e: {  	s0 =	simm.s32 $0x80;
	s5 =	simm.s32 $0x0  }
.LBB2_2:
0x2f: {  	p1 =	sne.s32 s0, $0x6380;
	[tilespmem:s5+$0x3840] =	vst v0;
	s10 =	smov.u32 s0;
	s0 =	sadd.s32 $0x80, s0  }
.Ltmp2:
0x30: {  	[tilespmem:s5+$0x3850] =	vst v0;
	(pc) =	sbr.rel @p1 .LBB2_2-.Ltmp2, $2  }
0x31: {  	_ =	sdelay $0x2  }
0x32: {  	s5 =	sshra.s32 s10, $0x2  }
0x33: {  	[tilespmem:s5+$0x3840] =	vst v0  }
0x34: {  	[tilespmem:s5+$0x3850] =	vst v0;
	s0 =	rddreg [dreg:$0x3]  }
0x35: {  	[spmem:s0] =	stream.linear.scatter [tilespmem:s19], [sflag:$0x2], $0x1900, $0x38;
	[tilespmem:$0xEA60] =	vst v63  }
0x36: {  	_ =	swait.ge [sflag:s20], $0x1900  }
0x37: {  	[sflag:s20] =	ssyncset.done $0x0  }
0x38: {  	s11 =	rddreg [dreg:$0x4];
	[sflag:s20] =	ssyncadd.s32 $0xFFFFE700  }
0x39: {  	[spmem:s11] =	stream.linear.scatter [tilespmem:s19], [sflag:$0x2], $0x1900, $0x38;
	[tilespmem:$0xEA60] =	vst v63  }
0x3a: {  	_ =	swait.ge [sflag:s20], $0x1900  }
0x3b: {  	[sflag:s20] =	ssyncset.done $0x0  }
0x3c: {  	[sflag:s20] =	ssyncadd.s32 $0xFFFFE700  }
0x3d: {  	[spmem:s12] =	stream.linear.scatter [tilespmem:s19], [sflag:$0x2], $0x1900, $0x38;
	[tilespmem:$0xEA60] =	vst v63  }
0x3e: {  	_ =	swait.ge [sflag:s20], $0x1900  }
0x3f: {  	[sflag:s20] =	ssyncset.done $0x0  }
0x40: {  	s0 =	simm.s32 @!p0 $0x3840;
	[sflag:s20] =	ssyncadd.s32 $0xFFFFE700  }
0x41: {  	[spmem:s13] =	stream.linear.scatter @!p0 [tilespmem:s0], [sflag:$0x2], $0x1900, $0x38;
	[tilespmem:$0xEA60] =	vst v63  }
0x42: {  	s0 =	simm.s32 @!p0 $0x2  }
.Ltmp3:
0x43: {  	_ =	swait.ge @!p0 [sflag:s0], $0x1900;
	(pc) =	sbr.rel .LBB2_4-.Ltmp3, $4  }
0x44: {  	[sflag:s0] =	ssyncset.done @!p0 $0x0  }
0x45: {  	[sflag:s0] =	ssyncadd.s32 @!p0 $0xFFFFE700  }
0x46: {  	[bflag:$0x0] =	sbarrier.arrive $0xFFFF  }
0x47: {  	s31 =	simm.s32 $0x0  }
.LBB2_8:
0x48: {  	s31 =	sadd.s32 $0x1, s31  }
0x49: {  	p1 =	sne.s32 s31, $0xD  }
.Ltmp4:
0x4a: {  	_ = 	snop;
	(pc) =	sbr.rel @!p1 .LBB2_9-.Ltmp4, $1  }
0x4b: {  	_ =	sdelay $0x3  }
.LBB2_4:
0x4c: {  	s0 =	sshll.u32 s31, $0x5  }
0x4d: {  	s0 =	sor.u32 s9, s0  }
0x4e: {  	p1 =	sgt.u32 s0, $0x18F  }
.Ltmp5:
0x4f: {  	_ = 	snop;
	(pc) =	sbr.rel @p1 .LBB2_8-.Ltmp5, $1  }
0x50: {  	_ =	sdelay $0x3  }
0x51: {  	s0 =	sor.u32 s8, s0  }
0x52: {  	s5 =	smul.u32 $0x64, s0;
	_ =	sdelay $0x1  }
0x53: {  	s10 =	sadd.s32 s4, s5  }
0x54: {  	[tilespmem:s2], [sflag:$0x3] =	stream.linear.gather [hbm4b:s10+s2], $0x320, $0x38;
	[tilespmem:$0xEA60] =	vst v63  }
0x55: {  	_ =	swait.ge [sflag:s21], $0x320  }
0x56: {  	[sflag:s21] =	ssyncset.done $0x0  }
0x57: {  	s5 =	sadd.s32 s6, s5;
	[sflag:s21] =	ssyncadd.s32 $0xFFFFFCE0  }
0x58: {  	[tilespmem:s26], [sflag:$0x3] =	stream.linear.gather [hbm4b:s5+s2], $0x320, $0x38;
	[tilespmem:$0xEA60] =	vst v63  }
0x59: {  	s0 =	smul.u32 $0x640, s0;
	_ =	swait.ge [sflag:s21], $0x320  }
0x5a: {  	[sflag:s21] =	ssyncset.done $0x0  }
0x5b: {  	s0 =	sadd.s32 s7, s0;
	[sflag:s21] =	ssyncadd.s32 $0xFFFFFCE0  }
0x5c: {  	[tilespmem:s28], [sflag:$0x3] =	stream.linear.gather [hbm4b:s0+s2], $0x3200, $0x38;
	[tilespmem:$0xEA60] =	vst v63  }
0x5d: {  	_ =	swait.ge [sflag:s21], $0x3200  }
0x5e: {  	[sflag:s21] =	ssyncset.done $0x0  }
0x5f: {  	[sflag:s21] =	ssyncadd.s32 $0xFFFFCE00  }
0x60: {  	[tilespmem:s19], [sflag:$0x1] =	stream.indirect.gather [hbm4b:s3+s26], $0x20, s2, s26, $0xb8;
	[tilespmem:$0xEA60] =	vst v63  }
0x61: {  	_ =	swait.ge [sflag:s29], $0x6400  }
0x62: {  	[sflag:s29] =	ssyncset.done $0x0  }
0x63: {  	s0 =	simm.s32 $0x38C0;
	[sflag:s29] =	ssyncadd.s32 $0xFFFF9C00  }
0x64: {  	s5 =	simm.s32 $0x70;
	v1 =	vld [tilespmem:s0+$0xFFFFFF80]  }
0x65: {  	v2 =	vld [tilespmem:s5+$0x5D0]  }
0x66: {  	v3 =	vld [tilespmem:s0+$0xFFFFFF90];
	_ =	sdelay $0x3  }
0x67: {  	v1 =	vmul.f32 v1, v2  }
0x68: {  	v2 =	vmul.f32 v3, v2  }
0x69: {  	[tilespmem:s0+$0xFFFFFF80] =	vst v1  }
0x6a: {  	[tilespmem:s0+$0xFFFFFF90] =	vst v2;
	v2 =	vld [tilespmem:s0+$0xFFFFFFA0]  }
0x6b: {  	v3 =	vld [tilespmem:s5+$0x5E0]  }
0x6c: {  	v1 =	vld [tilespmem:s0+$0xFFFFFFB0];
	_ =	sdelay $0x3  }
0x6d: {  	v2 =	vmul.f32 v2, v3  }
0x6e: {  	v1 =	vmul.f32 v1, v3  }
0x6f: {  	[tilespmem:s0+$0xFFFFFFA0] =	vst v2  }
0x70: {  	[tilespmem:s0+$0xFFFFFFB0] =	vst v1;
	v1 =	vld [tilespmem:s0+$0xFFFFFFC0]  }
0x71: {  	v3 =	vld [tilespmem:s5+$0x5F0]  }
0x72: {  	v2 =	vld [tilespmem:s0+$0xFFFFFFD0];
	_ =	sdelay $0x3  }
0x73: {  	v1 =	vmul.f32 v1, v3  }
0x74: {  	v2 =	vmul.f32 v2, v3  }
0x75: {  	[tilespmem:s0+$0xFFFFFFC0] =	vst v1  }
0x76: {  	[tilespmem:s0+$0xFFFFFFD0] =	vst v2;
	v1 =	vld [tilespmem:s0+$0xFFFFFFE0]  }
0x77: {  	v2 =	vld [tilespmem:s5+$0x600]  }
0x78: {  	v3 =	vld [tilespmem:s0+$0xFFFFFFF0];
	_ =	sdelay $0x3  }
0x79: {  	v1 =	vmul.f32 v1, v2  }
0x7a: {  	v2 =	vmul.f32 v3, v2  }
0x7b: {  	[tilespmem:s0+$0xFFFFFFE0] =	vst v1  }
0x7c: {  	[tilespmem:s0+$0xFFFFFFF0] =	vst v2;
	v2 =	vld [tilespmem:s0+$0x0]  }
0x7d: {  	v3 =	vld [tilespmem:s5+$0x610]  }
0x7e: {  	v1 =	vld [tilespmem:s0+$0x10];
	_ =	sdelay $0x3  }
0x7f: {  	v2 =	vmul.f32 v2, v3  }
0x80: {  	v1 =	vmul.f32 v1, v3  }
0x81: {  	[tilespmem:s0+$0x0] =	vst v2  }
0x82: {  	[tilespmem:s0+$0x10] =	vst v1;
	v1 =	vld [tilespmem:s0+$0x20]  }
0x83: {  	v3 =	vld [tilespmem:s5+$0x620]  }
0x84: {  	v2 =	vld [tilespmem:s0+$0x30];
	_ =	sdelay $0x3  }
0x85: {  	v4 =	vmul.f32 v1, v3  }
0x86: {  	v2 =	vmul.f32 v2, v3  }
0x87: {  	[tilespmem:s0+$0x20] =	vst v4  }
0x88: {  	[tilespmem:s0+$0x30] =	vst v2;
	v2 =	vld [tilespmem:s0+$0x40]  }
0x89: {  	v4 =	vld [tilespmem:s5+$0x630]  }
0x8a: {  	v3 =	vld [tilespmem:s0+$0x50];
	_ =	sdelay $0x3  }
0x8b: {  	v5 =	vmul.f32 v2, v4  }
0x8c: {  	v3 =	vmul.f32 v3, v4  }
0x8d: {  	v1 =	vld [tilespmem:s0+$0x60];
	[tilespmem:s0+$0x40] =	vst v5  }
0x8e: {  	s11 =	simm.s32 $0x3C0;
	s10 =	simm.s32 $0x38C0;
	v2 =	vld [tilespmem:s0+$0x70];
	[tilespmem:s0+$0x50] =	vst v3  }
.LBB2_6:
0x8f: {  	p1 =	sne.s32 s11, $0xC7C0  }
0x90: {  	v3 =	vld [tilespmem:s5+$0x640];
	s0 =	sadd.s32 $0x100, s0;
	s5 =	smov.u32 s11;
	s11 =	sadd.s32 $0x200, s11  }
0x91: {  	_ =	sdelay $0x3  }
0x92: {  	v1 =	vmul.f32 v1, v3;
	v2 =	vmul.f32 v2, v3;
	_ =	sdelay $0x1  }
0x93: {  	v3 =	vld [tilespmem:s0+$0xFFFFFF90];
	[tilespmem:s10+$0x60] =	vst v1  }
0x94: {  	s5 =	sshra.s32 s5, $0x2;
	v4 =	vld [tilespmem:s0+$0xFFFFFF80];
	[tilespmem:s10+$0x70] =	vst v2;
	s10 =	smov.u32 s0  }
0x95: {  	v5 =	vld [tilespmem:s5+$0x5D0]  }
0x96: {  	v2 =	vld [tilespmem:s0+$0x70]  }
0x97: {  	v1 =	vld [tilespmem:s0+$0x60];
	_ =	sdelay $0x2  }
0x98: {  	v4 =	vmul.f32 v4, v5;
	v3 =	vmul.f32 v3, v5;
	_ =	sdelay $0x1  }
0x99: {  	[tilespmem:s0+$0xFFFFFF80] =	vst v4;
	v4 =	vld [tilespmem:s0+$0xFFFFFFB0]  }
0x9a: {  	[tilespmem:s0+$0xFFFFFF90] =	vst v3;
	v3 =	vld [tilespmem:s0+$0xFFFFFFA0]  }
0x9b: {  	v5 =	vld [tilespmem:s5+$0x5E0];
	_ =	sdelay $0x4  }
0x9c: {  	v3 =	vmul.f32 v3, v5;
	v4 =	vmul.f32 v4, v5;
	_ =	sdelay $0x1  }
0x9d: {  	[tilespmem:s0+$0xFFFFFFA0] =	vst v3;
	v3 =	vld [tilespmem:s0+$0xFFFFFFD0]  }
0x9e: {  	[tilespmem:s0+$0xFFFFFFB0] =	vst v4;
	v4 =	vld [tilespmem:s0+$0xFFFFFFC0]  }
0x9f: {  	v5 =	vld [tilespmem:s5+$0x5F0];
	_ =	sdelay $0x4  }
0xa0: {  	v4 =	vmul.f32 v4, v5;
	v3 =	vmul.f32 v3, v5  }
0xa1: {  	v5 =	vld [tilespmem:s0+$0xFFFFFFF0]  }
0xa2: {  	[tilespmem:s0+$0xFFFFFFC0] =	vst v4  }
0xa3: {  	[tilespmem:s0+$0xFFFFFFD0] =	vst v3;
	v3 =	vld [tilespmem:s0+$0xFFFFFFE0]  }
0xa4: {  	v4 =	vld [tilespmem:s5+$0x600];
	_ =	sdelay $0x4  }
0xa5: {  	v3 =	vmul.f32 v3, v4;
	v4 =	vmul.f32 v5, v4;
	_ =	sdelay $0x1  }
0xa6: {  	[tilespmem:s0+$0xFFFFFFE0] =	vst v3;
	v3 =	vld [tilespmem:s0+$0x10]  }
0xa7: {  	[tilespmem:s0+$0xFFFFFFF0] =	vst v4;
	v4 =	vld [tilespmem:s0+$0x0]  }
0xa8: {  	v5 =	vld [tilespmem:s5+$0x610];
	_ =	sdelay $0x4  }
0xa9: {  	v4 =	vmul.f32 v4, v5;
	v3 =	vmul.f32 v3, v5;
	_ =	sdelay $0x1  }
0xaa: {  	[tilespmem:s0+$0x0] =	vst v4;
	v4 =	vld [tilespmem:s0+$0x30]  }
0xab: {  	[tilespmem:s0+$0x10] =	vst v3;
	v3 =	vld [tilespmem:s0+$0x20]  }
0xac: {  	v5 =	vld [tilespmem:s5+$0x620];
	_ =	sdelay $0x4  }
0xad: {  	v3 =	vmul.f32 v3, v5;
	v4 =	vmul.f32 v4, v5;
	_ =	sdelay $0x1  }
0xae: {  	[tilespmem:s0+$0x20] =	vst v3;
	v3 =	vld [tilespmem:s0+$0x50]  }
0xaf: {  	[tilespmem:s0+$0x30] =	vst v4;
	v4 =	vld [tilespmem:s0+$0x40]  }
0xb0: {  	v5 =	vld [tilespmem:s5+$0x630];
	_ =	sdelay $0x3  }
.Ltmp6:
0xb1: {  	(pc) =	sbr.rel @p1 .LBB2_6-.Ltmp6, $3  }
0xb2: {  	v4 =	vmul.f32 v4, v5;
	v3 =	vmul.f32 v3, v5;
	_ =	sdelay $0x1  }
0xb3: {  	[tilespmem:s0+$0x40] =	vst v4  }
0xb4: {  	[tilespmem:s0+$0x50] =	vst v3  }
0xb5: {  	v3 =	vld [tilespmem:s5+$0x640];
	_ =	sdelay $0x4  }
0xb6: {  	v1 =	vmul.f32 v1, v3  }
0xb7: {  	v2 =	vmul.f32 v2, v3  }
0xb8: {  	[tilespmem:s10+$0x60] =	vst v1  }
.Ltmp7:
0xb9: {  	[tilespmem:s10+$0x70] =	vst v2;
	(pc) =	sbr.rel .LBB2_8-.Ltmp7, $4  }
0xba: {  	[spmem:s1] =	stream.indirect.scatter.add.f32 [tilespmem:s19], [sflag:$0x2], $0x20, s26, s26, $0xb8;
	[tilespmem:$0xEA60] =	vst v63  }
0xbb: {  	_ =	swait.ge [sflag:s20], $0x6400  }
0xbc: {  	[sflag:s20] =	ssyncset.done $0x0  }
0xbd: {  	[sflag:s20] =	ssyncadd.s32 $0xFFFF9C00  }
.LBB2_10:
0xbe: {  	_ =	sfence.sel $0x180000  }
0xbf: {  	[bflag:$0x0] =	sbarrier.arrive $0xFFFF  }
0xc0: {  	_ =	strace $0x9000004D  }
0xc1: {  	s0 =	stileid.u32;
	[bflag:$0x2] =	sbarrier.arrive $0xFFFF  }
0xc2: {  	p0 =	sne.s32 s0, $0x0;
	s0 =	rddreg [dreg:$0x2]  }
0xc3: {  	s0 =	sadd.s32 @!p0 $0x100000, s0  }
0xc4: {  	[sflag:s0] =	ssyncadd.tile.s32 @!p0 $0x1;
	_ =	shalt  }
.Lfunc_end2:
_tile_overlayer_lowered:
.L_overlay_start_2:
0xc5: {  	(tag) =	ssettag $0x2  }
0xc6: {  	s0 =	rddreg [dreg:$0x0];
	s2 =	stileid.u32  }
0xc7: {  	s1 =	rddreg [dreg:$0x1];
	p0 =	sne.s32 s2, $0x0  }
0xc8: {  	s3 =	rddreg [dreg:$0x2];
	[bflag:$0x3] =	sbarrier.arrive $0xFFFF;
	s2 =	simm.s32 @!p0 $0x1C02  }
0xc9: {  	[timem:s3], [sflag:s2] =	dma.local @!p0 [hbm:s0], s1  }
0xca: {  	s0 =	simm.s32 @!p0 $0x2  }
0xcb: {  	_ =	swait.ge @!p0 [sflag:s0], s1  }
0xcc: {  	s1 =	ssub.s32 @!p0 $0x0, s1;
	[sflag:s0] =	ssyncset.done @!p0 $0x0  }
0xcd: {  	[sflag:s0] =	ssyncadd.s32 @!p0 s1  }
0xce: {  	[bflag:$0x3] =	sbarrier.arrive $0xFFFF  }
0xcf: {  	_ =	shalt  }

// kernel: kernel.9.cloned.1.call-start
scs
__scs_entry_jumppad:
0x0: {  	(pc) =	sbr.rel $0x88, $3  }
0x1: {  	(tag) =	ssettag $0x0;
	lr =	simm.s32 $0x1  }
0x2: {  	[smem:$0x3F8F] =	sst lr;
	_ =	strace $0xD0000000  }
0x3: {  	_ = 	snop  }
0x4: {  	_ = 	snop  }
0x5: {  	_ = 	snop  }
0x6: {  	_ = 	snop  }
0x7: {  	_ = 	snop  }
__scs_overlays_trampoline_lowered:
0x8: {  	[smem:$0x3F9E] =	sst s0  }
0x9: {  	[smem:$0x3F9F] =	sst s1  }
0xa: {  	[smem:$0x3FA0] =	sst s2  }
0xb: {  	[smem:$0x3FA1] =	sst s3  }
0xc: {  	[smem:$0x3FA2] =	sst s4  }
0xd: {  	[smem:$0x3FA3] =	sst s5  }
0xe: {  	[smem:$0x3FA4] =	sst s6  }
0xf: {  	[smem:$0x3FA5] =	sst s7  }
0x10: {  	[smem:$0x3FA6] =	sst s8  }
0x11: {  	[smem:$0x3FA7] =	sst s9;
	s0 =	simm.s32 @!p0 $0x0  }
0x12: {  	s1 =	sld [smem:$0x3F8D];
	s0 =	simm.s32 @p0 $0x1  }
0x13: {  	[smem:$0x3FA8] =	sst s0;
	s0 =	simm.s32 @!p1 $0x0  }
0x14: {  	s2 =	sld [smem:$0x3F8C];
	s0 =	simm.s32 @p1 $0x1  }
0x15: {  	[smem:$0x3FA9] =	sst s0;
	s0 =	simm.s32 @!p2 $0x0  }
0x16: {  	s3 =	sld [smem:$0x3FDB];
	s0 =	simm.s32 @p2 $0x1  }
0x17: {  	s4 =	simm.s32 $0x1BF5;
	[smem:$0x3FAB] =	sst s0  }
0x18: {  	s0 =	sld [smem:$0x3F8E];
	_ =	swait.ge [sflag:s4], $0x0  }
0x19: {  	s7 =	sld [smem:$0x3F8F]  }
0x1a: {  	s8 =	sadd.s32 $0xFFFFE003, lr  }
0x1b: {  	s9 =	sadd.s32 $0xFFFFFEF7, lr;
	s5 =	simm.s32 $0xFFFFFFFF;
	p2 =	slt.u32 s8, $0xFFFFF086  }
0x1c: {  	p1 =	slt.u32 s9, $0xF7A;
	s5 =	simm.s32 @!p2 $0x0  }
0x1d: {  	s5 =	simm.s32 @p1 $0x1;
	p0 =	seq.s32 s7, s2  }
0x1e: {  	s7 =	smul.u32 @!p0 $0xF7A, s2;
	p2 =	seq.s32 @!p0 s5, $0x0  }
0x1f: {  	s9 =	smul.u32 $0xF7A, s1;
	s8 =	simm.s32 @!p0 $0x1BF5;
	p2 =	por !p2, p0  }
0x20: {  	[sflag:s8] =	ssyncset.s32 @!p0 $0xFFFFF086;
	s6 =	sadd.s32 @!p0 s3, s7;
	s7 =	simm.s32 @!p0 $0x108  }
0x21: {  	s3 =	sadd.s32 s3, s9;
	s6 =	sadd.s32 @!p0 $0x88, s6;
	s7 =	simm.s32 @p2 $0x1082  }
0x22: {  	[simem:s7], [sflag:s8] =	dma.local @!p0 [hbm:s6], $0xF7A  }
0x23: {  	s9 =	sor.u32 $0xD0000000, s2;
	s6 =	simm.s32 $0x108;
	_ =	swait.ge @!p0 [sflag:s8], $0x0  }
0x24: {  	s3 =	sadd.s32 $0x88, s3;
	s6 =	simm.s32 @!p1 $0x1082;
	[sflag:s4] =	ssyncset.s32 $0xFFFFF086  }
0x25: {  	[simem:s6], [sflag:s4] =	dma.local [hbm:s3], $0xF7A  }
0x26: {  	[smem:$0x3F8F] =	sst s1;
	(tag) =	ssettag s2;
	_ =	strace s9  }
0x27: {  	s1 =	sld [smem:$0x3F9F]  }
0x28: {  	s2 =	sld [smem:$0x3FA0]  }
0x29: {  	s4 =	sld [smem:$0x3FA2]  }
0x2a: {  	p0 =	seq.s32 s5, $0x0;
	s5 =	sld [smem:$0x3FA3]  }
0x2b: {  	s6 =	sld [smem:$0x3FA4]  }
0x2c: {  	s7 =	sld [smem:$0x3FA5]  }
0x2d: {  	s3 =	simm.s32 $0x108;
	s8 =	sld [smem:$0x3FA6]  }
0x2e: {  	s3 =	simm.s32 @!p0 $0x1082;
	s9 =	sld [smem:$0x3FA7]  }
0x2f: {  	lr =	sadd.s32 s0, s3;
	s0 =	sld [smem:$0x3F9E]  }
0x30: {  	s3 =	sld [smem:$0x3FA1]  }
0x31: {  	[smem:$0x3FAA] =	sst s10  }
0x32: {  	s10 =	sld [smem:$0x3FA8];
	_ =	sdelay $0x3  }
0x33: {  	p0 =	seq.s32 s10, $0x1;
	s10 =	sld [smem:$0x3FAA];
	_ =	sdelay $0x3  }
0x34: {  	[smem:$0x3FAA] =	sst s10  }
0x35: {  	s10 =	sld [smem:$0x3FA9];
	_ =	sdelay $0x3  }
0x36: {  	p1 =	seq.s32 s10, $0x1;
	s10 =	sld [smem:$0x3FAA];
	_ =	sdelay $0x3  }
0x37: {  	[smem:$0x3FAA] =	sst s10  }
0x38: {  	s10 =	sld [smem:$0x3FAB]  }
0x39: {  	_ = 	snop;
	(pc) =	sbr.ind lr, $3  }
0x3a: {  	_ = 	snop  }
0x3b: {  	_ = 	snop  }
0x3c: {  	p2 =	seq.s32 s10, $0x1;
	s10 =	sld [smem:$0x3FAA]  }
0x3d: {  	_ =	shalt  }
0x3e: {  	_ =	shalt  }
0x3f: {  	_ =	shalt  }
0x40: {  	_ =	shalt  }
0x41: {  	_ =	shalt  }
0x42: {  	_ =	shalt  }
0x43: {  	_ =	shalt  }
0x44: {  	_ =	shalt  }
0x45: {  	_ =	shalt  }
0x46: {  	_ =	shalt  }
0x47: {  	_ =	shalt  }
0x48: {  	_ =	shalt  }
0x49: {  	_ =	shalt  }
0x4a: {  	_ =	shalt  }
0x4b: {  	_ =	shalt  }
0x4c: {  	_ =	shalt  }
0x4d: {  	_ =	shalt  }
0x4e: {  	_ =	shalt  }
0x4f: {  	_ =	shalt  }
0x50: {  	_ =	shalt  }
0x51: {  	_ =	shalt  }
0x52: {  	_ =	shalt  }
0x53: {  	_ =	shalt  }
0x54: {  	_ =	shalt  }
0x55: {  	_ =	shalt  }
0x56: {  	_ =	shalt  }
0x57: {  	_ =	shalt  }
0x58: {  	_ =	shalt  }
0x59: {  	_ =	shalt  }
0x5a: {  	_ =	shalt  }
0x5b: {  	_ =	shalt  }
0x5c: {  	_ =	shalt  }
0x5d: {  	_ =	shalt  }
0x5e: {  	_ =	shalt  }
0x5f: {  	_ =	shalt  }
0x60: {  	_ =	shalt  }
0x61: {  	_ =	shalt  }
0x62: {  	_ =	shalt  }
0x63: {  	_ =	shalt  }
0x64: {  	_ =	shalt  }
0x65: {  	_ =	shalt  }
0x66: {  	_ =	shalt  }
0x67: {  	_ =	shalt  }
0x68: {  	_ =	shalt  }
0x69: {  	_ =	shalt  }
0x6a: {  	_ =	shalt  }
0x6b: {  	_ =	shalt  }
0x6c: {  	_ =	shalt  }
0x6d: {  	_ =	shalt  }
0x6e: {  	_ =	shalt  }
0x6f: {  	_ =	shalt  }
0x70: {  	_ =	shalt  }
0x71: {  	_ =	shalt  }
0x72: {  	_ =	shalt  }
0x73: {  	_ =	shalt  }
0x74: {  	_ =	shalt  }
0x75: {  	_ =	shalt  }
0x76: {  	_ =	shalt  }
0x77: {  	_ =	shalt  }
0x78: {  	_ =	shalt  }
0x79: {  	_ =	shalt  }
0x7a: {  	_ =	shalt  }
0x7b: {  	_ =	shalt  }
0x7c: {  	_ =	shalt  }
0x7d: {  	_ =	shalt  }
0x7e: {  	_ =	shalt  }
0x7f: {  	_ =	shalt  }
0x80: {  	_ =	shalt  }
0x81: {  	_ =	shalt  }
0x82: {  	_ =	shalt  }
0x83: {  	_ =	shalt  }
0x84: {  	_ =	shalt  }
0x85: {  	_ =	shalt  }
0x86: {  	_ =	shalt  }
0x87: {  	_ =	shalt  }
.Lfunc_end0:
.L_simem_size_0:
called_computation_lowered:
.L_overlay_start_0:
0x88: {  	s2 =	sld [smem:$0x3FD9]  }
0x89: {  	s3 =	sld [smem:$0x3FFE];
	_ =	sdelay $0x1  }
0x8a: {  	s1 =	srdreg.scid  }
0x8b: {  	s0 =	sand.u32 $0x1, s1  }
0x8c: {  	s16 =	sshll.u32 s0, $0xA;
	s2 =	sadd.s32 s3, s2  }
0x8d: {  	s2 =	sadd.s32 s2, s16  }
0x8e: {  	[smem:$0x3FB6] =	sst s2  }
0x8f: {  	_ = 	snop  }
0x90: {  	(tm) =	ssettm $0x1  }
0x91: {  	s17 =	sld [smem:$0x3FFB];
	_ =	sdelay $0x3  }
0x92: {  	_ =	strace s17  }
0x93: {  	s2 =	sld [smem:$0x3FFC];
	_ =	sdelay $0x3  }
0x94: {  	_ =	strace s2  }
0x95: {  	s2 =	sld [smem:$0x3FFD];
	_ =	sdelay $0x3  }
0x96: {  	_ =	strace s2  }
0x97: {  	_ =	strace $0x8FFFFFFF  }
0x98: {  	s18 =	sld [smem:$0x3FDB];
	_ =	sdelay $0x1  }
0x99: {  	s19 =	simm.s32 $_scs_section_size  }
0x9a: {  	s4 =	simm.s32 $_size__tile_overlayer_lowered;
	s5 =	simm.s32 $_tile_overlayer_lowered  }
0x9b: {  	s22 =	simm.s32 $0x1BFF;
	s21 =	sshll.u32 s5, $0x1;
	s2 =	sadd.s32 s19, s18  }
0x9c: {  	s6 =	simm.s32 $0x0;
	s20 =	sshll.u32 s4, $0x1;
	s4 =	sadd.s32 s21, s2  }
0x9d: {  	[timem:s6], [sflag:s22] =	dma.local [hbm:s4], s20  }
0x9e: {  	_ =	swait.ge [sflag:s22], s20  }
0x9f: {  	s3 =	ssub.s32 $0x0, s20;
	[sflag:s22] =	ssyncset.done $0x0  }
0xa0: {  	[sflag:s22] =	ssyncadd.s32 s3;
	_ =	sdelay $0x1  }
0xa1: {  	s23 =	simm.s32 $0x1B8B  }
0xa2: {  	_ =	swait.ge [sflag:s23], $0x1  }
0xa3: {  	[sflag:s23] =	ssyncset.done $0x0  }
0xa4: {  	s25 =	simm.s32 $0x1B8E;
	s24 =	sld [smem:$0x3FFE];
	[sflag:s23] =	ssyncadd.s32 $0xFFFFFFFF  }
0xa5: {  	s26 =	simm.s32 $execute0_lowered;
	[smem:$0x3FD2] =	sst s25  }
0xa6: {  	s4 =	sshll.u32 s26, $0x1;
	_ =	strace $0x80000046;
	[dreg:$0x1] =	wrdreg $0xFFFFFFFF  }
0xa7: {  	s28 =	simm.s32 $_size_execute0_lowered;
	s2 =	sadd.s32 s2, s4;
	[dreg:$0x0] =	wrdreg $0x0  }
0xa8: {  	s4 =	sshll.u32 s28, $0x1;
	[dreg:$0x2] =	wrdreg s2  }
0xa9: {  	[dreg:$0x3] =	wrdreg s4  }
0xaa: {  	[dreg:$0x4] =	wrdreg $0xC0  }
0xab: {  	_ =	task [dreg:s6], $0x5FFFF  }
0xac: {  	[dreg:$0x1] =	wrdreg $0xFFFFFFFF  }
0xad: {  	[dreg:$0x0] =	wrdreg $0x60  }
0xae: {  	[dreg:$0x2] =	wrdreg s24  }
0xaf: {  	[dreg:$0x3] =	wrdreg $0x100400  }
0xb0: {  	[dreg:$0x4] =	wrdreg $0x9  }
0xb1: {  	_ =	task.clear_ibuf [dreg:s6], $0x5FFFF;
	_ =	strace $0x90000046  }
0xb2: {  	s29 =	simm.s32 $0x9;
	_ =	strace $0x80000048  }
0xb3: {  	_ =	swait.ge [sflag:s29], $0x1  }
0xb4: {  	[sflag:s29] =	ssyncadd.s32 $0xFFFFFFFF  }
0xb5: {  	_ =	strace $0x90000048  }
0xb6: {  	_ =	sfence  }
0xb7: {  	s30 =	sld [smem:$0x0];
	_ =	sdelay $0x2  }
0xb8: {  	s31 =	sshll.u32 s1, $0xD;
	s1 =	sshrl.u32 s1, $0x2  }
0xb9: {  	s3 =	sand.u32 $0x4000, s31;
	s1 =	sadd.s32 s1, s30  }
0xba: {  	s0 =	sor.u32 s3, s0;
	s1 =	sshll.u32 s1, $0x11  }
0xbb: {  	s0 =	sor.u32 s1, s0  }
0xbc: {  	s0 =	sadd.s32 $0x8F2B, s0  }
0xbd: {  	[sflag:s0] =	ssyncadd.remote.s32 $0x1  }
0xbe: {  	_ =	sfence.sel $0xFFFF  }
0xbf: {  	[dreg:$0x0] =	wrdreg $0xFFFFFFFF;
	(pc) =	sbr.abs _section_cstart, $3  }
0xc0: {  	[dreg:$0x1] =	wrdreg $0xFFFFFFFF  }
0xc1: {  	_ =	task.clear_ibuf [dreg:s6], $0x2FFFF;
	_ =	strace $0x9FFFFFFF  }
0xc2: {  	(tm) =	ssettm $0x7FFFFFFF  }
0xc3: {  	_ =	shalt  }
tec
execute0_lowered:
.L_overlay_start_1:
0x0: {  	(tag) =	ssettag $0x1  }
0x1: {  	s0 =	rddreg [dreg:$0x0]  }
0x2: {  	s1 =	rddreg [dreg:$0x1]  }
0x3: {  	s2 =	simm.s32 $0x0;
	s4 =	srdreg.scid;
	s23 =	stileid.u32  }
0x4: {  	s28 =	simm.s32 $0x640;
	s29 =	simm.s32 $0x1;
	[smem:$0x7FF] =	sst s2  }
0x5: {  	s3 =	sadd.s32 $0x14000, s0;
	s5 =	sadd.s32 $0xA200, s0;
	s31 =	smul.u32 $0xC800, s23  }
0x6: {  	s6 =	sadd.s32 $0x400, s0;
	s10 =	sor.u32 $0x10, s23;
	s19 =	smul.u32 $0x3200, s23  }
0x7: {  	s7 =	sadd.s32 $0x4F6000, s0;
	s14 =	sor.u32 $0x20, s23;
	s11 =	smul.u32 $0xC800, s10  }
0x8: {  	s8 =	sand.u32 $0x1, s4;
	s15 =	sor.u32 $0x30, s23;
	s13 =	smul.u32 $0xC800, s14  }
0x9: {  	s0 =	sadd.s32 $0x27A00, s0;
	p0 =	sgt.u32 s23, $0x1;
	s16 =	smul.u32 $0xC800, s15  }
0xa: {  	_ =	strace $0x80000047;
	s9 =	ssub.s32 $0x2, s8;
	s17 =	smul.u32 $0x9C400, s8  }
0xb: {  	s10 =	smul.u32 $0x3200, s10;
	s12 =	sshrl.u32 s9, $0x1;
	s4 =	sshrl.u32 s31, $0x2  }
0xc: {  	s18 =	ssub.s32 s9, s12;
	s9 =	sshll.u32 s23, $0x1;
	s11 =	sshrl.u32 s11, $0x2  }
0xd: {  	s13 =	sshrl.u32 s13, $0x2;
	s4 =	sadd.s32 s4, s1;
	s21 =	sshrl.u32 s16, $0x2  }
0xe: {  	s22 =	sadd.s32 s19, s17;
	s25 =	sadd.s32 s17, s10;
	s10 =	sadd.s32 s10, s1  }
0xf: {  	[dreg:$0x3] =	wrdreg s4;
	s20 =	sadd.s32 s11, s1;
	s12 =	sadd.s32 s13, s1  }
0x10: {  	s13 =	sadd.s32 s21, s1;
	s24 =	sshrl.u32 s22, $0x3;
	s21 =	smul.u32 $0x3200, s15  }
0x11: {  	s22 =	sadd.s32 s19, s1;
	s4 =	sshrl.u32 s25, $0x3;
	s18 =	smax.u32 s18, $0x1  }
0x12: {  	s19 =	simm.s32 $0x3840;
	[dreg:$0x4] =	wrdreg s20;
	s20 =	smul.u32 $0x3200, s14  }
0x13: {  	s23 =	sshrl.u32 s10, $0x3;
	s14 =	sadd.s32 s0, s24;
	s15 =	sadd.s32 s0, s4  }
.Ltmp0:
0x14: {  	s22 =	sshrl.u32 s22, $0x3;
	s26 =	sadd.s32 s17, s20;
	(pc) =	sbr.rel .LBB2_1-.Ltmp0, $4  }
0x15: {  	s17 =	sadd.s32 s17, s21;
	s24 =	sadd.s32 s20, s1;
	s20 =	simm.s32 $0x2  }
0x16: {  	s30 =	sshrl.u32 s26, $0x3;
	s31 =	sshrl.u32 s17, $0x3;
	s24 =	sshrl.u32 s24, $0x3  }
0x17: {  	s16 =	sadd.s32 s0, s30;
	s17 =	sadd.s32 s0, s31;
	s0 =	sadd.s32 s21, s1  }
0x18: {  	v0 =	vimm.f32 $0.0e+00;
	s26 =	simm.s32 $0x320;
	s21 =	simm.s32 $0x3;
	s25 =	sshrl.u32 @!p0 s0, $0x3  }
.LBB2_9:
0x19: {  	s0 =	stileid.u32  }
0x1a: {  	s0 =	sshll.u32 s0, $0x6  }
0x1b: {  	[bflag:$0x0] =	sbarrier.arrive $0xFFFF;
	s0 =	sor.u32 $0x1C02, s0  }
0x1c: {  	[hbm:s14], [sflag:s0] =	dma.local [spmem:s22], $0x640  }
0x1d: {  	_ =	swait.ge [sflag:s20], $0x640  }
0x1e: {  	[sflag:s20] =	ssyncset.done $0x0  }
0x1f: {  	[sflag:s20] =	ssyncadd.s32 $0xFFFFF9C0  }
0x20: {  	[hbm:s15], [sflag:s0] =	dma.local [spmem:s23], $0x640  }
0x21: {  	_ =	swait.ge [sflag:s20], $0x640  }
0x22: {  	[sflag:s20] =	ssyncset.done $0x0  }
0x23: {  	[sflag:s20] =	ssyncadd.s32 $0xFFFFF9C0  }
0x24: {  	[hbm:s16], [sflag:s0] =	dma.local [spmem:s24], $0x640  }
0x25: {  	_ =	swait.ge [sflag:s20], $0x640  }
0x26: {  	s2 =	sadd.s32 $0x1, s2;
	[sflag:s20] =	ssyncset.done $0x0  }
0x27: {  	p1 =	sne.s32 s2, s18;
	[sflag:s20] =	ssyncadd.s32 $0xFFFFF9C0  }
0x28: {  	[hbm:s17], [sflag:s0] =	dma.local @!p0 [spmem:s25], $0x640  }
.Ltmp1:
0x29: {  	_ = 	snop;
	(pc) =	sbr.rel @!p1 .LBB2_10-.Ltmp1, $4  }
0x2a: {  	s0 =	simm.s32 @!p0 $0x2  }
0x2b: {  	_ =	swait.ge @!p0 [sflag:s0], $0x640  }
0x2c: {  	[sflag:s0] =	ssyncset.done @!p0 $0x0  }
0x2d: {  	[sflag:s0] =	ssyncadd.s32 @!p0 $0xFFFFF9C0  }
.LBB2_1:
0x2e: {  	s4 =	simm.s32 $0x100;
	s0 =	simm.s32 $0x0  }
.LBB2_2:
0x2f: {  	p1 =	sne.s32 s4, $0xC700;
	[tilespmem:s0+$0x3870] =	vst v0;
	s10 =	smov.u32 s4;
	s4 =	sadd.s32 $0x100, s4  }
.Ltmp2:
0x30: {  	[tilespmem:s0+$0x3860] =	vst v0;
	(pc) =	sbr.rel @p1 .LBB2_2-.Ltmp2, $3  }
0x31: {  	[tilespmem:s0+$0x3840] =	vst v0  }
0x32: {  	[tilespmem:s0+$0x3850] =	vst v0;
	_ =	sdelay $0x1  }
0x33: {  	s0 =	sshra.s32 s10, $0x2  }
0x34: {  	[tilespmem:s0+$0x3870] =	vst v0  }
0x35: {  	[tilespmem:s0+$0x3860] =	vst v0  }
0x36: {  	[tilespmem:s0+$0x3840] =	vst v0  }
0x37: {  	[tilespmem:s0+$0x3850] =	vst v0;
	s11 =	rddreg [dreg:$0x3]  }
0x38: {  	[spmem:s11] =	stream.linear.scatter [tilespmem:s19], [sflag:$0x2], $0x3200, $0x38;
	[tilespmem:$0x19C80] =	vst v63  }
0x39: {  	_ =	swait.ge [sflag:s20], $0x3200  }
0x3a: {  	[sflag:s20] =	ssyncset.done $0x0  }
0x3b: {  	s31 =	rddreg [dreg:$0x4];
	[sflag:s20] =	ssyncadd.s32 $0xFFFFCE00  }
0x3c: {  	[spmem:s31] =	stream.linear.scatter [tilespmem:s19], [sflag:$0x2], $0x3200, $0x38;
	[tilespmem:$0x19C80] =	vst v63  }
0x3d: {  	_ =	swait.ge [sflag:s20], $0x3200  }
0x3e: {  	[sflag:s20] =	ssyncset.done $0x0  }
0x3f: {  	[sflag:s20] =	ssyncadd.s32 $0xFFFFCE00  }
0x40: {  	[spmem:s12] =	stream.linear.scatter [tilespmem:s19], [sflag:$0x2], $0x3200, $0x38;
	[tilespmem:$0x19C80] =	vst v63  }
0x41: {  	_ =	swait.ge [sflag:s20], $0x3200  }
0x42: {  	[sflag:s20] =	ssyncset.done $0x0  }
0x43: {  	s0 =	simm.s32 @!p0 $0x3840;
	[sflag:s20] =	ssyncadd.s32 $0xFFFFCE00  }
0x44: {  	[spmem:s13] =	stream.linear.scatter @!p0 [tilespmem:s0], [sflag:$0x2], $0x3200, $0x38;
	[tilespmem:$0x19C80] =	vst v63  }
0x45: {  	s0 =	simm.s32 @!p0 $0x2  }
.Ltmp3:
0x46: {  	_ =	swait.ge @!p0 [sflag:s0], $0x3200;
	(pc) =	sbr.rel .LBB2_4-.Ltmp3, $4  }
0x47: {  	[sflag:s0] =	ssyncset.done @!p0 $0x0  }
0x48: {  	[sflag:s0] =	ssyncadd.s32 @!p0 $0xFFFFCE00  }
0x49: {  	[bflag:$0x0] =	sbarrier.arrive $0xFFFF  }
0x4a: {  	s30 =	simm.s32 $0x0  }
.LBB2_8:
0x4b: {  	s30 =	sadd.s32 $0x1, s30  }
0x4c: {  	p1 =	sne.s32 s30, $0xD  }
.Ltmp4:
0x4d: {  	_ = 	snop;
	(pc) =	sbr.rel @!p1 .LBB2_9-.Ltmp4, $1  }
0x4e: {  	_ =	sdelay $0x3  }
.LBB2_4:
0x4f: {  	s0 =	sshll.u32 s30, $0x5  }
0x50: {  	s0 =	sor.u32 s9, s0  }
0x51: {  	p1 =	sgt.u32 s0, $0x18F  }
.Ltmp5:
0x52: {  	_ = 	snop;
	(pc) =	sbr.rel @p1 .LBB2_8-.Ltmp5, $1  }
0x53: {  	_ =	sdelay $0x3  }
0x54: {  	s0 =	sor.u32 s8, s0  }
0x55: {  	s4 =	smul.u32 $0x64, s0;
	_ =	sdelay $0x1  }
0x56: {  	s31 =	simm.s32 $0x0;
	s10 =	sadd.s32 s5, s4  }
0x57: {  	[tilespmem:s31], [sflag:$0x3] =	stream.linear.gather [hbm4b:s10+s31], $0x320, $0x38;
	[tilespmem:$0x19C80] =	vst v63  }
0x58: {  	_ =	swait.ge [sflag:s21], $0x320  }
0x59: {  	[sflag:s21] =	ssyncset.done $0x0  }
0x5a: {  	s4 =	sadd.s32 s6, s4;
	[sflag:s21] =	ssyncadd.s32 $0xFFFFFCE0  }
0x5b: {  	[tilespmem:s26], [sflag:$0x3] =	stream.linear.gather [hbm4b:s4+s31], $0x320, $0x38;
	[tilespmem:$0x19C80] =	vst v63  }
0x5c: {  	s0 =	smul.u32 $0x640, s0;
	_ =	swait.ge [sflag:s21], $0x320  }
0x5d: {  	[sflag:s21] =	ssyncset.done $0x0  }
0x5e: {  	s0 =	sadd.s32 s7, s0;
	[sflag:s21] =	ssyncadd.s32 $0xFFFFFCE0  }
0x5f: {  	[tilespmem:s28], [sflag:$0x3] =	stream.linear.gather [hbm4b:s0+s31], $0x3200, $0x38;
	[tilespmem:$0x19C80] =	vst v63  }
0x60: {  	_ =	swait.ge [sflag:s21], $0x3200  }
0x61: {  	[sflag:s21] =	ssyncset.done $0x0  }
0x62: {  	[sflag:s21] =	ssyncadd.s32 $0xFFFFCE00  }
0x63: {  	[tilespmem:s19], [sflag:$0x1] =	stream.indirect.gather [hbm4b:s3+s26], $0x40, s31, s26, $0xb8;
	[tilespmem:$0x19C80] =	vst v63  }
0x64: {  	_ =	swait.ge [sflag:s29], $0xC800  }
0x65: {  	[sflag:s29] =	ssyncset.done $0x0  }
0x66: {  	s31 =	simm.s32 $0x3940;
	[sflag:s29] =	ssyncadd.s32 $0xFFFF3800  }
0x67: {  	s0 =	simm.s32 $0x0;
	v1 =	vld [tilespmem:s31+$0xFFFFFF30]  }
0x68: {  	v2 =	vld [tilespmem:s0+$0x640]  }
0x69: {  	v3 =	vld [tilespmem:s31+$0xFFFFFF00]  }
0x6a: {  	v4 =	vld [tilespmem:s31+$0xFFFFFF10]  }
0x6b: {  	v5 =	vld [tilespmem:s31+$0xFFFFFF20];
	_ =	sdelay $0x1  }
0x6c: {  	v1 =	vmul.f32 v1, v2  }
0x6d: {  	v3 =	vmul.f32 v3, v2  }
0x6e: {  	v4 =	vmul.f32 v4, v2;
	[tilespmem:s31+$0xFFFFFF30] =	vst v1  }
0x6f: {  	v1 =	vmul.f32 v5, v2;
	[tilespmem:s31+$0xFFFFFF00] =	vst v3  }
0x70: {  	[tilespmem:s31+$0xFFFFFF10] =	vst v4  }
0x71: {  	[tilespmem:s31+$0xFFFFFF20] =	vst v1;
	v1 =	vld [tilespmem:s31+$0xFFFFFF40]  }
0x72: {  	v3 =	vld [tilespmem:s0+$0x650]  }
0x73: {  	v2 =	vld [tilespmem:s31+$0xFFFFFF50]  }
0x74: {  	v4 =	vld [tilespmem:s31+$0xFFFFFF70]  }
0x75: {  	v5 =	vld [tilespmem:s31+$0xFFFFFF60];
	_ =	sdelay $0x1  }
0x76: {  	v1 =	vmul.f32 v1, v3  }
0x77: {  	v2 =	vmul.f32 v2, v3  }
0x78: {  	v4 =	vmul.f32 v4, v3;
	[tilespmem:s31+$0xFFFFFF40] =	vst v1  }
0x79: {  	[tilespmem:s31+$0xFFFFFF50] =	vst v2;
	v1 =	vmul.f32 v5, v3  }
0x7a: {  	[tilespmem:s31+$0xFFFFFF70] =	vst v4  }
0x7b: {  	[tilespmem:s31+$0xFFFFFF60] =	vst v1;
	v1 =	vld [tilespmem:s31+$0xFFFFFF80]  }
0x7c: {  	v3 =	vld [tilespmem:s0+$0x660]  }
0x7d: {  	v4 =	vld [tilespmem:s31+$0xFFFFFFB0]  }
0x7e: {  	v2 =	vld [tilespmem:s31+$0xFFFFFF90]  }
0x7f: {  	v5 =	vld [tilespmem:s31+$0xFFFFFFA0];
	_ =	sdelay $0x1  }
0x80: {  	v1 =	vmul.f32 v1, v3  }
0x81: {  	v4 =	vmul.f32 v4, v3  }
0x82: {  	v2 =	vmul.f32 v2, v3;
	[tilespmem:s31+$0xFFFFFF80] =	vst v1  }
0x83: {  	v1 =	vmul.f32 v5, v3;
	[tilespmem:s31+$0xFFFFFFB0] =	vst v4  }
0x84: {  	[tilespmem:s31+$0xFFFFFF90] =	vst v2  }
0x85: {  	[tilespmem:s31+$0xFFFFFFA0] =	vst v1;
	v1 =	vld [tilespmem:s31+$0xFFFFFFC0]  }
0x86: {  	v3 =	vld [tilespmem:s0+$0x670]  }
0x87: {  	v2 =	vld [tilespmem:s31+$0xFFFFFFD0]  }
0x88: {  	v4 =	vld [tilespmem:s31+$0xFFFFFFF0]  }
0x89: {  	v5 =	vld [tilespmem:s31+$0xFFFFFFE0];
	_ =	sdelay $0x1  }
0x8a: {  	v1 =	vmul.f32 v1, v3  }
0x8b: {  	v2 =	vmul.f32 v2, v3  }
0x8c: {  	v4 =	vmul.f32 v4, v3;
	[tilespmem:s31+$0xFFFFFFC0] =	vst v1  }
0x8d: {  	[tilespmem:s31+$0xFFFFFFD0] =	vst v2;
	v1 =	vmul.f32 v5, v3  }
0x8e: {  	[tilespmem:s31+$0xFFFFFFF0] =	vst v4  }
0x8f: {  	[tilespmem:s31+$0xFFFFFFE0] =	vst v1;
	v1 =	vld [tilespmem:s31+$0x0]  }
0x90: {  	v3 =	vld [tilespmem:s0+$0x680]  }
0x91: {  	v4 =	vld [tilespmem:s31+$0x30]  }
0x92: {  	v2 =	vld [tilespmem:s31+$0x10]  }
0x93: {  	v5 =	vld [tilespmem:s31+$0x20];
	_ =	sdelay $0x1  }
0x94: {  	v1 =	vmul.f32 v1, v3  }
0x95: {  	v4 =	vmul.f32 v4, v3  }
0x96: {  	[tilespmem:s31+$0x0] =	vst v1;
	v1 =	vmul.f32 v2, v3  }
0x97: {  	[tilespmem:s31+$0x30] =	vst v4;
	v2 =	vmul.f32 v5, v3  }
0x98: {  	v3 =	vld [tilespmem:s31+$0x40];
	[tilespmem:s31+$0x10] =	vst v1  }
0x99: {  	v4 =	vld [tilespmem:s31+$0x70];
	[tilespmem:s31+$0x20] =	vst v2  }
0x9a: {  	v2 =	vld [tilespmem:s0+$0x690]  }
0x9b: {  	v1 =	vld [tilespmem:s31+$0x50]  }
0x9c: {  	v5 =	vld [tilespmem:s31+$0x60];
	_ =	sdelay $0x2  }
0x9d: {  	v6 =	vmul.f32 v3, v2  }
0x9e: {  	v3 =	vmul.f32 v1, v2  }
0x9f: {  	s10 =	simm.s32 $0x3940;
	s4 =	simm.s32 $0x200;
	v1 =	vmul.f32 v5, v2;
	v2 =	vmul.f32 v4, v2;
	[tilespmem:s31+$0x40] =	vst v6  }
.LBB2_6:
0xa0: {  	p1 =	sne.s32 s4, $0xC600  }
0xa1: {  	[tilespmem:s31+$0x50] =	vst v3;
	v3 =	vld [tilespmem:s31+$0x80];
	s10 =	sadd.s32 $0x200, s10;
	s11 =	smov.u32 s4;
	s4 =	sadd.s32 $0x200, s4  }
0xa2: {  	[tilespmem:s31+$0x70] =	vst v2;
	v2 =	vld [tilespmem:s31+$0xB0]  }
0xa3: {  	[tilespmem:s31+$0x60] =	vst v1;
	v1 =	vld [tilespmem:s31+$0x90]  }
0xa4: {  	v4 =	vld [tilespmem:s0+$0x6A0]  }
0xa5: {  	v5 =	vld [tilespmem:s31+$0xA0];
	_ =	sdelay $0x3  }
0xa6: {  	v3 =	vmul.f32 v3, v4;
	v1 =	vmul.f32 v1, v4  }
0xa7: {  	v2 =	vmul.f32 v2, v4;
	v5 =	vmul.f32 v5, v4  }
0xa8: {  	[tilespmem:s31+$0x80] =	vst v3  }
0xa9: {  	[tilespmem:s31+$0xB0] =	vst v2;
	v2 =	vld [tilespmem:s31+$0xC0]  }
0xaa: {  	[tilespmem:s31+$0x90] =	vst v1;
	v1 =	vld [tilespmem:s31+$0xF0]  }
0xab: {  	[tilespmem:s31+$0xA0] =	vst v5;
	v3 =	vld [tilespmem:s31+$0xD0]  }
0xac: {  	v4 =	vld [tilespmem:s0+$0x6B0]  }
0xad: {  	v5 =	vld [tilespmem:s31+$0xE0];
	_ =	sdelay $0x3  }
0xae: {  	v2 =	vmul.f32 v2, v4;
	v3 =	vmul.f32 v3, v4  }
0xaf: {  	v1 =	vmul.f32 v1, v4;
	v5 =	vmul.f32 v5, v4  }
0xb0: {  	[tilespmem:s31+$0xC0] =	vst v2  }
0xb1: {  	v2 =	vld [tilespmem:s10+$0xFFFFFF20];
	[tilespmem:s31+$0xD0] =	vst v3  }
0xb2: {  	v3 =	vld [tilespmem:s10+$0xFFFFFF30];
	[tilespmem:s31+$0xF0] =	vst v1  }
0xb3: {  	s0 =	sshra.s32 s11, $0x2;
	v1 =	vld [tilespmem:s10+$0xFFFFFF00];
	[tilespmem:s31+$0xE0] =	vst v5;
	s31 =	smov.u32 s10  }
0xb4: {  	v4 =	vld [tilespmem:s0+$0x640]  }
0xb5: {  	v5 =	vld [tilespmem:s10+$0xFFFFFF10];
	_ =	sdelay $0x3  }
0xb6: {  	v1 =	vmul.f32 v1, v4;
	v3 =	vmul.f32 v3, v4  }
0xb7: {  	v2 =	vmul.f32 v2, v4;
	v5 =	vmul.f32 v5, v4  }
0xb8: {  	[tilespmem:s10+$0xFFFFFF30] =	vst v3  }
0xb9: {  	[tilespmem:s10+$0xFFFFFF00] =	vst v1;
	v1 =	vld [tilespmem:s10+$0xFFFFFF70]  }
0xba: {  	[tilespmem:s10+$0xFFFFFF10] =	vst v5;
	v3 =	vld [tilespmem:s10+$0xFFFFFF50]  }
0xbb: {  	[tilespmem:s10+$0xFFFFFF20] =	vst v2;
	v2 =	vld [tilespmem:s10+$0xFFFFFF40]  }
0xbc: {  	v4 =	vld [tilespmem:s0+$0x650]  }
0xbd: {  	v5 =	vld [tilespmem:s10+$0xFFFFFF60];
	_ =	sdelay $0x3  }
0xbe: {  	v2 =	vmul.f32 v2, v4;
	v3 =	vmul.f32 v3, v4  }
0xbf: {  	v1 =	vmul.f32 v1, v4;
	v5 =	vmul.f32 v5, v4  }
0xc0: {  	[tilespmem:s10+$0xFFFFFF40] =	vst v2  }
0xc1: {  	[tilespmem:s10+$0xFFFFFF50] =	vst v3;
	v2 =	vld [tilespmem:s10+$0xFFFFFFB0]  }
0xc2: {  	[tilespmem:s10+$0xFFFFFF70] =	vst v1;
	v1 =	vld [tilespmem:s10+$0xFFFFFF90]  }
0xc3: {  	[tilespmem:s10+$0xFFFFFF60] =	vst v5;
	v3 =	vld [tilespmem:s10+$0xFFFFFF80]  }
0xc4: {  	v4 =	vld [tilespmem:s0+$0x660]  }
0xc5: {  	v5 =	vld [tilespmem:s10+$0xFFFFFFA0];
	_ =	sdelay $0x3  }
0xc6: {  	v3 =	vmul.f32 v3, v4;
	v1 =	vmul.f32 v1, v4  }
0xc7: {  	v2 =	vmul.f32 v2, v4;
	v5 =	vmul.f32 v5, v4  }
0xc8: {  	[tilespmem:s10+$0xFFFFFF80] =	vst v3  }
0xc9: {  	[tilespmem:s10+$0xFFFFFFB0] =	vst v2;
	v2 =	vld [tilespmem:s10+$0xFFFFFFF0]  }
0xca: {  	[tilespmem:s10+$0xFFFFFF90] =	vst v1;
	v1 =	vld [tilespmem:s10+$0xFFFFFFD0]  }
0xcb: {  	[tilespmem:s10+$0xFFFFFFA0] =	vst v5;
	v3 =	vld [tilespmem:s10+$0xFFFFFFC0]  }
0xcc: {  	v4 =	vld [tilespmem:s0+$0x670]  }
0xcd: {  	v5 =	vld [tilespmem:s10+$0xFFFFFFE0];
	_ =	sdelay $0x3  }
0xce: {  	v3 =	vmul.f32 v3, v4;
	v1 =	vmul.f32 v1, v4  }
0xcf: {  	v2 =	vmul.f32 v2, v4;
	v5 =	vmul.f32 v5, v4  }
0xd0: {  	[tilespmem:s10+$0xFFFFFFC0] =	vst v3  }
0xd1: {  	[tilespmem:s10+$0xFFFFFFD0] =	vst v1;
	v1 =	vld [tilespmem:s10+$0x30]  }
0xd2: {  	[tilespmem:s10+$0xFFFFFFF0] =	vst v2;
	v2 =	vld [tilespmem:s10+$0x10]  }
0xd3: {  	[tilespmem:s10+$0xFFFFFFE0] =	vst v5;
	v3 =	vld [tilespmem:s10+$0x0]  }
0xd4: {  	v4 =	vld [tilespmem:s0+$0x680]  }
0xd5: {  	v5 =	vld [tilespmem:s10+$0x20];
	_ =	sdelay $0x3  }
0xd6: {  	v3 =	vmul.f32 v3, v4;
	v2 =	vmul.f32 v2, v4  }
0xd7: {  	v1 =	vmul.f32 v1, v4;
	v5 =	vmul.f32 v5, v4  }
0xd8: {  	[tilespmem:s10+$0x0] =	vst v3  }
0xd9: {  	[tilespmem:s10+$0x30] =	vst v1;
	v1 =	vld [tilespmem:s10+$0x40]  }
0xda: {  	[tilespmem:s10+$0x10] =	vst v2;
	v2 =	vld [tilespmem:s10+$0x70]  }
0xdb: {  	[tilespmem:s10+$0x20] =	vst v5;
	v3 =	vld [tilespmem:s10+$0x50]  }
0xdc: {  	v4 =	vld [tilespmem:s0+$0x690]  }
0xdd: {  	v5 =	vld [tilespmem:s10+$0x60];
	_ =	sdelay $0x1  }
.Ltmp6:
0xde: {  	(pc) =	sbr.rel @p1 .LBB2_6-.Ltmp6, $4  }
0xdf: {  	_ = 	snop  }
0xe0: {  	v6 =	vmul.f32 v1, v4;
	v3 =	vmul.f32 v3, v4  }
0xe1: {  	v2 =	vmul.f32 v2, v4;
	v1 =	vmul.f32 v5, v4  }
0xe2: {  	[tilespmem:s10+$0x40] =	vst v6  }
0xe3: {  	[tilespmem:s31+$0x50] =	vst v3  }
0xe4: {  	[tilespmem:s31+$0x70] =	vst v2  }
0xe5: {  	v3 =	vld [tilespmem:s31+$0x80];
	[tilespmem:s31+$0x60] =	vst v1  }
0xe6: {  	v1 =	vld [tilespmem:s0+$0x6A0]  }
0xe7: {  	v2 =	vld [tilespmem:s31+$0xB0]  }
0xe8: {  	v4 =	vld [tilespmem:s31+$0x90]  }
0xe9: {  	v5 =	vld [tilespmem:s31+$0xA0];
	_ =	sdelay $0x1  }
0xea: {  	v3 =	vmul.f32 v3, v1  }
0xeb: {  	v2 =	vmul.f32 v2, v1  }
0xec: {  	[tilespmem:s31+$0x80] =	vst v3;
	v3 =	vmul.f32 v4, v1  }
0xed: {  	[tilespmem:s31+$0xB0] =	vst v2;
	v1 =	vmul.f32 v5, v1  }
0xee: {  	[tilespmem:s31+$0x90] =	vst v3  }
0xef: {  	v2 =	vld [tilespmem:s31+$0xC0];
	[tilespmem:s31+$0xA0] =	vst v1  }
0xf0: {  	v1 =	vld [tilespmem:s0+$0x6B0]  }
0xf1: {  	v3 =	vld [tilespmem:s31+$0xD0]  }
0xf2: {  	v62 =	vld [tilespmem:s31+$0xF0]  }
0xf3: {  	v63 =	vld [tilespmem:s31+$0xE0];
	_ =	sdelay $0x1  }
0xf4: {  	v2 =	vmul.f32 v2, v1  }
0xf5: {  	v3 =	vmul.f32 v3, v1  }
0xf6: {  	v4 =	vmul.f32 v62, v1;
	[tilespmem:s31+$0xC0] =	vst v2  }
0xf7: {  	v1 =	vmul.f32 v63, v1;
	[tilespmem:s31+$0xD0] =	vst v3  }
0xf8: {  	[tilespmem:s31+$0xF0] =	vst v4  }
.Ltmp7:
0xf9: {  	[tilespmem:s31+$0xE0] =	vst v1;
	(pc) =	sbr.rel .LBB2_8-.Ltmp7, $4  }
0xfa: {  	[spmem:s1] =	stream.indirect.scatter.add.f32 [tilespmem:s19], [sflag:$0x2], $0x40, s26, s26, $0xb8;
	[tilespmem:$0x19C80] =	vst v63  }
0xfb: {  	_ =	swait.ge [sflag:s20], $0xC800  }
0xfc: {  	[sflag:s20] =	ssyncset.done $0x0  }
0xfd: {  	[sflag:s20] =	ssyncadd.s32 $0xFFFF3800  }
.LBB2_10:
0xfe: {  	_ =	sfence.sel $0x180000  }
0xff: {  	[bflag:$0x0] =	sbarrier.arrive $0xFFFF  }
0x100: {  	_ =	strace $0x90000047  }
0x101: {  	s0 =	stileid.u32;
	[bflag:$0x2] =	sbarrier.arrive $0xFFFF  }
0x102: {  	p0 =	sne.s32 s0, $0x0;
	s0 =	rddreg [dreg:$0x2]  }
0x103: {  	s0 =	sadd.s32 @!p0 $0x100000, s0  }
0x104: {  	[sflag:s0] =	ssyncadd.tile.s32 @!p0 $0x1;
	_ =	shalt  }
.Lfunc_end2:
_tile_overlayer_lowered:
.L_overlay_start_2:
0x105: {  	(tag) =	ssettag $0x2  }
0x106: {  	s0 =	rddreg [dreg:$0x0];
	s2 =	stileid.u32  }
0x107: {  	s1 =	rddreg [dreg:$0x1];
	p0 =	sne.s32 s2, $0x0  }
0x108: {  	s3 =	rddreg [dreg:$0x2];
	[bflag:$0x3] =	sbarrier.arrive $0xFFFF;
	s2 =	simm.s32 @!p0 $0x1C02  }
0x109: {  	[timem:s3], [sflag:s2] =	dma.local @!p0 [hbm:s0], s1  }
0x10a: {  	s0 =	simm.s32 @!p0 $0x2  }
0x10b: {  	_ =	swait.ge @!p0 [sflag:s0], s1  }
0x10c: {  	s1 =	ssub.s32 @!p0 $0x0, s1;
	[sflag:s0] =	ssyncset.done @!p0 $0x0  }
0x10d: {  	[sflag:s0] =	ssyncadd.s32 @!p0 s1  }
0x10e: {  	[bflag:$0x3] =	sbarrier.arrive $0xFFFF  }
0x10f: {  	_ =	shalt  }

</sc_bundles>
